<compile_context>
chip_gen: v7x
topology: tpu7x:2x2x1
jax: 0.10.2.dev20260603
libtpu: 0.0.44.dev20260713+nightly
codegen_flags: <defaults>
</compile_context>

<pallas_src>
import functools

import jax
import jax.numpy as jnp
from jax import lax
from jax.experimental import pallas as pl
from jax.experimental.pallas import tpu as pltpu
from jax.experimental.pallas import tpu_sc as plsc

N = 32768
D = 2048
R = 16
W = D // R

NC = 2
NS = 16
NW = NC * NS
ROWS_PER_W = N // NW
SUB = 128
NSUB = ROWS_PER_W // SUB

TC_BLK = 4096


def _argmax_body(routing_ref, route_ref):
    x = routing_ref[...]
    m = jnp.max(x, axis=1, keepdims=True)
    cols = lax.broadcasted_iota(jnp.int32, (TC_BLK, R), 1)
    route_ref[...] = jnp.min(jnp.where(x == m, cols, R), axis=1)


def _routes(routing):
    return pl.pallas_call(
        _argmax_body,
        grid=(N // TC_BLK,),
        in_specs=[pl.BlockSpec((TC_BLK, R), lambda i: (i, 0))],
        out_specs=pl.BlockSpec((TC_BLK,), lambda i: (i,)),
        out_shape=jax.ShapeDtypeStruct((N,), jnp.int32),
    )(routing)


_mesh = plsc.VectorSubcoreMesh(core_axis_name="c", subcore_axis_name="s")


@functools.partial(
    pl.kernel,
    mesh=_mesh,
    out_type=jax.ShapeDtypeStruct((N, W), jnp.float32),
    scratch_types=[
        pltpu.VMEM((ROWS_PER_W,), jnp.int32),
        pltpu.VMEM((2, SUB, W), jnp.float32),
        pltpu.SemaphoreType.DMA,
        pltpu.SemaphoreType.DMA,
    ],
)
def _route_gather(in_hbm, route_hbm, out_hbm, idx_v, rows_v, gsem, osem):
    wid = lax.axis_index("s") * NC + lax.axis_index("c")
    base = wid * ROWS_PER_W
    pltpu.sync_copy(route_hbm.at[pl.ds(base, ROWS_PER_W)], idx_v)

    def issue(blk):
        buf = lax.rem(blk, 2)

        def group_body(g, carry):
            r0 = blk * SUB + g * 16
            evec = idx_v[pl.ds(r0, 16)]
            for k in range(16):
                pltpu.async_copy(
                    in_hbm.at[base + r0 + k, pl.ds(evec[k] * W, W)],
                    rows_v.at[buf, g * 16 + k],
                    gsem,
                )
            return carry

        lax.fori_loop(0, SUB // 16, group_body, 0)

    def drain_and_store(blk):
        buf = lax.rem(blk, 2)
        pltpu.make_async_copy(
            in_hbm.at[pl.ds(0, SUB), pl.ds(0, W)], rows_v.at[buf], gsem
        ).wait()
        pltpu.async_copy(
            rows_v.at[buf], out_hbm.at[pl.ds(base + blk * SUB, SUB)], osem
        ).wait()

    issue(0)
    for blk in range(1, NSUB):
        issue(blk)
        drain_and_store(blk - 1)
    drain_and_store(NSUB - 1)


def kernel(inputs, routing_inputs):
    return _route_gather(inputs, jnp.zeros((N,), jnp.int32))

# --- scband reference (transcript-rebuilt; emitter-appended) ---
"""Pipeline reference for scband-dense-routing-mask-layer-56624848830879 (READ-ONLY COPY).

The authoritative reference and input builder live on the scoring server;
editing this copy changes nothing except your own understanding.
"""

import jax, jax.numpy as jnp
import numpy as np

ROUTES = 16

def setup_inputs(seed: int = 0) -> dict:
    key = jax.random.key(seed)
    k1, k2 = jax.random.split(key)
    inputs = jax.random.normal(k1, (32768, 2048), dtype=jnp.float32)
    routing_inputs = jax.random.normal(k2, (32768, ROUTES), dtype=jnp.float32)
    return {"inputs": inputs, "routing_inputs": routing_inputs}

def reference(inputs, routing_inputs):
    # Faithful translation of DenseRoutingMaskLayer.__call__ with gumbel=False.
    # route_width = d_model / routes
    route_width = inputs.shape[-1] // ROUTES
    # route = argmax over routing logits -> [N]
    route = jnp.argmax(routing_inputs, axis=-1)
    # one_hot(route) repeated route_width times along axis 1 forms a boolean mask
    # selecting exactly the contiguous slice [route*route_width : (route+1)*route_width]
    # of each row; boolean_mask + reshape([N, route_width]) is therefore equivalent to
    # a per-row contiguous gather, which we express with take_along_axis.
    idx = route[:, None] * route_width + jnp.arange(route_width, dtype=route.dtype)[None, :]
    x = jnp.take_along_axis(inputs, idx, axis=1)
    return x

if __name__ == "__main__":
    import jax
    _d = setup_inputs()
    print(jax.jit(kernel)(*tuple(_d.values())))

</pallas_src>

<mosaic_0001>
#map = affine_map<(d0, d1) -> (0, 0)>
#map1 = affine_map<(d0, d1) -> (0)>
module attributes {stable_mosaic.version = 14 : i64} {
  func.func @_route_gather(%arg0: i32, %arg1: i32, %arg2: memref<32768x2048xf32, #tpu.memory_space<hbm>>, %arg3: memref<32768xi32, #tpu.memory_space<hbm>>, %arg4: memref<32768x128xf32, #tpu.memory_space<hbm>>, %arg5: memref<1024xi32, #tpu.memory_space<vmem>>, %arg6: memref<2x128x128xf32, #tpu.memory_space<vmem>>, %arg7: memref<!tpu.dma_semaphore, #tpu.memory_space<semaphore_mem>>, %arg8: memref<!tpu.dma_semaphore, #tpu.memory_space<semaphore_mem>>) attributes {dimension_semantics = [#tpu.dimension_semantics<core_parallel>, #tpu.dimension_semantics<subcore_parallel>], iteration_bounds = array<i64: 2, 16>, scalar_prefetch = 0 : i64, scratch_operands = 4 : i64, tpu.core_type = #tpu.core_type<sc_vector_subcore>, window_params = [{transform_indices = #map}, {transform_indices = #map1}, {transform_indices = #map}]} {
    %mul3A = arith.constant 2 : i32
    %mul3A_0 = arith.muli %arg1, %mul3A : i32
    %add3A = arith.addi %mul3A_0, %arg0 : i32
    %mul3A_1 = arith.constant 1024 : i32
    %mul3A_2 = arith.muli %add3A, %mul3A_1 : i32
    "tpu.region"() ({
      %run_scoped3A = tpu.sem_alloc : memref<!tpu.dma_semaphore, #tpu.memory_space<semaphore_mem>>
      %dma_start3A_415 = tpu.memref_slice %arg3[%mul3A_2] : memref<32768xi32, #tpu.memory_space<hbm>> -> memref<1024xi32, #tpu.memory_space<hbm>>
      %dma_start3A_416 = tpu.memref_slice %arg3[%mul3A_2] : memref<32768xi32, #tpu.memory_space<hbm>> -> memref<1024xi32, #tpu.memory_space<hbm>>
      tpu.enqueue_dma source(%dma_start3A_416 : memref<1024xi32, #tpu.memory_space<hbm>>) target(%arg5 : memref<1024xi32, #tpu.memory_space<vmem>>) target_semaphore(%run_scoped3A : memref<!tpu.dma_semaphore, #tpu.memory_space<semaphore_mem>>)
      %dma_wait3A_417 = tpu.memref_slice %arg3[%mul3A_2] : memref<32768xi32, #tpu.memory_space<hbm>> -> memref<1024xi32, #tpu.memory_space<hbm>>
      %dma_wait3A_418 = tpu.memref_slice %arg3[%mul3A_2] : memref<32768xi32, #tpu.memory_space<hbm>> -> memref<1024xi32, #tpu.memory_space<hbm>>
      tpu.wait_dma2 semaphore(%run_scoped3A : memref<!tpu.dma_semaphore, #tpu.memory_space<semaphore_mem>>) src(%dma_wait3A_418 : memref<1024xi32, #tpu.memory_space<hbm>>) dst(%arg5 : memref<1024xi32, #tpu.memory_space<vmem>>)
      tpu.yield
    }) : () -> ()
    %rem3A = arith.constant 0 : i32
    %rem3A_3 = arith.constant 2 : i32
    %rem3A_4 = arith.remsi %rem3A, %rem3A_3 : i32
    %scan3A = arith.constant 0 : i32
    %scan3A_5 = arith.constant 0 : i32
    %scan3A_6 = arith.constant 8 : i32
    %scan3A_7 = arith.addi %scan3A_5, %scan3A_6 : i32
    %scan3A_8 = arith.constant 1 : i32
    scf.for %scan3A_415 = %scan3A_5 to %scan3A_7 step %scan3A_8  : i32 {
      %mul3A_416 = arith.constant 16 : i32
      %mul3A_417 = arith.muli %scan3A_415, %mul3A_416 : i32
      %add3A_418 = arith.constant 0 : i32
      %add3A_419 = arith.addi %add3A_418, %mul3A_417 : i32
      %get3A = arith.index_cast %add3A_419 : i32 to index
      %get3A_420 = tpu.vector_load %arg5[%get3A] {strides = array<i32>} : memref<1024xi32, #tpu.memory_space<vmem>>, vector<16xi32>,
      %get3A_421 = vector.shape_cast %get3A_420 : vector<16xi32> to vector<16xi32>
      %add3A_422 = arith.addi %mul3A_2, %add3A_419 : i32
      %add3A_423 = arith.constant 0 : i32
      %add3A_424 = arith.addi %add3A_422, %add3A_423 : i32
      %slice3A = vector.extract_strided_slice %get3A_421 {offsets = [0], sizes = [1], strides = [1]} : vector<16xi32> to vector<1xi32>
      %squeeze3A = vector.extract %slice3A[0] : i32 from vector<1xi32>
      %mul3A_425 = arith.constant 128 : i32
      %mul3A_426 = arith.muli %squeeze3A, %mul3A_425 : i32
      %mul3A_427 = arith.constant 16 : i32
      %mul3A_428 = arith.muli %scan3A_415, %mul3A_427 : i32
      %add3A_429 = arith.constant 0 : i32
      %add3A_430 = arith.addi %mul3A_428, %add3A_429 : i32
      %dma_start3A_431 = arith.constant 0 : i32
      %dma_start3A_432 = tpu.memref_slice %arg6[%rem3A_4, %add3A_430, %dma_start3A_431] : memref<2x128x128xf32, #tpu.memory_space<vmem>> -> memref<1x1x128xf32, #tpu.memory_space<vmem>>
      %dma_start3A_433 = tpu.memref_squeeze %dma_start3A_432 : memref<1x1x128xf32, #tpu.memory_space<vmem>> -> memref<128xf32, #tpu.memory_space<vmem>>
      %dma_start3A_434 = tpu.memref_slice %arg2[%add3A_424, %mul3A_426] : memref<32768x2048xf32, #tpu.memory_space<hbm>> -> memref<1x128xf32, #tpu.memory_space<hbm>>
      %dma_start3A_435 = tpu.memref_squeeze %dma_start3A_434 : memref<1x128xf32, #tpu.memory_space<hbm>> -> memref<128xf32, #tpu.memory_space<hbm>>
      %dma_start3A_436 = arith.constant 0 : i32
      %dma_start3A_437 = tpu.memref_slice %arg6[%rem3A_4, %add3A_430, %dma_start3A_436] : memref<2x128x128xf32, #tpu.memory_space<vmem>> -> memref<1x1x128xf32, #tpu.memory_space<vmem>>
      %dma_start3A_438 = tpu.memref_squeeze %dma_start3A_437 : memref<1x1x128xf32, #tpu.memory_space<vmem>> -> memref<128xf32, #tpu.memory_space<vmem>>
      %dma_start3A_439 = tpu.memref_slice %arg2[%add3A_424, %mul3A_426] : memref<32768x2048xf32, #tpu.memory_space<hbm>> -> memref<1x128xf32, #tpu.memory_space<hbm>>
      %dma_start3A_440 = tpu.memref_squeeze %dma_start3A_439 : memref<1x128xf32, #tpu.memory_space<hbm>> -> memref<128xf32, #tpu.memory_space<hbm>>
      tpu.enqueue_dma source(%dma_start3A_440 : memref<128xf32, #tpu.memory_space<hbm>>) target(%dma_start3A_438 : memref<128xf32, #tpu.memory_space<vmem>>) target_semaphore(%arg7 : memref<!tpu.dma_semaphore, #tpu.memory_space<semaphore_mem>>)
      %add3A_441 = arith.addi %mul3A_2, %add3A_419 : i32
      %add3A_442 = arith.constant 1 : i32
      %add3A_443 = arith.addi %add3A_441, %add3A_442 : i32
      %slice3A_444 = vector.extract_strided_slice %get3A_421 {offsets = [1], sizes = [1], strides = [1]} : vector<16xi32> to vector<1xi32>
      %squeeze3A_445 = vector.extract %slice3A_444[0] : i32 from vector<1xi32>
      %mul3A_446 = arith.constant 128 : i32
      %mul3A_447 = arith.muli %squeeze3A_445, %mul3A_446 : i32
      %mul3A_448 = arith.constant 16 : i32
      %mul3A_449 = arith.muli %scan3A_415, %mul3A_448 : i32
      %add3A_450 = arith.constant 1 : i32
      %add3A_451 = arith.addi %mul3A_449, %add3A_450 : i32
      %dma_start3A_452 = arith.constant 0 : i32
      %dma_start3A_453 = tpu.memref_slice %arg6[%rem3A_4, %add3A_451, %dma_start3A_452] : memref<2x128x128xf32, #tpu.memory_space<vmem>> -> memref<1x1x128xf32, #tpu.memory_space<vmem>>
      %dma_start3A_454 = tpu.memref_squeeze %dma_start3A_453 : memref<1x1x128xf32, #tpu.memory_space<vmem>> -> memref<128xf32, #tpu.memory_space<vmem>>
      %dma_start3A_455 = tpu.memref_slice %arg2[%add3A_443, %mul3A_447] : memref<32768x2048xf32, #tpu.memory_space<hbm>> -> memref<1x128xf32, #tpu.memory_space<hbm>>
      %dma_start3A_456 = tpu.memref_squeeze %dma_start3A_455 : memref<1x128xf32, #tpu.memory_space<hbm>> -> memref<128xf32, #tpu.memory_space<hbm>>
      %dma_start3A_457 = arith.constant 0 : i32
      %dma_start3A_458 = tpu.memref_slice %arg6[%rem3A_4, %add3A_451, %dma_start3A_457] : memref<2x128x128xf32, #tpu.memory_space<vmem>> -> memref<1x1x128xf32, #tpu.memory_space<vmem>>
      %dma_start3A_459 = tpu.memref_squeeze %dma_start3A_458 : memref<1x1x128xf32, #tpu.memory_space<vmem>> -> memref<128xf32, #tpu.memory_space<vmem>>
      %dma_start3A_460 = tpu.memref_slice %arg2[%add3A_443, %mul3A_447] : memref<32768x2048xf32, #tpu.memory_space<hbm>> -> memref<1x128xf32, #tpu.memory_space<hbm>>
      %dma_start3A_461 = tpu.memref_squeeze %dma_start3A_460 : memref<1x128xf32, #tpu.memory_space<hbm>> -> memref<128xf32, #tpu.memory_space<hbm>>
      tpu.enqueue_dma source(%dma_start3A_461 : memref<128xf32, #tpu.memory_space<hbm>>) target(%dma_start3A_459 : memref<128xf32, #tpu.memory_space<vmem>>) target_semaphore(%arg7 : memref<!tpu.dma_semaphore, #tpu.memory_space<semaphore_mem>>)
      %add3A_462 = arith.addi %mul3A_2, %add3A_419 : i32
      %add3A_463 = arith.constant 2 : i32
      %add3A_464 = arith.addi %add3A_462, %add3A_463 : i32
      %slice3A_465 = vector.extract_strided_slice %get3A_421 {offsets = [2], sizes = [1], strides = [1]} : vector<16xi32> to vector<1xi32>
      %squeeze3A_466 = vector.extract %slice3A_465[0] : i32 from vector<1xi32>
      %mul3A_467 = arith.constant 128 : i32
      %mul3A_468 = arith.muli %squeeze3A_466, %mul3A_467 : i32
      %mul3A_469 = arith.constant 16 : i32
      %mul3A_470 = arith.muli %scan3A_415, %mul3A_469 : i32
      %add3A_471 = arith.constant 2 : i32
      %add3A_472 = arith.addi %mul3A_470, %add3A_471 : i32
      %dma_start3A_473 = arith.constant 0 : i32
      %dma_start3A_474 = tpu.memref_slice %arg6[%rem3A_4, %add3A_472, %dma_start3A_473] : memref<2x128x128xf32, #tpu.memory_space<vmem>> -> memref<1x1x128xf32, #tpu.memory_space<vmem>>
      %dma_start3A_475 = tpu.memref_squeeze %dma_start3A_474 : memref<1x1x128xf32, #tpu.memory_space<vmem>> -> memref<128xf32, #tpu.memory_space<vmem>>
      %dma_start3A_476 = tpu.memref_slice %arg2[%add3A_464, %mul3A_468] : memref<32768x2048xf32, #tpu.memory_space<hbm>> -> memref<1x128xf32, #tpu.memory_space<hbm>>
      %dma_start3A_477 = tpu.memref_squeeze %dma_start3A_476 : memref<1x128xf32, #tpu.memory_space<hbm>> -> memref<128xf32, #tpu.memory_space<hbm>>
      %dma_start3A_478 = arith.constant 0 : i32
      %dma_start3A_479 = tpu.memref_slice %arg6[%rem3A_4, %add3A_472, %dma_start3A_478] : memref<2x128x128xf32, #tpu.memory_space<vmem>> -> memref<1x1x128xf32, #tpu.memory_space<vmem>>
      %dma_start3A_480 = tpu.memref_squeeze %dma_start3A_479 : memref<1x1x128xf32, #tpu.memory_space<vmem>> -> memref<128xf32, #tpu.memory_space<vmem>>
      %dma_start3A_481 = tpu.memref_slice %arg2[%add3A_464, %mul3A_468] : memref<32768x2048xf32, #tpu.memory_space<hbm>> -> memref<1x128xf32, #tpu.memory_space<hbm>>
      %dma_start3A_482 = tpu.memref_squeeze %dma_start3A_481 : memref<1x128xf32, #tpu.memory_space<hbm>> -> memref<128xf32, #tpu.memory_space<hbm>>
      tpu.enqueue_dma source(%dma_start3A_482 : memref<128xf32, #tpu.memory_space<hbm>>) target(%dma_start3A_480 : memref<128xf32, #tpu.memory_space<vmem>>) target_semaphore(%arg7 : memref<!tpu.dma_semaphore, #tpu.memory_space<semaphore_mem>>)
      %add3A_483 = arith.addi %mul3A_2, %add3A_419 : i32
      %add3A_484 = arith.constant 3 : i32
      %add3A_485 = arith.addi %add3A_483, %add3A_484 : i32
      %slice3A_486 = vector.extract_strided_slice %get3A_421 {offsets = [3], sizes = [1], strides = [1]} : vector<16xi32> to vector<1xi32>
      %squeeze3A_487 = vector.extract %slice3A_486[0] : i32 from vector<1xi32>
      %mul3A_488 = arith.constant 128 : i32
      %mul3A_489 = arith.muli %squeeze3A_487, %mul3A_488 : i32
      %mul3A_490 = arith.constant 16 : i32
      %mul3A_491 = arith.muli %scan3A_415, %mul3A_490 : i32
      %add3A_492 = arith.constant 3 : i32
      %add3A_493 = arith.addi %mul3A_491, %add3A_492 : i32
      %dma_start3A_494 = arith.constant 0 : i32
      %dma_start3A_495 = tpu.memref_slice %arg6[%rem3A_4, %add3A_493, %dma_start3A_494] : memref<2x128x128xf32, #tpu.memory_space<vmem>> -> memref<1x1x128xf32, #tpu.memory_space<vmem>>
      %dma_start3A_496 = tpu.memref_squeeze %dma_start3A_495 : memref<1x1x128xf32, #tpu.memory_space<vmem>> -> memref<128xf32, #tpu.memory_space<vmem>>
      %dma_start3A_497 = tpu.memref_slice %arg2[%add3A_485, %mul3A_489] : memref<32768x2048xf32, #tpu.memory_space<hbm>> -> memref<1x128xf32, #tpu.memory_space<hbm>>
      %dma_start3A_498 = tpu.memref_squeeze %dma_start3A_497 : memref<1x128xf32, #tpu.memory_space<hbm>> -> memref<128xf32, #tpu.memory_space<hbm>>
      %dma_start3A_499 = arith.constant 0 : i32
      %dma_start3A_500 = tpu.memref_slice %arg6[%rem3A_4, %add3A_493, %dma_start3A_499] : memref<2x128x128xf32, #tpu.memory_space<vmem>> -> memref<1x1x128xf32, #tpu.memory_space<vmem>>
      %dma_start3A_501 = tpu.memref_squeeze %dma_start3A_500 : memref<1x1x128xf32, #tpu.memory_space<vmem>> -> memref<128xf32, #tpu.memory_space<vmem>>
      %dma_start3A_502 = tpu.memref_slice %arg2[%add3A_485, %mul3A_489] : memref<32768x2048xf32, #tpu.memory_space<hbm>> -> memref<1x128xf32, #tpu.memory_space<hbm>>
      %dma_start3A_503 = tpu.memref_squeeze %dma_start3A_502 : memref<1x128xf32, #tpu.memory_space<hbm>> -> memref<128xf32, #tpu.memory_space<hbm>>
      tpu.enqueue_dma source(%dma_start3A_503 : memref<128xf32, #tpu.memory_space<hbm>>) target(%dma_start3A_501 : memref<128xf32, #tpu.memory_space<vmem>>) target_semaphore(%arg7 : memref<!tpu.dma_semaphore, #tpu.memory_space<semaphore_mem>>)
      %add3A_504 = arith.addi %mul3A_2, %add3A_419 : i32
      %add3A_505 = arith.constant 4 : i32
      %add3A_506 = arith.addi %add3A_504, %add3A_505 : i32
      %slice3A_507 = vector.extract_strided_slice %get3A_421 {offsets = [4], sizes = [1], strides = [1]} : vector<16xi32> to vector<1xi32>
      %squeeze3A_508 = vector.extract %slice3A_507[0] : i32 from vector<1xi32>
      %mul3A_509 = arith.constant 128 : i32
      %mul3A_510 = arith.muli %squeeze3A_508, %mul3A_509 : i32
      %mul3A_511 = arith.constant 16 : i32
      %mul3A_512 = arith.muli %scan3A_415, %mul3A_511 : i32
      %add3A_513 = arith.constant 4 : i32
      %add3A_514 = arith.addi %mul3A_512, %add3A_513 : i32
      %dma_start3A_515 = arith.constant 0 : i32
      %dma_start3A_516 = tpu.memref_slice %arg6[%rem3A_4, %add3A_514, %dma_start3A_515] : memref<2x128x128xf32, #tpu.memory_space<vmem>> -> memref<1x1x128xf32, #tpu.memory_space<vmem>>
      %dma_start3A_517 = tpu.memref_squeeze %dma_start3A_516 : memref<1x1x128xf32, #tpu.memory_space<vmem>> -> memref<128xf32, #tpu.memory_space<vmem>>
      %dma_start3A_518 = tpu.memref_slice %arg2[%add3A_506, %mul3A_510] : memref<32768x2048xf32, #tpu.memory_space<hbm>> -> memref<1x128xf32, #tpu.memory_space<hbm>>
      %dma_start3A_519 = tpu.memref_squeeze %dma_start3A_518 : memref<1x128xf32, #tpu.memory_space<hbm>> -> memref<128xf32, #tpu.memory_space<hbm>>
      %dma_start3A_520 = arith.constant 0 : i32
      %dma_start3A_521 = tpu.memref_slice %arg6[%rem3A_4, %add3A_514, %dma_start3A_520] : memref<2x128x128xf32, #tpu.memory_space<vmem>> -> memref<1x1x128xf32, #tpu.memory_space<vmem>>
      %dma_start3A_522 = tpu.memref_squeeze %dma_start3A_521 : memref<1x1x128xf32, #tpu.memory_space<vmem>> -> memref<128xf32, #tpu.memory_space<vmem>>
      %dma_start3A_523 = tpu.memref_slice %arg2[%add3A_506, %mul3A_510] : memref<32768x2048xf32, #tpu.memory_space<hbm>> -> memref<1x128xf32, #tpu.memory_space<hbm>>
      %dma_start3A_524 = tpu.memref_squeeze %dma_start3A_523 : memref<1x128xf32, #tpu.memory_space<hbm>> -> memref<128xf32, #tpu.memory_space<hbm>>
      tpu.enqueue_dma source(%dma_start3A_524 : memref<128xf32, #tpu.memory_space<hbm>>) target(%dma_start3A_522 : memref<128xf32, #tpu.memory_space<vmem>>) target_semaphore(%arg7 : memref<!tpu.dma_semaphore, #tpu.memory_space<semaphore_mem>>)
      %add3A_525 = arith.addi %mul3A_2, %add3A_419 : i32
      %add3A_526 = arith.constant 5 : i32
      %add3A_527 = arith.addi %add3A_525, %add3A_526 : i32
      %slice3A_528 = vector.extract_strided_slice %get3A_421 {offsets = [5], sizes = [1], strides = [1]} : vector<16xi32> to vector<1xi32>
      %squeeze3A_529 = vector.extract %slice3A_528[0] : i32 from vector<1xi32>
      %mul3A_530 = arith.constant 128 : i32
      %mul3A_531 = arith.muli %squeeze3A_529, %mul3A_530 : i32
      %mul3A_532 = arith.constant 16 : i32
      %mul3A_533 = arith.muli %scan3A_415, %mul3A_532 : i32
      %add3A_534 = arith.constant 5 : i32
      %add3A_535 = arith.addi %mul3A_533, %add3A_534 : i32
      %dma_start3A_536 = arith.constant 0 : i32
      %dma_start3A_537 = tpu.memref_slice %arg6[%rem3A_4, %add3A_535, %dma_start3A_536] : memref<2x128x128xf32, #tpu.memory_space<vmem>> -> memref<1x1x128xf32, #tpu.memory_space<vmem>>
      %dma_start3A_538 = tpu.memref_squeeze %dma_start3A_537 : memref<1x1x128xf32, #tpu.memory_space<vmem>> -> memref<128xf32, #tpu.memory_space<vmem>>
      %dma_start3A_539 = tpu.memref_slice %arg2[%add3A_527, %mul3A_531] : memref<32768x2048xf32, #tpu.memory_space<hbm>> -> memref<1x128xf32, #tpu.memory_space<hbm>>
      %dma_start3A_540 = tpu.memref_squeeze %dma_start3A_539 : memref<1x128xf32, #tpu.memory_space<hbm>> -> memref<128xf32, #tpu.memory_space<hbm>>
      %dma_start3A_541 = arith.constant 0 : i32
      %dma_start3A_542 = tpu.memref_slice %arg6[%rem3A_4, %add3A_535, %dma_start3A_541] : memref<2x128x128xf32, #tpu.memory_space<vmem>> -> memref<1x1x128xf32, #tpu.memory_space<vmem>>
      %dma_start3A_543 = tpu.memref_squeeze %dma_start3A_542 : memref<1x1x128xf32, #tpu.memory_space<vmem>> -> memref<128xf32, #tpu.memory_space<vmem>>
      %dma_start3A_544 = tpu.memref_slice %arg2[%add3A_527, %mul3A_531] : memref<32768x2048xf32, #tpu.memory_space<hbm>> -> memref<1x128xf32, #tpu.memory_space<hbm>>
      %dma_start3A_545 = tpu.memref_squeeze %dma_start3A_544 : memref<1x128xf32, #tpu.memory_space<hbm>> -> memref<128xf32, #tpu.memory_space<hbm>>
      tpu.enqueue_dma source(%dma_start3A_545 : memref<128xf32, #tpu.memory_space<hbm>>) target(%dma_start3A_543 : memref<128xf32, #tpu.memory_space<vmem>>) target_semaphore(%arg7 : memref<!tpu.dma_semaphore, #tpu.memory_space<semaphore_mem>>)
      %add3A_546 = arith.addi %mul3A_2, %add3A_419 : i32
      %add3A_547 = arith.constant 6 : i32
      %add3A_548 = arith.addi %add3A_546, %add3A_547 : i32
      %slice3A_549 = vector.extract_strided_slice %get3A_421 {offsets = [6], sizes = [1], strides = [1]} : vector<16xi32> to vector<1xi32>
      %squeeze3A_550 = vector.extract %slice3A_549[0] : i32 from vector<1xi32>
      %mul3A_551 = arith.constant 128 : i32
      %mul3A_552 = arith.muli %squeeze3A_550, %mul3A_551 : i32
      %mul3A_553 = arith.constant 16 : i32
      %mul3A_554 = arith.muli %scan3A_415, %mul3A_553 : i32
      %add3A_555 = arith.constant 6 : i32
      %add3A_556 = arith.addi %mul3A_554, %add3A_555 : i32
      %dma_start3A_557 = arith.constant 0 : i32
      %dma_start3A_558 = tpu.memref_slice %arg6[%rem3A_4, %add3A_556, %dma_start3A_557] : memref<2x128x128xf32, #tpu.memory_space<vmem>> -> memref<1x1x128xf32, #tpu.memory_space<vmem>>
      %dma_start3A_559 = tpu.memref_squeeze %dma_start3A_558 : memref<1x1x128xf32, #tpu.memory_space<vmem>> -> memref<128xf32, #tpu.memory_space<vmem>>
      %dma_start3A_560 = tpu.memref_slice %arg2[%add3A_548, %mul3A_552] : memref<32768x2048xf32, #tpu.memory_space<hbm>> -> memref<1x128xf32, #tpu.memory_space<hbm>>
      %dma_start3A_561 = tpu.memref_squeeze %dma_start3A_560 : memref<1x128xf32, #tpu.memory_space<hbm>> -> memref<128xf32, #tpu.memory_space<hbm>>
      %dma_start3A_562 = arith.constant 0 : i32
      %dma_start3A_563 = tpu.memref_slice %arg6[%rem3A_4, %add3A_556, %dma_start3A_562] : memref<2x128x128xf32, #tpu.memory_space<vmem>> -> memref<1x1x128xf32, #tpu.memory_space<vmem>>
      %dma_start3A_564 = tpu.memref_squeeze %dma_start3A_563 : memref<1x1x128xf32, #tpu.memory_space<vmem>> -> memref<128xf32, #tpu.memory_space<vmem>>
      %dma_start3A_565 = tpu.memref_slice %arg2[%add3A_548, %mul3A_552] : memref<32768x2048xf32, #tpu.memory_space<hbm>> -> memref<1x128xf32, #tpu.memory_space<hbm>>
      %dma_start3A_566 = tpu.memref_squeeze %dma_start3A_565 : memref<1x128xf32, #tpu.memory_space<hbm>> -> memref<128xf32, #tpu.memory_space<hbm>>
      tpu.enqueue_dma source(%dma_start3A_566 : memref<128xf32, #tpu.memory_space<hbm>>) target(%dma_start3A_564 : memref<128xf32, #tpu.memory_space<vmem>>) target_semaphore(%arg7 : memref<!tpu.dma_semaphore, #tpu.memory_space<semaphore_mem>>)
      %add3A_567 = arith.addi %mul3A_2, %add3A_419 : i32
      %add3A_568 = arith.constant 7 : i32
      %add3A_569 = arith.addi %add3A_567, %add3A_568 : i32
      %slice3A_570 = vector.extract_strided_slice %get3A_421 {offsets = [7], sizes = [1], strides = [1]} : vector<16xi32> to vector<1xi32>
      %squeeze3A_571 = vector.extract %slice3A_570[0] : i32 from vector<1xi32>
      %mul3A_572 = arith.constant 128 : i32
      %mul3A_573 = arith.muli %squeeze3A_571, %mul3A_572 : i32
      %mul3A_574 = arith.constant 16 : i32
      %mul3A_575 = arith.muli %scan3A_415, %mul3A_574 : i32
      %add3A_576 = arith.constant 7 : i32
      %add3A_577 = arith.addi %mul3A_575, %add3A_576 : i32
      %dma_start3A_578 = arith.constant 0 : i32
      %dma_start3A_579 = tpu.memref_slice %arg6[%rem3A_4, %add3A_577, %dma_start3A_578] : memref<2x128x128xf32, #tpu.memory_space<vmem>> -> memref<1x1x128xf32, #tpu.memory_space<vmem>>
      %dma_start3A_580 = tpu.memref_squeeze %dma_start3A_579 : memref<1x1x128xf32, #tpu.memory_space<vmem>> -> memref<128xf32, #tpu.memory_space<vmem>>
      %dma_start3A_581 = tpu.memref_slice %arg2[%add3A_569, %mul3A_573] : memref<32768x2048xf32, #tpu.memory_space<hbm>> -> memref<1x128xf32, #tpu.memory_space<hbm>>
      %dma_start3A_582 = tpu.memref_squeeze %dma_start3A_581 : memref<1x128xf32, #tpu.memory_space<hbm>> -> memref<128xf32, #tpu.memory_space<hbm>>
      %dma_start3A_583 = arith.constant 0 : i32
      %dma_start3A_584 = tpu.memref_slice %arg6[%rem3A_4, %add3A_577, %dma_start3A_583] : memref<2x128x128xf32, #tpu.memory_space<vmem>> -> memref<1x1x128xf32, #tpu.memory_space<vmem>>
      %dma_start3A_585 = tpu.memref_squeeze %dma_start3A_584 : memref<1x1x128xf32, #tpu.memory_space<vmem>> -> memref<128xf32, #tpu.memory_space<vmem>>
      %dma_start3A_586 = tpu.memref_slice %arg2[%add3A_569, %mul3A_573] : memref<32768x2048xf32, #tpu.memory_space<hbm>> -> memref<1x128xf32, #tpu.memory_space<hbm>>
      %dma_start3A_587 = tpu.memref_squeeze %dma_start3A_586 : memref<1x128xf32, #tpu.memory_space<hbm>> -> memref<128xf32, #tpu.memory_space<hbm>>
      tpu.enqueue_dma source(%dma_start3A_587 : memref<128xf32, #tpu.memory_space<hbm>>) target(%dma_start3A_585 : memref<128xf32, #tpu.memory_space<vmem>>) target_semaphore(%arg7 : memref<!tpu.dma_semaphore, #tpu.memory_space<semaphore_mem>>)
      %add3A_588 = arith.addi %mul3A_2, %add3A_419 : i32
      %add3A_589 = arith.constant 8 : i32
      %add3A_590 = arith.addi %add3A_588, %add3A_589 : i32
      %slice3A_591 = vector.extract_strided_slice %get3A_421 {offsets = [8], sizes = [1], strides = [1]} : vector<16xi32> to vector<1xi32>
      %squeeze3A_592 = vector.extract %slice3A_591[0] : i32 from vector<1xi32>
      %mul3A_593 = arith.constant 128 : i32
      %mul3A_594 = arith.muli %squeeze3A_592, %mul3A_593 : i32
      %mul3A_595 = arith.constant 16 : i32
      %mul3A_596 = arith.muli %scan3A_415, %mul3A_595 : i32
      %add3A_597 = arith.constant 8 : i32
      %add3A_598 = arith.addi %mul3A_596, %add3A_597 : i32
      %dma_start3A_599 = arith.constant 0 : i32
      %dma_start3A_600 = tpu.memref_slice %arg6[%rem3A_4, %add3A_598, %dma_start3A_599] : memref<2x128x128xf32, #tpu.memory_space<vmem>> -> memref<1x1x128xf32, #tpu.memory_space<vmem>>
      %dma_start3A_601 = tpu.memref_squeeze %dma_start3A_600 : memref<1x1x128xf32, #tpu.memory_space<vmem>> -> memref<128xf32, #tpu.memory_space<vmem>>
      %dma_start3A_602 = tpu.memref_slice %arg2[%add3A_590, %mul3A_594] : memref<32768x2048xf32, #tpu.memory_space<hbm>> -> memref<1x128xf32, #tpu.memory_space<hbm>>
      %dma_start3A_603 = tpu.memref_squeeze %dma_start3A_602 : memref<1x128xf32, #tpu.memory_space<hbm>> -> memref<128xf32, #tpu.memory_space<hbm>>
      %dma_start3A_604 = arith.constant 0 : i32
      %dma_start3A_605 = tpu.memref_slice %arg6[%rem3A_4, %add3A_598, %dma_start3A_604] : memref<2x128x128xf32, #tpu.memory_space<vmem>> -> memref<1x1x128xf32, #tpu.memory_space<vmem>>
      %dma_start3A_606 = tpu.memref_squeeze %dma_start3A_605 : memref<1x1x128xf32, #tpu.memory_space<vmem>> -> memref<128xf32, #tpu.memory_space<vmem>>
      %dma_start3A_607 = tpu.memref_slice %arg2[%add3A_590, %mul3A_594] : memref<32768x2048xf32, #tpu.memory_space<hbm>> -> memref<1x128xf32, #tpu.memory_space<hbm>>
      %dma_start3A_608 = tpu.memref_squeeze %dma_start3A_607 : memref<1x128xf32, #tpu.memory_space<hbm>> -> memref<128xf32, #tpu.memory_space<hbm>>
      tpu.enqueue_dma source(%dma_start3A_608 : memref<128xf32, #tpu.memory_space<hbm>>) target(%dma_start3A_606 : memref<128xf32, #tpu.memory_space<vmem>>) target_semaphore(%arg7 : memref<!tpu.dma_semaphore, #tpu.memory_space<semaphore_mem>>)
      %add3A_609 = arith.addi %mul3A_2, %add3A_419 : i32
      %add3A_610 = arith.constant 9 : i32
      %add3A_611 = arith.addi %add3A_609, %add3A_610 : i32
      %slice3A_612 = vector.extract_strided_slice %get3A_421 {offsets = [9], sizes = [1], strides = [1]} : vector<16xi32> to vector<1xi32>
      %squeeze3A_613 = vector.extract %slice3A_612[0] : i32 from vector<1xi32>
      %mul3A_614 = arith.constant 128 : i32
      %mul3A_615 = arith.muli %squeeze3A_613, %mul3A_614 : i32
      %mul3A_616 = arith.constant 16 : i32
      %mul3A_617 = arith.muli %scan3A_415, %mul3A_616 : i32
      %add3A_618 = arith.constant 9 : i32
      %add3A_619 = arith.addi %mul3A_617, %add3A_618 : i32
      %dma_start3A_620 = arith.constant 0 : i32
      %dma_start3A_621 = tpu.memref_slice %arg6[%rem3A_4, %add3A_619, %dma_start3A_620] : memref<2x128x128xf32, #tpu.memory_space<vmem>> -> memref<1x1x128xf32, #tpu.memory_space<vmem>>
      %dma_start3A_622 = tpu.memref_squeeze %dma_start3A_621 : memref<1x1x128xf32, #tpu.memory_space<vmem>> -> memref<128xf32, #tpu.memory_space<vmem>>
      %dma_start3A_623 = tpu.memref_slice %arg2[%add3A_611, %mul3A_615] : memref<32768x2048xf32, #tpu.memory_space<hbm>> -> memref<1x128xf32, #tpu.memory_space<hbm>>
      %dma_start3A_624 = tpu.memref_squeeze %dma_start3A_623 : memref<1x128xf32, #tpu.memory_space<hbm>> -> memref<128xf32, #tpu.memory_space<hbm>>
      %dma_start3A_625 = arith.constant 0 : i32
      %dma_start3A_626 = tpu.memref_slice %arg6[%rem3A_4, %add3A_619, %dma_start3A_625] : memref<2x128x128xf32, #tpu.memory_space<vmem>> -> memref<1x1x128xf32, #tpu.memory_space<vmem>>
      %dma_start3A_627 = tpu.memref_squeeze %dma_start3A_626 : memref<1x1x128xf32, #tpu.memory_space<vmem>> -> memref<128xf32, #tpu.memory_space<vmem>>
      %dma_start3A_628 = tpu.memref_slice %arg2[%add3A_611, %mul3A_615] : memref<32768x2048xf32, #tpu.memory_space<hbm>> -> memref<1x128xf32, #tpu.memory_space<hbm>>
      %dma_start3A_629 = tpu.memref_squeeze %dma_start3A_628 : memref<1x128xf32, #tpu.memory_space<hbm>> -> memref<128xf32, #tpu.memory_space<hbm>>
      tpu.enqueue_dma source(%dma_start3A_629 : memref<128xf32, #tpu.memory_space<hbm>>) target(%dma_start3A_627 : memref<128xf32, #tpu.memory_space<vmem>>) target_semaphore(%arg7 : memref<!tpu.dma_semaphore, #tpu.memory_space<semaphore_mem>>)
      %add3A_630 = arith.addi %mul3A_2, %add3A_419 : i32
      %add3A_631 = arith.constant 10 : i32
      %add3A_632 = arith.addi %add3A_630, %add3A_631 : i32
      %slice3A_633 = vector.extract_strided_slice %get3A_421 {offsets = [10], sizes = [1], strides = [1]} : vector<16xi32> to vector<1xi32>
      %squeeze3A_634 = vector.extract %slice3A_633[0] : i32 from vector<1xi32>
      %mul3A_635 = arith.constant 128 : i32
      %mul3A_636 = arith.muli %squeeze3A_634, %mul3A_635 : i32
      %mul3A_637 = arith.constant 16 : i32
      %mul3A_638 = arith.muli %scan3A_415, %mul3A_637 : i32
      %add3A_639 = arith.constant 10 : i32
      %add3A_640 = arith.addi %mul3A_638, %add3A_639 : i32
      %dma_start3A_641 = arith.constant 0 : i32
      %dma_start3A_642 = tpu.memref_slice %arg6[%rem3A_4, %add3A_640, %dma_start3A_641] : memref<2x128x128xf32, #tpu.memory_space<vmem>> -> memref<1x1x128xf32, #tpu.memory_space<vmem>>
      %dma_start3A_643 = tpu.memref_squeeze %dma_start3A_642 : memref<1x1x128xf32, #tpu.memory_space<vmem>> -> memref<128xf32, #tpu.memory_space<vmem>>
      %dma_start3A_644 = tpu.memref_slice %arg2[%add3A_632, %mul3A_636] : memref<32768x2048xf32, #tpu.memory_space<hbm>> -> memref<1x128xf32, #tpu.memory_space<hbm>>
      %dma_start3A_645 = tpu.memref_squeeze %dma_start3A_644 : memref<1x128xf32, #tpu.memory_space<hbm>> -> memref<128xf32, #tpu.memory_space<hbm>>
      %dma_start3A_646 = arith.constant 0 : i32
      %dma_start3A_647 = tpu.memref_slice %arg6[%rem3A_4, %add3A_640, %dma_start3A_646] : memref<2x128x128xf32, #tpu.memory_space<vmem>> -> memref<1x1x128xf32, #tpu.memory_space<vmem>>
      %dma_start3A_648 = tpu.memref_squeeze %dma_start3A_647 : memref<1x1x128xf32, #tpu.memory_space<vmem>> -> memref<128xf32, #tpu.memory_space<vmem>>
      %dma_start3A_649 = tpu.memref_slice %arg2[%add3A_632, %mul3A_636] : memref<32768x2048xf32, #tpu.memory_space<hbm>> -> memref<1x128xf32, #tpu.memory_space<hbm>>
      %dma_start3A_650 = tpu.memref_squeeze %dma_start3A_649 : memref<1x128xf32, #tpu.memory_space<hbm>> -> memref<128xf32, #tpu.memory_space<hbm>>
      tpu.enqueue_dma source(%dma_start3A_650 : memref<128xf32, #tpu.memory_space<hbm>>) target(%dma_start3A_648 : memref<128xf32, #tpu.memory_space<vmem>>) target_semaphore(%arg7 : memref<!tpu.dma_semaphore, #tpu.memory_space<semaphore_mem>>)
      %add3A_651 = arith.addi %mul3A_2, %add3A_419 : i32
      %add3A_652 = arith.constant 11 : i32
      %add3A_653 = arith.addi %add3A_651, %add3A_652 : i32
      %slice3A_654 = vector.extract_strided_slice %get3A_421 {offsets = [11], sizes = [1], strides = [1]} : vector<16xi32> to vector<1xi32>
      %squeeze3A_655 = vector.extract %slice3A_654[0] : i32 from vector<1xi32>
      %mul3A_656 = arith.constant 128 : i32
      %mul3A_657 = arith.muli %squeeze3A_655, %mul3A_656 : i32
      %mul3A_658 = arith.constant 16 : i32
      %mul3A_659 = arith.muli %scan3A_415, %mul3A_658 : i32
      %add3A_660 = arith.constant 11 : i32
      %add3A_661 = arith.addi %mul3A_659, %add3A_660 : i32
      %dma_start3A_662 = arith.constant 0 : i32
      %dma_start3A_663 = tpu.memref_slice %arg6[%rem3A_4, %add3A_661, %dma_start3A_662] : memref<2x128x128xf32, #tpu.memory_space<vmem>> -> memref<1x1x128xf32, #tpu.memory_space<vmem>>
      %dma_start3A_664 = tpu.memref_squeeze %dma_start3A_663 : memref<1x1x128xf32, #tpu.memory_space<vmem>> -> memref<128xf32, #tpu.memory_space<vmem>>
      %dma_start3A_665 = tpu.memref_slice %arg2[%add3A_653, %mul3A_657] : memref<32768x2048xf32, #tpu.memory_space<hbm>> -> memref<1x128xf32, #tpu.memory_space<hbm>>
      %dma_start3A_666 = tpu.memref_squeeze %dma_start3A_665 : memref<1x128xf32, #tpu.memory_space<hbm>> -> memref<128xf32, #tpu.memory_space<hbm>>
      %dma_start3A_667 = arith.constant 0 : i32
      %dma_start3A_668 = tpu.memref_slice %arg6[%rem3A_4, %add3A_661, %dma_start3A_667] : memref<2x128x128xf32, #tpu.memory_space<vmem>> -> memref<1x1x128xf32, #tpu.memory_space<vmem>>
      %dma_start3A_669 = tpu.memref_squeeze %dma_start3A_668 : memref<1x1x128xf32, #tpu.memory_space<vmem>> -> memref<128xf32, #tpu.memory_space<vmem>>
      %dma_start3A_670 = tpu.memref_slice %arg2[%add3A_653, %mul3A_657] : memref<32768x2048xf32, #tpu.memory_space<hbm>> -> memref<1x128xf32, #tpu.memory_space<hbm>>
      %dma_start3A_671 = tpu.memref_squeeze %dma_start3A_670 : memref<1x128xf32, #tpu.memory_space<hbm>> -> memref<128xf32, #tpu.memory_space<hbm>>
      tpu.enqueue_dma source(%dma_start3A_671 : memref<128xf32, #tpu.memory_space<hbm>>) target(%dma_start3A_669 : memref<128xf32, #tpu.memory_space<vmem>>) target_semaphore(%arg7 : memref<!tpu.dma_semaphore, #tpu.memory_space<semaphore_mem>>)
      %add3A_672 = arith.addi %mul3A_2, %add3A_419 : i32
      %add3A_673 = arith.constant 12 : i32
      %add3A_674 = arith.addi %add3A_672, %add3A_673 : i32
      %slice3A_675 = vector.extract_strided_slice %get3A_421 {offsets = [12], sizes = [1], strides = [1]} : vector<16xi32> to vector<1xi32>
      %squeeze3A_676 = vector.extract %slice3A_675[0] : i32 from vector<1xi32>
      %mul3A_677 = arith.constant 128 : i32
      %mul3A_678 = arith.muli %squeeze3A_676, %mul3A_677 : i32
      %mul3A_679 = arith.constant 16 : i32
      %mul3A_680 = arith.muli %scan3A_415, %mul3A_679 : i32
      %add3A_681 = arith.constant 12 : i32
      %add3A_682 = arith.addi %mul3A_680, %add3A_681 : i32
      %dma_start3A_683 = arith.constant 0 : i32
      %dma_start3A_684 = tpu.memref_slice %arg6[%rem3A_4, %add3A_682, %dma_start3A_683] : memref<2x128x128xf32, #tpu.memory_space<vmem>> -> memref<1x1x128xf32, #tpu.memory_space<vmem>>
      %dma_start3A_685 = tpu.memref_squeeze %dma_start3A_684 : memref<1x1x128xf32, #tpu.memory_space<vmem>> -> memref<128xf32, #tpu.memory_space<vmem>>
      %dma_start3A_686 = tpu.memref_slice %arg2[%add3A_674, %mul3A_678] : memref<32768x2048xf32, #tpu.memory_space<hbm>> -> memref<1x128xf32, #tpu.memory_space<hbm>>
      %dma_start3A_687 = tpu.memref_squeeze %dma_start3A_686 : memref<1x128xf32, #tpu.memory_space<hbm>> -> memref<128xf32, #tpu.memory_space<hbm>>
      %dma_start3A_688 = arith.constant 0 : i32
      %dma_start3A_689 = tpu.memref_slice %arg6[%rem3A_4, %add3A_682, %dma_start3A_688] : memref<2x128x128xf32, #tpu.memory_space<vmem>> -> memref<1x1x128xf32, #tpu.memory_space<vmem>>
      %dma_start3A_690 = tpu.memref_squeeze %dma_start3A_689 : memref<1x1x128xf32, #tpu.memory_space<vmem>> -> memref<128xf32, #tpu.memory_space<vmem>>
      %dma_start3A_691 = tpu.memref_slice %arg2[%add3A_674, %mul3A_678] : memref<32768x2048xf32, #tpu.memory_space<hbm>> -> memref<1x128xf32, #tpu.memory_space<hbm>>
      %dma_start3A_692 = tpu.memref_squeeze %dma_start3A_691 : memref<1x128xf32, #tpu.memory_space<hbm>> -> memref<128xf32, #tpu.memory_space<hbm>>
      tpu.enqueue_dma source(%dma_start3A_692 : memref<128xf32, #tpu.memory_space<hbm>>) target(%dma_start3A_690 : memref<128xf32, #tpu.memory_space<vmem>>) target_semaphore(%arg7 : memref<!tpu.dma_semaphore, #tpu.memory_space<semaphore_mem>>)
      %add3A_693 = arith.addi %mul3A_2, %add3A_419 : i32
      %add3A_694 = arith.constant 13 : i32
      %add3A_695 = arith.addi %add3A_693, %add3A_694 : i32
      %slice3A_696 = vector.extract_strided_slice %get3A_421 {offsets = [13], sizes = [1], strides = [1]} : vector<16xi32> to vector<1xi32>
      %squeeze3A_697 = vector.extract %slice3A_696[0] : i32 from vector<1xi32>
      %mul3A_698 = arith.constant 128 : i32
      %mul3A_699 = arith.muli %squeeze3A_697, %mul3A_698 : i32
      %mul3A_700 = arith.constant 16 : i32
      %mul3A_701 = arith.muli %scan3A_415, %mul3A_700 : i32
      %add3A_702 = arith.constant 13 : i32
      %add3A_703 = arith.addi %mul3A_701, %add3A_702 : i32
      %dma_start3A_704 = arith.constant 0 : i32
      %dma_start3A_705 = tpu.memref_slice %arg6[%rem3A_4, %add3A_703, %dma_start3A_704] : memref<2x128x128xf32, #tpu.memory_space<vmem>> -> memref<1x1x128xf32, #tpu.memory_space<vmem>>
      %dma_start3A_706 = tpu.memref_squeeze %dma_start3A_705 : memref<1x1x128xf32, #tpu.memory_space<vmem>> -> memref<128xf32, #tpu.memory_space<vmem>>
      %dma_start3A_707 = tpu.memref_slice %arg2[%add3A_695, %mul3A_699] : memref<32768x2048xf32, #tpu.memory_space<hbm>> -> memref<1x128xf32, #tpu.memory_space<hbm>>
      %dma_start3A_708 = tpu.memref_squeeze %dma_start3A_707 : memref<1x128xf32, #tpu.memory_space<hbm>> -> memref<128xf32, #tpu.memory_space<hbm>>
      %dma_start3A_709 = arith.constant 0 : i32
      %dma_start3A_710 = tpu.memref_slice %arg6[%rem3A_4, %add3A_703, %dma_start3A_709] : memref<2x128x128xf32, #tpu.memory_space<vmem>> -> memref<1x1x128xf32, #tpu.memory_space<vmem>>
      %dma_start3A_711 = tpu.memref_squeeze %dma_start3A_710 : memref<1x1x128xf32, #tpu.memory_space<vmem>> -> memref<128xf32, #tpu.memory_space<vmem>>
      %dma_start3A_712 = tpu.memref_slice %arg2[%add3A_695, %mul3A_699] : memref<32768x2048xf32, #tpu.memory_space<hbm>> -> memref<1x128xf32, #tpu.memory_space<hbm>>
      %dma_start3A_713 = tpu.memref_squeeze %dma_start3A_712 : memref<1x128xf32, #tpu.memory_space<hbm>> -> memref<128xf32, #tpu.memory_space<hbm>>
      tpu.enqueue_dma source(%dma_start3A_713 : memref<128xf32, #tpu.memory_space<hbm>>) target(%dma_start3A_711 : memref<128xf32, #tpu.memory_space<vmem>>) target_semaphore(%arg7 : memref<!tpu.dma_semaphore, #tpu.memory_space<semaphore_mem>>)
      %add3A_714 = arith.addi %mul3A_2, %add3A_419 : i32
      %add3A_715 = arith.constant 14 : i32
      %add3A_716 = arith.addi %add3A_714, %add3A_715 : i32
      %slice3A_717 = vector.extract_strided_slice %get3A_421 {offsets = [14], sizes = [1], strides = [1]} : vector<16xi32> to vector<1xi32>
      %squeeze3A_718 = vector.extract %slice3A_717[0] : i32 from vector<1xi32>
      %mul3A_719 = arith.constant 128 : i32
      %mul3A_720 = arith.muli %squeeze3A_718, %mul3A_719 : i32
      %mul3A_721 = arith.constant 16 : i32
      %mul3A_722 = arith.muli %scan3A_415, %mul3A_721 : i32
      %add3A_723 = arith.constant 14 : i32
      %add3A_724 = arith.addi %mul3A_722, %add3A_723 : i32
      %dma_start3A_725 = arith.constant 0 : i32
      %dma_start3A_726 = tpu.memref_slice %arg6[%rem3A_4, %add3A_724, %dma_start3A_725] : memref<2x128x128xf32, #tpu.memory_space<vmem>> -> memref<1x1x128xf32, #tpu.memory_space<vmem>>
      %dma_start3A_727 = tpu.memref_squeeze %dma_start3A_726 : memref<1x1x128xf32, #tpu.memory_space<vmem>> -> memref<128xf32, #tpu.memory_space<vmem>>
      %dma_start3A_728 = tpu.memref_slice %arg2[%add3A_716, %mul3A_720] : memref<32768x2048xf32, #tpu.memory_space<hbm>> -> memref<1x128xf32, #tpu.memory_space<hbm>>
      %dma_start3A_729 = tpu.memref_squeeze %dma_start3A_728 : memref<1x128xf32, #tpu.memory_space<hbm>> -> memref<128xf32, #tpu.memory_space<hbm>>
      %dma_start3A_730 = arith.constant 0 : i32
      %dma_start3A_731 = tpu.memref_slice %arg6[%rem3A_4, %add3A_724, %dma_start3A_730] : memref<2x128x128xf32, #tpu.memory_space<vmem>> -> memref<1x1x128xf32, #tpu.memory_space<vmem>>
      %dma_start3A_732 = tpu.memref_squeeze %dma_start3A_731 : memref<1x1x128xf32, #tpu.memory_space<vmem>> -> memref<128xf32, #tpu.memory_space<vmem>>
      %dma_start3A_733 = tpu.memref_slice %arg2[%add3A_716, %mul3A_720] : memref<32768x2048xf32, #tpu.memory_space<hbm>> -> memref<1x128xf32, #tpu.memory_space<hbm>>
      %dma_start3A_734 = tpu.memref_squeeze %dma_start3A_733 : memref<1x128xf32, #tpu.memory_space<hbm>> -> memref<128xf32, #tpu.memory_space<hbm>>
      tpu.enqueue_dma source(%dma_start3A_734 : memref<128xf32, #tpu.memory_space<hbm>>) target(%dma_start3A_732 : memref<128xf32, #tpu.memory_space<vmem>>) target_semaphore(%arg7 : memref<!tpu.dma_semaphore, #tpu.memory_space<semaphore_mem>>)
      %add3A_735 = arith.addi %mul3A_2, %add3A_419 : i32
      %add3A_736 = arith.constant 15 : i32
      %add3A_737 = arith.addi %add3A_735, %add3A_736 : i32
      %slice3A_738 = vector.extract_strided_slice %get3A_421 {offsets = [15], sizes = [1], strides = [1]} : vector<16xi32> to vector<1xi32>
      %squeeze3A_739 = vector.extract %slice3A_738[0] : i32 from vector<1xi32>
      %mul3A_740 = arith.constant 128 : i32
      %mul3A_741 = arith.muli %squeeze3A_739, %mul3A_740 : i32
      %mul3A_742 = arith.constant 16 : i32
      %mul3A_743 = arith.muli %scan3A_415, %mul3A_742 : i32
      %add3A_744 = arith.constant 15 : i32
      %add3A_745 = arith.addi %mul3A_743, %add3A_744 : i32
      %dma_start3A_746 = arith.constant 0 : i32
      %dma_start3A_747 = tpu.memref_slice %arg6[%rem3A_4, %add3A_745, %dma_start3A_746] : memref<2x128x128xf32, #tpu.memory_space<vmem>> -> memref<1x1x128xf32, #tpu.memory_space<vmem>>
      %dma_start3A_748 = tpu.memref_squeeze %dma_start3A_747 : memref<1x1x128xf32, #tpu.memory_space<vmem>> -> memref<128xf32, #tpu.memory_space<vmem>>
      %dma_start3A_749 = tpu.memref_slice %arg2[%add3A_737, %mul3A_741] : memref<32768x2048xf32, #tpu.memory_space<hbm>> -> memref<1x128xf32, #tpu.memory_space<hbm>>
      %dma_start3A_750 = tpu.memref_squeeze %dma_start3A_749 : memref<1x128xf32, #tpu.memory_space<hbm>> -> memref<128xf32, #tpu.memory_space<hbm>>
      %dma_start3A_751 = arith.constant 0 : i32
      %dma_start3A_752 = tpu.memref_slice %arg6[%rem3A_4, %add3A_745, %dma_start3A_751] : memref<2x128x128xf32, #tpu.memory_space<vmem>> -> memref<1x1x128xf32, #tpu.memory_space<vmem>>
      %dma_start3A_753 = tpu.memref_squeeze %dma_start3A_752 : memref<1x1x128xf32, #tpu.memory_space<vmem>> -> memref<128xf32, #tpu.memory_space<vmem>>
      %dma_start3A_754 = tpu.memref_slice %arg2[%add3A_737, %mul3A_741] : memref<32768x2048xf32, #tpu.memory_space<hbm>> -> memref<1x128xf32, #tpu.memory_space<hbm>>
      %dma_start3A_755 = tpu.memref_squeeze %dma_start3A_754 : memref<1x128xf32, #tpu.memory_space<hbm>> -> memref<128xf32, #tpu.memory_space<hbm>>
      tpu.enqueue_dma source(%dma_start3A_755 : memref<128xf32, #tpu.memory_space<hbm>>) target(%dma_start3A_753 : memref<128xf32, #tpu.memory_space<vmem>>) target_semaphore(%arg7 : memref<!tpu.dma_semaphore, #tpu.memory_space<semaphore_mem>>)
    }
    %scan3A_9 = arith.constant 8 : i32
    %rem3A_10 = arith.constant 1 : i32
    %rem3A_11 = arith.constant 2 : i32
    %rem3A_12 = arith.remsi %rem3A_10, %rem3A_11 : i32
    %scan3A_13 = arith.constant 0 : i32
    %scan3A_14 = arith.constant 0 : i32
    %scan3A_15 = arith.constant 8 : i32
    %scan3A_16 = arith.addi %scan3A_14, %scan3A_15 : i32
    %scan3A_17 = arith.constant 1 : i32
    scf.for %scan3A_415 = %scan3A_14 to %scan3A_16 step %scan3A_17  : i32 {
      %mul3A_416 = arith.constant 16 : i32
      %mul3A_417 = arith.muli %scan3A_415, %mul3A_416 : i32
      %add3A_418 = arith.constant 128 : i32
      %add3A_419 = arith.addi %add3A_418, %mul3A_417 : i32
      %get3A = arith.index_cast %add3A_419 : i32 to index
      %get3A_420 = tpu.vector_load %arg5[%get3A] {strides = array<i32>} : memref<1024xi32, #tpu.memory_space<vmem>>, vector<16xi32>,
      %get3A_421 = vector.shape_cast %get3A_420 : vector<16xi32> to vector<16xi32>
      %add3A_422 = arith.addi %mul3A_2, %add3A_419 : i32
      %add3A_423 = arith.constant 0 : i32
      %add3A_424 = arith.addi %add3A_422, %add3A_423 : i32
      %slice3A = vector.extract_strided_slice %get3A_421 {offsets = [0], sizes = [1], strides = [1]} : vector<16xi32> to vector<1xi32>
      %squeeze3A = vector.extract %slice3A[0] : i32 from vector<1xi32>
      %mul3A_425 = arith.constant 128 : i32
      %mul3A_426 = arith.muli %squeeze3A, %mul3A_425 : i32
      %mul3A_427 = arith.constant 16 : i32
      %mul3A_428 = arith.muli %scan3A_415, %mul3A_427 : i32
      %add3A_429 = arith.constant 0 : i32
      %add3A_430 = arith.addi %mul3A_428, %add3A_429 : i32
      %dma_start3A_431 = arith.constant 0 : i32
      %dma_start3A_432 = tpu.memref_slice %arg6[%rem3A_12, %add3A_430, %dma_start3A_431] : memref<2x128x128xf32, #tpu.memory_space<vmem>> -> memref<1x1x128xf32, #tpu.memory_space<vmem>>
      %dma_start3A_433 = tpu.memref_squeeze %dma_start3A_432 : memref<1x1x128xf32, #tpu.memory_space<vmem>> -> memref<128xf32, #tpu.memory_space<vmem>>
      %dma_start3A_434 = tpu.memref_slice %arg2[%add3A_424, %mul3A_426] : memref<32768x2048xf32, #tpu.memory_space<hbm>> -> memref<1x128xf32, #tpu.memory_space<hbm>>
      %dma_start3A_435 = tpu.memref_squeeze %dma_start3A_434 : memref<1x128xf32, #tpu.memory_space<hbm>> -> memref<128xf32, #tpu.memory_space<hbm>>
      %dma_start3A_436 = arith.constant 0 : i32
      %dma_start3A_437 = tpu.memref_slice %arg6[%rem3A_12, %add3A_430, %dma_start3A_436] : memref<2x128x128xf32, #tpu.memory_space<vmem>> -> memref<1x1x128xf32, #tpu.memory_space<vmem>>
      %dma_start3A_438 = tpu.memref_squeeze %dma_start3A_437 : memref<1x1x128xf32, #tpu.memory_space<vmem>> -> memref<128xf32, #tpu.memory_space<vmem>>
      %dma_start3A_439 = tpu.memref_slice %arg2[%add3A_424, %mul3A_426] : memref<32768x2048xf32, #tpu.memory_space<hbm>> -> memref<1x128xf32, #tpu.memory_space<hbm>>
      %dma_start3A_440 = tpu.memref_squeeze %dma_start3A_439 : memref<1x128xf32, #tpu.memory_space<hbm>> -> memref<128xf32, #tpu.memory_space<hbm>>
      tpu.enqueue_dma source(%dma_start3A_440 : memref<128xf32, #tpu.memory_space<hbm>>) target(%dma_start3A_438 : memref<128xf32, #tpu.memory_space<vmem>>) target_semaphore(%arg7 : memref<!tpu.dma_semaphore, #tpu.memory_space<semaphore_mem>>)
      %add3A_441 = arith.addi %mul3A_2, %add3A_419 : i32
      %add3A_442 = arith.constant 1 : i32
      %add3A_443 = arith.addi %add3A_441, %add3A_442 : i32
      %slice3A_444 = vector.extract_strided_slice %get3A_421 {offsets = [1], sizes = [1], strides = [1]} : vector<16xi32> to vector<1xi32>
      %squeeze3A_445 = vector.extract %slice3A_444[0] : i32 from vector<1xi32>
      %mul3A_446 = arith.constant 128 : i32
      %mul3A_447 = arith.muli %squeeze3A_445, %mul3A_446 : i32
      %mul3A_448 = arith.constant 16 : i32
      %mul3A_449 = arith.muli %scan3A_415, %mul3A_448 : i32
      %add3A_450 = arith.constant 1 : i32
      %add3A_451 = arith.addi %mul3A_449, %add3A_450 : i32
      %dma_start3A_452 = arith.constant 0 : i32
      %dma_start3A_453 = tpu.memref_slice %arg6[%rem3A_12, %add3A_451, %dma_start3A_452] : memref<2x128x128xf32, #tpu.memory_space<vmem>> -> memref<1x1x128xf32, #tpu.memory_space<vmem>>
      %dma_start3A_454 = tpu.memref_squeeze %dma_start3A_453 : memref<1x1x128xf32, #tpu.memory_space<vmem>> -> memref<128xf32, #tpu.memory_space<vmem>>
      %dma_start3A_455 = tpu.memref_slice %arg2[%add3A_443, %mul3A_447] : memref<32768x2048xf32, #tpu.memory_space<hbm>> -> memref<1x128xf32, #tpu.memory_space<hbm>>
      %dma_start3A_456 = tpu.memref_squeeze %dma_start3A_455 : memref<1x128xf32, #tpu.memory_space<hbm>> -> memref<128xf32, #tpu.memory_space<hbm>>
      %dma_start3A_457 = arith.constant 0 : i32
      %dma_start3A_458 = tpu.memref_slice %arg6[%rem3A_12, %add3A_451, %dma_start3A_457] : memref<2x128x128xf32, #tpu.memory_space<vmem>> -> memref<1x1x128xf32, #tpu.memory_space<vmem>>
      %dma_start3A_459 = tpu.memref_squeeze %dma_start3A_458 : memref<1x1x128xf32, #tpu.memory_space<vmem>> -> memref<128xf32, #tpu.memory_space<vmem>>
      %dma_start3A_460 = tpu.memref_slice %arg2[%add3A_443, %mul3A_447] : memref<32768x2048xf32, #tpu.memory_space<hbm>> -> memref<1x128xf32, #tpu.memory_space<hbm>>
      %dma_start3A_461 = tpu.memref_squeeze %dma_start3A_460 : memref<1x128xf32, #tpu.memory_space<hbm>> -> memref<128xf32, #tpu.memory_space<hbm>>
      tpu.enqueue_dma source(%dma_start3A_461 : memref<128xf32, #tpu.memory_space<hbm>>) target(%dma_start3A_459 : memref<128xf32, #tpu.memory_space<vmem>>) target_semaphore(%arg7 : memref<!tpu.dma_semaphore, #tpu.memory_space<semaphore_mem>>)
      %add3A_462 = arith.addi %mul3A_2, %add3A_419 : i32
      %add3A_463 = arith.constant 2 : i32
      %add3A_464 = arith.addi %add3A_462, %add3A_463 : i32
      %slice3A_465 = vector.extract_strided_slice %get3A_421 {offsets = [2], sizes = [1], strides = [1]} : vector<16xi32> to vector<1xi32>
      %squeeze3A_466 = vector.extract %slice3A_465[0] : i32 from vector<1xi32>
      %mul3A_467 = arith.constant 128 : i32
      %mul3A_468 = arith.muli %squeeze3A_466, %mul3A_467 : i32
      %mul3A_469 = arith.constant 16 : i32
      %mul3A_470 = arith.muli %scan3A_415, %mul3A_469 : i32
      %add3A_471 = arith.constant 2 : i32
      %add3A_472 = arith.addi %mul3A_470, %add3A_471 : i32
      %dma_start3A_473 = arith.constant 0 : i32
      %dma_start3A_474 = tpu.memref_slice %arg6[%rem3A_12, %add3A_472, %dma_start3A_473] : memref<2x128x128xf32, #tpu.memory_space<vmem>> -> memref<1x1x128xf32, #tpu.memory_space<vmem>>
      %dma_start3A_475 = tpu.memref_squeeze %dma_start3A_474 : memref<1x1x128xf32, #tpu.memory_space<vmem>> -> memref<128xf32, #tpu.memory_space<vmem>>
      %dma_start3A_476 = tpu.memref_slice %arg2[%add3A_464, %mul3A_468] : memref<32768x2048xf32, #tpu.memory_space<hbm>> -> memref<1x128xf32, #tpu.memory_space<hbm>>
      %dma_start3A_477 = tpu.memref_squeeze %dma_start3A_476 : memref<1x128xf32, #tpu.memory_space<hbm>> -> memref<128xf32, #tpu.memory_space<hbm>>
      %dma_start3A_478 = arith.constant 0 : i32
      %dma_start3A_479 = tpu.memref_slice %arg6[%rem3A_12, %add3A_472, %dma_start3A_478] : memref<2x128x128xf32, #tpu.memory_space<vmem>> -> memref<1x1x128xf32, #tpu.memory_space<vmem>>
      %dma_start3A_480 = tpu.memref_squeeze %dma_start3A_479 : memref<1x1x128xf32, #tpu.memory_space<vmem>> -> memref<128xf32, #tpu.memory_space<vmem>>
      %dma_start3A_481 = tpu.memref_slice %arg2[%add3A_464, %mul3A_468] : memref<32768x2048xf32, #tpu.memory_space<hbm>> -> memref<1x128xf32, #tpu.memory_space<hbm>>
      %dma_start3A_482 = tpu.memref_squeeze %dma_start3A_481 : memref<1x128xf32, #tpu.memory_space<hbm>> -> memref<128xf32, #tpu.memory_space<hbm>>
      tpu.enqueue_dma source(%dma_start3A_482 : memref<128xf32, #tpu.memory_space<hbm>>) target(%dma_start3A_480 : memref<128xf32, #tpu.memory_space<vmem>>) target_semaphore(%arg7 : memref<!tpu.dma_semaphore, #tpu.memory_space<semaphore_mem>>)
      %add3A_483 = arith.addi %mul3A_2, %add3A_419 : i32
      %add3A_484 = arith.constant 3 : i32
      %add3A_485 = arith.addi %add3A_483, %add3A_484 : i32
      %slice3A_486 = vector.extract_strided_slice %get3A_421 {offsets = [3], sizes = [1], strides = [1]} : vector<16xi32> to vector<1xi32>
      %squeeze3A_487 = vector.extract %slice3A_486[0] : i32 from vector<1xi32>
      %mul3A_488 = arith.constant 128 : i32
      %mul3A_489 = arith.muli %squeeze3A_487, %mul3A_488 : i32
      %mul3A_490 = arith.constant 16 : i32
      %mul3A_491 = arith.muli %scan3A_415, %mul3A_490 : i32
      %add3A_492 = arith.constant 3 : i32
      %add3A_493 = arith.addi %mul3A_491, %add3A_492 : i32
      %dma_start3A_494 = arith.constant 0 : i32
      %dma_start3A_495 = tpu.memref_slice %arg6[%rem3A_12, %add3A_493, %dma_start3A_494] : memref<2x128x128xf32, #tpu.memory_space<vmem>> -> memref<1x1x128xf32, #tpu.memory_space<vmem>>
      %dma_start3A_496 = tpu.memref_squeeze %dma_start3A_495 : memref<1x1x128xf32, #tpu.memory_space<vmem>> -> memref<128xf32, #tpu.memory_space<vmem>>
      %dma_start3A_497 = tpu.memref_slice %arg2[%add3A_485, %mul3A_489] : memref<32768x2048xf32, #tpu.memory_space<hbm>> -> memref<1x128xf32, #tpu.memory_space<hbm>>
      %dma_start3A_498 = tpu.memref_squeeze %dma_start3A_497 : memref<1x128xf32, #tpu.memory_space<hbm>> -> memref<128xf32, #tpu.memory_space<hbm>>
      %dma_start3A_499 = arith.constant 0 : i32
      %dma_start3A_500 = tpu.memref_slice %arg6[%rem3A_12, %add3A_493, %dma_start3A_499] : memref<2x128x128xf32, #tpu.memory_space<vmem>> -> memref<1x1x128xf32, #tpu.memory_space<vmem>>
      %dma_start3A_501 = tpu.memref_squeeze %dma_start3A_500 : memref<1x1x128xf32, #tpu.memory_space<vmem>> -> memref<128xf32, #tpu.memory_space<vmem>>
      %dma_start3A_502 = tpu.memref_slice %arg2[%add3A_485, %mul3A_489] : memref<32768x2048xf32, #tpu.memory_space<hbm>> -> memref<1x128xf32, #tpu.memory_space<hbm>>
      %dma_start3A_503 = tpu.memref_squeeze %dma_start3A_502 : memref<1x128xf32, #tpu.memory_space<hbm>> -> memref<128xf32, #tpu.memory_space<hbm>>
      tpu.enqueue_dma source(%dma_start3A_503 : memref<128xf32, #tpu.memory_space<hbm>>) target(%dma_start3A_501 : memref<128xf32, #tpu.memory_space<vmem>>) target_semaphore(%arg7 : memref<!tpu.dma_semaphore, #tpu.memory_space<semaphore_mem>>)
      %add3A_504 = arith.addi %mul3A_2, %add3A_419 : i32
      %add3A_505 = arith.constant 4 : i32
      %add3A_506 = arith.addi %add3A_504, %add3A_505 : i32
      %slice3A_507 = vector.extract_strided_slice %get3A_421 {offsets = [4], sizes = [1], strides = [1]} : vector<16xi32> to vector<1xi32>
      %squeeze3A_508 = vector.extract %slice3A_507[0] : i32 from vector<1xi32>
      %mul3A_509 = arith.constant 128 : i32
      %mul3A_510 = arith.muli %squeeze3A_508, %mul3A_509 : i32
      %mul3A_511 = arith.constant 16 : i32
      %mul3A_512 = arith.muli %scan3A_415, %mul3A_511 : i32
      %add3A_513 = arith.constant 4 : i32
      %add3A_514 = arith.addi %mul3A_512, %add3A_513 : i32
      %dma_start3A_515 = arith.constant 0 : i32
      %dma_start3A_516 = tpu.memref_slice %arg6[%rem3A_12, %add3A_514, %dma_start3A_515] : memref<2x128x128xf32, #tpu.memory_space<vmem>> -> memref<1x1x128xf32, #tpu.memory_space<vmem>>
      %dma_start3A_517 = tpu.memref_squeeze %dma_start3A_516 : memref<1x1x128xf32, #tpu.memory_space<vmem>> -> memref<128xf32, #tpu.memory_space<vmem>>
      %dma_start3A_518 = tpu.memref_slice %arg2[%add3A_506, %mul3A_510] : memref<32768x2048xf32, #tpu.memory_space<hbm>> -> memref<1x128xf32, #tpu.memory_space<hbm>>
      %dma_start3A_519 = tpu.memref_squeeze %dma_start3A_518 : memref<1x128xf32, #tpu.memory_space<hbm>> -> memref<128xf32, #tpu.memory_space<hbm>>
      %dma_start3A_520 = arith.constant 0 : i32
      %dma_start3A_521 = tpu.memref_slice %arg6[%rem3A_12, %add3A_514, %dma_start3A_520] : memref<2x128x128xf32, #tpu.memory_space<vmem>> -> memref<1x1x128xf32, #tpu.memory_space<vmem>>
      %dma_start3A_522 = tpu.memref_squeeze %dma_start3A_521 : memref<1x1x128xf32, #tpu.memory_space<vmem>> -> memref<128xf32, #tpu.memory_space<vmem>>
      %dma_start3A_523 = tpu.memref_slice %arg2[%add3A_506, %mul3A_510] : memref<32768x2048xf32, #tpu.memory_space<hbm>> -> memref<1x128xf32, #tpu.memory_space<hbm>>
      %dma_start3A_524 = tpu.memref_squeeze %dma_start3A_523 : memref<1x128xf32, #tpu.memory_space<hbm>> -> memref<128xf32, #tpu.memory_space<hbm>>
      tpu.enqueue_dma source(%dma_start3A_524 : memref<128xf32, #tpu.memory_space<hbm>>) target(%dma_start3A_522 : memref<128xf32, #tpu.memory_space<vmem>>) target_semaphore(%arg7 : memref<!tpu.dma_semaphore, #tpu.memory_space<semaphore_mem>>)
      %add3A_525 = arith.addi %mul3A_2, %add3A_419 : i32
      %add3A_526 = arith.constant 5 : i32
      %add3A_527 = arith.addi %add3A_525, %add3A_526 : i32
      %slice3A_528 = vector.extract_strided_slice %get3A_421 {offsets = [5], sizes = [1], strides = [1]} : vector<16xi32> to vector<1xi32>
      %squeeze3A_529 = vector.extract %slice3A_528[0] : i32 from vector<1xi32>
      %mul3A_530 = arith.constant 128 : i32
      %mul3A_531 = arith.muli %squeeze3A_529, %mul3A_530 : i32
      %mul3A_532 = arith.constant 16 : i32
      %mul3A_533 = arith.muli %scan3A_415, %mul3A_532 : i32
      %add3A_534 = arith.constant 5 : i32
      %add3A_535 = arith.addi %mul3A_533, %add3A_534 : i32
      %dma_start3A_536 = arith.constant 0 : i32
      %dma_start3A_537 = tpu.memref_slice %arg6[%rem3A_12, %add3A_535, %dma_start3A_536] : memref<2x128x128xf32, #tpu.memory_space<vmem>> -> memref<1x1x128xf32, #tpu.memory_space<vmem>>
      %dma_start3A_538 = tpu.memref_squeeze %dma_start3A_537 : memref<1x1x128xf32, #tpu.memory_space<vmem>> -> memref<128xf32, #tpu.memory_space<vmem>>
      %dma_start3A_539 = tpu.memref_slice %arg2[%add3A_527, %mul3A_531] : memref<32768x2048xf32, #tpu.memory_space<hbm>> -> memref<1x128xf32, #tpu.memory_space<hbm>>
      %dma_start3A_540 = tpu.memref_squeeze %dma_start3A_539 : memref<1x128xf32, #tpu.memory_space<hbm>> -> memref<128xf32, #tpu.memory_space<hbm>>
      %dma_start3A_541 = arith.constant 0 : i32
      %dma_start3A_542 = tpu.memref_slice %arg6[%rem3A_12, %add3A_535, %dma_start3A_541] : memref<2x128x128xf32, #tpu.memory_space<vmem>> -> memref<1x1x128xf32, #tpu.memory_space<vmem>>
      %dma_start3A_543 = tpu.memref_squeeze %dma_start3A_542 : memref<1x1x128xf32, #tpu.memory_space<vmem>> -> memref<128xf32, #tpu.memory_space<vmem>>
      %dma_start3A_544 = tpu.memref_slice %arg2[%add3A_527, %mul3A_531] : memref<32768x2048xf32, #tpu.memory_space<hbm>> -> memref<1x128xf32, #tpu.memory_space<hbm>>
      %dma_start3A_545 = tpu.memref_squeeze %dma_start3A_544 : memref<1x128xf32, #tpu.memory_space<hbm>> -> memref<128xf32, #tpu.memory_space<hbm>>
      tpu.enqueue_dma source(%dma_start3A_545 : memref<128xf32, #tpu.memory_space<hbm>>) target(%dma_start3A_543 : memref<128xf32, #tpu.memory_space<vmem>>) target_semaphore(%arg7 : memref<!tpu.dma_semaphore, #tpu.memory_space<semaphore_mem>>)
      %add3A_546 = arith.addi %mul3A_2, %add3A_419 : i32
      %add3A_547 = arith.constant 6 : i32
      %add3A_548 = arith.addi %add3A_546, %add3A_547 : i32
      %slice3A_549 = vector.extract_strided_slice %get3A_421 {offsets = [6], sizes = [1], strides = [1]} : vector<16xi32> to vector<1xi32>
      %squeeze3A_550 = vector.extract %slice3A_549[0] : i32 from vector<1xi32>
      %mul3A_551 = arith.constant 128 : i32
      %mul3A_552 = arith.muli %squeeze3A_550, %mul3A_551 : i32
      %mul3A_553 = arith.constant 16 : i32
      %mul3A_554 = arith.muli %scan3A_415, %mul3A_553 : i32
      %add3A_555 = arith.constant 6 : i32
      %add3A_556 = arith.addi %mul3A_554, %add3A_555 : i32
      %dma_start3A_557 = arith.constant 0 : i32
      %dma_start3A_558 = tpu.memref_slice %arg6[%rem3A_12, %add3A_556, %dma_start3A_557] : memref<2x128x128xf32, #tpu.memory_space<vmem>> -> memref<1x1x128xf32, #tpu.memory_space<vmem>>
      %dma_start3A_559 = tpu.memref_squeeze %dma_start3A_558 : memref<1x1x128xf32, #tpu.memory_space<vmem>> -> memref<128xf32, #tpu.memory_space<vmem>>
      %dma_start3A_560 = tpu.memref_slice %arg2[%add3A_548, %mul3A_552] : memref<32768x2048xf32, #tpu.memory_space<hbm>> -> memref<1x128xf32, #tpu.memory_space<hbm>>
      %dma_start3A_561 = tpu.memref_squeeze %dma_start3A_560 : memref<1x128xf32, #tpu.memory_space<hbm>> -> memref<128xf32, #tpu.memory_space<hbm>>
      %dma_start3A_562 = arith.constant 0 : i32
      %dma_start3A_563 = tpu.memref_slice %arg6[%rem3A_12, %add3A_556, %dma_start3A_562] : memref<2x128x128xf32, #tpu.memory_space<vmem>> -> memref<1x1x128xf32, #tpu.memory_space<vmem>>
      %dma_start3A_564 = tpu.memref_squeeze %dma_start3A_563 : memref<1x1x128xf32, #tpu.memory_space<vmem>> -> memref<128xf32, #tpu.memory_space<vmem>>
      %dma_start3A_565 = tpu.memref_slice %arg2[%add3A_548, %mul3A_552] : memref<32768x2048xf32, #tpu.memory_space<hbm>> -> memref<1x128xf32, #tpu.memory_space<hbm>>
      %dma_start3A_566 = tpu.memref_squeeze %dma_start3A_565 : memref<1x128xf32, #tpu.memory_space<hbm>> -> memref<128xf32, #tpu.memory_space<hbm>>
      tpu.enqueue_dma source(%dma_start3A_566 : memref<128xf32, #tpu.memory_space<hbm>>) target(%dma_start3A_564 : memref<128xf32, #tpu.memory_space<vmem>>) target_semaphore(%arg7 : memref<!tpu.dma_semaphore, #tpu.memory_space<semaphore_mem>>)
      %add3A_567 = arith.addi %mul3A_2, %add3A_419 : i32
      %add3A_568 = arith.constant 7 : i32
      %add3A_569 = arith.addi %add3A_567, %add3A_568 : i32
      %slice3A_570 = vector.extract_strided_slice %get3A_421 {offsets = [7], sizes = [1], strides = [1]} : vector<16xi32> to vector<1xi32>
      %squeeze3A_571 = vector.extract %slice3A_570[0] : i32 from vector<1xi32>
      %mul3A_572 = arith.constant 128 : i32
      %mul3A_573 = arith.muli %squeeze3A_571, %mul3A_572 : i32
      %mul3A_574 = arith.constant 16 : i32
      %mul3A_575 = arith.muli %scan3A_415, %mul3A_574 : i32
      %add3A_576 = arith.constant 7 : i32
      %add3A_577 = arith.addi %mul3A_575, %add3A_576 : i32
      %dma_start3A_578 = arith.constant 0 : i32
      %dma_start3A_579 = tpu.memref_slice %arg6[%rem3A_12, %add3A_577, %dma_start3A_578] : memref<2x128x128xf32, #tpu.memory_space<vmem>> -> memref<1x1x128xf32, #tpu.memory_space<vmem>>
      %dma_start3A_580 = tpu.memref_squeeze %dma_start3A_579 : memref<1x1x128xf32, #tpu.memory_space<vmem>> -> memref<128xf32, #tpu.memory_space<vmem>>
      %dma_start3A_581 = tpu.memref_slice %arg2[%add3A_569, %mul3A_573] : memref<32768x2048xf32, #tpu.memory_space<hbm>> -> memref<1x128xf32, #tpu.memory_space<hbm>>
      %dma_start3A_582 = tpu.memref_squeeze %dma_start3A_581 : memref<1x128xf32, #tpu.memory_space<hbm>> -> memref<128xf32, #tpu.memory_space<hbm>>
      %dma_start3A_583 = arith.constant 0 : i32
      %dma_start3A_584 = tpu.memref_slice %arg6[%rem3A_12, %add3A_577, %dma_start3A_583] : memref<2x128x128xf32, #tpu.memory_space<vmem>> -> memref<1x1x128xf32, #tpu.memory_space<vmem>>
      %dma_start3A_585 = tpu.memref_squeeze %dma_start3A_584 : memref<1x1x128xf32, #tpu.memory_space<vmem>> -> memref<128xf32, #tpu.memory_space<vmem>>
      %dma_start3A_586 = tpu.memref_slice %arg2[%add3A_569, %mul3A_573] : memref<32768x2048xf32, #tpu.memory_space<hbm>> -> memref<1x128xf32, #tpu.memory_space<hbm>>
      %dma_start3A_587 = tpu.memref_squeeze %dma_start3A_586 : memref<1x128xf32, #tpu.memory_space<hbm>> -> memref<128xf32, #tpu.memory_space<hbm>>
      tpu.enqueue_dma source(%dma_start3A_587 : memref<128xf32, #tpu.memory_space<hbm>>) target(%dma_start3A_585 : memref<128xf32, #tpu.memory_space<vmem>>) target_semaphore(%arg7 : memref<!tpu.dma_semaphore, #tpu.memory_space<semaphore_mem>>)
      %add3A_588 = arith.addi %mul3A_2, %add3A_419 : i32
      %add3A_589 = arith.constant 8 : i32
      %add3A_590 = arith.addi %add3A_588, %add3A_589 : i32
      %slice3A_591 = vector.extract_strided_slice %get3A_421 {offsets = [8], sizes = [1], strides = [1]} : vector<16xi32> to vector<1xi32>
      %squeeze3A_592 = vector.extract %slice3A_591[0] : i32 from vector<1xi32>
      %mul3A_593 = arith.constant 128 : i32
      %mul3A_594 = arith.muli %squeeze3A_592, %mul3A_593 : i32
      %mul3A_595 = arith.constant 16 : i32
      %mul3A_596 = arith.muli %scan3A_415, %mul3A_595 : i32
      %add3A_597 = arith.constant 8 : i32
      %add3A_598 = arith.addi %mul3A_596, %add3A_597 : i32
      %dma_start3A_599 = arith.constant 0 : i32
      %dma_start3A_600 = tpu.memref_slice %arg6[%rem3A_12, %add3A_598, %dma_start3A_599] : memref<2x128x128xf32, #tpu.memory_space<vmem>> -> memref<1x1x128xf32, #tpu.memory_space<vmem>>
      %dma_start3A_601 = tpu.memref_squeeze %dma_start3A_600 : memref<1x1x128xf32, #tpu.memory_space<vmem>> -> memref<128xf32, #tpu.memory_space<vmem>>
      %dma_start3A_602 = tpu.memref_slice %arg2[%add3A_590, %mul3A_594] : memref<32768x2048xf32, #tpu.memory_space<hbm>> -> memref<1x128xf32, #tpu.memory_space<hbm>>
      %dma_start3A_603 = tpu.memref_squeeze %dma_start3A_602 : memref<1x128xf32, #tpu.memory_space<hbm>> -> memref<128xf32, #tpu.memory_space<hbm>>
      %dma_start3A_604 = arith.constant 0 : i32
      %dma_start3A_605 = tpu.memref_slice %arg6[%rem3A_12, %add3A_598, %dma_start3A_604] : memref<2x128x128xf32, #tpu.memory_space<vmem>> -> memref<1x1x128xf32, #tpu.memory_space<vmem>>
      %dma_start3A_606 = tpu.memref_squeeze %dma_start3A_605 : memref<1x1x128xf32, #tpu.memory_space<vmem>> -> memref<128xf32, #tpu.memory_space<vmem>>
      %dma_start3A_607 = tpu.memref_slice %arg2[%add3A_590, %mul3A_594] : memref<32768x2048xf32, #tpu.memory_space<hbm>> -> memref<1x128xf32, #tpu.memory_space<hbm>>
      %dma_start3A_608 = tpu.memref_squeeze %dma_start3A_607 : memref<1x128xf32, #tpu.memory_space<hbm>> -> memref<128xf32, #tpu.memory_space<hbm>>
      tpu.enqueue_dma source(%dma_start3A_608 : memref<128xf32, #tpu.memory_space<hbm>>) target(%dma_start3A_606 : memref<128xf32, #tpu.memory_space<vmem>>) target_semaphore(%arg7 : memref<!tpu.dma_semaphore, #tpu.memory_space<semaphore_mem>>)
      %add3A_609 = arith.addi %mul3A_2, %add3A_419 : i32
      %add3A_610 = arith.constant 9 : i32
      %add3A_611 = arith.addi %add3A_609, %add3A_610 : i32
      %slice3A_612 = vector.extract_strided_slice %get3A_421 {offsets = [9], sizes = [1], strides = [1]} : vector<16xi32> to vector<1xi32>
      %squeeze3A_613 = vector.extract %slice3A_612[0] : i32 from vector<1xi32>
      %mul3A_614 = arith.constant 128 : i32
      %mul3A_615 = arith.muli %squeeze3A_613, %mul3A_614 : i32
      %mul3A_616 = arith.constant 16 : i32
      %mul3A_617 = arith.muli %scan3A_415, %mul3A_616 : i32
      %add3A_618 = arith.constant 9 : i32
      %add3A_619 = arith.addi %mul3A_617, %add3A_618 : i32
      %dma_start3A_620 = arith.constant 0 : i32
      %dma_start3A_621 = tpu.memref_slice %arg6[%rem3A_12, %add3A_619, %dma_start3A_620] : memref<2x128x128xf32, #tpu.memory_space<vmem>> -> memref<1x1x128xf32, #tpu.memory_space<vmem>>
      %dma_start3A_622 = tpu.memref_squeeze %dma_start3A_621 : memref<1x1x128xf32, #tpu.memory_space<vmem>> -> memref<128xf32, #tpu.memory_space<vmem>>
      %dma_start3A_623 = tpu.memref_slice %arg2[%add3A_611, %mul3A_615] : memref<32768x2048xf32, #tpu.memory_space<hbm>> -> memref<1x128xf32, #tpu.memory_space<hbm>>
      %dma_start3A_624 = tpu.memref_squeeze %dma_start3A_623 : memref<1x128xf32, #tpu.memory_space<hbm>> -> memref<128xf32, #tpu.memory_space<hbm>>
      %dma_start3A_625 = arith.constant 0 : i32
      %dma_start3A_626 = tpu.memref_slice %arg6[%rem3A_12, %add3A_619, %dma_start3A_625] : memref<2x128x128xf32, #tpu.memory_space<vmem>> -> memref<1x1x128xf32, #tpu.memory_space<vmem>>
      %dma_start3A_627 = tpu.memref_squeeze %dma_start3A_626 : memref<1x1x128xf32, #tpu.memory_space<vmem>> -> memref<128xf32, #tpu.memory_space<vmem>>
      %dma_start3A_628 = tpu.memref_slice %arg2[%add3A_611, %mul3A_615] : memref<32768x2048xf32, #tpu.memory_space<hbm>> -> memref<1x128xf32, #tpu.memory_space<hbm>>
      %dma_start3A_629 = tpu.memref_squeeze %dma_start3A_628 : memref<1x128xf32, #tpu.memory_space<hbm>> -> memref<128xf32, #tpu.memory_space<hbm>>
      tpu.enqueue_dma source(%dma_start3A_629 : memref<128xf32, #tpu.memory_space<hbm>>) target(%dma_start3A_627 : memref<128xf32, #tpu.memory_space<vmem>>) target_semaphore(%arg7 : memref<!tpu.dma_semaphore, #tpu.memory_space<semaphore_mem>>)
      %add3A_630 = arith.addi %mul3A_2, %add3A_419 : i32
      %add3A_631 = arith.constant 10 : i32
      %add3A_632 = arith.addi %add3A_630, %add3A_631 : i32
      %slice3A_633 = vector.extract_strided_slice %get3A_421 {offsets = [10], sizes = [1], strides = [1]} : vector<16xi32> to vector<1xi32>
      %squeeze3A_634 = vector.extract %slice3A_633[0] : i32 from vector<1xi32>
      %mul3A_635 = arith.constant 128 : i32
      %mul3A_636 = arith.muli %squeeze3A_634, %mul3A_635 : i32
      %mul3A_637 = arith.constant 16 : i32
      %mul3A_638 = arith.muli %scan3A_415, %mul3A_637 : i32
      %add3A_639 = arith.constant 10 : i32
      %add3A_640 = arith.addi %mul3A_638, %add3A_639 : i32
      %dma_start3A_641 = arith.constant 0 : i32
      %dma_start3A_642 = tpu.memref_slice %arg6[%rem3A_12, %add3A_640, %dma_start3A_641] : memref<2x128x128xf32, #tpu.memory_space<vmem>> -> memref<1x1x128xf32, #tpu.memory_space<vmem>>
      %dma_start3A_643 = tpu.memref_squeeze %dma_start3A_642 : memref<1x1x128xf32, #tpu.memory_space<vmem>> -> memref<128xf32, #tpu.memory_space<vmem>>
      %dma_start3A_644 = tpu.memref_slice %arg2[%add3A_632, %mul3A_636] : memref<32768x2048xf32, #tpu.memory_space<hbm>> -> memref<1x128xf32, #tpu.memory_space<hbm>>
      %dma_start3A_645 = tpu.memref_squeeze %dma_start3A_644 : memref<1x128xf32, #tpu.memory_space<hbm>> -> memref<128xf32, #tpu.memory_space<hbm>>
      %dma_start3A_646 = arith.constant 0 : i32
      %dma_start3A_647 = tpu.memref_slice %arg6[%rem3A_12, %add3A_640, %dma_start3A_646] : memref<2x128x128xf32, #tpu.memory_space<vmem>> -> memref<1x1x128xf32, #tpu.memory_space<vmem>>
      %dma_start3A_648 = tpu.memref_squeeze %dma_start3A_647 : memref<1x1x128xf32, #tpu.memory_space<vmem>> -> memref<128xf32, #tpu.memory_space<vmem>>
      %dma_start3A_649 = tpu.memref_slice %arg2[%add3A_632, %mul3A_636] : memref<32768x2048xf32, #tpu.memory_space<hbm>> -> memref<1x128xf32, #tpu.memory_space<hbm>>
      %dma_start3A_650 = tpu.memref_squeeze %dma_start3A_649 : memref<1x128xf32, #tpu.memory_space<hbm>> -> memref<128xf32, #tpu.memory_space<hbm>>
      tpu.enqueue_dma source(%dma_start3A_650 : memref<128xf32, #tpu.memory_space<hbm>>) target(%dma_start3A_648 : memref<128xf32, #tpu.memory_space<vmem>>) target_semaphore(%arg7 : memref<!tpu.dma_semaphore, #tpu.memory_space<semaphore_mem>>)
      %add3A_651 = arith.addi %mul3A_2, %add3A_419 : i32
      %add3A_652 = arith.constant 11 : i32
      %add3A_653 = arith.addi %add3A_651, %add3A_652 : i32
      %slice3A_654 = vector.extract_strided_slice %get3A_421 {offsets = [11], sizes = [1], strides = [1]} : vector<16xi32> to vector<1xi32>
      %squeeze3A_655 = vector.extract %slice3A_654[0] : i32 from vector<1xi32>
      %mul3A_656 = arith.constant 128 : i32
      %mul3A_657 = arith.muli %squeeze3A_655, %mul3A_656 : i32
      %mul3A_658 = arith.constant 16 : i32
      %mul3A_659 = arith.muli %scan3A_415, %mul3A_658 : i32
      %add3A_660 = arith.constant 11 : i32
      %add3A_661 = arith.addi %mul3A_659, %add3A_660 : i32
      %dma_start3A_662 = arith.constant 0 : i32
      %dma_start3A_663 = tpu.memref_slice %arg6[%rem3A_12, %add3A_661, %dma_start3A_662] : memref<2x128x128xf32, #tpu.memory_space<vmem>> -> memref<1x1x128xf32, #tpu.memory_space<vmem>>
      %dma_start3A_664 = tpu.memref_squeeze %dma_start3A_663 : memref<1x1x128xf32, #tpu.memory_space<vmem>> -> memref<128xf32, #tpu.memory_space<vmem>>
      %dma_start3A_665 = tpu.memref_slice %arg2[%add3A_653, %mul3A_657] : memref<32768x2048xf32, #tpu.memory_space<hbm>> -> memref<1x128xf32, #tpu.memory_space<hbm>>
      %dma_start3A_666 = tpu.memref_squeeze %dma_start3A_665 : memref<1x128xf32, #tpu.memory_space<hbm>> -> memref<128xf32, #tpu.memory_space<hbm>>
      %dma_start3A_667 = arith.constant 0 : i32
      %dma_start3A_668 = tpu.memref_slice %arg6[%rem3A_12, %add3A_661, %dma_start3A_667] : memref<2x128x128xf32, #tpu.memory_space<vmem>> -> memref<1x1x128xf32, #tpu.memory_space<vmem>>
      %dma_start3A_669 = tpu.memref_squeeze %dma_start3A_668 : memref<1x1x128xf32, #tpu.memory_space<vmem>> -> memref<128xf32, #tpu.memory_space<vmem>>
      %dma_start3A_670 = tpu.memref_slice %arg2[%add3A_653, %mul3A_657] : memref<32768x2048xf32, #tpu.memory_space<hbm>> -> memref<1x128xf32, #tpu.memory_space<hbm>>
      %dma_start3A_671 = tpu.memref_squeeze %dma_start3A_670 : memref<1x128xf32, #tpu.memory_space<hbm>> -> memref<128xf32, #tpu.memory_space<hbm>>
      tpu.enqueue_dma source(%dma_start3A_671 : memref<128xf32, #tpu.memory_space<hbm>>) target(%dma_start3A_669 : memref<128xf32, #tpu.memory_space<vmem>>) target_semaphore(%arg7 : memref<!tpu.dma_semaphore, #tpu.memory_space<semaphore_mem>>)
      %add3A_672 = arith.addi %mul3A_2, %add3A_419 : i32
      %add3A_673 = arith.constant 12 : i32
      %add3A_674 = arith.addi %add3A_672, %add3A_673 : i32
      %slice3A_675 = vector.extract_strided_slice %get3A_421 {offsets = [12], sizes = [1], strides = [1]} : vector<16xi32> to vector<1xi32>
      %squeeze3A_676 = vector.extract %slice3A_675[0] : i32 from vector<1xi32>
      %mul3A_677 = arith.constant 128 : i32
      %mul3A_678 = arith.muli %squeeze3A_676, %mul3A_677 : i32
      %mul3A_679 = arith.constant 16 : i32
      %mul3A_680 = arith.muli %scan3A_415, %mul3A_679 : i32
      %add3A_681 = arith.constant 12 : i32
      %add3A_682 = arith.addi %mul3A_680, %add3A_681 : i32
      %dma_start3A_683 = arith.constant 0 : i32
      %dma_start3A_684 = tpu.memref_slice %arg6[%rem3A_12, %add3A_682, %dma_start3A_683] : memref<2x128x128xf32, #tpu.memory_space<vmem>> -> memref<1x1x128xf32, #tpu.memory_space<vmem>>
      %dma_start3A_685 = tpu.memref_squeeze %dma_start3A_684 : memref<1x1x128xf32, #tpu.memory_space<vmem>> -> memref<128xf32, #tpu.memory_space<vmem>>
      %dma_start3A_686 = tpu.memref_slice %arg2[%add3A_674, %mul3A_678] : memref<32768x2048xf32, #tpu.memory_space<hbm>> -> memref<1x128xf32, #tpu.memory_space<hbm>>
      %dma_start3A_687 = tpu.memref_squeeze %dma_start3A_686 : memref<1x128xf32, #tpu.memory_space<hbm>> -> memref<128xf32, #tpu.memory_space<hbm>>
      %dma_start3A_688 = arith.constant 0 : i32
      %dma_start3A_689 = tpu.memref_slice %arg6[%rem3A_12, %add3A_682, %dma_start3A_688] : memref<2x128x128xf32, #tpu.memory_space<vmem>> -> memref<1x1x128xf32, #tpu.memory_space<vmem>>
      %dma_start3A_690 = tpu.memref_squeeze %dma_start3A_689 : memref<1x1x128xf32, #tpu.memory_space<vmem>> -> memref<128xf32, #tpu.memory_space<vmem>>
      %dma_start3A_691 = tpu.memref_slice %arg2[%add3A_674, %mul3A_678] : memref<32768x2048xf32, #tpu.memory_space<hbm>> -> memref<1x128xf32, #tpu.memory_space<hbm>>
      %dma_start3A_692 = tpu.memref_squeeze %dma_start3A_691 : memref<1x128xf32, #tpu.memory_space<hbm>> -> memref<128xf32, #tpu.memory_space<hbm>>
      tpu.enqueue_dma source(%dma_start3A_692 : memref<128xf32, #tpu.memory_space<hbm>>) target(%dma_start3A_690 : memref<128xf32, #tpu.memory_space<vmem>>) target_semaphore(%arg7 : memref<!tpu.dma_semaphore, #tpu.memory_space<semaphore_mem>>)
      %add3A_693 = arith.addi %mul3A_2, %add3A_419 : i32
      %add3A_694 = arith.constant 13 : i32
      %add3A_695 = arith.addi %add3A_693, %add3A_694 : i32
      %slice3A_696 = vector.extract_strided_slice %get3A_421 {offsets = [13], sizes = [1], strides = [1]} : vector<16xi32> to vector<1xi32>
      %squeeze3A_697 = vector.extract %slice3A_696[0] : i32 from vector<1xi32>
      %mul3A_698 = arith.constant 128 : i32
      %mul3A_699 = arith.muli %squeeze3A_697, %mul3A_698 : i32
      %mul3A_700 = arith.constant 16 : i32
      %mul3A_701 = arith.muli %scan3A_415, %mul3A_700 : i32
      %add3A_702 = arith.constant 13 : i32
      %add3A_703 = arith.addi %mul3A_701, %add3A_702 : i32
      %dma_start3A_704 = arith.constant 0 : i32
      %dma_start3A_705 = tpu.memref_slice %arg6[%rem3A_12, %add3A_703, %dma_start3A_704] : memref<2x128x128xf32, #tpu.memory_space<vmem>> -> memref<1x1x128xf32, #tpu.memory_space<vmem>>
      %dma_start3A_706 = tpu.memref_squeeze %dma_start3A_705 : memref<1x1x128xf32, #tpu.memory_space<vmem>> -> memref<128xf32, #tpu.memory_space<vmem>>
      %dma_start3A_707 = tpu.memref_slice %arg2[%add3A_695, %mul3A_699] : memref<32768x2048xf32, #tpu.memory_space<hbm>> -> memref<1x128xf32, #tpu.memory_space<hbm>>
      %dma_start3A_708 = tpu.memref_squeeze %dma_start3A_707 : memref<1x128xf32, #tpu.memory_space<hbm>> -> memref<128xf32, #tpu.memory_space<hbm>>
      %dma_start3A_709 = arith.constant 0 : i32
      %dma_start3A_710 = tpu.memref_slice %arg6[%rem3A_12, %add3A_703, %dma_start3A_709] : memref<2x128x128xf32, #tpu.memory_space<vmem>> -> memref<1x1x128xf32, #tpu.memory_space<vmem>>
      %dma_start3A_711 = tpu.memref_squeeze %dma_start3A_710 : memref<1x1x128xf32, #tpu.memory_space<vmem>> -> memref<128xf32, #tpu.memory_space<vmem>>
      %dma_start3A_712 = tpu.memref_slice %arg2[%add3A_695, %mul3A_699] : memref<32768x2048xf32, #tpu.memory_space<hbm>> -> memref<1x128xf32, #tpu.memory_space<hbm>>
      %dma_start3A_713 = tpu.memref_squeeze %dma_start3A_712 : memref<1x128xf32, #tpu.memory_space<hbm>> -> memref<128xf32, #tpu.memory_space<hbm>>
      tpu.enqueue_dma source(%dma_start3A_713 : memref<128xf32, #tpu.memory_space<hbm>>) target(%dma_start3A_711 : memref<128xf32, #tpu.memory_space<vmem>>) target_semaphore(%arg7 : memref<!tpu.dma_semaphore, #tpu.memory_space<semaphore_mem>>)
      %add3A_714 = arith.addi %mul3A_2, %add3A_419 : i32
      %add3A_715 = arith.constant 14 : i32
      %add3A_716 = arith.addi %add3A_714, %add3A_715 : i32
      %slice3A_717 = vector.extract_strided_slice %get3A_421 {offsets = [14], sizes = [1], strides = [1]} : vector<16xi32> to vector<1xi32>
      %squeeze3A_718 = vector.extract %slice3A_717[0] : i32 from vector<1xi32>
      %mul3A_719 = arith.constant 128 : i32
      %mul3A_720 = arith.muli %squeeze3A_718, %mul3A_719 : i32
      %mul3A_721 = arith.constant 16 : i32
      %mul3A_722 = arith.muli %scan3A_415, %mul3A_721 : i32
      %add3A_723 = arith.constant 14 : i32
      %add3A_724 = arith.addi %mul3A_722, %add3A_723 : i32
      %dma_start3A_725 = arith.constant 0 : i32
      %dma_start3A_726 = tpu.memref_slice %arg6[%rem3A_12, %add3A_724, %dma_start3A_725] : memref<2x128x128xf32, #tpu.memory_space<vmem>> -> memref<1x1x128xf32, #tpu.memory_space<vmem>>
      %dma_start3A_727 = tpu.memref_squeeze %dma_start3A_726 : memref<1x1x128xf32, #tpu.memory_space<vmem>> -> memref<128xf32, #tpu.memory_space<vmem>>
      %dma_start3A_728 = tpu.memref_slice %arg2[%add3A_716, %mul3A_720] : memref<32768x2048xf32, #tpu.memory_space<hbm>> -> memref<1x128xf32, #tpu.memory_space<hbm>>
      %dma_start3A_729 = tpu.memref_squeeze %dma_start3A_728 : memref<1x128xf32, #tpu.memory_space<hbm>> -> memref<128xf32, #tpu.memory_space<hbm>>
      %dma_start3A_730 = arith.constant 0 : i32
      %dma_start3A_731 = tpu.memref_slice %arg6[%rem3A_12, %add3A_724, %dma_start3A_730] : memref<2x128x128xf32, #tpu.memory_space<vmem>> -> memref<1x1x128xf32, #tpu.memory_space<vmem>>
      %dma_start3A_732 = tpu.memref_squeeze %dma_start3A_731 : memref<1x1x128xf32, #tpu.memory_space<vmem>> -> memref<128xf32, #tpu.memory_space<vmem>>
      %dma_start3A_733 = tpu.memref_slice %arg2[%add3A_716, %mul3A_720] : memref<32768x2048xf32, #tpu.memory_space<hbm>> -> memref<1x128xf32, #tpu.memory_space<hbm>>
      %dma_start3A_734 = tpu.memref_squeeze %dma_start3A_733 : memref<1x128xf32, #tpu.memory_space<hbm>> -> memref<128xf32, #tpu.memory_space<hbm>>
      tpu.enqueue_dma source(%dma_start3A_734 : memref<128xf32, #tpu.memory_space<hbm>>) target(%dma_start3A_732 : memref<128xf32, #tpu.memory_space<vmem>>) target_semaphore(%arg7 : memref<!tpu.dma_semaphore, #tpu.memory_space<semaphore_mem>>)
      %add3A_735 = arith.addi %mul3A_2, %add3A_419 : i32
      %add3A_736 = arith.constant 15 : i32
      %add3A_737 = arith.addi %add3A_735, %add3A_736 : i32
      %slice3A_738 = vector.extract_strided_slice %get3A_421 {offsets = [15], sizes = [1], strides = [1]} : vector<16xi32> to vector<1xi32>
      %squeeze3A_739 = vector.extract %slice3A_738[0] : i32 from vector<1xi32>
      %mul3A_740 = arith.constant 128 : i32
      %mul3A_741 = arith.muli %squeeze3A_739, %mul3A_740 : i32
      %mul3A_742 = arith.constant 16 : i32
      %mul3A_743 = arith.muli %scan3A_415, %mul3A_742 : i32
      %add3A_744 = arith.constant 15 : i32
      %add3A_745 = arith.addi %mul3A_743, %add3A_744 : i32
      %dma_start3A_746 = arith.constant 0 : i32
      %dma_start3A_747 = tpu.memref_slice %arg6[%rem3A_12, %add3A_745, %dma_start3A_746] : memref<2x128x128xf32, #tpu.memory_space<vmem>> -> memref<1x1x128xf32, #tpu.memory_space<vmem>>
      %dma_start3A_748 = tpu.memref_squeeze %dma_start3A_747 : memref<1x1x128xf32, #tpu.memory_space<vmem>> -> memref<128xf32, #tpu.memory_space<vmem>>
      %dma_start3A_749 = tpu.memref_slice %arg2[%add3A_737, %mul3A_741] : memref<32768x2048xf32, #tpu.memory_space<hbm>> -> memref<1x128xf32, #tpu.memory_space<hbm>>
      %dma_start3A_750 = tpu.memref_squeeze %dma_start3A_749 : memref<1x128xf32, #tpu.memory_space<hbm>> -> memref<128xf32, #tpu.memory_space<hbm>>
      %dma_start3A_751 = arith.constant 0 : i32
      %dma_start3A_752 = tpu.memref_slice %arg6[%rem3A_12, %add3A_745, %dma_start3A_751] : memref<2x128x128xf32, #tpu.memory_space<vmem>> -> memref<1x1x128xf32, #tpu.memory_space<vmem>>
      %dma_start3A_753 = tpu.memref_squeeze %dma_start3A_752 : memref<1x1x128xf32, #tpu.memory_space<vmem>> -> memref<128xf32, #tpu.memory_space<vmem>>
      %dma_start3A_754 = tpu.memref_slice %arg2[%add3A_737, %mul3A_741] : memref<32768x2048xf32, #tpu.memory_space<hbm>> -> memref<1x128xf32, #tpu.memory_space<hbm>>
      %dma_start3A_755 = tpu.memref_squeeze %dma_start3A_754 : memref<1x128xf32, #tpu.memory_space<hbm>> -> memref<128xf32, #tpu.memory_space<hbm>>
      tpu.enqueue_dma source(%dma_start3A_755 : memref<128xf32, #tpu.memory_space<hbm>>) target(%dma_start3A_753 : memref<128xf32, #tpu.memory_space<vmem>>) target_semaphore(%arg7 : memref<!tpu.dma_semaphore, #tpu.memory_space<semaphore_mem>>)
    }
    %scan3A_18 = arith.constant 8 : i32
    %rem3A_19 = arith.constant 0 : i32
    %rem3A_20 = arith.constant 2 : i32
    %rem3A_21 = arith.remsi %rem3A_19, %rem3A_20 : i32
    %dma_wait3A = arith.constant 0 : i32
    %dma_wait3A_22 = arith.constant 0 : i32
    %dma_wait3A_23 = tpu.memref_slice %arg6[%rem3A_21, %dma_wait3A, %dma_wait3A_22] : memref<2x128x128xf32, #tpu.memory_space<vmem>> -> memref<1x128x128xf32, #tpu.memory_space<vmem>>
    %dma_wait3A_24 = tpu.memref_squeeze %dma_wait3A_23 : memref<1x128x128xf32, #tpu.memory_space<vmem>> -> memref<128x128xf32, #tpu.memory_space<vmem>>
    %dma_wait3A_25 = arith.constant 0 : i32
    %dma_wait3A_26 = arith.constant 0 : i32
    %dma_wait3A_27 = tpu.memref_slice %arg2[%dma_wait3A_25, %dma_wait3A_26] : memref<32768x2048xf32, #tpu.memory_space<hbm>> -> memref<128x128xf32, #tpu.memory_space<hbm>>
    %dma_wait3A_28 = arith.constant 0 : i32
    %dma_wait3A_29 = arith.constant 0 : i32
    %dma_wait3A_30 = tpu.memref_slice %arg6[%rem3A_21, %dma_wait3A_28, %dma_wait3A_29] : memref<2x128x128xf32, #tpu.memory_space<vmem>> -> memref<1x128x128xf32, #tpu.memory_space<vmem>>
    %dma_wait3A_31 = tpu.memref_squeeze %dma_wait3A_30 : memref<1x128x128xf32, #tpu.memory_space<vmem>> -> memref<128x128xf32, #tpu.memory_space<vmem>>
    %dma_wait3A_32 = arith.constant 0 : i32
    %dma_wait3A_33 = arith.constant 0 : i32
    %dma_wait3A_34 = tpu.memref_slice %arg2[%dma_wait3A_32, %dma_wait3A_33] : memref<32768x2048xf32, #tpu.memory_space<hbm>> -> memref<128x128xf32, #tpu.memory_space<hbm>>
    tpu.wait_dma2 semaphore(%arg7 : memref<!tpu.dma_semaphore, #tpu.memory_space<semaphore_mem>>) src(%dma_wait3A_34 : memref<128x128xf32, #tpu.memory_space<hbm>>) dst(%dma_wait3A_31 : memref<128x128xf32, #tpu.memory_space<vmem>>)
    %add3A_35 = arith.constant 0 : i32
    %add3A_36 = arith.addi %mul3A_2, %add3A_35 : i32
    %dma_start3A = arith.constant 0 : i32
    %dma_start3A_37 = arith.constant 0 : i32
    %dma_start3A_38 = tpu.memref_slice %arg6[%rem3A_21, %dma_start3A, %dma_start3A_37] : memref<2x128x128xf32, #tpu.memory_space<vmem>> -> memref<1x128x128xf32, #tpu.memory_space<vmem>>
    %dma_start3A_39 = tpu.memref_squeeze %dma_start3A_38 : memref<1x128x128xf32, #tpu.memory_space<vmem>> -> memref<128x128xf32, #tpu.memory_space<vmem>>
    %dma_start3A_40 = arith.constant 0 : i32
    %dma_start3A_41 = tpu.memref_slice %arg4[%add3A_36, %dma_start3A_40] : memref<32768x128xf32, #tpu.memory_space<hbm>> -> memref<128x128xf32, #tpu.memory_space<hbm>>
    %dma_start3A_42 = arith.constant 0 : i32
    %dma_start3A_43 = tpu.memref_slice %arg4[%add3A_36, %dma_start3A_42] : memref<32768x128xf32, #tpu.memory_space<hbm>> -> memref<128x128xf32, #tpu.memory_space<hbm>>
    %dma_start3A_44 = arith.constant 0 : i32
    %dma_start3A_45 = arith.constant 0 : i32
    %dma_start3A_46 = tpu.memref_slice %arg6[%rem3A_21, %dma_start3A_44, %dma_start3A_45] : memref<2x128x128xf32, #tpu.memory_space<vmem>> -> memref<1x128x128xf32, #tpu.memory_space<vmem>>
    %dma_start3A_47 = tpu.memref_squeeze %dma_start3A_46 : memref<1x128x128xf32, #tpu.memory_space<vmem>> -> memref<128x128xf32, #tpu.memory_space<vmem>>
    tpu.enqueue_dma source(%dma_start3A_47 : memref<128x128xf32, #tpu.memory_space<vmem>>) target(%dma_start3A_43 : memref<128x128xf32, #tpu.memory_space<hbm>>) target_semaphore(%arg8 : memref<!tpu.dma_semaphore, #tpu.memory_space<semaphore_mem>>)
    %dma_wait3A_48 = arith.constant 0 : i32
    %dma_wait3A_49 = arith.constant 0 : i32
    %dma_wait3A_50 = tpu.memref_slice %arg6[%rem3A_21, %dma_wait3A_48, %dma_wait3A_49] : memref<2x128x128xf32, #tpu.memory_space<vmem>> -> memref<1x128x128xf32, #tpu.memory_space<vmem>>
    %dma_wait3A_51 = tpu.memref_squeeze %dma_wait3A_50 : memref<1x128x128xf32, #tpu.memory_space<vmem>> -> memref<128x128xf32, #tpu.memory_space<vmem>>
    %dma_wait3A_52 = arith.constant 0 : i32
    %dma_wait3A_53 = tpu.memref_slice %arg4[%add3A_36, %dma_wait3A_52] : memref<32768x128xf32, #tpu.memory_space<hbm>> -> memref<128x128xf32, #tpu.memory_space<hbm>>
    %dma_wait3A_54 = arith.constant 0 : i32
    %dma_wait3A_55 = tpu.memref_slice %arg4[%add3A_36, %dma_wait3A_54] : memref<32768x128xf32, #tpu.memory_space<hbm>> -> memref<128x128xf32, #tpu.memory_space<hbm>>
    %dma_wait3A_56 = arith.constant 0 : i32
    %dma_wait3A_57 = arith.constant 0 : i32
    %dma_wait3A_58 = tpu.memref_slice %arg6[%rem3A_21, %dma_wait3A_56, %dma_wait3A_57] : memref<2x128x128xf32, #tpu.memory_space<vmem>> -> memref<1x128x128xf32, #tpu.memory_space<vmem>>
    %dma_wait3A_59 = tpu.memref_squeeze %dma_wait3A_58 : memref<1x128x128xf32, #tpu.memory_space<vmem>> -> memref<128x128xf32, #tpu.memory_space<vmem>>
    tpu.wait_dma2 semaphore(%arg8 : memref<!tpu.dma_semaphore, #tpu.memory_space<semaphore_mem>>) src(%dma_wait3A_59 : memref<128x128xf32, #tpu.memory_space<vmem>>) dst(%dma_wait3A_55 : memref<128x128xf32, #tpu.memory_space<hbm>>)
    %rem3A_60 = arith.constant 2 : i32
    %rem3A_61 = arith.constant 2 : i32
    %rem3A_62 = arith.remsi %rem3A_60, %rem3A_61 : i32
    %scan3A_63 = arith.constant 0 : i32
    %scan3A_64 = arith.constant 0 : i32
    %scan3A_65 = arith.constant 8 : i32
    %scan3A_66 = arith.addi %scan3A_64, %scan3A_65 : i32
    %scan3A_67 = arith.constant 1 : i32
    scf.for %scan3A_415 = %scan3A_64 to %scan3A_66 step %scan3A_67  : i32 {
      %mul3A_416 = arith.constant 16 : i32
      %mul3A_417 = arith.muli %scan3A_415, %mul3A_416 : i32
      %add3A_418 = arith.constant 256 : i32
      %add3A_419 = arith.addi %add3A_418, %mul3A_417 : i32
      %get3A = arith.index_cast %add3A_419 : i32 to index
      %get3A_420 = tpu.vector_load %arg5[%get3A] {strides = array<i32>} : memref<1024xi32, #tpu.memory_space<vmem>>, vector<16xi32>,
      %get3A_421 = vector.shape_cast %get3A_420 : vector<16xi32> to vector<16xi32>
      %add3A_422 = arith.addi %mul3A_2, %add3A_419 : i32
      %add3A_423 = arith.constant 0 : i32
      %add3A_424 = arith.addi %add3A_422, %add3A_423 : i32
      %slice3A = vector.extract_strided_slice %get3A_421 {offsets = [0], sizes = [1], strides = [1]} : vector<16xi32> to vector<1xi32>
      %squeeze3A = vector.extract %slice3A[0] : i32 from vector<1xi32>
      %mul3A_425 = arith.constant 128 : i32
      %mul3A_426 = arith.muli %squeeze3A, %mul3A_425 : i32
      %mul3A_427 = arith.constant 16 : i32
      %mul3A_428 = arith.muli %scan3A_415, %mul3A_427 : i32
      %add3A_429 = arith.constant 0 : i32
      %add3A_430 = arith.addi %mul3A_428, %add3A_429 : i32
      %dma_start3A_431 = arith.constant 0 : i32
      %dma_start3A_432 = tpu.memref_slice %arg6[%rem3A_62, %add3A_430, %dma_start3A_431] : memref<2x128x128xf32, #tpu.memory_space<vmem>> -> memref<1x1x128xf32, #tpu.memory_space<vmem>>
      %dma_start3A_433 = tpu.memref_squeeze %dma_start3A_432 : memref<1x1x128xf32, #tpu.memory_space<vmem>> -> memref<128xf32, #tpu.memory_space<vmem>>
      %dma_start3A_434 = tpu.memref_slice %arg2[%add3A_424, %mul3A_426] : memref<32768x2048xf32, #tpu.memory_space<hbm>> -> memref<1x128xf32, #tpu.memory_space<hbm>>
      %dma_start3A_435 = tpu.memref_squeeze %dma_start3A_434 : memref<1x128xf32, #tpu.memory_space<hbm>> -> memref<128xf32, #tpu.memory_space<hbm>>
      %dma_start3A_436 = arith.constant 0 : i32
      %dma_start3A_437 = tpu.memref_slice %arg6[%rem3A_62, %add3A_430, %dma_start3A_436] : memref<2x128x128xf32, #tpu.memory_space<vmem>> -> memref<1x1x128xf32, #tpu.memory_space<vmem>>
      %dma_start3A_438 = tpu.memref_squeeze %dma_start3A_437 : memref<1x1x128xf32, #tpu.memory_space<vmem>> -> memref<128xf32, #tpu.memory_space<vmem>>
      %dma_start3A_439 = tpu.memref_slice %arg2[%add3A_424, %mul3A_426] : memref<32768x2048xf32, #tpu.memory_space<hbm>> -> memref<1x128xf32, #tpu.memory_space<hbm>>
      %dma_start3A_440 = tpu.memref_squeeze %dma_start3A_439 : memref<1x128xf32, #tpu.memory_space<hbm>> -> memref<128xf32, #tpu.memory_space<hbm>>
      tpu.enqueue_dma source(%dma_start3A_440 : memref<128xf32, #tpu.memory_space<hbm>>) target(%dma_start3A_438 : memref<128xf32, #tpu.memory_space<vmem>>) target_semaphore(%arg7 : memref<!tpu.dma_semaphore, #tpu.memory_space<semaphore_mem>>)
      %add3A_441 = arith.addi %mul3A_2, %add3A_419 : i32
      %add3A_442 = arith.constant 1 : i32
      %add3A_443 = arith.addi %add3A_441, %add3A_442 : i32
      %slice3A_444 = vector.extract_strided_slice %get3A_421 {offsets = [1], sizes = [1], strides = [1]} : vector<16xi32> to vector<1xi32>
      %squeeze3A_445 = vector.extract %slice3A_444[0] : i32 from vector<1xi32>
      %mul3A_446 = arith.constant 128 : i32
      %mul3A_447 = arith.muli %squeeze3A_445, %mul3A_446 : i32
      %mul3A_448 = arith.constant 16 : i32
      %mul3A_449 = arith.muli %scan3A_415, %mul3A_448 : i32
      %add3A_450 = arith.constant 1 : i32
      %add3A_451 = arith.addi %mul3A_449, %add3A_450 : i32
      %dma_start3A_452 = arith.constant 0 : i32
      %dma_start3A_453 = tpu.memref_slice %arg6[%rem3A_62, %add3A_451, %dma_start3A_452] : memref<2x128x128xf32, #tpu.memory_space<vmem>> -> memref<1x1x128xf32, #tpu.memory_space<vmem>>
      %dma_start3A_454 = tpu.memref_squeeze %dma_start3A_453 : memref<1x1x128xf32, #tpu.memory_space<vmem>> -> memref<128xf32, #tpu.memory_space<vmem>>
      %dma_start3A_455 = tpu.memref_slice %arg2[%add3A_443, %mul3A_447] : memref<32768x2048xf32, #tpu.memory_space<hbm>> -> memref<1x128xf32, #tpu.memory_space<hbm>>
      %dma_start3A_456 = tpu.memref_squeeze %dma_start3A_455 : memref<1x128xf32, #tpu.memory_space<hbm>> -> memref<128xf32, #tpu.memory_space<hbm>>
      %dma_start3A_457 = arith.constant 0 : i32
      %dma_start3A_458 = tpu.memref_slice %arg6[%rem3A_62, %add3A_451, %dma_start3A_457] : memref<2x128x128xf32, #tpu.memory_space<vmem>> -> memref<1x1x128xf32, #tpu.memory_space<vmem>>
      %dma_start3A_459 = tpu.memref_squeeze %dma_start3A_458 : memref<1x1x128xf32, #tpu.memory_space<vmem>> -> memref<128xf32, #tpu.memory_space<vmem>>
      %dma_start3A_460 = tpu.memref_slice %arg2[%add3A_443, %mul3A_447] : memref<32768x2048xf32, #tpu.memory_space<hbm>> -> memref<1x128xf32, #tpu.memory_space<hbm>>
      %dma_start3A_461 = tpu.memref_squeeze %dma_start3A_460 : memref<1x128xf32, #tpu.memory_space<hbm>> -> memref<128xf32, #tpu.memory_space<hbm>>
      tpu.enqueue_dma source(%dma_start3A_461 : memref<128xf32, #tpu.memory_space<hbm>>) target(%dma_start3A_459 : memref<128xf32, #tpu.memory_space<vmem>>) target_semaphore(%arg7 : memref<!tpu.dma_semaphore, #tpu.memory_space<semaphore_mem>>)
      %add3A_462 = arith.addi %mul3A_2, %add3A_419 : i32
      %add3A_463 = arith.constant 2 : i32
      %add3A_464 = arith.addi %add3A_462, %add3A_463 : i32
      %slice3A_465 = vector.extract_strided_slice %get3A_421 {offsets = [2], sizes = [1], strides = [1]} : vector<16xi32> to vector<1xi32>
      %squeeze3A_466 = vector.extract %slice3A_465[0] : i32 from vector<1xi32>
      %mul3A_467 = arith.constant 128 : i32
      %mul3A_468 = arith.muli %squeeze3A_466, %mul3A_467 : i32
      %mul3A_469 = arith.constant 16 : i32
      %mul3A_470 = arith.muli %scan3A_415, %mul3A_469 : i32
      %add3A_471 = arith.constant 2 : i32
      %add3A_472 = arith.addi %mul3A_470, %add3A_471 : i32
      %dma_start3A_473 = arith.constant 0 : i32
      %dma_start3A_474 = tpu.memref_slice %arg6[%rem3A_62, %add3A_472, %dma_start3A_473] : memref<2x128x128xf32, #tpu.memory_space<vmem>> -> memref<1x1x128xf32, #tpu.memory_space<vmem>>
      %dma_start3A_475 = tpu.memref_squeeze %dma_start3A_474 : memref<1x1x128xf32, #tpu.memory_space<vmem>> -> memref<128xf32, #tpu.memory_space<vmem>>
      %dma_start3A_476 = tpu.memref_slice %arg2[%add3A_464, %mul3A_468] : memref<32768x2048xf32, #tpu.memory_space<hbm>> -> memref<1x128xf32, #tpu.memory_space<hbm>>
      %dma_start3A_477 = tpu.memref_squeeze %dma_start3A_476 : memref<1x128xf32, #tpu.memory_space<hbm>> -> memref<128xf32, #tpu.memory_space<hbm>>
      %dma_start3A_478 = arith.constant 0 : i32
      %dma_start3A_479 = tpu.memref_slice %arg6[%rem3A_62, %add3A_472, %dma_start3A_478] : memref<2x128x128xf32, #tpu.memory_space<vmem>> -> memref<1x1x128xf32, #tpu.memory_space<vmem>>
      %dma_start3A_480 = tpu.memref_squeeze %dma_start3A_479 : memref<1x1x128xf32, #tpu.memory_space<vmem>> -> memref<128xf32, #tpu.memory_space<vmem>>
      %dma_start3A_481 = tpu.memref_slice %arg2[%add3A_464, %mul3A_468] : memref<32768x2048xf32, #tpu.memory_space<hbm>> -> memref<1x128xf32, #tpu.memory_space<hbm>>
      %dma_start3A_482 = tpu.memref_squeeze %dma_start3A_481 : memref<1x128xf32, #tpu.memory_space<hbm>> -> memref<128xf32, #tpu.memory_space<hbm>>
      tpu.enqueue_dma source(%dma_start3A_482 : memref<128xf32, #tpu.memory_space<hbm>>) target(%dma_start3A_480 : memref<128xf32, #tpu.memory_space<vmem>>) target_semaphore(%arg7 : memref<!tpu.dma_semaphore, #tpu.memory_space<semaphore_mem>>)
      %add3A_483 = arith.addi %mul3A_2, %add3A_419 : i32
      %add3A_484 = arith.constant 3 : i32
      %add3A_485 = arith.addi %add3A_483, %add3A_484 : i32
      %slice3A_486 = vector.extract_strided_slice %get3A_421 {offsets = [3], sizes = [1], strides = [1]} : vector<16xi32> to vector<1xi32>
      %squeeze3A_487 = vector.extract %slice3A_486[0] : i32 from vector<1xi32>
      %mul3A_488 = arith.constant 128 : i32
      %mul3A_489 = arith.muli %squeeze3A_487, %mul3A_488 : i32
      %mul3A_490 = arith.constant 16 : i32
      %mul3A_491 = arith.muli %scan3A_415, %mul3A_490 : i32
      %add3A_492 = arith.constant 3 : i32
      %add3A_493 = arith.addi %mul3A_491, %add3A_492 : i32
      %dma_start3A_494 = arith.constant 0 : i32
      %dma_start3A_495 = tpu.memref_slice %arg6[%rem3A_62, %add3A_493, %dma_start3A_494] : memref<2x128x128xf32, #tpu.memory_space<vmem>> -> memref<1x1x128xf32, #tpu.memory_space<vmem>>
      %dma_start3A_496 = tpu.memref_squeeze %dma_start3A_495 : memref<1x1x128xf32, #tpu.memory_space<vmem>> -> memref<128xf32, #tpu.memory_space<vmem>>
      %dma_start3A_497 = tpu.memref_slice %arg2[%add3A_485, %mul3A_489] : memref<32768x2048xf32, #tpu.memory_space<hbm>> -> memref<1x128xf32, #tpu.memory_space<hbm>>
      %dma_start3A_498 = tpu.memref_squeeze %dma_start3A_497 : memref<1x128xf32, #tpu.memory_space<hbm>> -> memref<128xf32, #tpu.memory_space<hbm>>
      %dma_start3A_499 = arith.constant 0 : i32
      %dma_start3A_500 = tpu.memref_slice %arg6[%rem3A_62, %add3A_493, %dma_start3A_499] : memref<2x128x128xf32, #tpu.memory_space<vmem>> -> memref<1x1x128xf32, #tpu.memory_space<vmem>>
      %dma_start3A_501 = tpu.memref_squeeze %dma_start3A_500 : memref<1x1x128xf32, #tpu.memory_space<vmem>> -> memref<128xf32, #tpu.memory_space<vmem>>
      %dma_start3A_502 = tpu.memref_slice %arg2[%add3A_485, %mul3A_489] : memref<32768x2048xf32, #tpu.memory_space<hbm>> -> memref<1x128xf32, #tpu.memory_space<hbm>>
      %dma_start3A_503 = tpu.memref_squeeze %dma_start3A_502 : memref<1x128xf32, #tpu.memory_space<hbm>> -> memref<128xf32, #tpu.memory_space<hbm>>
      tpu.enqueue_dma source(%dma_start3A_503 : memref<128xf32, #tpu.memory_space<hbm>>) target(%dma_start3A_501 : memref<128xf32, #tpu.memory_space<vmem>>) target_semaphore(%arg7 : memref<!tpu.dma_semaphore, #tpu.memory_space<semaphore_mem>>)
      %add3A_504 = arith.addi %mul3A_2, %add3A_419 : i32
      %add3A_505 = arith.constant 4 : i32
      %add3A_506 = arith.addi %add3A_504, %add3A_505 : i32
      %slice3A_507 = vector.extract_strided_slice %get3A_421 {offsets = [4], sizes = [1], strides = [1]} : vector<16xi32> to vector<1xi32>
      %squeeze3A_508 = vector.extract %slice3A_507[0] : i32 from vector<1xi32>
      %mul3A_509 = arith.constant 128 : i32
      %mul3A_510 = arith.muli %squeeze3A_508, %mul3A_509 : i32
      %mul3A_511 = arith.constant 16 : i32
      %mul3A_512 = arith.muli %scan3A_415, %mul3A_511 : i32
      %add3A_513 = arith.constant 4 : i32
      %add3A_514 = arith.addi %mul3A_512, %add3A_513 : i32
      %dma_start3A_515 = arith.constant 0 : i32
      %dma_start3A_516 = tpu.memref_slice %arg6[%rem3A_62, %add3A_514, %dma_start3A_515] : memref<2x128x128xf32, #tpu.memory_space<vmem>> -> memref<1x1x128xf32, #tpu.memory_space<vmem>>
      %dma_start3A_517 = tpu.memref_squeeze %dma_start3A_516 : memref<1x1x128xf32, #tpu.memory_space<vmem>> -> memref<128xf32, #tpu.memory_space<vmem>>
      %dma_start3A_518 = tpu.memref_slice %arg2[%add3A_506, %mul3A_510] : memref<32768x2048xf32, #tpu.memory_space<hbm>> -> memref<1x128xf32, #tpu.memory_space<hbm>>
      %dma_start3A_519 = tpu.memref_squeeze %dma_start3A_518 : memref<1x128xf32, #tpu.memory_space<hbm>> -> memref<128xf32, #tpu.memory_space<hbm>>
      %dma_start3A_520 = arith.constant 0 : i32
      %dma_start3A_521 = tpu.memref_slice %arg6[%rem3A_62, %add3A_514, %dma_start3A_520] : memref<2x128x128xf32, #tpu.memory_space<vmem>> -> memref<1x1x128xf32, #tpu.memory_space<vmem>>
      %dma_start3A_522 = tpu.memref_squeeze %dma_start3A_521 : memref<1x1x128xf32, #tpu.memory_space<vmem>> -> memref<128xf32, #tpu.memory_space<vmem>>
      %dma_start3A_523 = tpu.memref_slice %arg2[%add3A_506, %mul3A_510] : memref<32768x2048xf32, #tpu.memory_space<hbm>> -> memref<1x128xf32, #tpu.memory_space<hbm>>
      %dma_start3A_524 = tpu.memref_squeeze %dma_start3A_523 : memref<1x128xf32, #tpu.memory_space<hbm>> -> memref<128xf32, #tpu.memory_space<hbm>>
      tpu.enqueue_dma source(%dma_start3A_524 : memref<128xf32, #tpu.memory_space<hbm>>) target(%dma_start3A_522 : memref<128xf32, #tpu.memory_space<vmem>>) target_semaphore(%arg7 : memref<!tpu.dma_semaphore, #tpu.memory_space<semaphore_mem>>)
      %add3A_525 = arith.addi %mul3A_2, %add3A_419 : i32
      %add3A_526 = arith.constant 5 : i32
      %add3A_527 = arith.addi %add3A_525, %add3A_526 : i32
      %slice3A_528 = vector.extract_strided_slice %get3A_421 {offsets = [5], sizes = [1], strides = [1]} : vector<16xi32> to vector<1xi32>
      %squeeze3A_529 = vector.extract %slice3A_528[0] : i32 from vector<1xi32>
      %mul3A_530 = arith.constant 128 : i32
      %mul3A_531 = arith.muli %squeeze3A_529, %mul3A_530 : i32
      %mul3A_532 = arith.constant 16 : i32
      %mul3A_533 = arith.muli %scan3A_415, %mul3A_532 : i32
      %add3A_534 = arith.constant 5 : i32
      %add3A_535 = arith.addi %mul3A_533, %add3A_534 : i32
      %dma_start3A_536 = arith.constant 0 : i32
      %dma_start3A_537 = tpu.memref_slice %arg6[%rem3A_62, %add3A_535, %dma_start3A_536] : memref<2x128x128xf32, #tpu.memory_space<vmem>> -> memref<1x1x128xf32, #tpu.memory_space<vmem>>
      %dma_start3A_538 = tpu.memref_squeeze %dma_start3A_537 : memref<1x1x128xf32, #tpu.memory_space<vmem>> -> memref<128xf32, #tpu.memory_space<vmem>>
      %dma_start3A_539 = tpu.memref_slice %arg2[%add3A_527, %mul3A_531] : memref<32768x2048xf32, #tpu.memory_space<hbm>> -> memref<1x128xf32, #tpu.memory_space<hbm>>
      %dma_start3A_540 = tpu.memref_squeeze %dma_start3A_539 : memref<1x128xf32, #tpu.memory_space<hbm>> -> memref<128xf32, #tpu.memory_space<hbm>>
      %dma_start3A_541 = arith.constant 0 : i32
      %dma_start3A_542 = tpu.memref_slice %arg6[%rem3A_62, %add3A_535, %dma_start3A_541] : memref<2x128x128xf32, #tpu.memory_space<vmem>> -> memref<1x1x128xf32, #tpu.memory_space<vmem>>
      %dma_start3A_543 = tpu.memref_squeeze %dma_start3A_542 : memref<1x1x128xf32, #tpu.memory_space<vmem>> -> memref<128xf32, #tpu.memory_space<vmem>>
      %dma_start3A_544 = tpu.memref_slice %arg2[%add3A_527, %mul3A_531] : memref<32768x2048xf32, #tpu.memory_space<hbm>> -> memref<1x128xf32, #tpu.memory_space<hbm>>
      %dma_start3A_545 = tpu.memref_squeeze %dma_start3A_544 : memref<1x128xf32, #tpu.memory_space<hbm>> -> memref<128xf32, #tpu.memory_space<hbm>>
      tpu.enqueue_dma source(%dma_start3A_545 : memref<128xf32, #tpu.memory_space<hbm>>) target(%dma_start3A_543 : memref<128xf32, #tpu.memory_space<vmem>>) target_semaphore(%arg7 : memref<!tpu.dma_semaphore, #tpu.memory_space<semaphore_mem>>)
      %add3A_546 = arith.addi %mul3A_2, %add3A_419 : i32
      %add3A_547 = arith.constant 6 : i32
      %add3A_548 = arith.addi %add3A_546, %add3A_547 : i32
      %slice3A_549 = vector.extract_strided_slice %get3A_421 {offsets = [6], sizes = [1], strides = [1]} : vector<16xi32> to vector<1xi32>
      %squeeze3A_550 = vector.extract %slice3A_549[0] : i32 from vector<1xi32>
      %mul3A_551 = arith.constant 128 : i32
      %mul3A_552 = arith.muli %squeeze3A_550, %mul3A_551 : i32
      %mul3A_553 = arith.constant 16 : i32
      %mul3A_554 = arith.muli %scan3A_415, %mul3A_553 : i32
      %add3A_555 = arith.constant 6 : i32
      %add3A_556 = arith.addi %mul3A_554, %add3A_555 : i32
      %dma_start3A_557 = arith.constant 0 : i32
      %dma_start3A_558 = tpu.memref_slice %arg6[%rem3A_62, %add3A_556, %dma_start3A_557] : memref<2x128x128xf32, #tpu.memory_space<vmem>> -> memref<1x1x128xf32, #tpu.memory_space<vmem>>
      %dma_start3A_559 = tpu.memref_squeeze %dma_start3A_558 : memref<1x1x128xf32, #tpu.memory_space<vmem>> -> memref<128xf32, #tpu.memory_space<vmem>>
      %dma_start3A_560 = tpu.memref_slice %arg2[%add3A_548, %mul3A_552] : memref<32768x2048xf32, #tpu.memory_space<hbm>> -> memref<1x128xf32, #tpu.memory_space<hbm>>
      %dma_start3A_561 = tpu.memref_squeeze %dma_start3A_560 : memref<1x128xf32, #tpu.memory_space<hbm>> -> memref<128xf32, #tpu.memory_space<hbm>>
      %dma_start3A_562 = arith.constant 0 : i32
      %dma_start3A_563 = tpu.memref_slice %arg6[%rem3A_62, %add3A_556, %dma_start3A_562] : memref<2x128x128xf32, #tpu.memory_space<vmem>> -> memref<1x1x128xf32, #tpu.memory_space<vmem>>
      %dma_start3A_564 = tpu.memref_squeeze %dma_start3A_563 : memref<1x1x128xf32, #tpu.memory_space<vmem>> -> memref<128xf32, #tpu.memory_space<vmem>>
      %dma_start3A_565 = tpu.memref_slice %arg2[%add3A_548, %mul3A_552] : memref<32768x2048xf32, #tpu.memory_space<hbm>> -> memref<1x128xf32, #tpu.memory_space<hbm>>
      %dma_start3A_566 = tpu.memref_squeeze %dma_start3A_565 : memref<1x128xf32, #tpu.memory_space<hbm>> -> memref<128xf32, #tpu.memory_space<hbm>>
      tpu.enqueue_dma source(%dma_start3A_566 : memref<128xf32, #tpu.memory_space<hbm>>) target(%dma_start3A_564 : memref<128xf32, #tpu.memory_space<vmem>>) target_semaphore(%arg7 : memref<!tpu.dma_semaphore, #tpu.memory_space<semaphore_mem>>)
      %add3A_567 = arith.addi %mul3A_2, %add3A_419 : i32
      %add3A_568 = arith.constant 7 : i32
      %add3A_569 = arith.addi %add3A_567, %add3A_568 : i32
      %slice3A_570 = vector.extract_strided_slice %get3A_421 {offsets = [7], sizes = [1], strides = [1]} : vector<16xi32> to vector<1xi32>
      %squeeze3A_571 = vector.extract %slice3A_570[0] : i32 from vector<1xi32>
      %mul3A_572 = arith.constant 128 : i32
      %mul3A_573 = arith.muli %squeeze3A_571, %mul3A_572 : i32
      %mul3A_574 = arith.constant 16 : i32
      %mul3A_575 = arith.muli %scan3A_415, %mul3A_574 : i32
      %add3A_576 = arith.constant 7 : i32
      %add3A_577 = arith.addi %mul3A_575, %add3A_576 : i32
      %dma_start3A_578 = arith.constant 0 : i32
      %dma_start3A_579 = tpu.memref_slice %arg6[%rem3A_62, %add3A_577, %dma_start3A_578] : memref<2x128x128xf32, #tpu.memory_space<vmem>> -> memref<1x1x128xf32, #tpu.memory_space<vmem>>
      %dma_start3A_580 = tpu.memref_squeeze %dma_start3A_579 : memref<1x1x128xf32, #tpu.memory_space<vmem>> -> memref<128xf32, #tpu.memory_space<vmem>>
      %dma_start3A_581 = tpu.memref_slice %arg2[%add3A_569, %mul3A_573] : memref<32768x2048xf32, #tpu.memory_space<hbm>> -> memref<1x128xf32, #tpu.memory_space<hbm>>
      %dma_start3A_582 = tpu.memref_squeeze %dma_start3A_581 : memref<1x128xf32, #tpu.memory_space<hbm>> -> memref<128xf32, #tpu.memory_space<hbm>>
      %dma_start3A_583 = arith.constant 0 : i32
      %dma_start3A_584 = tpu.memref_slice %arg6[%rem3A_62, %add3A_577, %dma_start3A_583] : memref<2x128x128xf32, #tpu.memory_space<vmem>> -> memref<1x1x128xf32, #tpu.memory_space<vmem>>
      %dma_start3A_585 = tpu.memref_squeeze %dma_start3A_584 : memref<1x1x128xf32, #tpu.memory_space<vmem>> -> memref<128xf32, #tpu.memory_space<vmem>>
      %dma_start3A_586 = tpu.memref_slice %arg2[%add3A_569, %mul3A_573] : memref<32768x2048xf32, #tpu.memory_space<hbm>> -> memref<1x128xf32, #tpu.memory_space<hbm>>
      %dma_start3A_587 = tpu.memref_squeeze %dma_start3A_586 : memref<1x128xf32, #tpu.memory_space<hbm>> -> memref<128xf32, #tpu.memory_space<hbm>>
      tpu.enqueue_dma source(%dma_start3A_587 : memref<128xf32, #tpu.memory_space<hbm>>) target(%dma_start3A_585 : memref<128xf32, #tpu.memory_space<vmem>>) target_semaphore(%arg7 : memref<!tpu.dma_semaphore, #tpu.memory_space<semaphore_mem>>)
      %add3A_588 = arith.addi %mul3A_2, %add3A_419 : i32
      %add3A_589 = arith.constant 8 : i32
      %add3A_590 = arith.addi %add3A_588, %add3A_589 : i32
      %slice3A_591 = vector.extract_strided_slice %get3A_421 {offsets = [8], sizes = [1], strides = [1]} : vector<16xi32> to vector<1xi32>
      %squeeze3A_592 = vector.extract %slice3A_591[0] : i32 from vector<1xi32>
      %mul3A_593 = arith.constant 128 : i32
      %mul3A_594 = arith.muli %squeeze3A_592, %mul3A_593 : i32
      %mul3A_595 = arith.constant 16 : i32
      %mul3A_596 = arith.muli %scan3A_415, %mul3A_595 : i32
      %add3A_597 = arith.constant 8 : i32
      %add3A_598 = arith.addi %mul3A_596, %add3A_597 : i32
      %dma_start3A_599 = arith.constant 0 : i32
      %dma_start3A_600 = tpu.memref_slice %arg6[%rem3A_62, %add3A_598, %dma_start3A_599] : memref<2x128x128xf32, #tpu.memory_space<vmem>> -> memref<1x1x128xf32, #tpu.memory_space<vmem>>
      %dma_start3A_601 = tpu.memref_squeeze %dma_start3A_600 : memref<1x1x128xf32, #tpu.memory_space<vmem>> -> memref<128xf32, #tpu.memory_space<vmem>>
      %dma_start3A_602 = tpu.memref_slice %arg2[%add3A_590, %mul3A_594] : memref<32768x2048xf32, #tpu.memory_space<hbm>> -> memref<1x128xf32, #tpu.memory_space<hbm>>
      %dma_start3A_603 = tpu.memref_squeeze %dma_start3A_602 : memref<1x128xf32, #tpu.memory_space<hbm>> -> memref<128xf32, #tpu.memory_space<hbm>>
      %dma_start3A_604 = arith.constant 0 : i32
      %dma_start3A_605 = tpu.memref_slice %arg6[%rem3A_62, %add3A_598, %dma_start3A_604] : memref<2x128x128xf32, #tpu.memory_space<vmem>> -> memref<1x1x128xf32, #tpu.memory_space<vmem>>
      %dma_start3A_606 = tpu.memref_squeeze %dma_start3A_605 : memref<1x1x128xf32, #tpu.memory_space<vmem>> -> memref<128xf32, #tpu.memory_space<vmem>>
      %dma_start3A_607 = tpu.memref_slice %arg2[%add3A_590, %mul3A_594] : memref<32768x2048xf32, #tpu.memory_space<hbm>> -> memref<1x128xf32, #tpu.memory_space<hbm>>
      %dma_start3A_608 = tpu.memref_squeeze %dma_start3A_607 : memref<1x128xf32, #tpu.memory_space<hbm>> -> memref<128xf32, #tpu.memory_space<hbm>>
      tpu.enqueue_dma source(%dma_start3A_608 : memref<128xf32, #tpu.memory_space<hbm>>) target(%dma_start3A_606 : memref<128xf32, #tpu.memory_space<vmem>>) target_semaphore(%arg7 : memref<!tpu.dma_semaphore, #tpu.memory_space<semaphore_mem>>)
      %add3A_609 = arith.addi %mul3A_2, %add3A_419 : i32
      %add3A_610 = arith.constant 9 : i32
      %add3A_611 = arith.addi %add3A_609, %add3A_610 : i32
      %slice3A_612 = vector.extract_strided_slice %get3A_421 {offsets = [9], sizes = [1], strides = [1]} : vector<16xi32> to vector<1xi32>
      %squeeze3A_613 = vector.extract %slice3A_612[0] : i32 from vector<1xi32>
      %mul3A_614 = arith.constant 128 : i32
      %mul3A_615 = arith.muli %squeeze3A_613, %mul3A_614 : i32
      %mul3A_616 = arith.constant 16 : i32
      %mul3A_617 = arith.muli %scan3A_415, %mul3A_616 : i32
      %add3A_618 = arith.constant 9 : i32
      %add3A_619 = arith.addi %mul3A_617, %add3A_618 : i32
      %dma_start3A_620 = arith.constant 0 : i32
      %dma_start3A_621 = tpu.memref_slice %arg6[%rem3A_62, %add3A_619, %dma_start3A_620] : memref<2x128x128xf32, #tpu.memory_space<vmem>> -> memref<1x1x128xf32, #tpu.memory_space<vmem>>
      %dma_start3A_622 = tpu.memref_squeeze %dma_start3A_621 : memref<1x1x128xf32, #tpu.memory_space<vmem>> -> memref<128xf32, #tpu.memory_space<vmem>>
      %dma_start3A_623 = tpu.memref_slice %arg2[%add3A_611, %mul3A_615] : memref<32768x2048xf32, #tpu.memory_space<hbm>> -> memref<1x128xf32, #tpu.memory_space<hbm>>
      %dma_start3A_624 = tpu.memref_squeeze %dma_start3A_623 : memref<1x128xf32, #tpu.memory_space<hbm>> -> memref<128xf32, #tpu.memory_space<hbm>>
      %dma_start3A_625 = arith.constant 0 : i32
      %dma_start3A_626 = tpu.memref_slice %arg6[%rem3A_62, %add3A_619, %dma_start3A_625] : memref<2x128x128xf32, #tpu.memory_space<vmem>> -> memref<1x1x128xf32, #tpu.memory_space<vmem>>
      %dma_start3A_627 = tpu.memref_squeeze %dma_start3A_626 : memref<1x1x128xf32, #tpu.memory_space<vmem>> -> memref<128xf32, #tpu.memory_space<vmem>>
      %dma_start3A_628 = tpu.memref_slice %arg2[%add3A_611, %mul3A_615] : memref<32768x2048xf32, #tpu.memory_space<hbm>> -> memref<1x128xf32, #tpu.memory_space<hbm>>
      %dma_start3A_629 = tpu.memref_squeeze %dma_start3A_628 : memref<1x128xf32, #tpu.memory_space<hbm>> -> memref<128xf32, #tpu.memory_space<hbm>>
      tpu.enqueue_dma source(%dma_start3A_629 : memref<128xf32, #tpu.memory_space<hbm>>) target(%dma_start3A_627 : memref<128xf32, #tpu.memory_space<vmem>>) target_semaphore(%arg7 : memref<!tpu.dma_semaphore, #tpu.memory_space<semaphore_mem>>)
      %add3A_630 = arith.addi %mul3A_2, %add3A_419 : i32
      %add3A_631 = arith.constant 10 : i32
      %add3A_632 = arith.addi %add3A_630, %add3A_631 : i32
      %slice3A_633 = vector.extract_strided_slice %get3A_421 {offsets = [10], sizes = [1], strides = [1]} : vector<16xi32> to vector<1xi32>
      %squeeze3A_634 = vector.extract %slice3A_633[0] : i32 from vector<1xi32>
      %mul3A_635 = arith.constant 128 : i32
      %mul3A_636 = arith.muli %squeeze3A_634, %mul3A_635 : i32
      %mul3A_637 = arith.constant 16 : i32
      %mul3A_638 = arith.muli %scan3A_415, %mul3A_637 : i32
      %add3A_639 = arith.constant 10 : i32
      %add3A_640 = arith.addi %mul3A_638, %add3A_639 : i32
      %dma_start3A_641 = arith.constant 0 : i32
      %dma_start3A_642 = tpu.memref_slice %arg6[%rem3A_62, %add3A_640, %dma_start3A_641] : memref<2x128x128xf32, #tpu.memory_space<vmem>> -> memref<1x1x128xf32, #tpu.memory_space<vmem>>
      %dma_start3A_643 = tpu.memref_squeeze %dma_start3A_642 : memref<1x1x128xf32, #tpu.memory_space<vmem>> -> memref<128xf32, #tpu.memory_space<vmem>>
      %dma_start3A_644 = tpu.memref_slice %arg2[%add3A_632, %mul3A_636] : memref<32768x2048xf32, #tpu.memory_space<hbm>> -> memref<1x128xf32, #tpu.memory_space<hbm>>
      %dma_start3A_645 = tpu.memref_squeeze %dma_start3A_644 : memref<1x128xf32, #tpu.memory_space<hbm>> -> memref<128xf32, #tpu.memory_space<hbm>>
      %dma_start3A_646 = arith.constant 0 : i32
      %dma_start3A_647 = tpu.memref_slice %arg6[%rem3A_62, %add3A_640, %dma_start3A_646] : memref<2x128x128xf32, #tpu.memory_space<vmem>> -> memref<1x1x128xf32, #tpu.memory_space<vmem>>
      %dma_start3A_648 = tpu.memref_squeeze %dma_start3A_647 : memref<1x1x128xf32, #tpu.memory_space<vmem>> -> memref<128xf32, #tpu.memory_space<vmem>>
      %dma_start3A_649 = tpu.memref_slice %arg2[%add3A_632, %mul3A_636] : memref<32768x2048xf32, #tpu.memory_space<hbm>> -> memref<1x128xf32, #tpu.memory_space<hbm>>
      %dma_start3A_650 = tpu.memref_squeeze %dma_start3A_649 : memref<1x128xf32, #tpu.memory_space<hbm>> -> memref<128xf32, #tpu.memory_space<hbm>>
      tpu.enqueue_dma source(%dma_start3A_650 : memref<128xf32, #tpu.memory_space<hbm>>) target(%dma_start3A_648 : memref<128xf32, #tpu.memory_space<vmem>>) target_semaphore(%arg7 : memref<!tpu.dma_semaphore, #tpu.memory_space<semaphore_mem>>)
      %add3A_651 = arith.addi %mul3A_2, %add3A_419 : i32
      %add3A_652 = arith.constant 11 : i32
      %add3A_653 = arith.addi %add3A_651, %add3A_652 : i32
      %slice3A_654 = vector.extract_strided_slice %get3A_421 {offsets = [11], sizes = [1], strides = [1]} : vector<16xi32> to vector<1xi32>
      %squeeze3A_655 = vector.extract %slice3A_654[0] : i32 from vector<1xi32>
      %mul3A_656 = arith.constant 128 : i32
      %mul3A_657 = arith.muli %squeeze3A_655, %mul3A_656 : i32
      %mul3A_658 = arith.constant 16 : i32
      %mul3A_659 = arith.muli %scan3A_415, %mul3A_658 : i32
      %add3A_660 = arith.constant 11 : i32
      %add3A_661 = arith.addi %mul3A_659, %add3A_660 : i32
      %dma_start3A_662 = arith.constant 0 : i32
      %dma_start3A_663 = tpu.memref_slice %arg6[%rem3A_62, %add3A_661, %dma_start3A_662] : memref<2x128x128xf32, #tpu.memory_space<vmem>> -> memref<1x1x128xf32, #tpu.memory_space<vmem>>
      %dma_start3A_664 = tpu.memref_squeeze %dma_start3A_663 : memref<1x1x128xf32, #tpu.memory_space<vmem>> -> memref<128xf32, #tpu.memory_space<vmem>>
      %dma_start3A_665 = tpu.memref_slice %arg2[%add3A_653, %mul3A_657] : memref<32768x2048xf32, #tpu.memory_space<hbm>> -> memref<1x128xf32, #tpu.memory_space<hbm>>
      %dma_start3A_666 = tpu.memref_squeeze %dma_start3A_665 : memref<1x128xf32, #tpu.memory_space<hbm>> -> memref<128xf32, #tpu.memory_space<hbm>>
      %dma_start3A_667 = arith.constant 0 : i32
      %dma_start3A_668 = tpu.memref_slice %arg6[%rem3A_62, %add3A_661, %dma_start3A_667] : memref<2x128x128xf32, #tpu.memory_space<vmem>> -> memref<1x1x128xf32, #tpu.memory_space<vmem>>
      %dma_start3A_669 = tpu.memref_squeeze %dma_start3A_668 : memref<1x1x128xf32, #tpu.memory_space<vmem>> -> memref<128xf32, #tpu.memory_space<vmem>>
      %dma_start3A_670 = tpu.memref_slice %arg2[%add3A_653, %mul3A_657] : memref<32768x2048xf32, #tpu.memory_space<hbm>> -> memref<1x128xf32, #tpu.memory_space<hbm>>
      %dma_start3A_671 = tpu.memref_squeeze %dma_start3A_670 : memref<1x128xf32, #tpu.memory_space<hbm>> -> memref<128xf32, #tpu.memory_space<hbm>>
      tpu.enqueue_dma source(%dma_start3A_671 : memref<128xf32, #tpu.memory_space<hbm>>) target(%dma_start3A_669 : memref<128xf32, #tpu.memory_space<vmem>>) target_semaphore(%arg7 : memref<!tpu.dma_semaphore, #tpu.memory_space<semaphore_mem>>)
      %add3A_672 = arith.addi %mul3A_2, %add3A_419 : i32
      %add3A_673 = arith.constant 12 : i32
      %add3A_674 = arith.addi %add3A_672, %add3A_673 : i32
      %slice3A_675 = vector.extract_strided_slice %get3A_421 {offsets = [12], sizes = [1], strides = [1]} : vector<16xi32> to vector<1xi32>
      %squeeze3A_676 = vector.extract %slice3A_675[0] : i32 from vector<1xi32>
      %mul3A_677 = arith.constant 128 : i32
      %mul3A_678 = arith.muli %squeeze3A_676, %mul3A_677 : i32
      %mul3A_679 = arith.constant 16 : i32
      %mul3A_680 = arith.muli %scan3A_415, %mul3A_679 : i32
      %add3A_681 = arith.constant 12 : i32
      %add3A_682 = arith.addi %mul3A_680, %add3A_681 : i32
      %dma_start3A_683 = arith.constant 0 : i32
      %dma_start3A_684 = tpu.memref_slice %arg6[%rem3A_62, %add3A_682, %dma_start3A_683] : memref<2x128x128xf32, #tpu.memory_space<vmem>> -> memref<1x1x128xf32, #tpu.memory_space<vmem>>
      %dma_start3A_685 = tpu.memref_squeeze %dma_start3A_684 : memref<1x1x128xf32, #tpu.memory_space<vmem>> -> memref<128xf32, #tpu.memory_space<vmem>>
      %dma_start3A_686 = tpu.memref_slice %arg2[%add3A_674, %mul3A_678] : memref<32768x2048xf32, #tpu.memory_space<hbm>> -> memref<1x128xf32, #tpu.memory_space<hbm>>
      %dma_start3A_687 = tpu.memref_squeeze %dma_start3A_686 : memref<1x128xf32, #tpu.memory_space<hbm>> -> memref<128xf32, #tpu.memory_space<hbm>>
      %dma_start3A_688 = arith.constant 0 : i32
      %dma_start3A_689 = tpu.memref_slice %arg6[%rem3A_62, %add3A_682, %dma_start3A_688] : memref<2x128x128xf32, #tpu.memory_space<vmem>> -> memref<1x1x128xf32, #tpu.memory_space<vmem>>
      %dma_start3A_690 = tpu.memref_squeeze %dma_start3A_689 : memref<1x1x128xf32, #tpu.memory_space<vmem>> -> memref<128xf32, #tpu.memory_space<vmem>>
      %dma_start3A_691 = tpu.memref_slice %arg2[%add3A_674, %mul3A_678] : memref<32768x2048xf32, #tpu.memory_space<hbm>> -> memref<1x128xf32, #tpu.memory_space<hbm>>
      %dma_start3A_692 = tpu.memref_squeeze %dma_start3A_691 : memref<1x128xf32, #tpu.memory_space<hbm>> -> memref<128xf32, #tpu.memory_space<hbm>>
      tpu.enqueue_dma source(%dma_start3A_692 : memref<128xf32, #tpu.memory_space<hbm>>) target(%dma_start3A_690 : memref<128xf32, #tpu.memory_space<vmem>>) target_semaphore(%arg7 : memref<!tpu.dma_semaphore, #tpu.memory_space<semaphore_mem>>)
      %add3A_693 = arith.addi %mul3A_2, %add3A_419 : i32
      %add3A_694 = arith.constant 13 : i32
      %add3A_695 = arith.addi %add3A_693, %add3A_694 : i32
      %slice3A_696 = vector.extract_strided_slice %get3A_421 {offsets = [13], sizes = [1], strides = [1]} : vector<16xi32> to vector<1xi32>
      %squeeze3A_697 = vector.extract %slice3A_696[0] : i32 from vector<1xi32>
      %mul3A_698 = arith.constant 128 : i32
      %mul3A_699 = arith.muli %squeeze3A_697, %mul3A_698 : i32
      %mul3A_700 = arith.constant 16 : i32
      %mul3A_701 = arith.muli %scan3A_415, %mul3A_700 : i32
      %add3A_702 = arith.constant 13 : i32
      %add3A_703 = arith.addi %mul3A_701, %add3A_702 : i32
      %dma_start3A_704 = arith.constant 0 : i32
      %dma_start3A_705 = tpu.memref_slice %arg6[%rem3A_62, %add3A_703, %dma_start3A_704] : memref<2x128x128xf32, #tpu.memory_space<vmem>> -> memref<1x1x128xf32, #tpu.memory_space<vmem>>
      %dma_start3A_706 = tpu.memref_squeeze %dma_start3A_705 : memref<1x1x128xf32, #tpu.memory_space<vmem>> -> memref<128xf32, #tpu.memory_space<vmem>>
      %dma_start3A_707 = tpu.memref_slice %arg2[%add3A_695, %mul3A_699] : memref<32768x2048xf32, #tpu.memory_space<hbm>> -> memref<1x128xf32, #tpu.memory_space<hbm>>
      %dma_start3A_708 = tpu.memref_squeeze %dma_start3A_707 : memref<1x128xf32, #tpu.memory_space<hbm>> -> memref<128xf32, #tpu.memory_space<hbm>>
      %dma_start3A_709 = arith.constant 0 : i32
      %dma_start3A_710 = tpu.memref_slice %arg6[%rem3A_62, %add3A_703, %dma_start3A_709] : memref<2x128x128xf32, #tpu.memory_space<vmem>> -> memref<1x1x128xf32, #tpu.memory_space<vmem>>
      %dma_start3A_711 = tpu.memref_squeeze %dma_start3A_710 : memref<1x1x128xf32, #tpu.memory_space<vmem>> -> memref<128xf32, #tpu.memory_space<vmem>>
      %dma_start3A_712 = tpu.memref_slice %arg2[%add3A_695, %mul3A_699] : memref<32768x2048xf32, #tpu.memory_space<hbm>> -> memref<1x128xf32, #tpu.memory_space<hbm>>
      %dma_start3A_713 = tpu.memref_squeeze %dma_start3A_712 : memref<1x128xf32, #tpu.memory_space<hbm>> -> memref<128xf32, #tpu.memory_space<hbm>>
      tpu.enqueue_dma source(%dma_start3A_713 : memref<128xf32, #tpu.memory_space<hbm>>) target(%dma_start3A_711 : memref<128xf32, #tpu.memory_space<vmem>>) target_semaphore(%arg7 : memref<!tpu.dma_semaphore, #tpu.memory_space<semaphore_mem>>)
      %add3A_714 = arith.addi %mul3A_2, %add3A_419 : i32
      %add3A_715 = arith.constant 14 : i32
      %add3A_716 = arith.addi %add3A_714, %add3A_715 : i32
      %slice3A_717 = vector.extract_strided_slice %get3A_421 {offsets = [14], sizes = [1], strides = [1]} : vector<16xi32> to vector<1xi32>
      %squeeze3A_718 = vector.extract %slice3A_717[0] : i32 from vector<1xi32>
      %mul3A_719 = arith.constant 128 : i32
      %mul3A_720 = arith.muli %squeeze3A_718, %mul3A_719 : i32
      %mul3A_721 = arith.constant 16 : i32
      %mul3A_722 = arith.muli %scan3A_415, %mul3A_721 : i32
      %add3A_723 = arith.constant 14 : i32
      %add3A_724 = arith.addi %mul3A_722, %add3A_723 : i32
      %dma_start3A_725 = arith.constant 0 : i32
      %dma_start3A_726 = tpu.memref_slice %arg6[%rem3A_62, %add3A_724, %dma_start3A_725] : memref<2x128x128xf32, #tpu.memory_space<vmem>> -> memref<1x1x128xf32, #tpu.memory_space<vmem>>
      %dma_start3A_727 = tpu.memref_squeeze %dma_start3A_726 : memref<1x1x128xf32, #tpu.memory_space<vmem>> -> memref<128xf32, #tpu.memory_space<vmem>>
      %dma_start3A_728 = tpu.memref_slice %arg2[%add3A_716, %mul3A_720] : memref<32768x2048xf32, #tpu.memory_space<hbm>> -> memref<1x128xf32, #tpu.memory_space<hbm>>
      %dma_start3A_729 = tpu.memref_squeeze %dma_start3A_728 : memref<1x128xf32, #tpu.memory_space<hbm>> -> memref<128xf32, #tpu.memory_space<hbm>>
      %dma_start3A_730 = arith.constant 0 : i32
      %dma_start3A_731 = tpu.memref_slice %arg6[%rem3A_62, %add3A_724, %dma_start3A_730] : memref<2x128x128xf32, #tpu.memory_space<vmem>> -> memref<1x1x128xf32, #tpu.memory_space<vmem>>
      %dma_start3A_732 = tpu.memref_squeeze %dma_start3A_731 : memref<1x1x128xf32, #tpu.memory_space<vmem>> -> memref<128xf32, #tpu.memory_space<vmem>>
      %dma_start3A_733 = tpu.memref_slice %arg2[%add3A_716, %mul3A_720] : memref<32768x2048xf32, #tpu.memory_space<hbm>> -> memref<1x128xf32, #tpu.memory_space<hbm>>
      %dma_start3A_734 = tpu.memref_squeeze %dma_start3A_733 : memref<1x128xf32, #tpu.memory_space<hbm>> -> memref<128xf32, #tpu.memory_space<hbm>>
      tpu.enqueue_dma source(%dma_start3A_734 : memref<128xf32, #tpu.memory_space<hbm>>) target(%dma_start3A_732 : memref<128xf32, #tpu.memory_space<vmem>>) target_semaphore(%arg7 : memref<!tpu.dma_semaphore, #tpu.memory_space<semaphore_mem>>)
      %add3A_735 = arith.addi %mul3A_2, %add3A_419 : i32
      %add3A_736 = arith.constant 15 : i32
      %add3A_737 = arith.addi %add3A_735, %add3A_736 : i32
      %slice3A_738 = vector.extract_strided_slice %get3A_421 {offsets = [15], sizes = [1], strides = [1]} : vector<16xi32> to vector<1xi32>
      %squeeze3A_739 = vector.extract %slice3A_738[0] : i32 from vector<1xi32>
      %mul3A_740 = arith.constant 128 : i32
      %mul3A_741 = arith.muli %squeeze3A_739, %mul3A_740 : i32
      %mul3A_742 = arith.constant 16 : i32
      %mul3A_743 = arith.muli %scan3A_415, %mul3A_742 : i32
      %add3A_744 = arith.constant 15 : i32
      %add3A_745 = arith.addi %mul3A_743, %add3A_744 : i32
      %dma_start3A_746 = arith.constant 0 : i32
      %dma_start3A_747 = tpu.memref_slice %arg6[%rem3A_62, %add3A_745, %dma_start3A_746] : memref<2x128x128xf32, #tpu.memory_space<vmem>> -> memref<1x1x128xf32, #tpu.memory_space<vmem>>
      %dma_start3A_748 = tpu.memref_squeeze %dma_start3A_747 : memref<1x1x128xf32, #tpu.memory_space<vmem>> -> memref<128xf32, #tpu.memory_space<vmem>>
      %dma_start3A_749 = tpu.memref_slice %arg2[%add3A_737, %mul3A_741] : memref<32768x2048xf32, #tpu.memory_space<hbm>> -> memref<1x128xf32, #tpu.memory_space<hbm>>
      %dma_start3A_750 = tpu.memref_squeeze %dma_start3A_749 : memref<1x128xf32, #tpu.memory_space<hbm>> -> memref<128xf32, #tpu.memory_space<hbm>>
      %dma_start3A_751 = arith.constant 0 : i32
      %dma_start3A_752 = tpu.memref_slice %arg6[%rem3A_62, %add3A_745, %dma_start3A_751] : memref<2x128x128xf32, #tpu.memory_space<vmem>> -> memref<1x1x128xf32, #tpu.memory_space<vmem>>
      %dma_start3A_753 = tpu.memref_squeeze %dma_start3A_752 : memref<1x1x128xf32, #tpu.memory_space<vmem>> -> memref<128xf32, #tpu.memory_space<vmem>>
      %dma_start3A_754 = tpu.memref_slice %arg2[%add3A_737, %mul3A_741] : memref<32768x2048xf32, #tpu.memory_space<hbm>> -> memref<1x128xf32, #tpu.memory_space<hbm>>
      %dma_start3A_755 = tpu.memref_squeeze %dma_start3A_754 : memref<1x128xf32, #tpu.memory_space<hbm>> -> memref<128xf32, #tpu.memory_space<hbm>>
      tpu.enqueue_dma source(%dma_start3A_755 : memref<128xf32, #tpu.memory_space<hbm>>) target(%dma_start3A_753 : memref<128xf32, #tpu.memory_space<vmem>>) target_semaphore(%arg7 : memref<!tpu.dma_semaphore, #tpu.memory_space<semaphore_mem>>)
    }
    %scan3A_68 = arith.constant 8 : i32
    %rem3A_69 = arith.constant 1 : i32
    %rem3A_70 = arith.constant 2 : i32
    %rem3A_71 = arith.remsi %rem3A_69, %rem3A_70 : i32
    %dma_wait3A_72 = arith.constant 0 : i32
    %dma_wait3A_73 = arith.constant 0 : i32
    %dma_wait3A_74 = tpu.memref_slice %arg6[%rem3A_71, %dma_wait3A_72, %dma_wait3A_73] : memref<2x128x128xf32, #tpu.memory_space<vmem>> -> memref<1x128x128xf32, #tpu.memory_space<vmem>>
    %dma_wait3A_75 = tpu.memref_squeeze %dma_wait3A_74 : memref<1x128x128xf32, #tpu.memory_space<vmem>> -> memref<128x128xf32, #tpu.memory_space<vmem>>
    %dma_wait3A_76 = arith.constant 0 : i32
    %dma_wait3A_77 = arith.constant 0 : i32
    %dma_wait3A_78 = tpu.memref_slice %arg2[%dma_wait3A_76, %dma_wait3A_77] : memref<32768x2048xf32, #tpu.memory_space<hbm>> -> memref<128x128xf32, #tpu.memory_space<hbm>>
    %dma_wait3A_79 = arith.constant 0 : i32
    %dma_wait3A_80 = arith.constant 0 : i32
    %dma_wait3A_81 = tpu.memref_slice %arg6[%rem3A_71, %dma_wait3A_79, %dma_wait3A_80] : memref<2x128x128xf32, #tpu.memory_space<vmem>> -> memref<1x128x128xf32, #tpu.memory_space<vmem>>
    %dma_wait3A_82 = tpu.memref_squeeze %dma_wait3A_81 : memref<1x128x128xf32, #tpu.memory_space<vmem>> -> memref<128x128xf32, #tpu.memory_space<vmem>>
    %dma_wait3A_83 = arith.constant 0 : i32
    %dma_wait3A_84 = arith.constant 0 : i32
    %dma_wait3A_85 = tpu.memref_slice %arg2[%dma_wait3A_83, %dma_wait3A_84] : memref<32768x2048xf32, #tpu.memory_space<hbm>> -> memref<128x128xf32, #tpu.memory_space<hbm>>
    tpu.wait_dma2 semaphore(%arg7 : memref<!tpu.dma_semaphore, #tpu.memory_space<semaphore_mem>>) src(%dma_wait3A_85 : memref<128x128xf32, #tpu.memory_space<hbm>>) dst(%dma_wait3A_82 : memref<128x128xf32, #tpu.memory_space<vmem>>)
    %add3A_86 = arith.constant 128 : i32
    %add3A_87 = arith.addi %mul3A_2, %add3A_86 : i32
    %dma_start3A_88 = arith.constant 0 : i32
    %dma_start3A_89 = arith.constant 0 : i32
    %dma_start3A_90 = tpu.memref_slice %arg6[%rem3A_71, %dma_start3A_88, %dma_start3A_89] : memref<2x128x128xf32, #tpu.memory_space<vmem>> -> memref<1x128x128xf32, #tpu.memory_space<vmem>>
    %dma_start3A_91 = tpu.memref_squeeze %dma_start3A_90 : memref<1x128x128xf32, #tpu.memory_space<vmem>> -> memref<128x128xf32, #tpu.memory_space<vmem>>
    %dma_start3A_92 = arith.constant 0 : i32
    %dma_start3A_93 = tpu.memref_slice %arg4[%add3A_87, %dma_start3A_92] : memref<32768x128xf32, #tpu.memory_space<hbm>> -> memref<128x128xf32, #tpu.memory_space<hbm>>
    %dma_start3A_94 = arith.constant 0 : i32
    %dma_start3A_95 = tpu.memref_slice %arg4[%add3A_87, %dma_start3A_94] : memref<32768x128xf32, #tpu.memory_space<hbm>> -> memref<128x128xf32, #tpu.memory_space<hbm>>
    %dma_start3A_96 = arith.constant 0 : i32
    %dma_start3A_97 = arith.constant 0 : i32
    %dma_start3A_98 = tpu.memref_slice %arg6[%rem3A_71, %dma_start3A_96, %dma_start3A_97] : memref<2x128x128xf32, #tpu.memory_space<vmem>> -> memref<1x128x128xf32, #tpu.memory_space<vmem>>
    %dma_start3A_99 = tpu.memref_squeeze %dma_start3A_98 : memref<1x128x128xf32, #tpu.memory_space<vmem>> -> memref<128x128xf32, #tpu.memory_space<vmem>>
    tpu.enqueue_dma source(%dma_start3A_99 : memref<128x128xf32, #tpu.memory_space<vmem>>) target(%dma_start3A_95 : memref<128x128xf32, #tpu.memory_space<hbm>>) target_semaphore(%arg8 : memref<!tpu.dma_semaphore, #tpu.memory_space<semaphore_mem>>)
    %dma_wait3A_100 = arith.constant 0 : i32
    %dma_wait3A_101 = arith.constant 0 : i32
    %dma_wait3A_102 = tpu.memref_slice %arg6[%rem3A_71, %dma_wait3A_100, %dma_wait3A_101] : memref<2x128x128xf32, #tpu.memory_space<vmem>> -> memref<1x128x128xf32, #tpu.memory_space<vmem>>
    %dma_wait3A_103 = tpu.memref_squeeze %dma_wait3A_102 : memref<1x128x128xf32, #tpu.memory_space<vmem>> -> memref<128x128xf32, #tpu.memory_space<vmem>>
    %dma_wait3A_104 = arith.constant 0 : i32
    %dma_wait3A_105 = tpu.memref_slice %arg4[%add3A_87, %dma_wait3A_104] : memref<32768x128xf32, #tpu.memory_space<hbm>> -> memref<128x128xf32, #tpu.memory_space<hbm>>
    %dma_wait3A_106 = arith.constant 0 : i32
    %dma_wait3A_107 = tpu.memref_slice %arg4[%add3A_87, %dma_wait3A_106] : memref<32768x128xf32, #tpu.memory_space<hbm>> -> memref<128x128xf32, #tpu.memory_space<hbm>>
    %dma_wait3A_108 = arith.constant 0 : i32
    %dma_wait3A_109 = arith.constant 0 : i32
    %dma_wait3A_110 = tpu.memref_slice %arg6[%rem3A_71, %dma_wait3A_108, %dma_wait3A_109] : memref<2x128x128xf32, #tpu.memory_space<vmem>> -> memref<1x128x128xf32, #tpu.memory_space<vmem>>
    %dma_wait3A_111 = tpu.memref_squeeze %dma_wait3A_110 : memref<1x128x128xf32, #tpu.memory_space<vmem>> -> memref<128x128xf32, #tpu.memory_space<vmem>>
    tpu.wait_dma2 semaphore(%arg8 : memref<!tpu.dma_semaphore, #tpu.memory_space<semaphore_mem>>) src(%dma_wait3A_111 : memref<128x128xf32, #tpu.memory_space<vmem>>) dst(%dma_wait3A_107 : memref<128x128xf32, #tpu.memory_space<hbm>>)
    %rem3A_112 = arith.constant 3 : i32
    %rem3A_113 = arith.constant 2 : i32
    %rem3A_114 = arith.remsi %rem3A_112, %rem3A_113 : i32
    %scan3A_115 = arith.constant 0 : i32
    %scan3A_116 = arith.constant 0 : i32
    %scan3A_117 = arith.constant 8 : i32
    %scan3A_118 = arith.addi %scan3A_116, %scan3A_117 : i32
    %scan3A_119 = arith.constant 1 : i32
    scf.for %scan3A_415 = %scan3A_116 to %scan3A_118 step %scan3A_119  : i32 {
      %mul3A_416 = arith.constant 16 : i32
      %mul3A_417 = arith.muli %scan3A_415, %mul3A_416 : i32
      %add3A_418 = arith.constant 384 : i32
      %add3A_419 = arith.addi %add3A_418, %mul3A_417 : i32
      %get3A = arith.index_cast %add3A_419 : i32 to index
      %get3A_420 = tpu.vector_load %arg5[%get3A] {strides = array<i32>} : memref<1024xi32, #tpu.memory_space<vmem>>, vector<16xi32>,
      %get3A_421 = vector.shape_cast %get3A_420 : vector<16xi32> to vector<16xi32>
      %add3A_422 = arith.addi %mul3A_2, %add3A_419 : i32
      %add3A_423 = arith.constant 0 : i32
      %add3A_424 = arith.addi %add3A_422, %add3A_423 : i32
      %slice3A = vector.extract_strided_slice %get3A_421 {offsets = [0], sizes = [1], strides = [1]} : vector<16xi32> to vector<1xi32>
      %squeeze3A = vector.extract %slice3A[0] : i32 from vector<1xi32>
      %mul3A_425 = arith.constant 128 : i32
      %mul3A_426 = arith.muli %squeeze3A, %mul3A_425 : i32
      %mul3A_427 = arith.constant 16 : i32
      %mul3A_428 = arith.muli %scan3A_415, %mul3A_427 : i32
      %add3A_429 = arith.constant 0 : i32
      %add3A_430 = arith.addi %mul3A_428, %add3A_429 : i32
      %dma_start3A_431 = arith.constant 0 : i32
      %dma_start3A_432 = tpu.memref_slice %arg6[%rem3A_114, %add3A_430, %dma_start3A_431] : memref<2x128x128xf32, #tpu.memory_space<vmem>> -> memref<1x1x128xf32, #tpu.memory_space<vmem>>
      %dma_start3A_433 = tpu.memref_squeeze %dma_start3A_432 : memref<1x1x128xf32, #tpu.memory_space<vmem>> -> memref<128xf32, #tpu.memory_space<vmem>>
      %dma_start3A_434 = tpu.memref_slice %arg2[%add3A_424, %mul3A_426] : memref<32768x2048xf32, #tpu.memory_space<hbm>> -> memref<1x128xf32, #tpu.memory_space<hbm>>
      %dma_start3A_435 = tpu.memref_squeeze %dma_start3A_434 : memref<1x128xf32, #tpu.memory_space<hbm>> -> memref<128xf32, #tpu.memory_space<hbm>>
      %dma_start3A_436 = arith.constant 0 : i32
      %dma_start3A_437 = tpu.memref_slice %arg6[%rem3A_114, %add3A_430, %dma_start3A_436] : memref<2x128x128xf32, #tpu.memory_space<vmem>> -> memref<1x1x128xf32, #tpu.memory_space<vmem>>
      %dma_start3A_438 = tpu.memref_squeeze %dma_start3A_437 : memref<1x1x128xf32, #tpu.memory_space<vmem>> -> memref<128xf32, #tpu.memory_space<vmem>>
      %dma_start3A_439 = tpu.memref_slice %arg2[%add3A_424, %mul3A_426] : memref<32768x2048xf32, #tpu.memory_space<hbm>> -> memref<1x128xf32, #tpu.memory_space<hbm>>
      %dma_start3A_440 = tpu.memref_squeeze %dma_start3A_439 : memref<1x128xf32, #tpu.memory_space<hbm>> -> memref<128xf32, #tpu.memory_space<hbm>>
      tpu.enqueue_dma source(%dma_start3A_440 : memref<128xf32, #tpu.memory_space<hbm>>) target(%dma_start3A_438 : memref<128xf32, #tpu.memory_space<vmem>>) target_semaphore(%arg7 : memref<!tpu.dma_semaphore, #tpu.memory_space<semaphore_mem>>)
      %add3A_441 = arith.addi %mul3A_2, %add3A_419 : i32
      %add3A_442 = arith.constant 1 : i32
      %add3A_443 = arith.addi %add3A_441, %add3A_442 : i32
      %slice3A_444 = vector.extract_strided_slice %get3A_421 {offsets = [1], sizes = [1], strides = [1]} : vector<16xi32> to vector<1xi32>
      %squeeze3A_445 = vector.extract %slice3A_444[0] : i32 from vector<1xi32>
      %mul3A_446 = arith.constant 128 : i32
      %mul3A_447 = arith.muli %squeeze3A_445, %mul3A_446 : i32
      %mul3A_448 = arith.constant 16 : i32
      %mul3A_449 = arith.muli %scan3A_415, %mul3A_448 : i32
      %add3A_450 = arith.constant 1 : i32
      %add3A_451 = arith.addi %mul3A_449, %add3A_450 : i32
      %dma_start3A_452 = arith.constant 0 : i32
      %dma_start3A_453 = tpu.memref_slice %arg6[%rem3A_114, %add3A_451, %dma_start3A_452] : memref<2x128x128xf32, #tpu.memory_space<vmem>> -> memref<1x1x128xf32, #tpu.memory_space<vmem>>
      %dma_start3A_454 = tpu.memref_squeeze %dma_start3A_453 : memref<1x1x128xf32, #tpu.memory_space<vmem>> -> memref<128xf32, #tpu.memory_space<vmem>>
      %dma_start3A_455 = tpu.memref_slice %arg2[%add3A_443, %mul3A_447] : memref<32768x2048xf32, #tpu.memory_space<hbm>> -> memref<1x128xf32, #tpu.memory_space<hbm>>
      %dma_start3A_456 = tpu.memref_squeeze %dma_start3A_455 : memref<1x128xf32, #tpu.memory_space<hbm>> -> memref<128xf32, #tpu.memory_space<hbm>>
      %dma_start3A_457 = arith.constant 0 : i32
      %dma_start3A_458 = tpu.memref_slice %arg6[%rem3A_114, %add3A_451, %dma_start3A_457] : memref<2x128x128xf32, #tpu.memory_space<vmem>> -> memref<1x1x128xf32, #tpu.memory_space<vmem>>
      %dma_start3A_459 = tpu.memref_squeeze %dma_start3A_458 : memref<1x1x128xf32, #tpu.memory_space<vmem>> -> memref<128xf32, #tpu.memory_space<vmem>>
      %dma_start3A_460 = tpu.memref_slice %arg2[%add3A_443, %mul3A_447] : memref<32768x2048xf32, #tpu.memory_space<hbm>> -> memref<1x128xf32, #tpu.memory_space<hbm>>
      %dma_start3A_461 = tpu.memref_squeeze %dma_start3A_460 : memref<1x128xf32, #tpu.memory_space<hbm>> -> memref<128xf32, #tpu.memory_space<hbm>>
      tpu.enqueue_dma source(%dma_start3A_461 : memref<128xf32, #tpu.memory_space<hbm>>) target(%dma_start3A_459 : memref<128xf32, #tpu.memory_space<vmem>>) target_semaphore(%arg7 : memref<!tpu.dma_semaphore, #tpu.memory_space<semaphore_mem>>)
      %add3A_462 = arith.addi %mul3A_2, %add3A_419 : i32
      %add3A_463 = arith.constant 2 : i32
      %add3A_464 = arith.addi %add3A_462, %add3A_463 : i32
      %slice3A_465 = vector.extract_strided_slice %get3A_421 {offsets = [2], sizes = [1], strides = [1]} : vector<16xi32> to vector<1xi32>
      %squeeze3A_466 = vector.extract %slice3A_465[0] : i32 from vector<1xi32>
      %mul3A_467 = arith.constant 128 : i32
      %mul3A_468 = arith.muli %squeeze3A_466, %mul3A_467 : i32
      %mul3A_469 = arith.constant 16 : i32
      %mul3A_470 = arith.muli %scan3A_415, %mul3A_469 : i32
      %add3A_471 = arith.constant 2 : i32
      %add3A_472 = arith.addi %mul3A_470, %add3A_471 : i32
      %dma_start3A_473 = arith.constant 0 : i32
      %dma_start3A_474 = tpu.memref_slice %arg6[%rem3A_114, %add3A_472, %dma_start3A_473] : memref<2x128x128xf32, #tpu.memory_space<vmem>> -> memref<1x1x128xf32, #tpu.memory_space<vmem>>
      %dma_start3A_475 = tpu.memref_squeeze %dma_start3A_474 : memref<1x1x128xf32, #tpu.memory_space<vmem>> -> memref<128xf32, #tpu.memory_space<vmem>>
      %dma_start3A_476 = tpu.memref_slice %arg2[%add3A_464, %mul3A_468] : memref<32768x2048xf32, #tpu.memory_space<hbm>> -> memref<1x128xf32, #tpu.memory_space<hbm>>
      %dma_start3A_477 = tpu.memref_squeeze %dma_start3A_476 : memref<1x128xf32, #tpu.memory_space<hbm>> -> memref<128xf32, #tpu.memory_space<hbm>>
      %dma_start3A_478 = arith.constant 0 : i32
      %dma_start3A_479 = tpu.memref_slice %arg6[%rem3A_114, %add3A_472, %dma_start3A_478] : memref<2x128x128xf32, #tpu.memory_space<vmem>> -> memref<1x1x128xf32, #tpu.memory_space<vmem>>
      %dma_start3A_480 = tpu.memref_squeeze %dma_start3A_479 : memref<1x1x128xf32, #tpu.memory_space<vmem>> -> memref<128xf32, #tpu.memory_space<vmem>>
      %dma_start3A_481 = tpu.memref_slice %arg2[%add3A_464, %mul3A_468] : memref<32768x2048xf32, #tpu.memory_space<hbm>> -> memref<1x128xf32, #tpu.memory_space<hbm>>
      %dma_start3A_482 = tpu.memref_squeeze %dma_start3A_481 : memref<1x128xf32, #tpu.memory_space<hbm>> -> memref<128xf32, #tpu.memory_space<hbm>>
      tpu.enqueue_dma source(%dma_start3A_482 : memref<128xf32, #tpu.memory_space<hbm>>) target(%dma_start3A_480 : memref<128xf32, #tpu.memory_space<vmem>>) target_semaphore(%arg7 : memref<!tpu.dma_semaphore, #tpu.memory_space<semaphore_mem>>)
      %add3A_483 = arith.addi %mul3A_2, %add3A_419 : i32
      %add3A_484 = arith.constant 3 : i32
      %add3A_485 = arith.addi %add3A_483, %add3A_484 : i32
      %slice3A_486 = vector.extract_strided_slice %get3A_421 {offsets = [3], sizes = [1], strides = [1]} : vector<16xi32> to vector<1xi32>
      %squeeze3A_487 = vector.extract %slice3A_486[0] : i32 from vector<1xi32>
      %mul3A_488 = arith.constant 128 : i32
      %mul3A_489 = arith.muli %squeeze3A_487, %mul3A_488 : i32
      %mul3A_490 = arith.constant 16 : i32
      %mul3A_491 = arith.muli %scan3A_415, %mul3A_490 : i32
      %add3A_492 = arith.constant 3 : i32
      %add3A_493 = arith.addi %mul3A_491, %add3A_492 : i32
      %dma_start3A_494 = arith.constant 0 : i32
      %dma_start3A_495 = tpu.memref_slice %arg6[%rem3A_114, %add3A_493, %dma_start3A_494] : memref<2x128x128xf32, #tpu.memory_space<vmem>> -> memref<1x1x128xf32, #tpu.memory_space<vmem>>
      %dma_start3A_496 = tpu.memref_squeeze %dma_start3A_495 : memref<1x1x128xf32, #tpu.memory_space<vmem>> -> memref<128xf32, #tpu.memory_space<vmem>>
      %dma_start3A_497 = tpu.memref_slice %arg2[%add3A_485, %mul3A_489] : memref<32768x2048xf32, #tpu.memory_space<hbm>> -> memref<1x128xf32, #tpu.memory_space<hbm>>
      %dma_start3A_498 = tpu.memref_squeeze %dma_start3A_497 : memref<1x128xf32, #tpu.memory_space<hbm>> -> memref<128xf32, #tpu.memory_space<hbm>>
      %dma_start3A_499 = arith.constant 0 : i32
      %dma_start3A_500 = tpu.memref_slice %arg6[%rem3A_114, %add3A_493, %dma_start3A_499] : memref<2x128x128xf32, #tpu.memory_space<vmem>> -> memref<1x1x128xf32, #tpu.memory_space<vmem>>
      %dma_start3A_501 = tpu.memref_squeeze %dma_start3A_500 : memref<1x1x128xf32, #tpu.memory_space<vmem>> -> memref<128xf32, #tpu.memory_space<vmem>>
      %dma_start3A_502 = tpu.memref_slice %arg2[%add3A_485, %mul3A_489] : memref<32768x2048xf32, #tpu.memory_space<hbm>> -> memref<1x128xf32, #tpu.memory_space<hbm>>
      %dma_start3A_503 = tpu.memref_squeeze %dma_start3A_502 : memref<1x128xf32, #tpu.memory_space<hbm>> -> memref<128xf32, #tpu.memory_space<hbm>>
      tpu.enqueue_dma source(%dma_start3A_503 : memref<128xf32, #tpu.memory_space<hbm>>) target(%dma_start3A_501 : memref<128xf32, #tpu.memory_space<vmem>>) target_semaphore(%arg7 : memref<!tpu.dma_semaphore, #tpu.memory_space<semaphore_mem>>)
      %add3A_504 = arith.addi %mul3A_2, %add3A_419 : i32
      %add3A_505 = arith.constant 4 : i32
      %add3A_506 = arith.addi %add3A_504, %add3A_505 : i32
      %slice3A_507 = vector.extract_strided_slice %get3A_421 {offsets = [4], sizes = [1], strides = [1]} : vector<16xi32> to vector<1xi32>
      %squeeze3A_508 = vector.extract %slice3A_507[0] : i32 from vector<1xi32>
      %mul3A_509 = arith.constant 128 : i32
      %mul3A_510 = arith.muli %squeeze3A_508, %mul3A_509 : i32
      %mul3A_511 = arith.constant 16 : i32
      %mul3A_512 = arith.muli %scan3A_415, %mul3A_511 : i32
      %add3A_513 = arith.constant 4 : i32
      %add3A_514 = arith.addi %mul3A_512, %add3A_513 : i32
      %dma_start3A_515 = arith.constant 0 : i32
      %dma_start3A_516 = tpu.memref_slice %arg6[%rem3A_114, %add3A_514, %dma_start3A_515] : memref<2x128x128xf32, #tpu.memory_space<vmem>> -> memref<1x1x128xf32, #tpu.memory_space<vmem>>
      %dma_start3A_517 = tpu.memref_squeeze %dma_start3A_516 : memref<1x1x128xf32, #tpu.memory_space<vmem>> -> memref<128xf32, #tpu.memory_space<vmem>>
      %dma_start3A_518 = tpu.memref_slice %arg2[%add3A_506, %mul3A_510] : memref<32768x2048xf32, #tpu.memory_space<hbm>> -> memref<1x128xf32, #tpu.memory_space<hbm>>
      %dma_start3A_519 = tpu.memref_squeeze %dma_start3A_518 : memref<1x128xf32, #tpu.memory_space<hbm>> -> memref<128xf32, #tpu.memory_space<hbm>>
      %dma_start3A_520 = arith.constant 0 : i32
      %dma_start3A_521 = tpu.memref_slice %arg6[%rem3A_114, %add3A_514, %dma_start3A_520] : memref<2x128x128xf32, #tpu.memory_space<vmem>> -> memref<1x1x128xf32, #tpu.memory_space<vmem>>
      %dma_start3A_522 = tpu.memref_squeeze %dma_start3A_521 : memref<1x1x128xf32, #tpu.memory_space<vmem>> -> memref<128xf32, #tpu.memory_space<vmem>>
      %dma_start3A_523 = tpu.memref_slice %arg2[%add3A_506, %mul3A_510] : memref<32768x2048xf32, #tpu.memory_space<hbm>> -> memref<1x128xf32, #tpu.memory_space<hbm>>
      %dma_start3A_524 = tpu.memref_squeeze %dma_start3A_523 : memref<1x128xf32, #tpu.memory_space<hbm>> -> memref<128xf32, #tpu.memory_space<hbm>>
      tpu.enqueue_dma source(%dma_start3A_524 : memref<128xf32, #tpu.memory_space<hbm>>) target(%dma_start3A_522 : memref<128xf32, #tpu.memory_space<vmem>>) target_semaphore(%arg7 : memref<!tpu.dma_semaphore, #tpu.memory_space<semaphore_mem>>)
      %add3A_525 = arith.addi %mul3A_2, %add3A_419 : i32
      %add3A_526 = arith.constant 5 : i32
      %add3A_527 = arith.addi %add3A_525, %add3A_526 : i32
      %slice3A_528 = vector.extract_strided_slice %get3A_421 {offsets = [5], sizes = [1], strides = [1]} : vector<16xi32> to vector<1xi32>
      %squeeze3A_529 = vector.extract %slice3A_528[0] : i32 from vector<1xi32>
      %mul3A_530 = arith.constant 128 : i32
      %mul3A_531 = arith.muli %squeeze3A_529, %mul3A_530 : i32
      %mul3A_532 = arith.constant 16 : i32
      %mul3A_533 = arith.muli %scan3A_415, %mul3A_532 : i32
      %add3A_534 = arith.constant 5 : i32
      %add3A_535 = arith.addi %mul3A_533, %add3A_534 : i32
      %dma_start3A_536 = arith.constant 0 : i32
      %dma_start3A_537 = tpu.memref_slice %arg6[%rem3A_114, %add3A_535, %dma_start3A_536] : memref<2x128x128xf32, #tpu.memory_space<vmem>> -> memref<1x1x128xf32, #tpu.memory_space<vmem>>
      %dma_start3A_538 = tpu.memref_squeeze %dma_start3A_537 : memref<1x1x128xf32, #tpu.memory_space<vmem>> -> memref<128xf32, #tpu.memory_space<vmem>>
      %dma_start3A_539 = tpu.memref_slice %arg2[%add3A_527, %mul3A_531] : memref<32768x2048xf32, #tpu.memory_space<hbm>> -> memref<1x128xf32, #tpu.memory_space<hbm>>
      %dma_start3A_540 = tpu.memref_squeeze %dma_start3A_539 : memref<1x128xf32, #tpu.memory_space<hbm>> -> memref<128xf32, #tpu.memory_space<hbm>>
      %dma_start3A_541 = arith.constant 0 : i32
      %dma_start3A_542 = tpu.memref_slice %arg6[%rem3A_114, %add3A_535, %dma_start3A_541] : memref<2x128x128xf32, #tpu.memory_space<vmem>> -> memref<1x1x128xf32, #tpu.memory_space<vmem>>
      %dma_start3A_543 = tpu.memref_squeeze %dma_start3A_542 : memref<1x1x128xf32, #tpu.memory_space<vmem>> -> memref<128xf32, #tpu.memory_space<vmem>>
      %dma_start3A_544 = tpu.memref_slice %arg2[%add3A_527, %mul3A_531] : memref<32768x2048xf32, #tpu.memory_space<hbm>> -> memref<1x128xf32, #tpu.memory_space<hbm>>
      %dma_start3A_545 = tpu.memref_squeeze %dma_start3A_544 : memref<1x128xf32, #tpu.memory_space<hbm>> -> memref<128xf32, #tpu.memory_space<hbm>>
      tpu.enqueue_dma source(%dma_start3A_545 : memref<128xf32, #tpu.memory_space<hbm>>) target(%dma_start3A_543 : memref<128xf32, #tpu.memory_space<vmem>>) target_semaphore(%arg7 : memref<!tpu.dma_semaphore, #tpu.memory_space<semaphore_mem>>)
      %add3A_546 = arith.addi %mul3A_2, %add3A_419 : i32
      %add3A_547 = arith.constant 6 : i32
      %add3A_548 = arith.addi %add3A_546, %add3A_547 : i32
      %slice3A_549 = vector.extract_strided_slice %get3A_421 {offsets = [6], sizes = [1], strides = [1]} : vector<16xi32> to vector<1xi32>
      %squeeze3A_550 = vector.extract %slice3A_549[0] : i32 from vector<1xi32>
      %mul3A_551 = arith.constant 128 : i32
      %mul3A_552 = arith.muli %squeeze3A_550, %mul3A_551 : i32
      %mul3A_553 = arith.constant 16 : i32
      %mul3A_554 = arith.muli %scan3A_415, %mul3A_553 : i32
      %add3A_555 = arith.constant 6 : i32
      %add3A_556 = arith.addi %mul3A_554, %add3A_555 : i32
      %dma_start3A_557 = arith.constant 0 : i32
      %dma_start3A_558 = tpu.memref_slice %arg6[%rem3A_114, %add3A_556, %dma_start3A_557] : memref<2x128x128xf32, #tpu.memory_space<vmem>> -> memref<1x1x128xf32, #tpu.memory_space<vmem>>
      %dma_start3A_559 = tpu.memref_squeeze %dma_start3A_558 : memref<1x1x128xf32, #tpu.memory_space<vmem>> -> memref<128xf32, #tpu.memory_space<vmem>>
      %dma_start3A_560 = tpu.memref_slice %arg2[%add3A_548, %mul3A_552] : memref<32768x2048xf32, #tpu.memory_space<hbm>> -> memref<1x128xf32, #tpu.memory_space<hbm>>
      %dma_start3A_561 = tpu.memref_squeeze %dma_start3A_560 : memref<1x128xf32, #tpu.memory_space<hbm>> -> memref<128xf32, #tpu.memory_space<hbm>>
      %dma_start3A_562 = arith.constant 0 : i32
      %dma_start3A_563 = tpu.memref_slice %arg6[%rem3A_114, %add3A_556, %dma_start3A_562] : memref<2x128x128xf32, #tpu.memory_space<vmem>> -> memref<1x1x128xf32, #tpu.memory_space<vmem>>
      %dma_start3A_564 = tpu.memref_squeeze %dma_start3A_563 : memref<1x1x128xf32, #tpu.memory_space<vmem>> -> memref<128xf32, #tpu.memory_space<vmem>>
      %dma_start3A_565 = tpu.memref_slice %arg2[%add3A_548, %mul3A_552] : memref<32768x2048xf32, #tpu.memory_space<hbm>> -> memref<1x128xf32, #tpu.memory_space<hbm>>
      %dma_start3A_566 = tpu.memref_squeeze %dma_start3A_565 : memref<1x128xf32, #tpu.memory_space<hbm>> -> memref<128xf32, #tpu.memory_space<hbm>>
      tpu.enqueue_dma source(%dma_start3A_566 : memref<128xf32, #tpu.memory_space<hbm>>) target(%dma_start3A_564 : memref<128xf32, #tpu.memory_space<vmem>>) target_semaphore(%arg7 : memref<!tpu.dma_semaphore, #tpu.memory_space<semaphore_mem>>)
      %add3A_567 = arith.addi %mul3A_2, %add3A_419 : i32
      %add3A_568 = arith.constant 7 : i32
      %add3A_569 = arith.addi %add3A_567, %add3A_568 : i32
      %slice3A_570 = vector.extract_strided_slice %get3A_421 {offsets = [7], sizes = [1], strides = [1]} : vector<16xi32> to vector<1xi32>
      %squeeze3A_571 = vector.extract %slice3A_570[0] : i32 from vector<1xi32>
      %mul3A_572 = arith.constant 128 : i32
      %mul3A_573 = arith.muli %squeeze3A_571, %mul3A_572 : i32
      %mul3A_574 = arith.constant 16 : i32
      %mul3A_575 = arith.muli %scan3A_415, %mul3A_574 : i32
      %add3A_576 = arith.constant 7 : i32
      %add3A_577 = arith.addi %mul3A_575, %add3A_576 : i32
      %dma_start3A_578 = arith.constant 0 : i32
      %dma_start3A_579 = tpu.memref_slice %arg6[%rem3A_114, %add3A_577, %dma_start3A_578] : memref<2x128x128xf32, #tpu.memory_space<vmem>> -> memref<1x1x128xf32, #tpu.memory_space<vmem>>
      %dma_start3A_580 = tpu.memref_squeeze %dma_start3A_579 : memref<1x1x128xf32, #tpu.memory_space<vmem>> -> memref<128xf32, #tpu.memory_space<vmem>>
      %dma_start3A_581 = tpu.memref_slice %arg2[%add3A_569, %mul3A_573] : memref<32768x2048xf32, #tpu.memory_space<hbm>> -> memref<1x128xf32, #tpu.memory_space<hbm>>
      %dma_start3A_582 = tpu.memref_squeeze %dma_start3A_581 : memref<1x128xf32, #tpu.memory_space<hbm>> -> memref<128xf32, #tpu.memory_space<hbm>>
      %dma_start3A_583 = arith.constant 0 : i32
      %dma_start3A_584 = tpu.memref_slice %arg6[%rem3A_114, %add3A_577, %dma_start3A_583] : memref<2x128x128xf32, #tpu.memory_space<vmem>> -> memref<1x1x128xf32, #tpu.memory_space<vmem>>
      %dma_start3A_585 = tpu.memref_squeeze %dma_start3A_584 : memref<1x1x128xf32, #tpu.memory_space<vmem>> -> memref<128xf32, #tpu.memory_space<vmem>>
      %dma_start3A_586 = tpu.memref_slice %arg2[%add3A_569, %mul3A_573] : memref<32768x2048xf32, #tpu.memory_space<hbm>> -> memref<1x128xf32, #tpu.memory_space<hbm>>
      %dma_start3A_587 = tpu.memref_squeeze %dma_start3A_586 : memref<1x128xf32, #tpu.memory_space<hbm>> -> memref<128xf32, #tpu.memory_space<hbm>>
      tpu.enqueue_dma source(%dma_start3A_587 : memref<128xf32, #tpu.memory_space<hbm>>) target(%dma_start3A_585 : memref<128xf32, #tpu.memory_space<vmem>>) target_semaphore(%arg7 : memref<!tpu.dma_semaphore, #tpu.memory_space<semaphore_mem>>)
      %add3A_588 = arith.addi %mul3A_2, %add3A_419 : i32
      %add3A_589 = arith.constant 8 : i32
      %add3A_590 = arith.addi %add3A_588, %add3A_589 : i32
      %slice3A_591 = vector.extract_strided_slice %get3A_421 {offsets = [8], sizes = [1], strides = [1]} : vector<16xi32> to vector<1xi32>
      %squeeze3A_592 = vector.extract %slice3A_591[0] : i32 from vector<1xi32>
      %mul3A_593 = arith.constant 128 : i32
      %mul3A_594 = arith.muli %squeeze3A_592, %mul3A_593 : i32
      %mul3A_595 = arith.constant 16 : i32
      %mul3A_596 = arith.muli %scan3A_415, %mul3A_595 : i32
      %add3A_597 = arith.constant 8 : i32
      %add3A_598 = arith.addi %mul3A_596, %add3A_597 : i32
      %dma_start3A_599 = arith.constant 0 : i32
      %dma_start3A_600 = tpu.memref_slice %arg6[%rem3A_114, %add3A_598, %dma_start3A_599] : memref<2x128x128xf32, #tpu.memory_space<vmem>> -> memref<1x1x128xf32, #tpu.memory_space<vmem>>
      %dma_start3A_601 = tpu.memref_squeeze %dma_start3A_600 : memref<1x1x128xf32, #tpu.memory_space<vmem>> -> memref<128xf32, #tpu.memory_space<vmem>>
      %dma_start3A_602 = tpu.memref_slice %arg2[%add3A_590, %mul3A_594] : memref<32768x2048xf32, #tpu.memory_space<hbm>> -> memref<1x128xf32, #tpu.memory_space<hbm>>
      %dma_start3A_603 = tpu.memref_squeeze %dma_start3A_602 : memref<1x128xf32, #tpu.memory_space<hbm>> -> memref<128xf32, #tpu.memory_space<hbm>>
      %dma_start3A_604 = arith.constant 0 : i32
      %dma_start3A_605 = tpu.memref_slice %arg6[%rem3A_114, %add3A_598, %dma_start3A_604] : memref<2x128x128xf32, #tpu.memory_space<vmem>> -> memref<1x1x128xf32, #tpu.memory_space<vmem>>
      %dma_start3A_606 = tpu.memref_squeeze %dma_start3A_605 : memref<1x1x128xf32, #tpu.memory_space<vmem>> -> memref<128xf32, #tpu.memory_space<vmem>>
      %dma_start3A_607 = tpu.memref_slice %arg2[%add3A_590, %mul3A_594] : memref<32768x2048xf32, #tpu.memory_space<hbm>> -> memref<1x128xf32, #tpu.memory_space<hbm>>
      %dma_start3A_608 = tpu.memref_squeeze %dma_start3A_607 : memref<1x128xf32, #tpu.memory_space<hbm>> -> memref<128xf32, #tpu.memory_space<hbm>>
      tpu.enqueue_dma source(%dma_start3A_608 : memref<128xf32, #tpu.memory_space<hbm>>) target(%dma_start3A_606 : memref<128xf32, #tpu.memory_space<vmem>>) target_semaphore(%arg7 : memref<!tpu.dma_semaphore, #tpu.memory_space<semaphore_mem>>)
      %add3A_609 = arith.addi %mul3A_2, %add3A_419 : i32
      %add3A_610 = arith.constant 9 : i32
      %add3A_611 = arith.addi %add3A_609, %add3A_610 : i32
      %slice3A_612 = vector.extract_strided_slice %get3A_421 {offsets = [9], sizes = [1], strides = [1]} : vector<16xi32> to vector<1xi32>
      %squeeze3A_613 = vector.extract %slice3A_612[0] : i32 from vector<1xi32>
      %mul3A_614 = arith.constant 128 : i32
      %mul3A_615 = arith.muli %squeeze3A_613, %mul3A_614 : i32
      %mul3A_616 = arith.constant 16 : i32
      %mul3A_617 = arith.muli %scan3A_415, %mul3A_616 : i32
      %add3A_618 = arith.constant 9 : i32
      %add3A_619 = arith.addi %mul3A_617, %add3A_618 : i32
      %dma_start3A_620 = arith.constant 0 : i32
      %dma_start3A_621 = tpu.memref_slice %arg6[%rem3A_114, %add3A_619, %dma_start3A_620] : memref<2x128x128xf32, #tpu.memory_space<vmem>> -> memref<1x1x128xf32, #tpu.memory_space<vmem>>
      %dma_start3A_622 = tpu.memref_squeeze %dma_start3A_621 : memref<1x1x128xf32, #tpu.memory_space<vmem>> -> memref<128xf32, #tpu.memory_space<vmem>>
      %dma_start3A_623 = tpu.memref_slice %arg2[%add3A_611, %mul3A_615] : memref<32768x2048xf32, #tpu.memory_space<hbm>> -> memref<1x128xf32, #tpu.memory_space<hbm>>
      %dma_start3A_624 = tpu.memref_squeeze %dma_start3A_623 : memref<1x128xf32, #tpu.memory_space<hbm>> -> memref<128xf32, #tpu.memory_space<hbm>>
      %dma_start3A_625 = arith.constant 0 : i32
      %dma_start3A_626 = tpu.memref_slice %arg6[%rem3A_114, %add3A_619, %dma_start3A_625] : memref<2x128x128xf32, #tpu.memory_space<vmem>> -> memref<1x1x128xf32, #tpu.memory_space<vmem>>
      %dma_start3A_627 = tpu.memref_squeeze %dma_start3A_626 : memref<1x1x128xf32, #tpu.memory_space<vmem>> -> memref<128xf32, #tpu.memory_space<vmem>>
      %dma_start3A_628 = tpu.memref_slice %arg2[%add3A_611, %mul3A_615] : memref<32768x2048xf32, #tpu.memory_space<hbm>> -> memref<1x128xf32, #tpu.memory_space<hbm>>
      %dma_start3A_629 = tpu.memref_squeeze %dma_start3A_628 : memref<1x128xf32, #tpu.memory_space<hbm>> -> memref<128xf32, #tpu.memory_space<hbm>>
      tpu.enqueue_dma source(%dma_start3A_629 : memref<128xf32, #tpu.memory_space<hbm>>) target(%dma_start3A_627 : memref<128xf32, #tpu.memory_space<vmem>>) target_semaphore(%arg7 : memref<!tpu.dma_semaphore, #tpu.memory_space<semaphore_mem>>)
      %add3A_630 = arith.addi %mul3A_2, %add3A_419 : i32
      %add3A_631 = arith.constant 10 : i32
      %add3A_632 = arith.addi %add3A_630, %add3A_631 : i32
      %slice3A_633 = vector.extract_strided_slice %get3A_421 {offsets = [10], sizes = [1], strides = [1]} : vector<16xi32> to vector<1xi32>
      %squeeze3A_634 = vector.extract %slice3A_633[0] : i32 from vector<1xi32>
      %mul3A_635 = arith.constant 128 : i32
      %mul3A_636 = arith.muli %squeeze3A_634, %mul3A_635 : i32
      %mul3A_637 = arith.constant 16 : i32
      %mul3A_638 = arith.muli %scan3A_415, %mul3A_637 : i32
      %add3A_639 = arith.constant 10 : i32
      %add3A_640 = arith.addi %mul3A_638, %add3A_639 : i32
      %dma_start3A_641 = arith.constant 0 : i32
      %dma_start3A_642 = tpu.memref_slice %arg6[%rem3A_114, %add3A_640, %dma_start3A_641] : memref<2x128x128xf32, #tpu.memory_space<vmem>> -> memref<1x1x128xf32, #tpu.memory_space<vmem>>
      %dma_start3A_643 = tpu.memref_squeeze %dma_start3A_642 : memref<1x1x128xf32, #tpu.memory_space<vmem>> -> memref<128xf32, #tpu.memory_space<vmem>>
      %dma_start3A_644 = tpu.memref_slice %arg2[%add3A_632, %mul3A_636] : memref<32768x2048xf32, #tpu.memory_space<hbm>> -> memref<1x128xf32, #tpu.memory_space<hbm>>
      %dma_start3A_645 = tpu.memref_squeeze %dma_start3A_644 : memref<1x128xf32, #tpu.memory_space<hbm>> -> memref<128xf32, #tpu.memory_space<hbm>>
      %dma_start3A_646 = arith.constant 0 : i32
      %dma_start3A_647 = tpu.memref_slice %arg6[%rem3A_114, %add3A_640, %dma_start3A_646] : memref<2x128x128xf32, #tpu.memory_space<vmem>> -> memref<1x1x128xf32, #tpu.memory_space<vmem>>
      %dma_start3A_648 = tpu.memref_squeeze %dma_start3A_647 : memref<1x1x128xf32, #tpu.memory_space<vmem>> -> memref<128xf32, #tpu.memory_space<vmem>>
      %dma_start3A_649 = tpu.memref_slice %arg2[%add3A_632, %mul3A_636] : memref<32768x2048xf32, #tpu.memory_space<hbm>> -> memref<1x128xf32, #tpu.memory_space<hbm>>
      %dma_start3A_650 = tpu.memref_squeeze %dma_start3A_649 : memref<1x128xf32, #tpu.memory_space<hbm>> -> memref<128xf32, #tpu.memory_space<hbm>>
      tpu.enqueue_dma source(%dma_start3A_650 : memref<128xf32, #tpu.memory_space<hbm>>) target(%dma_start3A_648 : memref<128xf32, #tpu.memory_space<vmem>>) target_semaphore(%arg7 : memref<!tpu.dma_semaphore, #tpu.memory_space<semaphore_mem>>)
      %add3A_651 = arith.addi %mul3A_2, %add3A_419 : i32
      %add3A_652 = arith.constant 11 : i32
      %add3A_653 = arith.addi %add3A_651, %add3A_652 : i32
      %slice3A_654 = vector.extract_strided_slice %get3A_421 {offsets = [11], sizes = [1], strides = [1]} : vector<16xi32> to vector<1xi32>
      %squeeze3A_655 = vector.extract %slice3A_654[0] : i32 from vector<1xi32>
      %mul3A_656 = arith.constant 128 : i32
      %mul3A_657 = arith.muli %squeeze3A_655, %mul3A_656 : i32
      %mul3A_658 = arith.constant 16 : i32
      %mul3A_659 = arith.muli %scan3A_415, %mul3A_658 : i32
      %add3A_660 = arith.constant 11 : i32
      %add3A_661 = arith.addi %mul3A_659, %add3A_660 : i32
      %dma_start3A_662 = arith.constant 0 : i32
      %dma_start3A_663 = tpu.memref_slice %arg6[%rem3A_114, %add3A_661, %dma_start3A_662] : memref<2x128x128xf32, #tpu.memory_space<vmem>> -> memref<1x1x128xf32, #tpu.memory_space<vmem>>
      %dma_start3A_664 = tpu.memref_squeeze %dma_start3A_663 : memref<1x1x128xf32, #tpu.memory_space<vmem>> -> memref<128xf32, #tpu.memory_space<vmem>>
      %dma_start3A_665 = tpu.memref_slice %arg2[%add3A_653, %mul3A_657] : memref<32768x2048xf32, #tpu.memory_space<hbm>> -> memref<1x128xf32, #tpu.memory_space<hbm>>
      %dma_start3A_666 = tpu.memref_squeeze %dma_start3A_665 : memref<1x128xf32, #tpu.memory_space<hbm>> -> memref<128xf32, #tpu.memory_space<hbm>>
      %dma_start3A_667 = arith.constant 0 : i32
      %dma_start3A_668 = tpu.memref_slice %arg6[%rem3A_114, %add3A_661, %dma_start3A_667] : memref<2x128x128xf32, #tpu.memory_space<vmem>> -> memref<1x1x128xf32, #tpu.memory_space<vmem>>
      %dma_start3A_669 = tpu.memref_squeeze %dma_start3A_668 : memref<1x1x128xf32, #tpu.memory_space<vmem>> -> memref<128xf32, #tpu.memory_space<vmem>>
      %dma_start3A_670 = tpu.memref_slice %arg2[%add3A_653, %mul3A_657] : memref<32768x2048xf32, #tpu.memory_space<hbm>> -> memref<1x128xf32, #tpu.memory_space<hbm>>
      %dma_start3A_671 = tpu.memref_squeeze %dma_start3A_670 : memref<1x128xf32, #tpu.memory_space<hbm>> -> memref<128xf32, #tpu.memory_space<hbm>>
      tpu.enqueue_dma source(%dma_start3A_671 : memref<128xf32, #tpu.memory_space<hbm>>) target(%dma_start3A_669 : memref<128xf32, #tpu.memory_space<vmem>>) target_semaphore(%arg7 : memref<!tpu.dma_semaphore, #tpu.memory_space<semaphore_mem>>)
      %add3A_672 = arith.addi %mul3A_2, %add3A_419 : i32
      %add3A_673 = arith.constant 12 : i32
      %add3A_674 = arith.addi %add3A_672, %add3A_673 : i32
      %slice3A_675 = vector.extract_strided_slice %get3A_421 {offsets = [12], sizes = [1], strides = [1]} : vector<16xi32> to vector<1xi32>
      %squeeze3A_676 = vector.extract %slice3A_675[0] : i32 from vector<1xi32>
      %mul3A_677 = arith.constant 128 : i32
      %mul3A_678 = arith.muli %squeeze3A_676, %mul3A_677 : i32
      %mul3A_679 = arith.constant 16 : i32
      %mul3A_680 = arith.muli %scan3A_415, %mul3A_679 : i32
      %add3A_681 = arith.constant 12 : i32
      %add3A_682 = arith.addi %mul3A_680, %add3A_681 : i32
      %dma_start3A_683 = arith.constant 0 : i32
      %dma_start3A_684 = tpu.memref_slice %arg6[%rem3A_114, %add3A_682, %dma_start3A_683] : memref<2x128x128xf32, #tpu.memory_space<vmem>> -> memref<1x1x128xf32, #tpu.memory_space<vmem>>
      %dma_start3A_685 = tpu.memref_squeeze %dma_start3A_684 : memref<1x1x128xf32, #tpu.memory_space<vmem>> -> memref<128xf32, #tpu.memory_space<vmem>>
      %dma_start3A_686 = tpu.memref_slice %arg2[%add3A_674, %mul3A_678] : memref<32768x2048xf32, #tpu.memory_space<hbm>> -> memref<1x128xf32, #tpu.memory_space<hbm>>
      %dma_start3A_687 = tpu.memref_squeeze %dma_start3A_686 : memref<1x128xf32, #tpu.memory_space<hbm>> -> memref<128xf32, #tpu.memory_space<hbm>>
      %dma_start3A_688 = arith.constant 0 : i32
      %dma_start3A_689 = tpu.memref_slice %arg6[%rem3A_114, %add3A_682, %dma_start3A_688] : memref<2x128x128xf32, #tpu.memory_space<vmem>> -> memref<1x1x128xf32, #tpu.memory_space<vmem>>
      %dma_start3A_690 = tpu.memref_squeeze %dma_start3A_689 : memref<1x1x128xf32, #tpu.memory_space<vmem>> -> memref<128xf32, #tpu.memory_space<vmem>>
      %dma_start3A_691 = tpu.memref_slice %arg2[%add3A_674, %mul3A_678] : memref<32768x2048xf32, #tpu.memory_space<hbm>> -> memref<1x128xf32, #tpu.memory_space<hbm>>
      %dma_start3A_692 = tpu.memref_squeeze %dma_start3A_691 : memref<1x128xf32, #tpu.memory_space<hbm>> -> memref<128xf32, #tpu.memory_space<hbm>>
      tpu.enqueue_dma source(%dma_start3A_692 : memref<128xf32, #tpu.memory_space<hbm>>) target(%dma_start3A_690 : memref<128xf32, #tpu.memory_space<vmem>>) target_semaphore(%arg7 : memref<!tpu.dma_semaphore, #tpu.memory_space<semaphore_mem>>)
      %add3A_693 = arith.addi %mul3A_2, %add3A_419 : i32
      %add3A_694 = arith.constant 13 : i32
      %add3A_695 = arith.addi %add3A_693, %add3A_694 : i32
      %slice3A_696 = vector.extract_strided_slice %get3A_421 {offsets = [13], sizes = [1], strides = [1]} : vector<16xi32> to vector<1xi32>
      %squeeze3A_697 = vector.extract %slice3A_696[0] : i32 from vector<1xi32>
      %mul3A_698 = arith.constant 128 : i32
      %mul3A_699 = arith.muli %squeeze3A_697, %mul3A_698 : i32
      %mul3A_700 = arith.constant 16 : i32
      %mul3A_701 = arith.muli %scan3A_415, %mul3A_700 : i32
      %add3A_702 = arith.constant 13 : i32
      %add3A_703 = arith.addi %mul3A_701, %add3A_702 : i32
      %dma_start3A_704 = arith.constant 0 : i32
      %dma_start3A_705 = tpu.memref_slice %arg6[%rem3A_114, %add3A_703, %dma_start3A_704] : memref<2x128x128xf32, #tpu.memory_space<vmem>> -> memref<1x1x128xf32, #tpu.memory_space<vmem>>
      %dma_start3A_706 = tpu.memref_squeeze %dma_start3A_705 : memref<1x1x128xf32, #tpu.memory_space<vmem>> -> memref<128xf32, #tpu.memory_space<vmem>>
      %dma_start3A_707 = tpu.memref_slice %arg2[%add3A_695, %mul3A_699] : memref<32768x2048xf32, #tpu.memory_space<hbm>> -> memref<1x128xf32, #tpu.memory_space<hbm>>
      %dma_start3A_708 = tpu.memref_squeeze %dma_start3A_707 : memref<1x128xf32, #tpu.memory_space<hbm>> -> memref<128xf32, #tpu.memory_space<hbm>>
      %dma_start3A_709 = arith.constant 0 : i32
      %dma_start3A_710 = tpu.memref_slice %arg6[%rem3A_114, %add3A_703, %dma_start3A_709] : memref<2x128x128xf32, #tpu.memory_space<vmem>> -> memref<1x1x128xf32, #tpu.memory_space<vmem>>
      %dma_start3A_711 = tpu.memref_squeeze %dma_start3A_710 : memref<1x1x128xf32, #tpu.memory_space<vmem>> -> memref<128xf32, #tpu.memory_space<vmem>>
      %dma_start3A_712 = tpu.memref_slice %arg2[%add3A_695, %mul3A_699] : memref<32768x2048xf32, #tpu.memory_space<hbm>> -> memref<1x128xf32, #tpu.memory_space<hbm>>
      %dma_start3A_713 = tpu.memref_squeeze %dma_start3A_712 : memref<1x128xf32, #tpu.memory_space<hbm>> -> memref<128xf32, #tpu.memory_space<hbm>>
      tpu.enqueue_dma source(%dma_start3A_713 : memref<128xf32, #tpu.memory_space<hbm>>) target(%dma_start3A_711 : memref<128xf32, #tpu.memory_space<vmem>>) target_semaphore(%arg7 : memref<!tpu.dma_semaphore, #tpu.memory_space<semaphore_mem>>)
      %add3A_714 = arith.addi %mul3A_2, %add3A_419 : i32
      %add3A_715 = arith.constant 14 : i32
      %add3A_716 = arith.addi %add3A_714, %add3A_715 : i32
      %slice3A_717 = vector.extract_strided_slice %get3A_421 {offsets = [14], sizes = [1], strides = [1]} : vector<16xi32> to vector<1xi32>
      %squeeze3A_718 = vector.extract %slice3A_717[0] : i32 from vector<1xi32>
      %mul3A_719 = arith.constant 128 : i32
      %mul3A_720 = arith.muli %squeeze3A_718, %mul3A_719 : i32
      %mul3A_721 = arith.constant 16 : i32
      %mul3A_722 = arith.muli %scan3A_415, %mul3A_721 : i32
      %add3A_723 = arith.constant 14 : i32
      %add3A_724 = arith.addi %mul3A_722, %add3A_723 : i32
      %dma_start3A_725 = arith.constant 0 : i32
      %dma_start3A_726 = tpu.memref_slice %arg6[%rem3A_114, %add3A_724, %dma_start3A_725] : memref<2x128x128xf32, #tpu.memory_space<vmem>> -> memref<1x1x128xf32, #tpu.memory_space<vmem>>
      %dma_start3A_727 = tpu.memref_squeeze %dma_start3A_726 : memref<1x1x128xf32, #tpu.memory_space<vmem>> -> memref<128xf32, #tpu.memory_space<vmem>>
      %dma_start3A_728 = tpu.memref_slice %arg2[%add3A_716, %mul3A_720] : memref<32768x2048xf32, #tpu.memory_space<hbm>> -> memref<1x128xf32, #tpu.memory_space<hbm>>
      %dma_start3A_729 = tpu.memref_squeeze %dma_start3A_728 : memref<1x128xf32, #tpu.memory_space<hbm>> -> memref<128xf32, #tpu.memory_space<hbm>>
      %dma_start3A_730 = arith.constant 0 : i32
      %dma_start3A_731 = tpu.memref_slice %arg6[%rem3A_114, %add3A_724, %dma_start3A_730] : memref<2x128x128xf32, #tpu.memory_space<vmem>> -> memref<1x1x128xf32, #tpu.memory_space<vmem>>
      %dma_start3A_732 = tpu.memref_squeeze %dma_start3A_731 : memref<1x1x128xf32, #tpu.memory_space<vmem>> -> memref<128xf32, #tpu.memory_space<vmem>>
      %dma_start3A_733 = tpu.memref_slice %arg2[%add3A_716, %mul3A_720] : memref<32768x2048xf32, #tpu.memory_space<hbm>> -> memref<1x128xf32, #tpu.memory_space<hbm>>
      %dma_start3A_734 = tpu.memref_squeeze %dma_start3A_733 : memref<1x128xf32, #tpu.memory_space<hbm>> -> memref<128xf32, #tpu.memory_space<hbm>>
      tpu.enqueue_dma source(%dma_start3A_734 : memref<128xf32, #tpu.memory_space<hbm>>) target(%dma_start3A_732 : memref<128xf32, #tpu.memory_space<vmem>>) target_semaphore(%arg7 : memref<!tpu.dma_semaphore, #tpu.memory_space<semaphore_mem>>)
      %add3A_735 = arith.addi %mul3A_2, %add3A_419 : i32
      %add3A_736 = arith.constant 15 : i32
      %add3A_737 = arith.addi %add3A_735, %add3A_736 : i32
      %slice3A_738 = vector.extract_strided_slice %get3A_421 {offsets = [15], sizes = [1], strides = [1]} : vector<16xi32> to vector<1xi32>
      %squeeze3A_739 = vector.extract %slice3A_738[0] : i32 from vector<1xi32>
      %mul3A_740 = arith.constant 128 : i32
      %mul3A_741 = arith.muli %squeeze3A_739, %mul3A_740 : i32
      %mul3A_742 = arith.constant 16 : i32
      %mul3A_743 = arith.muli %scan3A_415, %mul3A_742 : i32
      %add3A_744 = arith.constant 15 : i32
      %add3A_745 = arith.addi %mul3A_743, %add3A_744 : i32
      %dma_start3A_746 = arith.constant 0 : i32
      %dma_start3A_747 = tpu.memref_slice %arg6[%rem3A_114, %add3A_745, %dma_start3A_746] : memref<2x128x128xf32, #tpu.memory_space<vmem>> -> memref<1x1x128xf32, #tpu.memory_space<vmem>>
      %dma_start3A_748 = tpu.memref_squeeze %dma_start3A_747 : memref<1x1x128xf32, #tpu.memory_space<vmem>> -> memref<128xf32, #tpu.memory_space<vmem>>
      %dma_start3A_749 = tpu.memref_slice %arg2[%add3A_737, %mul3A_741] : memref<32768x2048xf32, #tpu.memory_space<hbm>> -> memref<1x128xf32, #tpu.memory_space<hbm>>
      %dma_start3A_750 = tpu.memref_squeeze %dma_start3A_749 : memref<1x128xf32, #tpu.memory_space<hbm>> -> memref<128xf32, #tpu.memory_space<hbm>>
      %dma_start3A_751 = arith.constant 0 : i32
      %dma_start3A_752 = tpu.memref_slice %arg6[%rem3A_114, %add3A_745, %dma_start3A_751] : memref<2x128x128xf32, #tpu.memory_space<vmem>> -> memref<1x1x128xf32, #tpu.memory_space<vmem>>
      %dma_start3A_753 = tpu.memref_squeeze %dma_start3A_752 : memref<1x1x128xf32, #tpu.memory_space<vmem>> -> memref<128xf32, #tpu.memory_space<vmem>>
      %dma_start3A_754 = tpu.memref_slice %arg2[%add3A_737, %mul3A_741] : memref<32768x2048xf32, #tpu.memory_space<hbm>> -> memref<1x128xf32, #tpu.memory_space<hbm>>
      %dma_start3A_755 = tpu.memref_squeeze %dma_start3A_754 : memref<1x128xf32, #tpu.memory_space<hbm>> -> memref<128xf32, #tpu.memory_space<hbm>>
      tpu.enqueue_dma source(%dma_start3A_755 : memref<128xf32, #tpu.memory_space<hbm>>) target(%dma_start3A_753 : memref<128xf32, #tpu.memory_space<vmem>>) target_semaphore(%arg7 : memref<!tpu.dma_semaphore, #tpu.memory_space<semaphore_mem>>)
    }
    %scan3A_120 = arith.constant 8 : i32
    %rem3A_121 = arith.constant 2 : i32
    %rem3A_122 = arith.constant 2 : i32
    %rem3A_123 = arith.remsi %rem3A_121, %rem3A_122 : i32
    %dma_wait3A_124 = arith.constant 0 : i32
    %dma_wait3A_125 = arith.constant 0 : i32
    %dma_wait3A_126 = tpu.memref_slice %arg6[%rem3A_123, %dma_wait3A_124, %dma_wait3A_125] : memref<2x128x128xf32, #tpu.memory_space<vmem>> -> memref<1x128x128xf32, #tpu.memory_space<vmem>>
    %dma_wait3A_127 = tpu.memref_squeeze %dma_wait3A_126 : memref<1x128x128xf32, #tpu.memory_space<vmem>> -> memref<128x128xf32, #tpu.memory_space<vmem>>
    %dma_wait3A_128 = arith.constant 0 : i32
    %dma_wait3A_129 = arith.constant 0 : i32
    %dma_wait3A_130 = tpu.memref_slice %arg2[%dma_wait3A_128, %dma_wait3A_129] : memref<32768x2048xf32, #tpu.memory_space<hbm>> -> memref<128x128xf32, #tpu.memory_space<hbm>>
    %dma_wait3A_131 = arith.constant 0 : i32
    %dma_wait3A_132 = arith.constant 0 : i32
    %dma_wait3A_133 = tpu.memref_slice %arg6[%rem3A_123, %dma_wait3A_131, %dma_wait3A_132] : memref<2x128x128xf32, #tpu.memory_space<vmem>> -> memref<1x128x128xf32, #tpu.memory_space<vmem>>
    %dma_wait3A_134 = tpu.memref_squeeze %dma_wait3A_133 : memref<1x128x128xf32, #tpu.memory_space<vmem>> -> memref<128x128xf32, #tpu.memory_space<vmem>>
    %dma_wait3A_135 = arith.constant 0 : i32
    %dma_wait3A_136 = arith.constant 0 : i32
    %dma_wait3A_137 = tpu.memref_slice %arg2[%dma_wait3A_135, %dma_wait3A_136] : memref<32768x2048xf32, #tpu.memory_space<hbm>> -> memref<128x128xf32, #tpu.memory_space<hbm>>
    tpu.wait_dma2 semaphore(%arg7 : memref<!tpu.dma_semaphore, #tpu.memory_space<semaphore_mem>>) src(%dma_wait3A_137 : memref<128x128xf32, #tpu.memory_space<hbm>>) dst(%dma_wait3A_134 : memref<128x128xf32, #tpu.memory_space<vmem>>)
    %add3A_138 = arith.constant 256 : i32
    %add3A_139 = arith.addi %mul3A_2, %add3A_138 : i32
    %dma_start3A_140 = arith.constant 0 : i32
    %dma_start3A_141 = arith.constant 0 : i32
    %dma_start3A_142 = tpu.memref_slice %arg6[%rem3A_123, %dma_start3A_140, %dma_start3A_141] : memref<2x128x128xf32, #tpu.memory_space<vmem>> -> memref<1x128x128xf32, #tpu.memory_space<vmem>>
    %dma_start3A_143 = tpu.memref_squeeze %dma_start3A_142 : memref<1x128x128xf32, #tpu.memory_space<vmem>> -> memref<128x128xf32, #tpu.memory_space<vmem>>
    %dma_start3A_144 = arith.constant 0 : i32
    %dma_start3A_145 = tpu.memref_slice %arg4[%add3A_139, %dma_start3A_144] : memref<32768x128xf32, #tpu.memory_space<hbm>> -> memref<128x128xf32, #tpu.memory_space<hbm>>
    %dma_start3A_146 = arith.constant 0 : i32
    %dma_start3A_147 = tpu.memref_slice %arg4[%add3A_139, %dma_start3A_146] : memref<32768x128xf32, #tpu.memory_space<hbm>> -> memref<128x128xf32, #tpu.memory_space<hbm>>
    %dma_start3A_148 = arith.constant 0 : i32
    %dma_start3A_149 = arith.constant 0 : i32
    %dma_start3A_150 = tpu.memref_slice %arg6[%rem3A_123, %dma_start3A_148, %dma_start3A_149] : memref<2x128x128xf32, #tpu.memory_space<vmem>> -> memref<1x128x128xf32, #tpu.memory_space<vmem>>
    %dma_start3A_151 = tpu.memref_squeeze %dma_start3A_150 : memref<1x128x128xf32, #tpu.memory_space<vmem>> -> memref<128x128xf32, #tpu.memory_space<vmem>>
    tpu.enqueue_dma source(%dma_start3A_151 : memref<128x128xf32, #tpu.memory_space<vmem>>) target(%dma_start3A_147 : memref<128x128xf32, #tpu.memory_space<hbm>>) target_semaphore(%arg8 : memref<!tpu.dma_semaphore, #tpu.memory_space<semaphore_mem>>)
    %dma_wait3A_152 = arith.constant 0 : i32
    %dma_wait3A_153 = arith.constant 0 : i32
    %dma_wait3A_154 = tpu.memref_slice %arg6[%rem3A_123, %dma_wait3A_152, %dma_wait3A_153] : memref<2x128x128xf32, #tpu.memory_space<vmem>> -> memref<1x128x128xf32, #tpu.memory_space<vmem>>
    %dma_wait3A_155 = tpu.memref_squeeze %dma_wait3A_154 : memref<1x128x128xf32, #tpu.memory_space<vmem>> -> memref<128x128xf32, #tpu.memory_space<vmem>>
    %dma_wait3A_156 = arith.constant 0 : i32
    %dma_wait3A_157 = tpu.memref_slice %arg4[%add3A_139, %dma_wait3A_156] : memref<32768x128xf32, #tpu.memory_space<hbm>> -> memref<128x128xf32, #tpu.memory_space<hbm>>
    %dma_wait3A_158 = arith.constant 0 : i32
    %dma_wait3A_159 = tpu.memref_slice %arg4[%add3A_139, %dma_wait3A_158] : memref<32768x128xf32, #tpu.memory_space<hbm>> -> memref<128x128xf32, #tpu.memory_space<hbm>>
    %dma_wait3A_160 = arith.constant 0 : i32
    %dma_wait3A_161 = arith.constant 0 : i32
    %dma_wait3A_162 = tpu.memref_slice %arg6[%rem3A_123, %dma_wait3A_160, %dma_wait3A_161] : memref<2x128x128xf32, #tpu.memory_space<vmem>> -> memref<1x128x128xf32, #tpu.memory_space<vmem>>
    %dma_wait3A_163 = tpu.memref_squeeze %dma_wait3A_162 : memref<1x128x128xf32, #tpu.memory_space<vmem>> -> memref<128x128xf32, #tpu.memory_space<vmem>>
    tpu.wait_dma2 semaphore(%arg8 : memref<!tpu.dma_semaphore, #tpu.memory_space<semaphore_mem>>) src(%dma_wait3A_163 : memref<128x128xf32, #tpu.memory_space<vmem>>) dst(%dma_wait3A_159 : memref<128x128xf32, #tpu.memory_space<hbm>>)
    %rem3A_164 = arith.constant 4 : i32
    %rem3A_165 = arith.constant 2 : i32
    %rem3A_166 = arith.remsi %rem3A_164, %rem3A_165 : i32
    %scan3A_167 = arith.constant 0 : i32
    %scan3A_168 = arith.constant 0 : i32
    %scan3A_169 = arith.constant 8 : i32
    %scan3A_170 = arith.addi %scan3A_168, %scan3A_169 : i32
    %scan3A_171 = arith.constant 1 : i32
    scf.for %scan3A_415 = %scan3A_168 to %scan3A_170 step %scan3A_171  : i32 {
      %mul3A_416 = arith.constant 16 : i32
      %mul3A_417 = arith.muli %scan3A_415, %mul3A_416 : i32
      %add3A_418 = arith.constant 512 : i32
      %add3A_419 = arith.addi %add3A_418, %mul3A_417 : i32
      %get3A = arith.index_cast %add3A_419 : i32 to index
      %get3A_420 = tpu.vector_load %arg5[%get3A] {strides = array<i32>} : memref<1024xi32, #tpu.memory_space<vmem>>, vector<16xi32>,
      %get3A_421 = vector.shape_cast %get3A_420 : vector<16xi32> to vector<16xi32>
      %add3A_422 = arith.addi %mul3A_2, %add3A_419 : i32
      %add3A_423 = arith.constant 0 : i32
      %add3A_424 = arith.addi %add3A_422, %add3A_423 : i32
      %slice3A = vector.extract_strided_slice %get3A_421 {offsets = [0], sizes = [1], strides = [1]} : vector<16xi32> to vector<1xi32>
      %squeeze3A = vector.extract %slice3A[0] : i32 from vector<1xi32>
      %mul3A_425 = arith.constant 128 : i32
      %mul3A_426 = arith.muli %squeeze3A, %mul3A_425 : i32
      %mul3A_427 = arith.constant 16 : i32
      %mul3A_428 = arith.muli %scan3A_415, %mul3A_427 : i32
      %add3A_429 = arith.constant 0 : i32
      %add3A_430 = arith.addi %mul3A_428, %add3A_429 : i32
      %dma_start3A_431 = arith.constant 0 : i32
      %dma_start3A_432 = tpu.memref_slice %arg6[%rem3A_166, %add3A_430, %dma_start3A_431] : memref<2x128x128xf32, #tpu.memory_space<vmem>> -> memref<1x1x128xf32, #tpu.memory_space<vmem>>
      %dma_start3A_433 = tpu.memref_squeeze %dma_start3A_432 : memref<1x1x128xf32, #tpu.memory_space<vmem>> -> memref<128xf32, #tpu.memory_space<vmem>>
      %dma_start3A_434 = tpu.memref_slice %arg2[%add3A_424, %mul3A_426] : memref<32768x2048xf32, #tpu.memory_space<hbm>> -> memref<1x128xf32, #tpu.memory_space<hbm>>
      %dma_start3A_435 = tpu.memref_squeeze %dma_start3A_434 : memref<1x128xf32, #tpu.memory_space<hbm>> -> memref<128xf32, #tpu.memory_space<hbm>>
      %dma_start3A_436 = arith.constant 0 : i32
      %dma_start3A_437 = tpu.memref_slice %arg6[%rem3A_166, %add3A_430, %dma_start3A_436] : memref<2x128x128xf32, #tpu.memory_space<vmem>> -> memref<1x1x128xf32, #tpu.memory_space<vmem>>
      %dma_start3A_438 = tpu.memref_squeeze %dma_start3A_437 : memref<1x1x128xf32, #tpu.memory_space<vmem>> -> memref<128xf32, #tpu.memory_space<vmem>>
      %dma_start3A_439 = tpu.memref_slice %arg2[%add3A_424, %mul3A_426] : memref<32768x2048xf32, #tpu.memory_space<hbm>> -> memref<1x128xf32, #tpu.memory_space<hbm>>
      %dma_start3A_440 = tpu.memref_squeeze %dma_start3A_439 : memref<1x128xf32, #tpu.memory_space<hbm>> -> memref<128xf32, #tpu.memory_space<hbm>>
      tpu.enqueue_dma source(%dma_start3A_440 : memref<128xf32, #tpu.memory_space<hbm>>) target(%dma_start3A_438 : memref<128xf32, #tpu.memory_space<vmem>>) target_semaphore(%arg7 : memref<!tpu.dma_semaphore, #tpu.memory_space<semaphore_mem>>)
      %add3A_441 = arith.addi %mul3A_2, %add3A_419 : i32
      %add3A_442 = arith.constant 1 : i32
      %add3A_443 = arith.addi %add3A_441, %add3A_442 : i32
      %slice3A_444 = vector.extract_strided_slice %get3A_421 {offsets = [1], sizes = [1], strides = [1]} : vector<16xi32> to vector<1xi32>
      %squeeze3A_445 = vector.extract %slice3A_444[0] : i32 from vector<1xi32>
      %mul3A_446 = arith.constant 128 : i32
      %mul3A_447 = arith.muli %squeeze3A_445, %mul3A_446 : i32
      %mul3A_448 = arith.constant 16 : i32
      %mul3A_449 = arith.muli %scan3A_415, %mul3A_448 : i32
      %add3A_450 = arith.constant 1 : i32
      %add3A_451 = arith.addi %mul3A_449, %add3A_450 : i32
      %dma_start3A_452 = arith.constant 0 : i32
      %dma_start3A_453 = tpu.memref_slice %arg6[%rem3A_166, %add3A_451, %dma_start3A_452] : memref<2x128x128xf32, #tpu.memory_space<vmem>> -> memref<1x1x128xf32, #tpu.memory_space<vmem>>
      %dma_start3A_454 = tpu.memref_squeeze %dma_start3A_453 : memref<1x1x128xf32, #tpu.memory_space<vmem>> -> memref<128xf32, #tpu.memory_space<vmem>>
      %dma_start3A_455 = tpu.memref_slice %arg2[%add3A_443, %mul3A_447] : memref<32768x2048xf32, #tpu.memory_space<hbm>> -> memref<1x128xf32, #tpu.memory_space<hbm>>
      %dma_start3A_456 = tpu.memref_squeeze %dma_start3A_455 : memref<1x128xf32, #tpu.memory_space<hbm>> -> memref<128xf32, #tpu.memory_space<hbm>>
      %dma_start3A_457 = arith.constant 0 : i32
      %dma_start3A_458 = tpu.memref_slice %arg6[%rem3A_166, %add3A_451, %dma_start3A_457] : memref<2x128x128xf32, #tpu.memory_space<vmem>> -> memref<1x1x128xf32, #tpu.memory_space<vmem>>
      %dma_start3A_459 = tpu.memref_squeeze %dma_start3A_458 : memref<1x1x128xf32, #tpu.memory_space<vmem>> -> memref<128xf32, #tpu.memory_space<vmem>>
      %dma_start3A_460 = tpu.memref_slice %arg2[%add3A_443, %mul3A_447] : memref<32768x2048xf32, #tpu.memory_space<hbm>> -> memref<1x128xf32, #tpu.memory_space<hbm>>
      %dma_start3A_461 = tpu.memref_squeeze %dma_start3A_460 : memref<1x128xf32, #tpu.memory_space<hbm>> -> memref<128xf32, #tpu.memory_space<hbm>>
      tpu.enqueue_dma source(%dma_start3A_461 : memref<128xf32, #tpu.memory_space<hbm>>) target(%dma_start3A_459 : memref<128xf32, #tpu.memory_space<vmem>>) target_semaphore(%arg7 : memref<!tpu.dma_semaphore, #tpu.memory_space<semaphore_mem>>)
      %add3A_462 = arith.addi %mul3A_2, %add3A_419 : i32
      %add3A_463 = arith.constant 2 : i32
      %add3A_464 = arith.addi %add3A_462, %add3A_463 : i32
      %slice3A_465 = vector.extract_strided_slice %get3A_421 {offsets = [2], sizes = [1], strides = [1]} : vector<16xi32> to vector<1xi32>
      %squeeze3A_466 = vector.extract %slice3A_465[0] : i32 from vector<1xi32>
      %mul3A_467 = arith.constant 128 : i32
      %mul3A_468 = arith.muli %squeeze3A_466, %mul3A_467 : i32
      %mul3A_469 = arith.constant 16 : i32
      %mul3A_470 = arith.muli %scan3A_415, %mul3A_469 : i32
      %add3A_471 = arith.constant 2 : i32
      %add3A_472 = arith.addi %mul3A_470, %add3A_471 : i32
      %dma_start3A_473 = arith.constant 0 : i32
      %dma_start3A_474 = tpu.memref_slice %arg6[%rem3A_166, %add3A_472, %dma_start3A_473] : memref<2x128x128xf32, #tpu.memory_space<vmem>> -> memref<1x1x128xf32, #tpu.memory_space<vmem>>
      %dma_start3A_475 = tpu.memref_squeeze %dma_start3A_474 : memref<1x1x128xf32, #tpu.memory_space<vmem>> -> memref<128xf32, #tpu.memory_space<vmem>>
      %dma_start3A_476 = tpu.memref_slice %arg2[%add3A_464, %mul3A_468] : memref<32768x2048xf32, #tpu.memory_space<hbm>> -> memref<1x128xf32, #tpu.memory_space<hbm>>
      %dma_start3A_477 = tpu.memref_squeeze %dma_start3A_476 : memref<1x128xf32, #tpu.memory_space<hbm>> -> memref<128xf32, #tpu.memory_space<hbm>>
      %dma_start3A_478 = arith.constant 0 : i32
      %dma_start3A_479 = tpu.memref_slice %arg6[%rem3A_166, %add3A_472, %dma_start3A_478] : memref<2x128x128xf32, #tpu.memory_space<vmem>> -> memref<1x1x128xf32, #tpu.memory_space<vmem>>
      %dma_start3A_480 = tpu.memref_squeeze %dma_start3A_479 : memref<1x1x128xf32, #tpu.memory_space<vmem>> -> memref<128xf32, #tpu.memory_space<vmem>>
      %dma_start3A_481 = tpu.memref_slice %arg2[%add3A_464, %mul3A_468] : memref<32768x2048xf32, #tpu.memory_space<hbm>> -> memref<1x128xf32, #tpu.memory_space<hbm>>
      %dma_start3A_482 = tpu.memref_squeeze %dma_start3A_481 : memref<1x128xf32, #tpu.memory_space<hbm>> -> memref<128xf32, #tpu.memory_space<hbm>>
      tpu.enqueue_dma source(%dma_start3A_482 : memref<128xf32, #tpu.memory_space<hbm>>) target(%dma_start3A_480 : memref<128xf32, #tpu.memory_space<vmem>>) target_semaphore(%arg7 : memref<!tpu.dma_semaphore, #tpu.memory_space<semaphore_mem>>)
      %add3A_483 = arith.addi %mul3A_2, %add3A_419 : i32
      %add3A_484 = arith.constant 3 : i32
      %add3A_485 = arith.addi %add3A_483, %add3A_484 : i32
      %slice3A_486 = vector.extract_strided_slice %get3A_421 {offsets = [3], sizes = [1], strides = [1]} : vector<16xi32> to vector<1xi32>
      %squeeze3A_487 = vector.extract %slice3A_486[0] : i32 from vector<1xi32>
      %mul3A_488 = arith.constant 128 : i32
      %mul3A_489 = arith.muli %squeeze3A_487, %mul3A_488 : i32
      %mul3A_490 = arith.constant 16 : i32
      %mul3A_491 = arith.muli %scan3A_415, %mul3A_490 : i32
      %add3A_492 = arith.constant 3 : i32
      %add3A_493 = arith.addi %mul3A_491, %add3A_492 : i32
      %dma_start3A_494 = arith.constant 0 : i32
      %dma_start3A_495 = tpu.memref_slice %arg6[%rem3A_166, %add3A_493, %dma_start3A_494] : memref<2x128x128xf32, #tpu.memory_space<vmem>> -> memref<1x1x128xf32, #tpu.memory_space<vmem>>
      %dma_start3A_496 = tpu.memref_squeeze %dma_start3A_495 : memref<1x1x128xf32, #tpu.memory_space<vmem>> -> memref<128xf32, #tpu.memory_space<vmem>>
      %dma_start3A_497 = tpu.memref_slice %arg2[%add3A_485, %mul3A_489] : memref<32768x2048xf32, #tpu.memory_space<hbm>> -> memref<1x128xf32, #tpu.memory_space<hbm>>
      %dma_start3A_498 = tpu.memref_squeeze %dma_start3A_497 : memref<1x128xf32, #tpu.memory_space<hbm>> -> memref<128xf32, #tpu.memory_space<hbm>>
      %dma_start3A_499 = arith.constant 0 : i32
      %dma_start3A_500 = tpu.memref_slice %arg6[%rem3A_166, %add3A_493, %dma_start3A_499] : memref<2x128x128xf32, #tpu.memory_space<vmem>> -> memref<1x1x128xf32, #tpu.memory_space<vmem>>
      %dma_start3A_501 = tpu.memref_squeeze %dma_start3A_500 : memref<1x1x128xf32, #tpu.memory_space<vmem>> -> memref<128xf32, #tpu.memory_space<vmem>>
      %dma_start3A_502 = tpu.memref_slice %arg2[%add3A_485, %mul3A_489] : memref<32768x2048xf32, #tpu.memory_space<hbm>> -> memref<1x128xf32, #tpu.memory_space<hbm>>
      %dma_start3A_503 = tpu.memref_squeeze %dma_start3A_502 : memref<1x128xf32, #tpu.memory_space<hbm>> -> memref<128xf32, #tpu.memory_space<hbm>>
      tpu.enqueue_dma source(%dma_start3A_503 : memref<128xf32, #tpu.memory_space<hbm>>) target(%dma_start3A_501 : memref<128xf32, #tpu.memory_space<vmem>>) target_semaphore(%arg7 : memref<!tpu.dma_semaphore, #tpu.memory_space<semaphore_mem>>)
      %add3A_504 = arith.addi %mul3A_2, %add3A_419 : i32
      %add3A_505 = arith.constant 4 : i32
      %add3A_506 = arith.addi %add3A_504, %add3A_505 : i32
      %slice3A_507 = vector.extract_strided_slice %get3A_421 {offsets = [4], sizes = [1], strides = [1]} : vector<16xi32> to vector<1xi32>
      %squeeze3A_508 = vector.extract %slice3A_507[0] : i32 from vector<1xi32>
      %mul3A_509 = arith.constant 128 : i32
      %mul3A_510 = arith.muli %squeeze3A_508, %mul3A_509 : i32
      %mul3A_511 = arith.constant 16 : i32
      %mul3A_512 = arith.muli %scan3A_415, %mul3A_511 : i32
      %add3A_513 = arith.constant 4 : i32
      %add3A_514 = arith.addi %mul3A_512, %add3A_513 : i32
      %dma_start3A_515 = arith.constant 0 : i32
      %dma_start3A_516 = tpu.memref_slice %arg6[%rem3A_166, %add3A_514, %dma_start3A_515] : memref<2x128x128xf32, #tpu.memory_space<vmem>> -> memref<1x1x128xf32, #tpu.memory_space<vmem>>
      %dma_start3A_517 = tpu.memref_squeeze %dma_start3A_516 : memref<1x1x128xf32, #tpu.memory_space<vmem>> -> memref<128xf32, #tpu.memory_space<vmem>>
      %dma_start3A_518 = tpu.memref_slice %arg2[%add3A_506, %mul3A_510] : memref<32768x2048xf32, #tpu.memory_space<hbm>> -> memref<1x128xf32, #tpu.memory_space<hbm>>
      %dma_start3A_519 = tpu.memref_squeeze %dma_start3A_518 : memref<1x128xf32, #tpu.memory_space<hbm>> -> memref<128xf32, #tpu.memory_space<hbm>>
      %dma_start3A_520 = arith.constant 0 : i32
      %dma_start3A_521 = tpu.memref_slice %arg6[%rem3A_166, %add3A_514, %dma_start3A_520] : memref<2x128x128xf32, #tpu.memory_space<vmem>> -> memref<1x1x128xf32, #tpu.memory_space<vmem>>
      %dma_start3A_522 = tpu.memref_squeeze %dma_start3A_521 : memref<1x1x128xf32, #tpu.memory_space<vmem>> -> memref<128xf32, #tpu.memory_space<vmem>>
      %dma_start3A_523 = tpu.memref_slice %arg2[%add3A_506, %mul3A_510] : memref<32768x2048xf32, #tpu.memory_space<hbm>> -> memref<1x128xf32, #tpu.memory_space<hbm>>
      %dma_start3A_524 = tpu.memref_squeeze %dma_start3A_523 : memref<1x128xf32, #tpu.memory_space<hbm>> -> memref<128xf32, #tpu.memory_space<hbm>>
      tpu.enqueue_dma source(%dma_start3A_524 : memref<128xf32, #tpu.memory_space<hbm>>) target(%dma_start3A_522 : memref<128xf32, #tpu.memory_space<vmem>>) target_semaphore(%arg7 : memref<!tpu.dma_semaphore, #tpu.memory_space<semaphore_mem>>)
      %add3A_525 = arith.addi %mul3A_2, %add3A_419 : i32
      %add3A_526 = arith.constant 5 : i32
      %add3A_527 = arith.addi %add3A_525, %add3A_526 : i32
      %slice3A_528 = vector.extract_strided_slice %get3A_421 {offsets = [5], sizes = [1], strides = [1]} : vector<16xi32> to vector<1xi32>
      %squeeze3A_529 = vector.extract %slice3A_528[0] : i32 from vector<1xi32>
      %mul3A_530 = arith.constant 128 : i32
      %mul3A_531 = arith.muli %squeeze3A_529, %mul3A_530 : i32
      %mul3A_532 = arith.constant 16 : i32
      %mul3A_533 = arith.muli %scan3A_415, %mul3A_532 : i32
      %add3A_534 = arith.constant 5 : i32
      %add3A_535 = arith.addi %mul3A_533, %add3A_534 : i32
      %dma_start3A_536 = arith.constant 0 : i32
      %dma_start3A_537 = tpu.memref_slice %arg6[%rem3A_166, %add3A_535, %dma_start3A_536] : memref<2x128x128xf32, #tpu.memory_space<vmem>> -> memref<1x1x128xf32, #tpu.memory_space<vmem>>
      %dma_start3A_538 = tpu.memref_squeeze %dma_start3A_537 : memref<1x1x128xf32, #tpu.memory_space<vmem>> -> memref<128xf32, #tpu.memory_space<vmem>>
      %dma_start3A_539 = tpu.memref_slice %arg2[%add3A_527, %mul3A_531] : memref<32768x2048xf32, #tpu.memory_space<hbm>> -> memref<1x128xf32, #tpu.memory_space<hbm>>
      %dma_start3A_540 = tpu.memref_squeeze %dma_start3A_539 : memref<1x128xf32, #tpu.memory_space<hbm>> -> memref<128xf32, #tpu.memory_space<hbm>>
      %dma_start3A_541 = arith.constant 0 : i32
      %dma_start3A_542 = tpu.memref_slice %arg6[%rem3A_166, %add3A_535, %dma_start3A_541] : memref<2x128x128xf32, #tpu.memory_space<vmem>> -> memref<1x1x128xf32, #tpu.memory_space<vmem>>
      %dma_start3A_543 = tpu.memref_squeeze %dma_start3A_542 : memref<1x1x128xf32, #tpu.memory_space<vmem>> -> memref<128xf32, #tpu.memory_space<vmem>>
      %dma_start3A_544 = tpu.memref_slice %arg2[%add3A_527, %mul3A_531] : memref<32768x2048xf32, #tpu.memory_space<hbm>> -> memref<1x128xf32, #tpu.memory_space<hbm>>
      %dma_start3A_545 = tpu.memref_squeeze %dma_start3A_544 : memref<1x128xf32, #tpu.memory_space<hbm>> -> memref<128xf32, #tpu.memory_space<hbm>>
      tpu.enqueue_dma source(%dma_start3A_545 : memref<128xf32, #tpu.memory_space<hbm>>) target(%dma_start3A_543 : memref<128xf32, #tpu.memory_space<vmem>>) target_semaphore(%arg7 : memref<!tpu.dma_semaphore, #tpu.memory_space<semaphore_mem>>)
      %add3A_546 = arith.addi %mul3A_2, %add3A_419 : i32
      %add3A_547 = arith.constant 6 : i32
      %add3A_548 = arith.addi %add3A_546, %add3A_547 : i32
      %slice3A_549 = vector.extract_strided_slice %get3A_421 {offsets = [6], sizes = [1], strides = [1]} : vector<16xi32> to vector<1xi32>
      %squeeze3A_550 = vector.extract %slice3A_549[0] : i32 from vector<1xi32>
      %mul3A_551 = arith.constant 128 : i32
      %mul3A_552 = arith.muli %squeeze3A_550, %mul3A_551 : i32
      %mul3A_553 = arith.constant 16 : i32
      %mul3A_554 = arith.muli %scan3A_415, %mul3A_553 : i32
      %add3A_555 = arith.constant 6 : i32
      %add3A_556 = arith.addi %mul3A_554, %add3A_555 : i32
      %dma_start3A_557 = arith.constant 0 : i32
      %dma_start3A_558 = tpu.memref_slice %arg6[%rem3A_166, %add3A_556, %dma_start3A_557] : memref<2x128x128xf32, #tpu.memory_space<vmem>> -> memref<1x1x128xf32, #tpu.memory_space<vmem>>
      %dma_start3A_559 = tpu.memref_squeeze %dma_start3A_558 : memref<1x1x128xf32, #tpu.memory_space<vmem>> -> memref<128xf32, #tpu.memory_space<vmem>>
      %dma_start3A_560 = tpu.memref_slice %arg2[%add3A_548, %mul3A_552] : memref<32768x2048xf32, #tpu.memory_space<hbm>> -> memref<1x128xf32, #tpu.memory_space<hbm>>
      %dma_start3A_561 = tpu.memref_squeeze %dma_start3A_560 : memref<1x128xf32, #tpu.memory_space<hbm>> -> memref<128xf32, #tpu.memory_space<hbm>>
      %dma_start3A_562 = arith.constant 0 : i32
      %dma_start3A_563 = tpu.memref_slice %arg6[%rem3A_166, %add3A_556, %dma_start3A_562] : memref<2x128x128xf32, #tpu.memory_space<vmem>> -> memref<1x1x128xf32, #tpu.memory_space<vmem>>
      %dma_start3A_564 = tpu.memref_squeeze %dma_start3A_563 : memref<1x1x128xf32, #tpu.memory_space<vmem>> -> memref<128xf32, #tpu.memory_space<vmem>>
      %dma_start3A_565 = tpu.memref_slice %arg2[%add3A_548, %mul3A_552] : memref<32768x2048xf32, #tpu.memory_space<hbm>> -> memref<1x128xf32, #tpu.memory_space<hbm>>
      %dma_start3A_566 = tpu.memref_squeeze %dma_start3A_565 : memref<1x128xf32, #tpu.memory_space<hbm>> -> memref<128xf32, #tpu.memory_space<hbm>>
      tpu.enqueue_dma source(%dma_start3A_566 : memref<128xf32, #tpu.memory_space<hbm>>) target(%dma_start3A_564 : memref<128xf32, #tpu.memory_space<vmem>>) target_semaphore(%arg7 : memref<!tpu.dma_semaphore, #tpu.memory_space<semaphore_mem>>)
      %add3A_567 = arith.addi %mul3A_2, %add3A_419 : i32
      %add3A_568 = arith.constant 7 : i32
      %add3A_569 = arith.addi %add3A_567, %add3A_568 : i32
      %slice3A_570 = vector.extract_strided_slice %get3A_421 {offsets = [7], sizes = [1], strides = [1]} : vector<16xi32> to vector<1xi32>
      %squeeze3A_571 = vector.extract %slice3A_570[0] : i32 from vector<1xi32>
      %mul3A_572 = arith.constant 128 : i32
      %mul3A_573 = arith.muli %squeeze3A_571, %mul3A_572 : i32
      %mul3A_574 = arith.constant 16 : i32
      %mul3A_575 = arith.muli %scan3A_415, %mul3A_574 : i32
      %add3A_576 = arith.constant 7 : i32
      %add3A_577 = arith.addi %mul3A_575, %add3A_576 : i32
      %dma_start3A_578 = arith.constant 0 : i32
      %dma_start3A_579 = tpu.memref_slice %arg6[%rem3A_166, %add3A_577, %dma_start3A_578] : memref<2x128x128xf32, #tpu.memory_space<vmem>> -> memref<1x1x128xf32, #tpu.memory_space<vmem>>
      %dma_start3A_580 = tpu.memref_squeeze %dma_start3A_579 : memref<1x1x128xf32, #tpu.memory_space<vmem>> -> memref<128xf32, #tpu.memory_space<vmem>>
      %dma_start3A_581 = tpu.memref_slice %arg2[%add3A_569, %mul3A_573] : memref<32768x2048xf32, #tpu.memory_space<hbm>> -> memref<1x128xf32, #tpu.memory_space<hbm>>
      %dma_start3A_582 = tpu.memref_squeeze %dma_start3A_581 : memref<1x128xf32, #tpu.memory_space<hbm>> -> memref<128xf32, #tpu.memory_space<hbm>>
      %dma_start3A_583 = arith.constant 0 : i32
      %dma_start3A_584 = tpu.memref_slice %arg6[%rem3A_166, %add3A_577, %dma_start3A_583] : memref<2x128x128xf32, #tpu.memory_space<vmem>> -> memref<1x1x128xf32, #tpu.memory_space<vmem>>
      %dma_start3A_585 = tpu.memref_squeeze %dma_start3A_584 : memref<1x1x128xf32, #tpu.memory_space<vmem>> -> memref<128xf32, #tpu.memory_space<vmem>>
      %dma_start3A_586 = tpu.memref_slice %arg2[%add3A_569, %mul3A_573] : memref<32768x2048xf32, #tpu.memory_space<hbm>> -> memref<1x128xf32, #tpu.memory_space<hbm>>
      %dma_start3A_587 = tpu.memref_squeeze %dma_start3A_586 : memref<1x128xf32, #tpu.memory_space<hbm>> -> memref<128xf32, #tpu.memory_space<hbm>>
      tpu.enqueue_dma source(%dma_start3A_587 : memref<128xf32, #tpu.memory_space<hbm>>) target(%dma_start3A_585 : memref<128xf32, #tpu.memory_space<vmem>>) target_semaphore(%arg7 : memref<!tpu.dma_semaphore, #tpu.memory_space<semaphore_mem>>)
      %add3A_588 = arith.addi %mul3A_2, %add3A_419 : i32
      %add3A_589 = arith.constant 8 : i32
      %add3A_590 = arith.addi %add3A_588, %add3A_589 : i32
      %slice3A_591 = vector.extract_strided_slice %get3A_421 {offsets = [8], sizes = [1], strides = [1]} : vector<16xi32> to vector<1xi32>
      %squeeze3A_592 = vector.extract %slice3A_591[0] : i32 from vector<1xi32>
      %mul3A_593 = arith.constant 128 : i32
      %mul3A_594 = arith.muli %squeeze3A_592, %mul3A_593 : i32
      %mul3A_595 = arith.constant 16 : i32
      %mul3A_596 = arith.muli %scan3A_415, %mul3A_595 : i32
      %add3A_597 = arith.constant 8 : i32
      %add3A_598 = arith.addi %mul3A_596, %add3A_597 : i32
      %dma_start3A_599 = arith.constant 0 : i32
      %dma_start3A_600 = tpu.memref_slice %arg6[%rem3A_166, %add3A_598, %dma_start3A_599] : memref<2x128x128xf32, #tpu.memory_space<vmem>> -> memref<1x1x128xf32, #tpu.memory_space<vmem>>
      %dma_start3A_601 = tpu.memref_squeeze %dma_start3A_600 : memref<1x1x128xf32, #tpu.memory_space<vmem>> -> memref<128xf32, #tpu.memory_space<vmem>>
      %dma_start3A_602 = tpu.memref_slice %arg2[%add3A_590, %mul3A_594] : memref<32768x2048xf32, #tpu.memory_space<hbm>> -> memref<1x128xf32, #tpu.memory_space<hbm>>
      %dma_start3A_603 = tpu.memref_squeeze %dma_start3A_602 : memref<1x128xf32, #tpu.memory_space<hbm>> -> memref<128xf32, #tpu.memory_space<hbm>>
      %dma_start3A_604 = arith.constant 0 : i32
      %dma_start3A_605 = tpu.memref_slice %arg6[%rem3A_166, %add3A_598, %dma_start3A_604] : memref<2x128x128xf32, #tpu.memory_space<vmem>> -> memref<1x1x128xf32, #tpu.memory_space<vmem>>
      %dma_start3A_606 = tpu.memref_squeeze %dma_start3A_605 : memref<1x1x128xf32, #tpu.memory_space<vmem>> -> memref<128xf32, #tpu.memory_space<vmem>>
      %dma_start3A_607 = tpu.memref_slice %arg2[%add3A_590, %mul3A_594] : memref<32768x2048xf32, #tpu.memory_space<hbm>> -> memref<1x128xf32, #tpu.memory_space<hbm>>
      %dma_start3A_608 = tpu.memref_squeeze %dma_start3A_607 : memref<1x128xf32, #tpu.memory_space<hbm>> -> memref<128xf32, #tpu.memory_space<hbm>>
      tpu.enqueue_dma source(%dma_start3A_608 : memref<128xf32, #tpu.memory_space<hbm>>) target(%dma_start3A_606 : memref<128xf32, #tpu.memory_space<vmem>>) target_semaphore(%arg7 : memref<!tpu.dma_semaphore, #tpu.memory_space<semaphore_mem>>)
      %add3A_609 = arith.addi %mul3A_2, %add3A_419 : i32
      %add3A_610 = arith.constant 9 : i32
      %add3A_611 = arith.addi %add3A_609, %add3A_610 : i32
      %slice3A_612 = vector.extract_strided_slice %get3A_421 {offsets = [9], sizes = [1], strides = [1]} : vector<16xi32> to vector<1xi32>
      %squeeze3A_613 = vector.extract %slice3A_612[0] : i32 from vector<1xi32>
      %mul3A_614 = arith.constant 128 : i32
      %mul3A_615 = arith.muli %squeeze3A_613, %mul3A_614 : i32
      %mul3A_616 = arith.constant 16 : i32
      %mul3A_617 = arith.muli %scan3A_415, %mul3A_616 : i32
      %add3A_618 = arith.constant 9 : i32
      %add3A_619 = arith.addi %mul3A_617, %add3A_618 : i32
      %dma_start3A_620 = arith.constant 0 : i32
      %dma_start3A_621 = tpu.memref_slice %arg6[%rem3A_166, %add3A_619, %dma_start3A_620] : memref<2x128x128xf32, #tpu.memory_space<vmem>> -> memref<1x1x128xf32, #tpu.memory_space<vmem>>
      %dma_start3A_622 = tpu.memref_squeeze %dma_start3A_621 : memref<1x1x128xf32, #tpu.memory_space<vmem>> -> memref<128xf32, #tpu.memory_space<vmem>>
      %dma_start3A_623 = tpu.memref_slice %arg2[%add3A_611, %mul3A_615] : memref<32768x2048xf32, #tpu.memory_space<hbm>> -> memref<1x128xf32, #tpu.memory_space<hbm>>
      %dma_start3A_624 = tpu.memref_squeeze %dma_start3A_623 : memref<1x128xf32, #tpu.memory_space<hbm>> -> memref<128xf32, #tpu.memory_space<hbm>>
      %dma_start3A_625 = arith.constant 0 : i32
      %dma_start3A_626 = tpu.memref_slice %arg6[%rem3A_166, %add3A_619, %dma_start3A_625] : memref<2x128x128xf32, #tpu.memory_space<vmem>> -> memref<1x1x128xf32, #tpu.memory_space<vmem>>
      %dma_start3A_627 = tpu.memref_squeeze %dma_start3A_626 : memref<1x1x128xf32, #tpu.memory_space<vmem>> -> memref<128xf32, #tpu.memory_space<vmem>>
      %dma_start3A_628 = tpu.memref_slice %arg2[%add3A_611, %mul3A_615] : memref<32768x2048xf32, #tpu.memory_space<hbm>> -> memref<1x128xf32, #tpu.memory_space<hbm>>
      %dma_start3A_629 = tpu.memref_squeeze %dma_start3A_628 : memref<1x128xf32, #tpu.memory_space<hbm>> -> memref<128xf32, #tpu.memory_space<hbm>>
      tpu.enqueue_dma source(%dma_start3A_629 : memref<128xf32, #tpu.memory_space<hbm>>) target(%dma_start3A_627 : memref<128xf32, #tpu.memory_space<vmem>>) target_semaphore(%arg7 : memref<!tpu.dma_semaphore, #tpu.memory_space<semaphore_mem>>)
      %add3A_630 = arith.addi %mul3A_2, %add3A_419 : i32
      %add3A_631 = arith.constant 10 : i32
      %add3A_632 = arith.addi %add3A_630, %add3A_631 : i32
      %slice3A_633 = vector.extract_strided_slice %get3A_421 {offsets = [10], sizes = [1], strides = [1]} : vector<16xi32> to vector<1xi32>
      %squeeze3A_634 = vector.extract %slice3A_633[0] : i32 from vector<1xi32>
      %mul3A_635 = arith.constant 128 : i32
      %mul3A_636 = arith.muli %squeeze3A_634, %mul3A_635 : i32
      %mul3A_637 = arith.constant 16 : i32
      %mul3A_638 = arith.muli %scan3A_415, %mul3A_637 : i32
      %add3A_639 = arith.constant 10 : i32
      %add3A_640 = arith.addi %mul3A_638, %add3A_639 : i32
      %dma_start3A_641 = arith.constant 0 : i32
      %dma_start3A_642 = tpu.memref_slice %arg6[%rem3A_166, %add3A_640, %dma_start3A_641] : memref<2x128x128xf32, #tpu.memory_space<vmem>> -> memref<1x1x128xf32, #tpu.memory_space<vmem>>
      %dma_start3A_643 = tpu.memref_squeeze %dma_start3A_642 : memref<1x1x128xf32, #tpu.memory_space<vmem>> -> memref<128xf32, #tpu.memory_space<vmem>>
      %dma_start3A_644 = tpu.memref_slice %arg2[%add3A_632, %mul3A_636] : memref<32768x2048xf32, #tpu.memory_space<hbm>> -> memref<1x128xf32, #tpu.memory_space<hbm>>
      %dma_start3A_645 = tpu.memref_squeeze %dma_start3A_644 : memref<1x128xf32, #tpu.memory_space<hbm>> -> memref<128xf32, #tpu.memory_space<hbm>>
      %dma_start3A_646 = arith.constant 0 : i32
      %dma_start3A_647 = tpu.memref_slice %arg6[%rem3A_166, %add3A_640, %dma_start3A_646] : memref<2x128x128xf32, #tpu.memory_space<vmem>> -> memref<1x1x128xf32, #tpu.memory_space<vmem>>
      %dma_start3A_648 = tpu.memref_squeeze %dma_start3A_647 : memref<1x1x128xf32, #tpu.memory_space<vmem>> -> memref<128xf32, #tpu.memory_space<vmem>>
      %dma_start3A_649 = tpu.memref_slice %arg2[%add3A_632, %mul3A_636] : memref<32768x2048xf32, #tpu.memory_space<hbm>> -> memref<1x128xf32, #tpu.memory_space<hbm>>
      %dma_start3A_650 = tpu.memref_squeeze %dma_start3A_649 : memref<1x128xf32, #tpu.memory_space<hbm>> -> memref<128xf32, #tpu.memory_space<hbm>>
      tpu.enqueue_dma source(%dma_start3A_650 : memref<128xf32, #tpu.memory_space<hbm>>) target(%dma_start3A_648 : memref<128xf32, #tpu.memory_space<vmem>>) target_semaphore(%arg7 : memref<!tpu.dma_semaphore, #tpu.memory_space<semaphore_mem>>)
      %add3A_651 = arith.addi %mul3A_2, %add3A_419 : i32
      %add3A_652 = arith.constant 11 : i32
      %add3A_653 = arith.addi %add3A_651, %add3A_652 : i32
      %slice3A_654 = vector.extract_strided_slice %get3A_421 {offsets = [11], sizes = [1], strides = [1]} : vector<16xi32> to vector<1xi32>
      %squeeze3A_655 = vector.extract %slice3A_654[0] : i32 from vector<1xi32>
      %mul3A_656 = arith.constant 128 : i32
      %mul3A_657 = arith.muli %squeeze3A_655, %mul3A_656 : i32
      %mul3A_658 = arith.constant 16 : i32
      %mul3A_659 = arith.muli %scan3A_415, %mul3A_658 : i32
      %add3A_660 = arith.constant 11 : i32
      %add3A_661 = arith.addi %mul3A_659, %add3A_660 : i32
      %dma_start3A_662 = arith.constant 0 : i32
      %dma_start3A_663 = tpu.memref_slice %arg6[%rem3A_166, %add3A_661, %dma_start3A_662] : memref<2x128x128xf32, #tpu.memory_space<vmem>> -> memref<1x1x128xf32, #tpu.memory_space<vmem>>
      %dma_start3A_664 = tpu.memref_squeeze %dma_start3A_663 : memref<1x1x128xf32, #tpu.memory_space<vmem>> -> memref<128xf32, #tpu.memory_space<vmem>>
      %dma_start3A_665 = tpu.memref_slice %arg2[%add3A_653, %mul3A_657] : memref<32768x2048xf32, #tpu.memory_space<hbm>> -> memref<1x128xf32, #tpu.memory_space<hbm>>
      %dma_start3A_666 = tpu.memref_squeeze %dma_start3A_665 : memref<1x128xf32, #tpu.memory_space<hbm>> -> memref<128xf32, #tpu.memory_space<hbm>>
      %dma_start3A_667 = arith.constant 0 : i32
      %dma_start3A_668 = tpu.memref_slice %arg6[%rem3A_166, %add3A_661, %dma_start3A_667] : memref<2x128x128xf32, #tpu.memory_space<vmem>> -> memref<1x1x128xf32, #tpu.memory_space<vmem>>
      %dma_start3A_669 = tpu.memref_squeeze %dma_start3A_668 : memref<1x1x128xf32, #tpu.memory_space<vmem>> -> memref<128xf32, #tpu.memory_space<vmem>>
      %dma_start3A_670 = tpu.memref_slice %arg2[%add3A_653, %mul3A_657] : memref<32768x2048xf32, #tpu.memory_space<hbm>> -> memref<1x128xf32, #tpu.memory_space<hbm>>
      %dma_start3A_671 = tpu.memref_squeeze %dma_start3A_670 : memref<1x128xf32, #tpu.memory_space<hbm>> -> memref<128xf32, #tpu.memory_space<hbm>>
      tpu.enqueue_dma source(%dma_start3A_671 : memref<128xf32, #tpu.memory_space<hbm>>) target(%dma_start3A_669 : memref<128xf32, #tpu.memory_space<vmem>>) target_semaphore(%arg7 : memref<!tpu.dma_semaphore, #tpu.memory_space<semaphore_mem>>)
      %add3A_672 = arith.addi %mul3A_2, %add3A_419 : i32
      %add3A_673 = arith.constant 12 : i32
      %add3A_674 = arith.addi %add3A_672, %add3A_673 : i32
      %slice3A_675 = vector.extract_strided_slice %get3A_421 {offsets = [12], sizes = [1], strides = [1]} : vector<16xi32> to vector<1xi32>
      %squeeze3A_676 = vector.extract %slice3A_675[0] : i32 from vector<1xi32>
      %mul3A_677 = arith.constant 128 : i32
      %mul3A_678 = arith.muli %squeeze3A_676, %mul3A_677 : i32
      %mul3A_679 = arith.constant 16 : i32
      %mul3A_680 = arith.muli %scan3A_415, %mul3A_679 : i32
      %add3A_681 = arith.constant 12 : i32
      %add3A_682 = arith.addi %mul3A_680, %add3A_681 : i32
      %dma_start3A_683 = arith.constant 0 : i32
      %dma_start3A_684 = tpu.memref_slice %arg6[%rem3A_166, %add3A_682, %dma_start3A_683] : memref<2x128x128xf32, #tpu.memory_space<vmem>> -> memref<1x1x128xf32, #tpu.memory_space<vmem>>
      %dma_start3A_685 = tpu.memref_squeeze %dma_start3A_684 : memref<1x1x128xf32, #tpu.memory_space<vmem>> -> memref<128xf32, #tpu.memory_space<vmem>>
      %dma_start3A_686 = tpu.memref_slice %arg2[%add3A_674, %mul3A_678] : memref<32768x2048xf32, #tpu.memory_space<hbm>> -> memref<1x128xf32, #tpu.memory_space<hbm>>
      %dma_start3A_687 = tpu.memref_squeeze %dma_start3A_686 : memref<1x128xf32, #tpu.memory_space<hbm>> -> memref<128xf32, #tpu.memory_space<hbm>>
      %dma_start3A_688 = arith.constant 0 : i32
      %dma_start3A_689 = tpu.memref_slice %arg6[%rem3A_166, %add3A_682, %dma_start3A_688] : memref<2x128x128xf32, #tpu.memory_space<vmem>> -> memref<1x1x128xf32, #tpu.memory_space<vmem>>
      %dma_start3A_690 = tpu.memref_squeeze %dma_start3A_689 : memref<1x1x128xf32, #tpu.memory_space<vmem>> -> memref<128xf32, #tpu.memory_space<vmem>>
      %dma_start3A_691 = tpu.memref_slice %arg2[%add3A_674, %mul3A_678] : memref<32768x2048xf32, #tpu.memory_space<hbm>> -> memref<1x128xf32, #tpu.memory_space<hbm>>
      %dma_start3A_692 = tpu.memref_squeeze %dma_start3A_691 : memref<1x128xf32, #tpu.memory_space<hbm>> -> memref<128xf32, #tpu.memory_space<hbm>>
      tpu.enqueue_dma source(%dma_start3A_692 : memref<128xf32, #tpu.memory_space<hbm>>) target(%dma_start3A_690 : memref<128xf32, #tpu.memory_space<vmem>>) target_semaphore(%arg7 : memref<!tpu.dma_semaphore, #tpu.memory_space<semaphore_mem>>)
      %add3A_693 = arith.addi %mul3A_2, %add3A_419 : i32
      %add3A_694 = arith.constant 13 : i32
      %add3A_695 = arith.addi %add3A_693, %add3A_694 : i32
      %slice3A_696 = vector.extract_strided_slice %get3A_421 {offsets = [13], sizes = [1], strides = [1]} : vector<16xi32> to vector<1xi32>
      %squeeze3A_697 = vector.extract %slice3A_696[0] : i32 from vector<1xi32>
      %mul3A_698 = arith.constant 128 : i32
      %mul3A_699 = arith.muli %squeeze3A_697, %mul3A_698 : i32
      %mul3A_700 = arith.constant 16 : i32
      %mul3A_701 = arith.muli %scan3A_415, %mul3A_700 : i32
      %add3A_702 = arith.constant 13 : i32
      %add3A_703 = arith.addi %mul3A_701, %add3A_702 : i32
      %dma_start3A_704 = arith.constant 0 : i32
      %dma_start3A_705 = tpu.memref_slice %arg6[%rem3A_166, %add3A_703, %dma_start3A_704] : memref<2x128x128xf32, #tpu.memory_space<vmem>> -> memref<1x1x128xf32, #tpu.memory_space<vmem>>
      %dma_start3A_706 = tpu.memref_squeeze %dma_start3A_705 : memref<1x1x128xf32, #tpu.memory_space<vmem>> -> memref<128xf32, #tpu.memory_space<vmem>>
      %dma_start3A_707 = tpu.memref_slice %arg2[%add3A_695, %mul3A_699] : memref<32768x2048xf32, #tpu.memory_space<hbm>> -> memref<1x128xf32, #tpu.memory_space<hbm>>
      %dma_start3A_708 = tpu.memref_squeeze %dma_start3A_707 : memref<1x128xf32, #tpu.memory_space<hbm>> -> memref<128xf32, #tpu.memory_space<hbm>>
      %dma_start3A_709 = arith.constant 0 : i32
      %dma_start3A_710 = tpu.memref_slice %arg6[%rem3A_166, %add3A_703, %dma_start3A_709] : memref<2x128x128xf32, #tpu.memory_space<vmem>> -> memref<1x1x128xf32, #tpu.memory_space<vmem>>
      %dma_start3A_711 = tpu.memref_squeeze %dma_start3A_710 : memref<1x1x128xf32, #tpu.memory_space<vmem>> -> memref<128xf32, #tpu.memory_space<vmem>>
      %dma_start3A_712 = tpu.memref_slice %arg2[%add3A_695, %mul3A_699] : memref<32768x2048xf32, #tpu.memory_space<hbm>> -> memref<1x128xf32, #tpu.memory_space<hbm>>
      %dma_start3A_713 = tpu.memref_squeeze %dma_start3A_712 : memref<1x128xf32, #tpu.memory_space<hbm>> -> memref<128xf32, #tpu.memory_space<hbm>>
      tpu.enqueue_dma source(%dma_start3A_713 : memref<128xf32, #tpu.memory_space<hbm>>) target(%dma_start3A_711 : memref<128xf32, #tpu.memory_space<vmem>>) target_semaphore(%arg7 : memref<!tpu.dma_semaphore, #tpu.memory_space<semaphore_mem>>)
      %add3A_714 = arith.addi %mul3A_2, %add3A_419 : i32
      %add3A_715 = arith.constant 14 : i32
      %add3A_716 = arith.addi %add3A_714, %add3A_715 : i32
      %slice3A_717 = vector.extract_strided_slice %get3A_421 {offsets = [14], sizes = [1], strides = [1]} : vector<16xi32> to vector<1xi32>
      %squeeze3A_718 = vector.extract %slice3A_717[0] : i32 from vector<1xi32>
      %mul3A_719 = arith.constant 128 : i32
      %mul3A_720 = arith.muli %squeeze3A_718, %mul3A_719 : i32
      %mul3A_721 = arith.constant 16 : i32
      %mul3A_722 = arith.muli %scan3A_415, %mul3A_721 : i32
      %add3A_723 = arith.constant 14 : i32
      %add3A_724 = arith.addi %mul3A_722, %add3A_723 : i32
      %dma_start3A_725 = arith.constant 0 : i32
      %dma_start3A_726 = tpu.memref_slice %arg6[%rem3A_166, %add3A_724, %dma_start3A_725] : memref<2x128x128xf32, #tpu.memory_space<vmem>> -> memref<1x1x128xf32, #tpu.memory_space<vmem>>
      %dma_start3A_727 = tpu.memref_squeeze %dma_start3A_726 : memref<1x1x128xf32, #tpu.memory_space<vmem>> -> memref<128xf32, #tpu.memory_space<vmem>>
      %dma_start3A_728 = tpu.memref_slice %arg2[%add3A_716, %mul3A_720] : memref<32768x2048xf32, #tpu.memory_space<hbm>> -> memref<1x128xf32, #tpu.memory_space<hbm>>
      %dma_start3A_729 = tpu.memref_squeeze %dma_start3A_728 : memref<1x128xf32, #tpu.memory_space<hbm>> -> memref<128xf32, #tpu.memory_space<hbm>>
      %dma_start3A_730 = arith.constant 0 : i32
      %dma_start3A_731 = tpu.memref_slice %arg6[%rem3A_166, %add3A_724, %dma_start3A_730] : memref<2x128x128xf32, #tpu.memory_space<vmem>> -> memref<1x1x128xf32, #tpu.memory_space<vmem>>
      %dma_start3A_732 = tpu.memref_squeeze %dma_start3A_731 : memref<1x1x128xf32, #tpu.memory_space<vmem>> -> memref<128xf32, #tpu.memory_space<vmem>>
      %dma_start3A_733 = tpu.memref_slice %arg2[%add3A_716, %mul3A_720] : memref<32768x2048xf32, #tpu.memory_space<hbm>> -> memref<1x128xf32, #tpu.memory_space<hbm>>
      %dma_start3A_734 = tpu.memref_squeeze %dma_start3A_733 : memref<1x128xf32, #tpu.memory_space<hbm>> -> memref<128xf32, #tpu.memory_space<hbm>>
      tpu.enqueue_dma source(%dma_start3A_734 : memref<128xf32, #tpu.memory_space<hbm>>) target(%dma_start3A_732 : memref<128xf32, #tpu.memory_space<vmem>>) target_semaphore(%arg7 : memref<!tpu.dma_semaphore, #tpu.memory_space<semaphore_mem>>)
      %add3A_735 = arith.addi %mul3A_2, %add3A_419 : i32
      %add3A_736 = arith.constant 15 : i32
      %add3A_737 = arith.addi %add3A_735, %add3A_736 : i32
      %slice3A_738 = vector.extract_strided_slice %get3A_421 {offsets = [15], sizes = [1], strides = [1]} : vector<16xi32> to vector<1xi32>
      %squeeze3A_739 = vector.extract %slice3A_738[0] : i32 from vector<1xi32>
      %mul3A_740 = arith.constant 128 : i32
      %mul3A_741 = arith.muli %squeeze3A_739, %mul3A_740 : i32
      %mul3A_742 = arith.constant 16 : i32
      %mul3A_743 = arith.muli %scan3A_415, %mul3A_742 : i32
      %add3A_744 = arith.constant 15 : i32
      %add3A_745 = arith.addi %mul3A_743, %add3A_744 : i32
      %dma_start3A_746 = arith.constant 0 : i32
      %dma_start3A_747 = tpu.memref_slice %arg6[%rem3A_166, %add3A_745, %dma_start3A_746] : memref<2x128x128xf32, #tpu.memory_space<vmem>> -> memref<1x1x128xf32, #tpu.memory_space<vmem>>
      %dma_start3A_748 = tpu.memref_squeeze %dma_start3A_747 : memref<1x1x128xf32, #tpu.memory_space<vmem>> -> memref<128xf32, #tpu.memory_space<vmem>>
      %dma_start3A_749 = tpu.memref_slice %arg2[%add3A_737, %mul3A_741] : memref<32768x2048xf32, #tpu.memory_space<hbm>> -> memref<1x128xf32, #tpu.memory_space<hbm>>
      %dma_start3A_750 = tpu.memref_squeeze %dma_start3A_749 : memref<1x128xf32, #tpu.memory_space<hbm>> -> memref<128xf32, #tpu.memory_space<hbm>>
      %dma_start3A_751 = arith.constant 0 : i32
      %dma_start3A_752 = tpu.memref_slice %arg6[%rem3A_166, %add3A_745, %dma_start3A_751] : memref<2x128x128xf32, #tpu.memory_space<vmem>> -> memref<1x1x128xf32, #tpu.memory_space<vmem>>
      %dma_start3A_753 = tpu.memref_squeeze %dma_start3A_752 : memref<1x1x128xf32, #tpu.memory_space<vmem>> -> memref<128xf32, #tpu.memory_space<vmem>>
      %dma_start3A_754 = tpu.memref_slice %arg2[%add3A_737, %mul3A_741] : memref<32768x2048xf32, #tpu.memory_space<hbm>> -> memref<1x128xf32, #tpu.memory_space<hbm>>
      %dma_start3A_755 = tpu.memref_squeeze %dma_start3A_754 : memref<1x128xf32, #tpu.memory_space<hbm>> -> memref<128xf32, #tpu.memory_space<hbm>>
      tpu.enqueue_dma source(%dma_start3A_755 : memref<128xf32, #tpu.memory_space<hbm>>) target(%dma_start3A_753 : memref<128xf32, #tpu.memory_space<vmem>>) target_semaphore(%arg7 : memref<!tpu.dma_semaphore, #tpu.memory_space<semaphore_mem>>)
    }
    %scan3A_172 = arith.constant 8 : i32
    %rem3A_173 = arith.constant 3 : i32
    %rem3A_174 = arith.constant 2 : i32
    %rem3A_175 = arith.remsi %rem3A_173, %rem3A_174 : i32
    %dma_wait3A_176 = arith.constant 0 : i32
    %dma_wait3A_177 = arith.constant 0 : i32
    %dma_wait3A_178 = tpu.memref_slice %arg6[%rem3A_175, %dma_wait3A_176, %dma_wait3A_177] : memref<2x128x128xf32, #tpu.memory_space<vmem>> -> memref<1x128x128xf32, #tpu.memory_space<vmem>>
    %dma_wait3A_179 = tpu.memref_squeeze %dma_wait3A_178 : memref<1x128x128xf32, #tpu.memory_space<vmem>> -> memref<128x128xf32, #tpu.memory_space<vmem>>
    %dma_wait3A_180 = arith.constant 0 : i32
    %dma_wait3A_181 = arith.constant 0 : i32
    %dma_wait3A_182 = tpu.memref_slice %arg2[%dma_wait3A_180, %dma_wait3A_181] : memref<32768x2048xf32, #tpu.memory_space<hbm>> -> memref<128x128xf32, #tpu.memory_space<hbm>>
    %dma_wait3A_183 = arith.constant 0 : i32
    %dma_wait3A_184 = arith.constant 0 : i32
    %dma_wait3A_185 = tpu.memref_slice %arg6[%rem3A_175, %dma_wait3A_183, %dma_wait3A_184] : memref<2x128x128xf32, #tpu.memory_space<vmem>> -> memref<1x128x128xf32, #tpu.memory_space<vmem>>
    %dma_wait3A_186 = tpu.memref_squeeze %dma_wait3A_185 : memref<1x128x128xf32, #tpu.memory_space<vmem>> -> memref<128x128xf32, #tpu.memory_space<vmem>>
    %dma_wait3A_187 = arith.constant 0 : i32
    %dma_wait3A_188 = arith.constant 0 : i32
    %dma_wait3A_189 = tpu.memref_slice %arg2[%dma_wait3A_187, %dma_wait3A_188] : memref<32768x2048xf32, #tpu.memory_space<hbm>> -> memref<128x128xf32, #tpu.memory_space<hbm>>
    tpu.wait_dma2 semaphore(%arg7 : memref<!tpu.dma_semaphore, #tpu.memory_space<semaphore_mem>>) src(%dma_wait3A_189 : memref<128x128xf32, #tpu.memory_space<hbm>>) dst(%dma_wait3A_186 : memref<128x128xf32, #tpu.memory_space<vmem>>)
    %add3A_190 = arith.constant 384 : i32
    %add3A_191 = arith.addi %mul3A_2, %add3A_190 : i32
    %dma_start3A_192 = arith.constant 0 : i32
    %dma_start3A_193 = arith.constant 0 : i32
    %dma_start3A_194 = tpu.memref_slice %arg6[%rem3A_175, %dma_start3A_192, %dma_start3A_193] : memref<2x128x128xf32, #tpu.memory_space<vmem>> -> memref<1x128x128xf32, #tpu.memory_space<vmem>>
    %dma_start3A_195 = tpu.memref_squeeze %dma_start3A_194 : memref<1x128x128xf32, #tpu.memory_space<vmem>> -> memref<128x128xf32, #tpu.memory_space<vmem>>
    %dma_start3A_196 = arith.constant 0 : i32
    %dma_start3A_197 = tpu.memref_slice %arg4[%add3A_191, %dma_start3A_196] : memref<32768x128xf32, #tpu.memory_space<hbm>> -> memref<128x128xf32, #tpu.memory_space<hbm>>
    %dma_start3A_198 = arith.constant 0 : i32
    %dma_start3A_199 = tpu.memref_slice %arg4[%add3A_191, %dma_start3A_198] : memref<32768x128xf32, #tpu.memory_space<hbm>> -> memref<128x128xf32, #tpu.memory_space<hbm>>
    %dma_start3A_200 = arith.constant 0 : i32
    %dma_start3A_201 = arith.constant 0 : i32
    %dma_start3A_202 = tpu.memref_slice %arg6[%rem3A_175, %dma_start3A_200, %dma_start3A_201] : memref<2x128x128xf32, #tpu.memory_space<vmem>> -> memref<1x128x128xf32, #tpu.memory_space<vmem>>
    %dma_start3A_203 = tpu.memref_squeeze %dma_start3A_202 : memref<1x128x128xf32, #tpu.memory_space<vmem>> -> memref<128x128xf32, #tpu.memory_space<vmem>>
    tpu.enqueue_dma source(%dma_start3A_203 : memref<128x128xf32, #tpu.memory_space<vmem>>) target(%dma_start3A_199 : memref<128x128xf32, #tpu.memory_space<hbm>>) target_semaphore(%arg8 : memref<!tpu.dma_semaphore, #tpu.memory_space<semaphore_mem>>)
    %dma_wait3A_204 = arith.constant 0 : i32
    %dma_wait3A_205 = arith.constant 0 : i32
    %dma_wait3A_206 = tpu.memref_slice %arg6[%rem3A_175, %dma_wait3A_204, %dma_wait3A_205] : memref<2x128x128xf32, #tpu.memory_space<vmem>> -> memref<1x128x128xf32, #tpu.memory_space<vmem>>
    %dma_wait3A_207 = tpu.memref_squeeze %dma_wait3A_206 : memref<1x128x128xf32, #tpu.memory_space<vmem>> -> memref<128x128xf32, #tpu.memory_space<vmem>>
    %dma_wait3A_208 = arith.constant 0 : i32
    %dma_wait3A_209 = tpu.memref_slice %arg4[%add3A_191, %dma_wait3A_208] : memref<32768x128xf32, #tpu.memory_space<hbm>> -> memref<128x128xf32, #tpu.memory_space<hbm>>
    %dma_wait3A_210 = arith.constant 0 : i32
    %dma_wait3A_211 = tpu.memref_slice %arg4[%add3A_191, %dma_wait3A_210] : memref<32768x128xf32, #tpu.memory_space<hbm>> -> memref<128x128xf32, #tpu.memory_space<hbm>>
    %dma_wait3A_212 = arith.constant 0 : i32
    %dma_wait3A_213 = arith.constant 0 : i32
    %dma_wait3A_214 = tpu.memref_slice %arg6[%rem3A_175, %dma_wait3A_212, %dma_wait3A_213] : memref<2x128x128xf32, #tpu.memory_space<vmem>> -> memref<1x128x128xf32, #tpu.memory_space<vmem>>
    %dma_wait3A_215 = tpu.memref_squeeze %dma_wait3A_214 : memref<1x128x128xf32, #tpu.memory_space<vmem>> -> memref<128x128xf32, #tpu.memory_space<vmem>>
    tpu.wait_dma2 semaphore(%arg8 : memref<!tpu.dma_semaphore, #tpu.memory_space<semaphore_mem>>) src(%dma_wait3A_215 : memref<128x128xf32, #tpu.memory_space<vmem>>) dst(%dma_wait3A_211 : memref<128x128xf32, #tpu.memory_space<hbm>>)
    %rem3A_216 = arith.constant 5 : i32
    %rem3A_217 = arith.constant 2 : i32
    %rem3A_218 = arith.remsi %rem3A_216, %rem3A_217 : i32
    %scan3A_219 = arith.constant 0 : i32
    %scan3A_220 = arith.constant 0 : i32
    %scan3A_221 = arith.constant 8 : i32
    %scan3A_222 = arith.addi %scan3A_220, %scan3A_221 : i32
    %scan3A_223 = arith.constant 1 : i32
    scf.for %scan3A_415 = %scan3A_220 to %scan3A_222 step %scan3A_223  : i32 {
      %mul3A_416 = arith.constant 16 : i32
      %mul3A_417 = arith.muli %scan3A_415, %mul3A_416 : i32
      %add3A_418 = arith.constant 640 : i32
      %add3A_419 = arith.addi %add3A_418, %mul3A_417 : i32
      %get3A = arith.index_cast %add3A_419 : i32 to index
      %get3A_420 = tpu.vector_load %arg5[%get3A] {strides = array<i32>} : memref<1024xi32, #tpu.memory_space<vmem>>, vector<16xi32>,
      %get3A_421 = vector.shape_cast %get3A_420 : vector<16xi32> to vector<16xi32>
      %add3A_422 = arith.addi %mul3A_2, %add3A_419 : i32
      %add3A_423 = arith.constant 0 : i32
      %add3A_424 = arith.addi %add3A_422, %add3A_423 : i32
      %slice3A = vector.extract_strided_slice %get3A_421 {offsets = [0], sizes = [1], strides = [1]} : vector<16xi32> to vector<1xi32>
      %squeeze3A = vector.extract %slice3A[0] : i32 from vector<1xi32>
      %mul3A_425 = arith.constant 128 : i32
      %mul3A_426 = arith.muli %squeeze3A, %mul3A_425 : i32
      %mul3A_427 = arith.constant 16 : i32
      %mul3A_428 = arith.muli %scan3A_415, %mul3A_427 : i32
      %add3A_429 = arith.constant 0 : i32
      %add3A_430 = arith.addi %mul3A_428, %add3A_429 : i32
      %dma_start3A_431 = arith.constant 0 : i32
      %dma_start3A_432 = tpu.memref_slice %arg6[%rem3A_218, %add3A_430, %dma_start3A_431] : memref<2x128x128xf32, #tpu.memory_space<vmem>> -> memref<1x1x128xf32, #tpu.memory_space<vmem>>
      %dma_start3A_433 = tpu.memref_squeeze %dma_start3A_432 : memref<1x1x128xf32, #tpu.memory_space<vmem>> -> memref<128xf32, #tpu.memory_space<vmem>>
      %dma_start3A_434 = tpu.memref_slice %arg2[%add3A_424, %mul3A_426] : memref<32768x2048xf32, #tpu.memory_space<hbm>> -> memref<1x128xf32, #tpu.memory_space<hbm>>
      %dma_start3A_435 = tpu.memref_squeeze %dma_start3A_434 : memref<1x128xf32, #tpu.memory_space<hbm>> -> memref<128xf32, #tpu.memory_space<hbm>>
      %dma_start3A_436 = arith.constant 0 : i32
      %dma_start3A_437 = tpu.memref_slice %arg6[%rem3A_218, %add3A_430, %dma_start3A_436] : memref<2x128x128xf32, #tpu.memory_space<vmem>> -> memref<1x1x128xf32, #tpu.memory_space<vmem>>
      %dma_start3A_438 = tpu.memref_squeeze %dma_start3A_437 : memref<1x1x128xf32, #tpu.memory_space<vmem>> -> memref<128xf32, #tpu.memory_space<vmem>>
      %dma_start3A_439 = tpu.memref_slice %arg2[%add3A_424, %mul3A_426] : memref<32768x2048xf32, #tpu.memory_space<hbm>> -> memref<1x128xf32, #tpu.memory_space<hbm>>
      %dma_start3A_440 = tpu.memref_squeeze %dma_start3A_439 : memref<1x128xf32, #tpu.memory_space<hbm>> -> memref<128xf32, #tpu.memory_space<hbm>>
      tpu.enqueue_dma source(%dma_start3A_440 : memref<128xf32, #tpu.memory_space<hbm>>) target(%dma_start3A_438 : memref<128xf32, #tpu.memory_space<vmem>>) target_semaphore(%arg7 : memref<!tpu.dma_semaphore, #tpu.memory_space<semaphore_mem>>)
      %add3A_441 = arith.addi %mul3A_2, %add3A_419 : i32
      %add3A_442 = arith.constant 1 : i32
      %add3A_443 = arith.addi %add3A_441, %add3A_442 : i32
      %slice3A_444 = vector.extract_strided_slice %get3A_421 {offsets = [1], sizes = [1], strides = [1]} : vector<16xi32> to vector<1xi32>
      %squeeze3A_445 = vector.extract %slice3A_444[0] : i32 from vector<1xi32>
      %mul3A_446 = arith.constant 128 : i32
      %mul3A_447 = arith.muli %squeeze3A_445, %mul3A_446 : i32
      %mul3A_448 = arith.constant 16 : i32
      %mul3A_449 = arith.muli %scan3A_415, %mul3A_448 : i32
      %add3A_450 = arith.constant 1 : i32
      %add3A_451 = arith.addi %mul3A_449, %add3A_450 : i32
      %dma_start3A_452 = arith.constant 0 : i32
      %dma_start3A_453 = tpu.memref_slice %arg6[%rem3A_218, %add3A_451, %dma_start3A_452] : memref<2x128x128xf32, #tpu.memory_space<vmem>> -> memref<1x1x128xf32, #tpu.memory_space<vmem>>
      %dma_start3A_454 = tpu.memref_squeeze %dma_start3A_453 : memref<1x1x128xf32, #tpu.memory_space<vmem>> -> memref<128xf32, #tpu.memory_space<vmem>>
      %dma_start3A_455 = tpu.memref_slice %arg2[%add3A_443, %mul3A_447] : memref<32768x2048xf32, #tpu.memory_space<hbm>> -> memref<1x128xf32, #tpu.memory_space<hbm>>
      %dma_start3A_456 = tpu.memref_squeeze %dma_start3A_455 : memref<1x128xf32, #tpu.memory_space<hbm>> -> memref<128xf32, #tpu.memory_space<hbm>>
      %dma_start3A_457 = arith.constant 0 : i32
      %dma_start3A_458 = tpu.memref_slice %arg6[%rem3A_218, %add3A_451, %dma_start3A_457] : memref<2x128x128xf32, #tpu.memory_space<vmem>> -> memref<1x1x128xf32, #tpu.memory_space<vmem>>
      %dma_start3A_459 = tpu.memref_squeeze %dma_start3A_458 : memref<1x1x128xf32, #tpu.memory_space<vmem>> -> memref<128xf32, #tpu.memory_space<vmem>>
      %dma_start3A_460 = tpu.memref_slice %arg2[%add3A_443, %mul3A_447] : memref<32768x2048xf32, #tpu.memory_space<hbm>> -> memref<1x128xf32, #tpu.memory_space<hbm>>
      %dma_start3A_461 = tpu.memref_squeeze %dma_start3A_460 : memref<1x128xf32, #tpu.memory_space<hbm>> -> memref<128xf32, #tpu.memory_space<hbm>>
      tpu.enqueue_dma source(%dma_start3A_461 : memref<128xf32, #tpu.memory_space<hbm>>) target(%dma_start3A_459 : memref<128xf32, #tpu.memory_space<vmem>>) target_semaphore(%arg7 : memref<!tpu.dma_semaphore, #tpu.memory_space<semaphore_mem>>)
      %add3A_462 = arith.addi %mul3A_2, %add3A_419 : i32
      %add3A_463 = arith.constant 2 : i32
      %add3A_464 = arith.addi %add3A_462, %add3A_463 : i32
      %slice3A_465 = vector.extract_strided_slice %get3A_421 {offsets = [2], sizes = [1], strides = [1]} : vector<16xi32> to vector<1xi32>
      %squeeze3A_466 = vector.extract %slice3A_465[0] : i32 from vector<1xi32>
      %mul3A_467 = arith.constant 128 : i32
      %mul3A_468 = arith.muli %squeeze3A_466, %mul3A_467 : i32
      %mul3A_469 = arith.constant 16 : i32
      %mul3A_470 = arith.muli %scan3A_415, %mul3A_469 : i32
      %add3A_471 = arith.constant 2 : i32
      %add3A_472 = arith.addi %mul3A_470, %add3A_471 : i32
      %dma_start3A_473 = arith.constant 0 : i32
      %dma_start3A_474 = tpu.memref_slice %arg6[%rem3A_218, %add3A_472, %dma_start3A_473] : memref<2x128x128xf32, #tpu.memory_space<vmem>> -> memref<1x1x128xf32, #tpu.memory_space<vmem>>
      %dma_start3A_475 = tpu.memref_squeeze %dma_start3A_474 : memref<1x1x128xf32, #tpu.memory_space<vmem>> -> memref<128xf32, #tpu.memory_space<vmem>>
      %dma_start3A_476 = tpu.memref_slice %arg2[%add3A_464, %mul3A_468] : memref<32768x2048xf32, #tpu.memory_space<hbm>> -> memref<1x128xf32, #tpu.memory_space<hbm>>
      %dma_start3A_477 = tpu.memref_squeeze %dma_start3A_476 : memref<1x128xf32, #tpu.memory_space<hbm>> -> memref<128xf32, #tpu.memory_space<hbm>>
      %dma_start3A_478 = arith.constant 0 : i32
      %dma_start3A_479 = tpu.memref_slice %arg6[%rem3A_218, %add3A_472, %dma_start3A_478] : memref<2x128x128xf32, #tpu.memory_space<vmem>> -> memref<1x1x128xf32, #tpu.memory_space<vmem>>
      %dma_start3A_480 = tpu.memref_squeeze %dma_start3A_479 : memref<1x1x128xf32, #tpu.memory_space<vmem>> -> memref<128xf32, #tpu.memory_space<vmem>>
      %dma_start3A_481 = tpu.memref_slice %arg2[%add3A_464, %mul3A_468] : memref<32768x2048xf32, #tpu.memory_space<hbm>> -> memref<1x128xf32, #tpu.memory_space<hbm>>
      %dma_start3A_482 = tpu.memref_squeeze %dma_start3A_481 : memref<1x128xf32, #tpu.memory_space<hbm>> -> memref<128xf32, #tpu.memory_space<hbm>>
      tpu.enqueue_dma source(%dma_start3A_482 : memref<128xf32, #tpu.memory_space<hbm>>) target(%dma_start3A_480 : memref<128xf32, #tpu.memory_space<vmem>>) target_semaphore(%arg7 : memref<!tpu.dma_semaphore, #tpu.memory_space<semaphore_mem>>)
      %add3A_483 = arith.addi %mul3A_2, %add3A_419 : i32
      %add3A_484 = arith.constant 3 : i32
      %add3A_485 = arith.addi %add3A_483, %add3A_484 : i32
      %slice3A_486 = vector.extract_strided_slice %get3A_421 {offsets = [3], sizes = [1], strides = [1]} : vector<16xi32> to vector<1xi32>
      %squeeze3A_487 = vector.extract %slice3A_486[0] : i32 from vector<1xi32>
      %mul3A_488 = arith.constant 128 : i32
      %mul3A_489 = arith.muli %squeeze3A_487, %mul3A_488 : i32
      %mul3A_490 = arith.constant 16 : i32
      %mul3A_491 = arith.muli %scan3A_415, %mul3A_490 : i32
      %add3A_492 = arith.constant 3 : i32
      %add3A_493 = arith.addi %mul3A_491, %add3A_492 : i32
      %dma_start3A_494 = arith.constant 0 : i32
      %dma_start3A_495 = tpu.memref_slice %arg6[%rem3A_218, %add3A_493, %dma_start3A_494] : memref<2x128x128xf32, #tpu.memory_space<vmem>> -> memref<1x1x128xf32, #tpu.memory_space<vmem>>
      %dma_start3A_496 = tpu.memref_squeeze %dma_start3A_495 : memref<1x1x128xf32, #tpu.memory_space<vmem>> -> memref<128xf32, #tpu.memory_space<vmem>>
      %dma_start3A_497 = tpu.memref_slice %arg2[%add3A_485, %mul3A_489] : memref<32768x2048xf32, #tpu.memory_space<hbm>> -> memref<1x128xf32, #tpu.memory_space<hbm>>
      %dma_start3A_498 = tpu.memref_squeeze %dma_start3A_497 : memref<1x128xf32, #tpu.memory_space<hbm>> -> memref<128xf32, #tpu.memory_space<hbm>>
      %dma_start3A_499 = arith.constant 0 : i32
      %dma_start3A_500 = tpu.memref_slice %arg6[%rem3A_218, %add3A_493, %dma_start3A_499] : memref<2x128x128xf32, #tpu.memory_space<vmem>> -> memref<1x1x128xf32, #tpu.memory_space<vmem>>
      %dma_start3A_501 = tpu.memref_squeeze %dma_start3A_500 : memref<1x1x128xf32, #tpu.memory_space<vmem>> -> memref<128xf32, #tpu.memory_space<vmem>>
      %dma_start3A_502 = tpu.memref_slice %arg2[%add3A_485, %mul3A_489] : memref<32768x2048xf32, #tpu.memory_space<hbm>> -> memref<1x128xf32, #tpu.memory_space<hbm>>
      %dma_start3A_503 = tpu.memref_squeeze %dma_start3A_502 : memref<1x128xf32, #tpu.memory_space<hbm>> -> memref<128xf32, #tpu.memory_space<hbm>>
      tpu.enqueue_dma source(%dma_start3A_503 : memref<128xf32, #tpu.memory_space<hbm>>) target(%dma_start3A_501 : memref<128xf32, #tpu.memory_space<vmem>>) target_semaphore(%arg7 : memref<!tpu.dma_semaphore, #tpu.memory_space<semaphore_mem>>)
      %add3A_504 = arith.addi %mul3A_2, %add3A_419 : i32
      %add3A_505 = arith.constant 4 : i32
      %add3A_506 = arith.addi %add3A_504, %add3A_505 : i32
      %slice3A_507 = vector.extract_strided_slice %get3A_421 {offsets = [4], sizes = [1], strides = [1]} : vector<16xi32> to vector<1xi32>
      %squeeze3A_508 = vector.extract %slice3A_507[0] : i32 from vector<1xi32>
      %mul3A_509 = arith.constant 128 : i32
      %mul3A_510 = arith.muli %squeeze3A_508, %mul3A_509 : i32
      %mul3A_511 = arith.constant 16 : i32
      %mul3A_512 = arith.muli %scan3A_415, %mul3A_511 : i32
      %add3A_513 = arith.constant 4 : i32
      %add3A_514 = arith.addi %mul3A_512, %add3A_513 : i32
      %dma_start3A_515 = arith.constant 0 : i32
      %dma_start3A_516 = tpu.memref_slice %arg6[%rem3A_218, %add3A_514, %dma_start3A_515] : memref<2x128x128xf32, #tpu.memory_space<vmem>> -> memref<1x1x128xf32, #tpu.memory_space<vmem>>
      %dma_start3A_517 = tpu.memref_squeeze %dma_start3A_516 : memref<1x1x128xf32, #tpu.memory_space<vmem>> -> memref<128xf32, #tpu.memory_space<vmem>>
      %dma_start3A_518 = tpu.memref_slice %arg2[%add3A_506, %mul3A_510] : memref<32768x2048xf32, #tpu.memory_space<hbm>> -> memref<1x128xf32, #tpu.memory_space<hbm>>
      %dma_start3A_519 = tpu.memref_squeeze %dma_start3A_518 : memref<1x128xf32, #tpu.memory_space<hbm>> -> memref<128xf32, #tpu.memory_space<hbm>>
      %dma_start3A_520 = arith.constant 0 : i32
      %dma_start3A_521 = tpu.memref_slice %arg6[%rem3A_218, %add3A_514, %dma_start3A_520] : memref<2x128x128xf32, #tpu.memory_space<vmem>> -> memref<1x1x128xf32, #tpu.memory_space<vmem>>
      %dma_start3A_522 = tpu.memref_squeeze %dma_start3A_521 : memref<1x1x128xf32, #tpu.memory_space<vmem>> -> memref<128xf32, #tpu.memory_space<vmem>>
      %dma_start3A_523 = tpu.memref_slice %arg2[%add3A_506, %mul3A_510] : memref<32768x2048xf32, #tpu.memory_space<hbm>> -> memref<1x128xf32, #tpu.memory_space<hbm>>
      %dma_start3A_524 = tpu.memref_squeeze %dma_start3A_523 : memref<1x128xf32, #tpu.memory_space<hbm>> -> memref<128xf32, #tpu.memory_space<hbm>>
      tpu.enqueue_dma source(%dma_start3A_524 : memref<128xf32, #tpu.memory_space<hbm>>) target(%dma_start3A_522 : memref<128xf32, #tpu.memory_space<vmem>>) target_semaphore(%arg7 : memref<!tpu.dma_semaphore, #tpu.memory_space<semaphore_mem>>)
      %add3A_525 = arith.addi %mul3A_2, %add3A_419 : i32
      %add3A_526 = arith.constant 5 : i32
      %add3A_527 = arith.addi %add3A_525, %add3A_526 : i32
      %slice3A_528 = vector.extract_strided_slice %get3A_421 {offsets = [5], sizes = [1], strides = [1]} : vector<16xi32> to vector<1xi32>
      %squeeze3A_529 = vector.extract %slice3A_528[0] : i32 from vector<1xi32>
      %mul3A_530 = arith.constant 128 : i32
      %mul3A_531 = arith.muli %squeeze3A_529, %mul3A_530 : i32
      %mul3A_532 = arith.constant 16 : i32
      %mul3A_533 = arith.muli %scan3A_415, %mul3A_532 : i32
      %add3A_534 = arith.constant 5 : i32
      %add3A_535 = arith.addi %mul3A_533, %add3A_534 : i32
      %dma_start3A_536 = arith.constant 0 : i32
      %dma_start3A_537 = tpu.memref_slice %arg6[%rem3A_218, %add3A_535, %dma_start3A_536] : memref<2x128x128xf32, #tpu.memory_space<vmem>> -> memref<1x1x128xf32, #tpu.memory_space<vmem>>
      %dma_start3A_538 = tpu.memref_squeeze %dma_start3A_537 : memref<1x1x128xf32, #tpu.memory_space<vmem>> -> memref<128xf32, #tpu.memory_space<vmem>>
      %dma_start3A_539 = tpu.memref_slice %arg2[%add3A_527, %mul3A_531] : memref<32768x2048xf32, #tpu.memory_space<hbm>> -> memref<1x128xf32, #tpu.memory_space<hbm>>
      %dma_start3A_540 = tpu.memref_squeeze %dma_start3A_539 : memref<1x128xf32, #tpu.memory_space<hbm>> -> memref<128xf32, #tpu.memory_space<hbm>>
      %dma_start3A_541 = arith.constant 0 : i32
      %dma_start3A_542 = tpu.memref_slice %arg6[%rem3A_218, %add3A_535, %dma_start3A_541] : memref<2x128x128xf32, #tpu.memory_space<vmem>> -> memref<1x1x128xf32, #tpu.memory_space<vmem>>
      %dma_start3A_543 = tpu.memref_squeeze %dma_start3A_542 : memref<1x1x128xf32, #tpu.memory_space<vmem>> -> memref<128xf32, #tpu.memory_space<vmem>>
      %dma_start3A_544 = tpu.memref_slice %arg2[%add3A_527, %mul3A_531] : memref<32768x2048xf32, #tpu.memory_space<hbm>> -> memref<1x128xf32, #tpu.memory_space<hbm>>
      %dma_start3A_545 = tpu.memref_squeeze %dma_start3A_544 : memref<1x128xf32, #tpu.memory_space<hbm>> -> memref<128xf32, #tpu.memory_space<hbm>>
      tpu.enqueue_dma source(%dma_start3A_545 : memref<128xf32, #tpu.memory_space<hbm>>) target(%dma_start3A_543 : memref<128xf32, #tpu.memory_space<vmem>>) target_semaphore(%arg7 : memref<!tpu.dma_semaphore, #tpu.memory_space<semaphore_mem>>)
      %add3A_546 = arith.addi %mul3A_2, %add3A_419 : i32
      %add3A_547 = arith.constant 6 : i32
      %add3A_548 = arith.addi %add3A_546, %add3A_547 : i32
      %slice3A_549 = vector.extract_strided_slice %get3A_421 {offsets = [6], sizes = [1], strides = [1]} : vector<16xi32> to vector<1xi32>
      %squeeze3A_550 = vector.extract %slice3A_549[0] : i32 from vector<1xi32>
      %mul3A_551 = arith.constant 128 : i32
      %mul3A_552 = arith.muli %squeeze3A_550, %mul3A_551 : i32
      %mul3A_553 = arith.constant 16 : i32
      %mul3A_554 = arith.muli %scan3A_415, %mul3A_553 : i32
      %add3A_555 = arith.constant 6 : i32
      %add3A_556 = arith.addi %mul3A_554, %add3A_555 : i32
      %dma_start3A_557 = arith.constant 0 : i32
      %dma_start3A_558 = tpu.memref_slice %arg6[%rem3A_218, %add3A_556, %dma_start3A_557] : memref<2x128x128xf32, #tpu.memory_space<vmem>> -> memref<1x1x128xf32, #tpu.memory_space<vmem>>
      %dma_start3A_559 = tpu.memref_squeeze %dma_start3A_558 : memref<1x1x128xf32, #tpu.memory_space<vmem>> -> memref<128xf32, #tpu.memory_space<vmem>>
      %dma_start3A_560 = tpu.memref_slice %arg2[%add3A_548, %mul3A_552] : memref<32768x2048xf32, #tpu.memory_space<hbm>> -> memref<1x128xf32, #tpu.memory_space<hbm>>
      %dma_start3A_561 = tpu.memref_squeeze %dma_start3A_560 : memref<1x128xf32, #tpu.memory_space<hbm>> -> memref<128xf32, #tpu.memory_space<hbm>>
      %dma_start3A_562 = arith.constant 0 : i32
      %dma_start3A_563 = tpu.memref_slice %arg6[%rem3A_218, %add3A_556, %dma_start3A_562] : memref<2x128x128xf32, #tpu.memory_space<vmem>> -> memref<1x1x128xf32, #tpu.memory_space<vmem>>
      %dma_start3A_564 = tpu.memref_squeeze %dma_start3A_563 : memref<1x1x128xf32, #tpu.memory_space<vmem>> -> memref<128xf32, #tpu.memory_space<vmem>>
      %dma_start3A_565 = tpu.memref_slice %arg2[%add3A_548, %mul3A_552] : memref<32768x2048xf32, #tpu.memory_space<hbm>> -> memref<1x128xf32, #tpu.memory_space<hbm>>
      %dma_start3A_566 = tpu.memref_squeeze %dma_start3A_565 : memref<1x128xf32, #tpu.memory_space<hbm>> -> memref<128xf32, #tpu.memory_space<hbm>>
      tpu.enqueue_dma source(%dma_start3A_566 : memref<128xf32, #tpu.memory_space<hbm>>) target(%dma_start3A_564 : memref<128xf32, #tpu.memory_space<vmem>>) target_semaphore(%arg7 : memref<!tpu.dma_semaphore, #tpu.memory_space<semaphore_mem>>)
      %add3A_567 = arith.addi %mul3A_2, %add3A_419 : i32
      %add3A_568 = arith.constant 7 : i32
      %add3A_569 = arith.addi %add3A_567, %add3A_568 : i32
      %slice3A_570 = vector.extract_strided_slice %get3A_421 {offsets = [7], sizes = [1], strides = [1]} : vector<16xi32> to vector<1xi32>
      %squeeze3A_571 = vector.extract %slice3A_570[0] : i32 from vector<1xi32>
      %mul3A_572 = arith.constant 128 : i32
      %mul3A_573 = arith.muli %squeeze3A_571, %mul3A_572 : i32
      %mul3A_574 = arith.constant 16 : i32
      %mul3A_575 = arith.muli %scan3A_415, %mul3A_574 : i32
      %add3A_576 = arith.constant 7 : i32
      %add3A_577 = arith.addi %mul3A_575, %add3A_576 : i32
      %dma_start3A_578 = arith.constant 0 : i32
      %dma_start3A_579 = tpu.memref_slice %arg6[%rem3A_218, %add3A_577, %dma_start3A_578] : memref<2x128x128xf32, #tpu.memory_space<vmem>> -> memref<1x1x128xf32, #tpu.memory_space<vmem>>
      %dma_start3A_580 = tpu.memref_squeeze %dma_start3A_579 : memref<1x1x128xf32, #tpu.memory_space<vmem>> -> memref<128xf32, #tpu.memory_space<vmem>>
      %dma_start3A_581 = tpu.memref_slice %arg2[%add3A_569, %mul3A_573] : memref<32768x2048xf32, #tpu.memory_space<hbm>> -> memref<1x128xf32, #tpu.memory_space<hbm>>
      %dma_start3A_582 = tpu.memref_squeeze %dma_start3A_581 : memref<1x128xf32, #tpu.memory_space<hbm>> -> memref<128xf32, #tpu.memory_space<hbm>>
      %dma_start3A_583 = arith.constant 0 : i32
      %dma_start3A_584 = tpu.memref_slice %arg6[%rem3A_218, %add3A_577, %dma_start3A_583] : memref<2x128x128xf32, #tpu.memory_space<vmem>> -> memref<1x1x128xf32, #tpu.memory_space<vmem>>
      %dma_start3A_585 = tpu.memref_squeeze %dma_start3A_584 : memref<1x1x128xf32, #tpu.memory_space<vmem>> -> memref<128xf32, #tpu.memory_space<vmem>>
      %dma_start3A_586 = tpu.memref_slice %arg2[%add3A_569, %mul3A_573] : memref<32768x2048xf32, #tpu.memory_space<hbm>> -> memref<1x128xf32, #tpu.memory_space<hbm>>
      %dma_start3A_587 = tpu.memref_squeeze %dma_start3A_586 : memref<1x128xf32, #tpu.memory_space<hbm>> -> memref<128xf32, #tpu.memory_space<hbm>>
      tpu.enqueue_dma source(%dma_start3A_587 : memref<128xf32, #tpu.memory_space<hbm>>) target(%dma_start3A_585 : memref<128xf32, #tpu.memory_space<vmem>>) target_semaphore(%arg7 : memref<!tpu.dma_semaphore, #tpu.memory_space<semaphore_mem>>)
      %add3A_588 = arith.addi %mul3A_2, %add3A_419 : i32
      %add3A_589 = arith.constant 8 : i32
      %add3A_590 = arith.addi %add3A_588, %add3A_589 : i32
      %slice3A_591 = vector.extract_strided_slice %get3A_421 {offsets = [8], sizes = [1], strides = [1]} : vector<16xi32> to vector<1xi32>
      %squeeze3A_592 = vector.extract %slice3A_591[0] : i32 from vector<1xi32>
      %mul3A_593 = arith.constant 128 : i32
      %mul3A_594 = arith.muli %squeeze3A_592, %mul3A_593 : i32
      %mul3A_595 = arith.constant 16 : i32
      %mul3A_596 = arith.muli %scan3A_415, %mul3A_595 : i32
      %add3A_597 = arith.constant 8 : i32
      %add3A_598 = arith.addi %mul3A_596, %add3A_597 : i32
      %dma_start3A_599 = arith.constant 0 : i32
      %dma_start3A_600 = tpu.memref_slice %arg6[%rem3A_218, %add3A_598, %dma_start3A_599] : memref<2x128x128xf32, #tpu.memory_space<vmem>> -> memref<1x1x128xf32, #tpu.memory_space<vmem>>
      %dma_start3A_601 = tpu.memref_squeeze %dma_start3A_600 : memref<1x1x128xf32, #tpu.memory_space<vmem>> -> memref<128xf32, #tpu.memory_space<vmem>>
      %dma_start3A_602 = tpu.memref_slice %arg2[%add3A_590, %mul3A_594] : memref<32768x2048xf32, #tpu.memory_space<hbm>> -> memref<1x128xf32, #tpu.memory_space<hbm>>
      %dma_start3A_603 = tpu.memref_squeeze %dma_start3A_602 : memref<1x128xf32, #tpu.memory_space<hbm>> -> memref<128xf32, #tpu.memory_space<hbm>>
      %dma_start3A_604 = arith.constant 0 : i32
      %dma_start3A_605 = tpu.memref_slice %arg6[%rem3A_218, %add3A_598, %dma_start3A_604] : memref<2x128x128xf32, #tpu.memory_space<vmem>> -> memref<1x1x128xf32, #tpu.memory_space<vmem>>
      %dma_start3A_606 = tpu.memref_squeeze %dma_start3A_605 : memref<1x1x128xf32, #tpu.memory_space<vmem>> -> memref<128xf32, #tpu.memory_space<vmem>>
      %dma_start3A_607 = tpu.memref_slice %arg2[%add3A_590, %mul3A_594] : memref<32768x2048xf32, #tpu.memory_space<hbm>> -> memref<1x128xf32, #tpu.memory_space<hbm>>
      %dma_start3A_608 = tpu.memref_squeeze %dma_start3A_607 : memref<1x128xf32, #tpu.memory_space<hbm>> -> memref<128xf32, #tpu.memory_space<hbm>>
      tpu.enqueue_dma source(%dma_start3A_608 : memref<128xf32, #tpu.memory_space<hbm>>) target(%dma_start3A_606 : memref<128xf32, #tpu.memory_space<vmem>>) target_semaphore(%arg7 : memref<!tpu.dma_semaphore, #tpu.memory_space<semaphore_mem>>)
      %add3A_609 = arith.addi %mul3A_2, %add3A_419 : i32
      %add3A_610 = arith.constant 9 : i32
      %add3A_611 = arith.addi %add3A_609, %add3A_610 : i32
      %slice3A_612 = vector.extract_strided_slice %get3A_421 {offsets = [9], sizes = [1], strides = [1]} : vector<16xi32> to vector<1xi32>
      %squeeze3A_613 = vector.extract %slice3A_612[0] : i32 from vector<1xi32>
      %mul3A_614 = arith.constant 128 : i32
      %mul3A_615 = arith.muli %squeeze3A_613, %mul3A_614 : i32
      %mul3A_616 = arith.constant 16 : i32
      %mul3A_617 = arith.muli %scan3A_415, %mul3A_616 : i32
      %add3A_618 = arith.constant 9 : i32
      %add3A_619 = arith.addi %mul3A_617, %add3A_618 : i32
      %dma_start3A_620 = arith.constant 0 : i32
      %dma_start3A_621 = tpu.memref_slice %arg6[%rem3A_218, %add3A_619, %dma_start3A_620] : memref<2x128x128xf32, #tpu.memory_space<vmem>> -> memref<1x1x128xf32, #tpu.memory_space<vmem>>
      %dma_start3A_622 = tpu.memref_squeeze %dma_start3A_621 : memref<1x1x128xf32, #tpu.memory_space<vmem>> -> memref<128xf32, #tpu.memory_space<vmem>>
      %dma_start3A_623 = tpu.memref_slice %arg2[%add3A_611, %mul3A_615] : memref<32768x2048xf32, #tpu.memory_space<hbm>> -> memref<1x128xf32, #tpu.memory_space<hbm>>
      %dma_start3A_624 = tpu.memref_squeeze %dma_start3A_623 : memref<1x128xf32, #tpu.memory_space<hbm>> -> memref<128xf32, #tpu.memory_space<hbm>>
      %dma_start3A_625 = arith.constant 0 : i32
      %dma_start3A_626 = tpu.memref_slice %arg6[%rem3A_218, %add3A_619, %dma_start3A_625] : memref<2x128x128xf32, #tpu.memory_space<vmem>> -> memref<1x1x128xf32, #tpu.memory_space<vmem>>
      %dma_start3A_627 = tpu.memref_squeeze %dma_start3A_626 : memref<1x1x128xf32, #tpu.memory_space<vmem>> -> memref<128xf32, #tpu.memory_space<vmem>>
      %dma_start3A_628 = tpu.memref_slice %arg2[%add3A_611, %mul3A_615] : memref<32768x2048xf32, #tpu.memory_space<hbm>> -> memref<1x128xf32, #tpu.memory_space<hbm>>
      %dma_start3A_629 = tpu.memref_squeeze %dma_start3A_628 : memref<1x128xf32, #tpu.memory_space<hbm>> -> memref<128xf32, #tpu.memory_space<hbm>>
      tpu.enqueue_dma source(%dma_start3A_629 : memref<128xf32, #tpu.memory_space<hbm>>) target(%dma_start3A_627 : memref<128xf32, #tpu.memory_space<vmem>>) target_semaphore(%arg7 : memref<!tpu.dma_semaphore, #tpu.memory_space<semaphore_mem>>)
      %add3A_630 = arith.addi %mul3A_2, %add3A_419 : i32
      %add3A_631 = arith.constant 10 : i32
      %add3A_632 = arith.addi %add3A_630, %add3A_631 : i32
      %slice3A_633 = vector.extract_strided_slice %get3A_421 {offsets = [10], sizes = [1], strides = [1]} : vector<16xi32> to vector<1xi32>
      %squeeze3A_634 = vector.extract %slice3A_633[0] : i32 from vector<1xi32>
      %mul3A_635 = arith.constant 128 : i32
      %mul3A_636 = arith.muli %squeeze3A_634, %mul3A_635 : i32
      %mul3A_637 = arith.constant 16 : i32
      %mul3A_638 = arith.muli %scan3A_415, %mul3A_637 : i32
      %add3A_639 = arith.constant 10 : i32
      %add3A_640 = arith.addi %mul3A_638, %add3A_639 : i32
      %dma_start3A_641 = arith.constant 0 : i32
      %dma_start3A_642 = tpu.memref_slice %arg6[%rem3A_218, %add3A_640, %dma_start3A_641] : memref<2x128x128xf32, #tpu.memory_space<vmem>> -> memref<1x1x128xf32, #tpu.memory_space<vmem>>
      %dma_start3A_643 = tpu.memref_squeeze %dma_start3A_642 : memref<1x1x128xf32, #tpu.memory_space<vmem>> -> memref<128xf32, #tpu.memory_space<vmem>>
      %dma_start3A_644 = tpu.memref_slice %arg2[%add3A_632, %mul3A_636] : memref<32768x2048xf32, #tpu.memory_space<hbm>> -> memref<1x128xf32, #tpu.memory_space<hbm>>
      %dma_start3A_645 = tpu.memref_squeeze %dma_start3A_644 : memref<1x128xf32, #tpu.memory_space<hbm>> -> memref<128xf32, #tpu.memory_space<hbm>>
      %dma_start3A_646 = arith.constant 0 : i32
      %dma_start3A_647 = tpu.memref_slice %arg6[%rem3A_218, %add3A_640, %dma_start3A_646] : memref<2x128x128xf32, #tpu.memory_space<vmem>> -> memref<1x1x128xf32, #tpu.memory_space<vmem>>
      %dma_start3A_648 = tpu.memref_squeeze %dma_start3A_647 : memref<1x1x128xf32, #tpu.memory_space<vmem>> -> memref<128xf32, #tpu.memory_space<vmem>>
      %dma_start3A_649 = tpu.memref_slice %arg2[%add3A_632, %mul3A_636] : memref<32768x2048xf32, #tpu.memory_space<hbm>> -> memref<1x128xf32, #tpu.memory_space<hbm>>
      %dma_start3A_650 = tpu.memref_squeeze %dma_start3A_649 : memref<1x128xf32, #tpu.memory_space<hbm>> -> memref<128xf32, #tpu.memory_space<hbm>>
      tpu.enqueue_dma source(%dma_start3A_650 : memref<128xf32, #tpu.memory_space<hbm>>) target(%dma_start3A_648 : memref<128xf32, #tpu.memory_space<vmem>>) target_semaphore(%arg7 : memref<!tpu.dma_semaphore, #tpu.memory_space<semaphore_mem>>)
      %add3A_651 = arith.addi %mul3A_2, %add3A_419 : i32
      %add3A_652 = arith.constant 11 : i32
      %add3A_653 = arith.addi %add3A_651, %add3A_652 : i32
      %slice3A_654 = vector.extract_strided_slice %get3A_421 {offsets = [11], sizes = [1], strides = [1]} : vector<16xi32> to vector<1xi32>
      %squeeze3A_655 = vector.extract %slice3A_654[0] : i32 from vector<1xi32>
      %mul3A_656 = arith.constant 128 : i32
      %mul3A_657 = arith.muli %squeeze3A_655, %mul3A_656 : i32
      %mul3A_658 = arith.constant 16 : i32
      %mul3A_659 = arith.muli %scan3A_415, %mul3A_658 : i32
      %add3A_660 = arith.constant 11 : i32
      %add3A_661 = arith.addi %mul3A_659, %add3A_660 : i32
      %dma_start3A_662 = arith.constant 0 : i32
      %dma_start3A_663 = tpu.memref_slice %arg6[%rem3A_218, %add3A_661, %dma_start3A_662] : memref<2x128x128xf32, #tpu.memory_space<vmem>> -> memref<1x1x128xf32, #tpu.memory_space<vmem>>
      %dma_start3A_664 = tpu.memref_squeeze %dma_start3A_663 : memref<1x1x128xf32, #tpu.memory_space<vmem>> -> memref<128xf32, #tpu.memory_space<vmem>>
      %dma_start3A_665 = tpu.memref_slice %arg2[%add3A_653, %mul3A_657] : memref<32768x2048xf32, #tpu.memory_space<hbm>> -> memref<1x128xf32, #tpu.memory_space<hbm>>
      %dma_start3A_666 = tpu.memref_squeeze %dma_start3A_665 : memref<1x128xf32, #tpu.memory_space<hbm>> -> memref<128xf32, #tpu.memory_space<hbm>>
      %dma_start3A_667 = arith.constant 0 : i32
      %dma_start3A_668 = tpu.memref_slice %arg6[%rem3A_218, %add3A_661, %dma_start3A_667] : memref<2x128x128xf32, #tpu.memory_space<vmem>> -> memref<1x1x128xf32, #tpu.memory_space<vmem>>
      %dma_start3A_669 = tpu.memref_squeeze %dma_start3A_668 : memref<1x1x128xf32, #tpu.memory_space<vmem>> -> memref<128xf32, #tpu.memory_space<vmem>>
      %dma_start3A_670 = tpu.memref_slice %arg2[%add3A_653, %mul3A_657] : memref<32768x2048xf32, #tpu.memory_space<hbm>> -> memref<1x128xf32, #tpu.memory_space<hbm>>
      %dma_start3A_671 = tpu.memref_squeeze %dma_start3A_670 : memref<1x128xf32, #tpu.memory_space<hbm>> -> memref<128xf32, #tpu.memory_space<hbm>>
      tpu.enqueue_dma source(%dma_start3A_671 : memref<128xf32, #tpu.memory_space<hbm>>) target(%dma_start3A_669 : memref<128xf32, #tpu.memory_space<vmem>>) target_semaphore(%arg7 : memref<!tpu.dma_semaphore, #tpu.memory_space<semaphore_mem>>)
      %add3A_672 = arith.addi %mul3A_2, %add3A_419 : i32
      %add3A_673 = arith.constant 12 : i32
      %add3A_674 = arith.addi %add3A_672, %add3A_673 : i32
      %slice3A_675 = vector.extract_strided_slice %get3A_421 {offsets = [12], sizes = [1], strides = [1]} : vector<16xi32> to vector<1xi32>
      %squeeze3A_676 = vector.extract %slice3A_675[0] : i32 from vector<1xi32>
      %mul3A_677 = arith.constant 128 : i32
      %mul3A_678 = arith.muli %squeeze3A_676, %mul3A_677 : i32
      %mul3A_679 = arith.constant 16 : i32
      %mul3A_680 = arith.muli %scan3A_415, %mul3A_679 : i32
      %add3A_681 = arith.constant 12 : i32
      %add3A_682 = arith.addi %mul3A_680, %add3A_681 : i32
      %dma_start3A_683 = arith.constant 0 : i32
      %dma_start3A_684 = tpu.memref_slice %arg6[%rem3A_218, %add3A_682, %dma_start3A_683] : memref<2x128x128xf32, #tpu.memory_space<vmem>> -> memref<1x1x128xf32, #tpu.memory_space<vmem>>
      %dma_start3A_685 = tpu.memref_squeeze %dma_start3A_684 : memref<1x1x128xf32, #tpu.memory_space<vmem>> -> memref<128xf32, #tpu.memory_space<vmem>>
      %dma_start3A_686 = tpu.memref_slice %arg2[%add3A_674, %mul3A_678] : memref<32768x2048xf32, #tpu.memory_space<hbm>> -> memref<1x128xf32, #tpu.memory_space<hbm>>
      %dma_start3A_687 = tpu.memref_squeeze %dma_start3A_686 : memref<1x128xf32, #tpu.memory_space<hbm>> -> memref<128xf32, #tpu.memory_space<hbm>>
      %dma_start3A_688 = arith.constant 0 : i32
      %dma_start3A_689 = tpu.memref_slice %arg6[%rem3A_218, %add3A_682, %dma_start3A_688] : memref<2x128x128xf32, #tpu.memory_space<vmem>> -> memref<1x1x128xf32, #tpu.memory_space<vmem>>
      %dma_start3A_690 = tpu.memref_squeeze %dma_start3A_689 : memref<1x1x128xf32, #tpu.memory_space<vmem>> -> memref<128xf32, #tpu.memory_space<vmem>>
      %dma_start3A_691 = tpu.memref_slice %arg2[%add3A_674, %mul3A_678] : memref<32768x2048xf32, #tpu.memory_space<hbm>> -> memref<1x128xf32, #tpu.memory_space<hbm>>
      %dma_start3A_692 = tpu.memref_squeeze %dma_start3A_691 : memref<1x128xf32, #tpu.memory_space<hbm>> -> memref<128xf32, #tpu.memory_space<hbm>>
      tpu.enqueue_dma source(%dma_start3A_692 : memref<128xf32, #tpu.memory_space<hbm>>) target(%dma_start3A_690 : memref<128xf32, #tpu.memory_space<vmem>>) target_semaphore(%arg7 : memref<!tpu.dma_semaphore, #tpu.memory_space<semaphore_mem>>)
      %add3A_693 = arith.addi %mul3A_2, %add3A_419 : i32
      %add3A_694 = arith.constant 13 : i32
      %add3A_695 = arith.addi %add3A_693, %add3A_694 : i32
      %slice3A_696 = vector.extract_strided_slice %get3A_421 {offsets = [13], sizes = [1], strides = [1]} : vector<16xi32> to vector<1xi32>
      %squeeze3A_697 = vector.extract %slice3A_696[0] : i32 from vector<1xi32>
      %mul3A_698 = arith.constant 128 : i32
      %mul3A_699 = arith.muli %squeeze3A_697, %mul3A_698 : i32
      %mul3A_700 = arith.constant 16 : i32
      %mul3A_701 = arith.muli %scan3A_415, %mul3A_700 : i32
      %add3A_702 = arith.constant 13 : i32
      %add3A_703 = arith.addi %mul3A_701, %add3A_702 : i32
      %dma_start3A_704 = arith.constant 0 : i32
      %dma_start3A_705 = tpu.memref_slice %arg6[%rem3A_218, %add3A_703, %dma_start3A_704] : memref<2x128x128xf32, #tpu.memory_space<vmem>> -> memref<1x1x128xf32, #tpu.memory_space<vmem>>
      %dma_start3A_706 = tpu.memref_squeeze %dma_start3A_705 : memref<1x1x128xf32, #tpu.memory_space<vmem>> -> memref<128xf32, #tpu.memory_space<vmem>>
      %dma_start3A_707 = tpu.memref_slice %arg2[%add3A_695, %mul3A_699] : memref<32768x2048xf32, #tpu.memory_space<hbm>> -> memref<1x128xf32, #tpu.memory_space<hbm>>
      %dma_start3A_708 = tpu.memref_squeeze %dma_start3A_707 : memref<1x128xf32, #tpu.memory_space<hbm>> -> memref<128xf32, #tpu.memory_space<hbm>>
      %dma_start3A_709 = arith.constant 0 : i32
      %dma_start3A_710 = tpu.memref_slice %arg6[%rem3A_218, %add3A_703, %dma_start3A_709] : memref<2x128x128xf32, #tpu.memory_space<vmem>> -> memref<1x1x128xf32, #tpu.memory_space<vmem>>
      %dma_start3A_711 = tpu.memref_squeeze %dma_start3A_710 : memref<1x1x128xf32, #tpu.memory_space<vmem>> -> memref<128xf32, #tpu.memory_space<vmem>>
      %dma_start3A_712 = tpu.memref_slice %arg2[%add3A_695, %mul3A_699] : memref<32768x2048xf32, #tpu.memory_space<hbm>> -> memref<1x128xf32, #tpu.memory_space<hbm>>
      %dma_start3A_713 = tpu.memref_squeeze %dma_start3A_712 : memref<1x128xf32, #tpu.memory_space<hbm>> -> memref<128xf32, #tpu.memory_space<hbm>>
      tpu.enqueue_dma source(%dma_start3A_713 : memref<128xf32, #tpu.memory_space<hbm>>) target(%dma_start3A_711 : memref<128xf32, #tpu.memory_space<vmem>>) target_semaphore(%arg7 : memref<!tpu.dma_semaphore, #tpu.memory_space<semaphore_mem>>)
      %add3A_714 = arith.addi %mul3A_2, %add3A_419 : i32
      %add3A_715 = arith.constant 14 : i32
      %add3A_716 = arith.addi %add3A_714, %add3A_715 : i32
      %slice3A_717 = vector.extract_strided_slice %get3A_421 {offsets = [14], sizes = [1], strides = [1]} : vector<16xi32> to vector<1xi32>
      %squeeze3A_718 = vector.extract %slice3A_717[0] : i32 from vector<1xi32>
      %mul3A_719 = arith.constant 128 : i32
      %mul3A_720 = arith.muli %squeeze3A_718, %mul3A_719 : i32
      %mul3A_721 = arith.constant 16 : i32
      %mul3A_722 = arith.muli %scan3A_415, %mul3A_721 : i32
      %add3A_723 = arith.constant 14 : i32
      %add3A_724 = arith.addi %mul3A_722, %add3A_723 : i32
      %dma_start3A_725 = arith.constant 0 : i32
      %dma_start3A_726 = tpu.memref_slice %arg6[%rem3A_218, %add3A_724, %dma_start3A_725] : memref<2x128x128xf32, #tpu.memory_space<vmem>> -> memref<1x1x128xf32, #tpu.memory_space<vmem>>
      %dma_start3A_727 = tpu.memref_squeeze %dma_start3A_726 : memref<1x1x128xf32, #tpu.memory_space<vmem>> -> memref<128xf32, #tpu.memory_space<vmem>>
      %dma_start3A_728 = tpu.memref_slice %arg2[%add3A_716, %mul3A_720] : memref<32768x2048xf32, #tpu.memory_space<hbm>> -> memref<1x128xf32, #tpu.memory_space<hbm>>
      %dma_start3A_729 = tpu.memref_squeeze %dma_start3A_728 : memref<1x128xf32, #tpu.memory_space<hbm>> -> memref<128xf32, #tpu.memory_space<hbm>>
      %dma_start3A_730 = arith.constant 0 : i32
      %dma_start3A_731 = tpu.memref_slice %arg6[%rem3A_218, %add3A_724, %dma_start3A_730] : memref<2x128x128xf32, #tpu.memory_space<vmem>> -> memref<1x1x128xf32, #tpu.memory_space<vmem>>
      %dma_start3A_732 = tpu.memref_squeeze %dma_start3A_731 : memref<1x1x128xf32, #tpu.memory_space<vmem>> -> memref<128xf32, #tpu.memory_space<vmem>>
      %dma_start3A_733 = tpu.memref_slice %arg2[%add3A_716, %mul3A_720] : memref<32768x2048xf32, #tpu.memory_space<hbm>> -> memref<1x128xf32, #tpu.memory_space<hbm>>
      %dma_start3A_734 = tpu.memref_squeeze %dma_start3A_733 : memref<1x128xf32, #tpu.memory_space<hbm>> -> memref<128xf32, #tpu.memory_space<hbm>>
      tpu.enqueue_dma source(%dma_start3A_734 : memref<128xf32, #tpu.memory_space<hbm>>) target(%dma_start3A_732 : memref<128xf32, #tpu.memory_space<vmem>>) target_semaphore(%arg7 : memref<!tpu.dma_semaphore, #tpu.memory_space<semaphore_mem>>)
      %add3A_735 = arith.addi %mul3A_2, %add3A_419 : i32
      %add3A_736 = arith.constant 15 : i32
      %add3A_737 = arith.addi %add3A_735, %add3A_736 : i32
      %slice3A_738 = vector.extract_strided_slice %get3A_421 {offsets = [15], sizes = [1], strides = [1]} : vector<16xi32> to vector<1xi32>
      %squeeze3A_739 = vector.extract %slice3A_738[0] : i32 from vector<1xi32>
      %mul3A_740 = arith.constant 128 : i32
      %mul3A_741 = arith.muli %squeeze3A_739, %mul3A_740 : i32
      %mul3A_742 = arith.constant 16 : i32
      %mul3A_743 = arith.muli %scan3A_415, %mul3A_742 : i32
      %add3A_744 = arith.constant 15 : i32
      %add3A_745 = arith.addi %mul3A_743, %add3A_744 : i32
      %dma_start3A_746 = arith.constant 0 : i32
      %dma_start3A_747 = tpu.memref_slice %arg6[%rem3A_218, %add3A_745, %dma_start3A_746] : memref<2x128x128xf32, #tpu.memory_space<vmem>> -> memref<1x1x128xf32, #tpu.memory_space<vmem>>
      %dma_start3A_748 = tpu.memref_squeeze %dma_start3A_747 : memref<1x1x128xf32, #tpu.memory_space<vmem>> -> memref<128xf32, #tpu.memory_space<vmem>>
      %dma_start3A_749 = tpu.memref_slice %arg2[%add3A_737, %mul3A_741] : memref<32768x2048xf32, #tpu.memory_space<hbm>> -> memref<1x128xf32, #tpu.memory_space<hbm>>
      %dma_start3A_750 = tpu.memref_squeeze %dma_start3A_749 : memref<1x128xf32, #tpu.memory_space<hbm>> -> memref<128xf32, #tpu.memory_space<hbm>>
      %dma_start3A_751 = arith.constant 0 : i32
      %dma_start3A_752 = tpu.memref_slice %arg6[%rem3A_218, %add3A_745, %dma_start3A_751] : memref<2x128x128xf32, #tpu.memory_space<vmem>> -> memref<1x1x128xf32, #tpu.memory_space<vmem>>
      %dma_start3A_753 = tpu.memref_squeeze %dma_start3A_752 : memref<1x1x128xf32, #tpu.memory_space<vmem>> -> memref<128xf32, #tpu.memory_space<vmem>>
      %dma_start3A_754 = tpu.memref_slice %arg2[%add3A_737, %mul3A_741] : memref<32768x2048xf32, #tpu.memory_space<hbm>> -> memref<1x128xf32, #tpu.memory_space<hbm>>
      %dma_start3A_755 = tpu.memref_squeeze %dma_start3A_754 : memref<1x128xf32, #tpu.memory_space<hbm>> -> memref<128xf32, #tpu.memory_space<hbm>>
      tpu.enqueue_dma source(%dma_start3A_755 : memref<128xf32, #tpu.memory_space<hbm>>) target(%dma_start3A_753 : memref<128xf32, #tpu.memory_space<vmem>>) target_semaphore(%arg7 : memref<!tpu.dma_semaphore, #tpu.memory_space<semaphore_mem>>)
    }
    %scan3A_224 = arith.constant 8 : i32
    %rem3A_225 = arith.constant 4 : i32
    %rem3A_226 = arith.constant 2 : i32
    %rem3A_227 = arith.remsi %rem3A_225, %rem3A_226 : i32
    %dma_wait3A_228 = arith.constant 0 : i32
    %dma_wait3A_229 = arith.constant 0 : i32
    %dma_wait3A_230 = tpu.memref_slice %arg6[%rem3A_227, %dma_wait3A_228, %dma_wait3A_229] : memref<2x128x128xf32, #tpu.memory_space<vmem>> -> memref<1x128x128xf32, #tpu.memory_space<vmem>>
    %dma_wait3A_231 = tpu.memref_squeeze %dma_wait3A_230 : memref<1x128x128xf32, #tpu.memory_space<vmem>> -> memref<128x128xf32, #tpu.memory_space<vmem>>
    %dma_wait3A_232 = arith.constant 0 : i32
    %dma_wait3A_233 = arith.constant 0 : i32
    %dma_wait3A_234 = tpu.memref_slice %arg2[%dma_wait3A_232, %dma_wait3A_233] : memref<32768x2048xf32, #tpu.memory_space<hbm>> -> memref<128x128xf32, #tpu.memory_space<hbm>>
    %dma_wait3A_235 = arith.constant 0 : i32
    %dma_wait3A_236 = arith.constant 0 : i32
    %dma_wait3A_237 = tpu.memref_slice %arg6[%rem3A_227, %dma_wait3A_235, %dma_wait3A_236] : memref<2x128x128xf32, #tpu.memory_space<vmem>> -> memref<1x128x128xf32, #tpu.memory_space<vmem>>
    %dma_wait3A_238 = tpu.memref_squeeze %dma_wait3A_237 : memref<1x128x128xf32, #tpu.memory_space<vmem>> -> memref<128x128xf32, #tpu.memory_space<vmem>>
    %dma_wait3A_239 = arith.constant 0 : i32
    %dma_wait3A_240 = arith.constant 0 : i32
    %dma_wait3A_241 = tpu.memref_slice %arg2[%dma_wait3A_239, %dma_wait3A_240] : memref<32768x2048xf32, #tpu.memory_space<hbm>> -> memref<128x128xf32, #tpu.memory_space<hbm>>
    tpu.wait_dma2 semaphore(%arg7 : memref<!tpu.dma_semaphore, #tpu.memory_space<semaphore_mem>>) src(%dma_wait3A_241 : memref<128x128xf32, #tpu.memory_space<hbm>>) dst(%dma_wait3A_238 : memref<128x128xf32, #tpu.memory_space<vmem>>)
    %add3A_242 = arith.constant 512 : i32
    %add3A_243 = arith.addi %mul3A_2, %add3A_242 : i32
    %dma_start3A_244 = arith.constant 0 : i32
    %dma_start3A_245 = arith.constant 0 : i32
    %dma_start3A_246 = tpu.memref_slice %arg6[%rem3A_227, %dma_start3A_244, %dma_start3A_245] : memref<2x128x128xf32, #tpu.memory_space<vmem>> -> memref<1x128x128xf32, #tpu.memory_space<vmem>>
    %dma_start3A_247 = tpu.memref_squeeze %dma_start3A_246 : memref<1x128x128xf32, #tpu.memory_space<vmem>> -> memref<128x128xf32, #tpu.memory_space<vmem>>
    %dma_start3A_248 = arith.constant 0 : i32
    %dma_start3A_249 = tpu.memref_slice %arg4[%add3A_243, %dma_start3A_248] : memref<32768x128xf32, #tpu.memory_space<hbm>> -> memref<128x128xf32, #tpu.memory_space<hbm>>
    %dma_start3A_250 = arith.constant 0 : i32
    %dma_start3A_251 = tpu.memref_slice %arg4[%add3A_243, %dma_start3A_250] : memref<32768x128xf32, #tpu.memory_space<hbm>> -> memref<128x128xf32, #tpu.memory_space<hbm>>
    %dma_start3A_252 = arith.constant 0 : i32
    %dma_start3A_253 = arith.constant 0 : i32
    %dma_start3A_254 = tpu.memref_slice %arg6[%rem3A_227, %dma_start3A_252, %dma_start3A_253] : memref<2x128x128xf32, #tpu.memory_space<vmem>> -> memref<1x128x128xf32, #tpu.memory_space<vmem>>
    %dma_start3A_255 = tpu.memref_squeeze %dma_start3A_254 : memref<1x128x128xf32, #tpu.memory_space<vmem>> -> memref<128x128xf32, #tpu.memory_space<vmem>>
    tpu.enqueue_dma source(%dma_start3A_255 : memref<128x128xf32, #tpu.memory_space<vmem>>) target(%dma_start3A_251 : memref<128x128xf32, #tpu.memory_space<hbm>>) target_semaphore(%arg8 : memref<!tpu.dma_semaphore, #tpu.memory_space<semaphore_mem>>)
    %dma_wait3A_256 = arith.constant 0 : i32
    %dma_wait3A_257 = arith.constant 0 : i32
    %dma_wait3A_258 = tpu.memref_slice %arg6[%rem3A_227, %dma_wait3A_256, %dma_wait3A_257] : memref<2x128x128xf32, #tpu.memory_space<vmem>> -> memref<1x128x128xf32, #tpu.memory_space<vmem>>
    %dma_wait3A_259 = tpu.memref_squeeze %dma_wait3A_258 : memref<1x128x128xf32, #tpu.memory_space<vmem>> -> memref<128x128xf32, #tpu.memory_space<vmem>>
    %dma_wait3A_260 = arith.constant 0 : i32
    %dma_wait3A_261 = tpu.memref_slice %arg4[%add3A_243, %dma_wait3A_260] : memref<32768x128xf32, #tpu.memory_space<hbm>> -> memref<128x128xf32, #tpu.memory_space<hbm>>
    %dma_wait3A_262 = arith.constant 0 : i32
    %dma_wait3A_263 = tpu.memref_slice %arg4[%add3A_243, %dma_wait3A_262] : memref<32768x128xf32, #tpu.memory_space<hbm>> -> memref<128x128xf32, #tpu.memory_space<hbm>>
    %dma_wait3A_264 = arith.constant 0 : i32
    %dma_wait3A_265 = arith.constant 0 : i32
    %dma_wait3A_266 = tpu.memref_slice %arg6[%rem3A_227, %dma_wait3A_264, %dma_wait3A_265] : memref<2x128x128xf32, #tpu.memory_space<vmem>> -> memref<1x128x128xf32, #tpu.memory_space<vmem>>
    %dma_wait3A_267 = tpu.memref_squeeze %dma_wait3A_266 : memref<1x128x128xf32, #tpu.memory_space<vmem>> -> memref<128x128xf32, #tpu.memory_space<vmem>>
    tpu.wait_dma2 semaphore(%arg8 : memref<!tpu.dma_semaphore, #tpu.memory_space<semaphore_mem>>) src(%dma_wait3A_267 : memref<128x128xf32, #tpu.memory_space<vmem>>) dst(%dma_wait3A_263 : memref<128x128xf32, #tpu.memory_space<hbm>>)
    %rem3A_268 = arith.constant 6 : i32
    %rem3A_269 = arith.constant 2 : i32
    %rem3A_270 = arith.remsi %rem3A_268, %rem3A_269 : i32
    %scan3A_271 = arith.constant 0 : i32
    %scan3A_272 = arith.constant 0 : i32
    %scan3A_273 = arith.constant 8 : i32
    %scan3A_274 = arith.addi %scan3A_272, %scan3A_273 : i32
    %scan3A_275 = arith.constant 1 : i32
    scf.for %scan3A_415 = %scan3A_272 to %scan3A_274 step %scan3A_275  : i32 {
      %mul3A_416 = arith.constant 16 : i32
      %mul3A_417 = arith.muli %scan3A_415, %mul3A_416 : i32
      %add3A_418 = arith.constant 768 : i32
      %add3A_419 = arith.addi %add3A_418, %mul3A_417 : i32
      %get3A = arith.index_cast %add3A_419 : i32 to index
      %get3A_420 = tpu.vector_load %arg5[%get3A] {strides = array<i32>} : memref<1024xi32, #tpu.memory_space<vmem>>, vector<16xi32>,
      %get3A_421 = vector.shape_cast %get3A_420 : vector<16xi32> to vector<16xi32>
      %add3A_422 = arith.addi %mul3A_2, %add3A_419 : i32
      %add3A_423 = arith.constant 0 : i32
      %add3A_424 = arith.addi %add3A_422, %add3A_423 : i32
      %slice3A = vector.extract_strided_slice %get3A_421 {offsets = [0], sizes = [1], strides = [1]} : vector<16xi32> to vector<1xi32>
      %squeeze3A = vector.extract %slice3A[0] : i32 from vector<1xi32>
      %mul3A_425 = arith.constant 128 : i32
      %mul3A_426 = arith.muli %squeeze3A, %mul3A_425 : i32
      %mul3A_427 = arith.constant 16 : i32
      %mul3A_428 = arith.muli %scan3A_415, %mul3A_427 : i32
      %add3A_429 = arith.constant 0 : i32
      %add3A_430 = arith.addi %mul3A_428, %add3A_429 : i32
      %dma_start3A_431 = arith.constant 0 : i32
      %dma_start3A_432 = tpu.memref_slice %arg6[%rem3A_270, %add3A_430, %dma_start3A_431] : memref<2x128x128xf32, #tpu.memory_space<vmem>> -> memref<1x1x128xf32, #tpu.memory_space<vmem>>
      %dma_start3A_433 = tpu.memref_squeeze %dma_start3A_432 : memref<1x1x128xf32, #tpu.memory_space<vmem>> -> memref<128xf32, #tpu.memory_space<vmem>>
      %dma_start3A_434 = tpu.memref_slice %arg2[%add3A_424, %mul3A_426] : memref<32768x2048xf32, #tpu.memory_space<hbm>> -> memref<1x128xf32, #tpu.memory_space<hbm>>
      %dma_start3A_435 = tpu.memref_squeeze %dma_start3A_434 : memref<1x128xf32, #tpu.memory_space<hbm>> -> memref<128xf32, #tpu.memory_space<hbm>>
      %dma_start3A_436 = arith.constant 0 : i32
      %dma_start3A_437 = tpu.memref_slice %arg6[%rem3A_270, %add3A_430, %dma_start3A_436] : memref<2x128x128xf32, #tpu.memory_space<vmem>> -> memref<1x1x128xf32, #tpu.memory_space<vmem>>
      %dma_start3A_438 = tpu.memref_squeeze %dma_start3A_437 : memref<1x1x128xf32, #tpu.memory_space<vmem>> -> memref<128xf32, #tpu.memory_space<vmem>>
      %dma_start3A_439 = tpu.memref_slice %arg2[%add3A_424, %mul3A_426] : memref<32768x2048xf32, #tpu.memory_space<hbm>> -> memref<1x128xf32, #tpu.memory_space<hbm>>
      %dma_start3A_440 = tpu.memref_squeeze %dma_start3A_439 : memref<1x128xf32, #tpu.memory_space<hbm>> -> memref<128xf32, #tpu.memory_space<hbm>>
      tpu.enqueue_dma source(%dma_start3A_440 : memref<128xf32, #tpu.memory_space<hbm>>) target(%dma_start3A_438 : memref<128xf32, #tpu.memory_space<vmem>>) target_semaphore(%arg7 : memref<!tpu.dma_semaphore, #tpu.memory_space<semaphore_mem>>)
      %add3A_441 = arith.addi %mul3A_2, %add3A_419 : i32
      %add3A_442 = arith.constant 1 : i32
      %add3A_443 = arith.addi %add3A_441, %add3A_442 : i32
      %slice3A_444 = vector.extract_strided_slice %get3A_421 {offsets = [1], sizes = [1], strides = [1]} : vector<16xi32> to vector<1xi32>
      %squeeze3A_445 = vector.extract %slice3A_444[0] : i32 from vector<1xi32>
      %mul3A_446 = arith.constant 128 : i32
      %mul3A_447 = arith.muli %squeeze3A_445, %mul3A_446 : i32
      %mul3A_448 = arith.constant 16 : i32
      %mul3A_449 = arith.muli %scan3A_415, %mul3A_448 : i32
      %add3A_450 = arith.constant 1 : i32
      %add3A_451 = arith.addi %mul3A_449, %add3A_450 : i32
      %dma_start3A_452 = arith.constant 0 : i32
      %dma_start3A_453 = tpu.memref_slice %arg6[%rem3A_270, %add3A_451, %dma_start3A_452] : memref<2x128x128xf32, #tpu.memory_space<vmem>> -> memref<1x1x128xf32, #tpu.memory_space<vmem>>
      %dma_start3A_454 = tpu.memref_squeeze %dma_start3A_453 : memref<1x1x128xf32, #tpu.memory_space<vmem>> -> memref<128xf32, #tpu.memory_space<vmem>>
      %dma_start3A_455 = tpu.memref_slice %arg2[%add3A_443, %mul3A_447] : memref<32768x2048xf32, #tpu.memory_space<hbm>> -> memref<1x128xf32, #tpu.memory_space<hbm>>
      %dma_start3A_456 = tpu.memref_squeeze %dma_start3A_455 : memref<1x128xf32, #tpu.memory_space<hbm>> -> memref<128xf32, #tpu.memory_space<hbm>>
      %dma_start3A_457 = arith.constant 0 : i32
      %dma_start3A_458 = tpu.memref_slice %arg6[%rem3A_270, %add3A_451, %dma_start3A_457] : memref<2x128x128xf32, #tpu.memory_space<vmem>> -> memref<1x1x128xf32, #tpu.memory_space<vmem>>
      %dma_start3A_459 = tpu.memref_squeeze %dma_start3A_458 : memref<1x1x128xf32, #tpu.memory_space<vmem>> -> memref<128xf32, #tpu.memory_space<vmem>>
      %dma_start3A_460 = tpu.memref_slice %arg2[%add3A_443, %mul3A_447] : memref<32768x2048xf32, #tpu.memory_space<hbm>> -> memref<1x128xf32, #tpu.memory_space<hbm>>
      %dma_start3A_461 = tpu.memref_squeeze %dma_start3A_460 : memref<1x128xf32, #tpu.memory_space<hbm>> -> memref<128xf32, #tpu.memory_space<hbm>>
      tpu.enqueue_dma source(%dma_start3A_461 : memref<128xf32, #tpu.memory_space<hbm>>) target(%dma_start3A_459 : memref<128xf32, #tpu.memory_space<vmem>>) target_semaphore(%arg7 : memref<!tpu.dma_semaphore, #tpu.memory_space<semaphore_mem>>)
      %add3A_462 = arith.addi %mul3A_2, %add3A_419 : i32
      %add3A_463 = arith.constant 2 : i32
      %add3A_464 = arith.addi %add3A_462, %add3A_463 : i32
      %slice3A_465 = vector.extract_strided_slice %get3A_421 {offsets = [2], sizes = [1], strides = [1]} : vector<16xi32> to vector<1xi32>
      %squeeze3A_466 = vector.extract %slice3A_465[0] : i32 from vector<1xi32>
      %mul3A_467 = arith.constant 128 : i32
      %mul3A_468 = arith.muli %squeeze3A_466, %mul3A_467 : i32
      %mul3A_469 = arith.constant 16 : i32
      %mul3A_470 = arith.muli %scan3A_415, %mul3A_469 : i32
      %add3A_471 = arith.constant 2 : i32
      %add3A_472 = arith.addi %mul3A_470, %add3A_471 : i32
      %dma_start3A_473 = arith.constant 0 : i32
      %dma_start3A_474 = tpu.memref_slice %arg6[%rem3A_270, %add3A_472, %dma_start3A_473] : memref<2x128x128xf32, #tpu.memory_space<vmem>> -> memref<1x1x128xf32, #tpu.memory_space<vmem>>
      %dma_start3A_475 = tpu.memref_squeeze %dma_start3A_474 : memref<1x1x128xf32, #tpu.memory_space<vmem>> -> memref<128xf32, #tpu.memory_space<vmem>>
      %dma_start3A_476 = tpu.memref_slice %arg2[%add3A_464, %mul3A_468] : memref<32768x2048xf32, #tpu.memory_space<hbm>> -> memref<1x128xf32, #tpu.memory_space<hbm>>
      %dma_start3A_477 = tpu.memref_squeeze %dma_start3A_476 : memref<1x128xf32, #tpu.memory_space<hbm>> -> memref<128xf32, #tpu.memory_space<hbm>>
      %dma_start3A_478 = arith.constant 0 : i32
      %dma_start3A_479 = tpu.memref_slice %arg6[%rem3A_270, %add3A_472, %dma_start3A_478] : memref<2x128x128xf32, #tpu.memory_space<vmem>> -> memref<1x1x128xf32, #tpu.memory_space<vmem>>
      %dma_start3A_480 = tpu.memref_squeeze %dma_start3A_479 : memref<1x1x128xf32, #tpu.memory_space<vmem>> -> memref<128xf32, #tpu.memory_space<vmem>>
      %dma_start3A_481 = tpu.memref_slice %arg2[%add3A_464, %mul3A_468] : memref<32768x2048xf32, #tpu.memory_space<hbm>> -> memref<1x128xf32, #tpu.memory_space<hbm>>
      %dma_start3A_482 = tpu.memref_squeeze %dma_start3A_481 : memref<1x128xf32, #tpu.memory_space<hbm>> -> memref<128xf32, #tpu.memory_space<hbm>>
      tpu.enqueue_dma source(%dma_start3A_482 : memref<128xf32, #tpu.memory_space<hbm>>) target(%dma_start3A_480 : memref<128xf32, #tpu.memory_space<vmem>>) target_semaphore(%arg7 : memref<!tpu.dma_semaphore, #tpu.memory_space<semaphore_mem>>)
      %add3A_483 = arith.addi %mul3A_2, %add3A_419 : i32
      %add3A_484 = arith.constant 3 : i32
      %add3A_485 = arith.addi %add3A_483, %add3A_484 : i32
      %slice3A_486 = vector.extract_strided_slice %get3A_421 {offsets = [3], sizes = [1], strides = [1]} : vector<16xi32> to vector<1xi32>
      %squeeze3A_487 = vector.extract %slice3A_486[0] : i32 from vector<1xi32>
      %mul3A_488 = arith.constant 128 : i32
      %mul3A_489 = arith.muli %squeeze3A_487, %mul3A_488 : i32
      %mul3A_490 = arith.constant 16 : i32
      %mul3A_491 = arith.muli %scan3A_415, %mul3A_490 : i32
      %add3A_492 = arith.constant 3 : i32
      %add3A_493 = arith.addi %mul3A_491, %add3A_492 : i32
      %dma_start3A_494 = arith.constant 0 : i32
      %dma_start3A_495 = tpu.memref_slice %arg6[%rem3A_270, %add3A_493, %dma_start3A_494] : memref<2x128x128xf32, #tpu.memory_space<vmem>> -> memref<1x1x128xf32, #tpu.memory_space<vmem>>
      %dma_start3A_496 = tpu.memref_squeeze %dma_start3A_495 : memref<1x1x128xf32, #tpu.memory_space<vmem>> -> memref<128xf32, #tpu.memory_space<vmem>>
      %dma_start3A_497 = tpu.memref_slice %arg2[%add3A_485, %mul3A_489] : memref<32768x2048xf32, #tpu.memory_space<hbm>> -> memref<1x128xf32, #tpu.memory_space<hbm>>
      %dma_start3A_498 = tpu.memref_squeeze %dma_start3A_497 : memref<1x128xf32, #tpu.memory_space<hbm>> -> memref<128xf32, #tpu.memory_space<hbm>>
      %dma_start3A_499 = arith.constant 0 : i32
      %dma_start3A_500 = tpu.memref_slice %arg6[%rem3A_270, %add3A_493, %dma_start3A_499] : memref<2x128x128xf32, #tpu.memory_space<vmem>> -> memref<1x1x128xf32, #tpu.memory_space<vmem>>
      %dma_start3A_501 = tpu.memref_squeeze %dma_start3A_500 : memref<1x1x128xf32, #tpu.memory_space<vmem>> -> memref<128xf32, #tpu.memory_space<vmem>>
      %dma_start3A_502 = tpu.memref_slice %arg2[%add3A_485, %mul3A_489] : memref<32768x2048xf32, #tpu.memory_space<hbm>> -> memref<1x128xf32, #tpu.memory_space<hbm>>
      %dma_start3A_503 = tpu.memref_squeeze %dma_start3A_502 : memref<1x128xf32, #tpu.memory_space<hbm>> -> memref<128xf32, #tpu.memory_space<hbm>>
      tpu.enqueue_dma source(%dma_start3A_503 : memref<128xf32, #tpu.memory_space<hbm>>) target(%dma_start3A_501 : memref<128xf32, #tpu.memory_space<vmem>>) target_semaphore(%arg7 : memref<!tpu.dma_semaphore, #tpu.memory_space<semaphore_mem>>)
      %add3A_504 = arith.addi %mul3A_2, %add3A_419 : i32
      %add3A_505 = arith.constant 4 : i32
      %add3A_506 = arith.addi %add3A_504, %add3A_505 : i32
      %slice3A_507 = vector.extract_strided_slice %get3A_421 {offsets = [4], sizes = [1], strides = [1]} : vector<16xi32> to vector<1xi32>
      %squeeze3A_508 = vector.extract %slice3A_507[0] : i32 from vector<1xi32>
      %mul3A_509 = arith.constant 128 : i32
      %mul3A_510 = arith.muli %squeeze3A_508, %mul3A_509 : i32
      %mul3A_511 = arith.constant 16 : i32
      %mul3A_512 = arith.muli %scan3A_415, %mul3A_511 : i32
      %add3A_513 = arith.constant 4 : i32
      %add3A_514 = arith.addi %mul3A_512, %add3A_513 : i32
      %dma_start3A_515 = arith.constant 0 : i32
      %dma_start3A_516 = tpu.memref_slice %arg6[%rem3A_270, %add3A_514, %dma_start3A_515] : memref<2x128x128xf32, #tpu.memory_space<vmem>> -> memref<1x1x128xf32, #tpu.memory_space<vmem>>
      %dma_start3A_517 = tpu.memref_squeeze %dma_start3A_516 : memref<1x1x128xf32, #tpu.memory_space<vmem>> -> memref<128xf32, #tpu.memory_space<vmem>>
      %dma_start3A_518 = tpu.memref_slice %arg2[%add3A_506, %mul3A_510] : memref<32768x2048xf32, #tpu.memory_space<hbm>> -> memref<1x128xf32, #tpu.memory_space<hbm>>
      %dma_start3A_519 = tpu.memref_squeeze %dma_start3A_518 : memref<1x128xf32, #tpu.memory_space<hbm>> -> memref<128xf32, #tpu.memory_space<hbm>>
      %dma_start3A_520 = arith.constant 0 : i32
      %dma_start3A_521 = tpu.memref_slice %arg6[%rem3A_270, %add3A_514, %dma_start3A_520] : memref<2x128x128xf32, #tpu.memory_space<vmem>> -> memref<1x1x128xf32, #tpu.memory_space<vmem>>
      %dma_start3A_522 = tpu.memref_squeeze %dma_start3A_521 : memref<1x1x128xf32, #tpu.memory_space<vmem>> -> memref<128xf32, #tpu.memory_space<vmem>>
      %dma_start3A_523 = tpu.memref_slice %arg2[%add3A_506, %mul3A_510] : memref<32768x2048xf32, #tpu.memory_space<hbm>> -> memref<1x128xf32, #tpu.memory_space<hbm>>
      %dma_start3A_524 = tpu.memref_squeeze %dma_start3A_523 : memref<1x128xf32, #tpu.memory_space<hbm>> -> memref<128xf32, #tpu.memory_space<hbm>>
      tpu.enqueue_dma source(%dma_start3A_524 : memref<128xf32, #tpu.memory_space<hbm>>) target(%dma_start3A_522 : memref<128xf32, #tpu.memory_space<vmem>>) target_semaphore(%arg7 : memref<!tpu.dma_semaphore, #tpu.memory_space<semaphore_mem>>)
      %add3A_525 = arith.addi %mul3A_2, %add3A_419 : i32
      %add3A_526 = arith.constant 5 : i32
      %add3A_527 = arith.addi %add3A_525, %add3A_526 : i32
      %slice3A_528 = vector.extract_strided_slice %get3A_421 {offsets = [5], sizes = [1], strides = [1]} : vector<16xi32> to vector<1xi32>
      %squeeze3A_529 = vector.extract %slice3A_528[0] : i32 from vector<1xi32>
      %mul3A_530 = arith.constant 128 : i32
      %mul3A_531 = arith.muli %squeeze3A_529, %mul3A_530 : i32
      %mul3A_532 = arith.constant 16 : i32
      %mul3A_533 = arith.muli %scan3A_415, %mul3A_532 : i32
      %add3A_534 = arith.constant 5 : i32
      %add3A_535 = arith.addi %mul3A_533, %add3A_534 : i32
      %dma_start3A_536 = arith.constant 0 : i32
      %dma_start3A_537 = tpu.memref_slice %arg6[%rem3A_270, %add3A_535, %dma_start3A_536] : memref<2x128x128xf32, #tpu.memory_space<vmem>> -> memref<1x1x128xf32, #tpu.memory_space<vmem>>
      %dma_start3A_538 = tpu.memref_squeeze %dma_start3A_537 : memref<1x1x128xf32, #tpu.memory_space<vmem>> -> memref<128xf32, #tpu.memory_space<vmem>>
      %dma_start3A_539 = tpu.memref_slice %arg2[%add3A_527, %mul3A_531] : memref<32768x2048xf32, #tpu.memory_space<hbm>> -> memref<1x128xf32, #tpu.memory_space<hbm>>
      %dma_start3A_540 = tpu.memref_squeeze %dma_start3A_539 : memref<1x128xf32, #tpu.memory_space<hbm>> -> memref<128xf32, #tpu.memory_space<hbm>>
      %dma_start3A_541 = arith.constant 0 : i32
      %dma_start3A_542 = tpu.memref_slice %arg6[%rem3A_270, %add3A_535, %dma_start3A_541] : memref<2x128x128xf32, #tpu.memory_space<vmem>> -> memref<1x1x128xf32, #tpu.memory_space<vmem>>
      %dma_start3A_543 = tpu.memref_squeeze %dma_start3A_542 : memref<1x1x128xf32, #tpu.memory_space<vmem>> -> memref<128xf32, #tpu.memory_space<vmem>>
      %dma_start3A_544 = tpu.memref_slice %arg2[%add3A_527, %mul3A_531] : memref<32768x2048xf32, #tpu.memory_space<hbm>> -> memref<1x128xf32, #tpu.memory_space<hbm>>
      %dma_start3A_545 = tpu.memref_squeeze %dma_start3A_544 : memref<1x128xf32, #tpu.memory_space<hbm>> -> memref<128xf32, #tpu.memory_space<hbm>>
      tpu.enqueue_dma source(%dma_start3A_545 : memref<128xf32, #tpu.memory_space<hbm>>) target(%dma_start3A_543 : memref<128xf32, #tpu.memory_space<vmem>>) target_semaphore(%arg7 : memref<!tpu.dma_semaphore, #tpu.memory_space<semaphore_mem>>)
      %add3A_546 = arith.addi %mul3A_2, %add3A_419 : i32
      %add3A_547 = arith.constant 6 : i32
      %add3A_548 = arith.addi %add3A_546, %add3A_547 : i32
      %slice3A_549 = vector.extract_strided_slice %get3A_421 {offsets = [6], sizes = [1], strides = [1]} : vector<16xi32> to vector<1xi32>
      %squeeze3A_550 = vector.extract %slice3A_549[0] : i32 from vector<1xi32>
      %mul3A_551 = arith.constant 128 : i32
      %mul3A_552 = arith.muli %squeeze3A_550, %mul3A_551 : i32
      %mul3A_553 = arith.constant 16 : i32
      %mul3A_554 = arith.muli %scan3A_415, %mul3A_553 : i32
      %add3A_555 = arith.constant 6 : i32
      %add3A_556 = arith.addi %mul3A_554, %add3A_555 : i32
      %dma_start3A_557 = arith.constant 0 : i32
      %dma_start3A_558 = tpu.memref_slice %arg6[%rem3A_270, %add3A_556, %dma_start3A_557] : memref<2x128x128xf32, #tpu.memory_space<vmem>> -> memref<1x1x128xf32, #tpu.memory_space<vmem>>
      %dma_start3A_559 = tpu.memref_squeeze %dma_start3A_558 : memref<1x1x128xf32, #tpu.memory_space<vmem>> -> memref<128xf32, #tpu.memory_space<vmem>>
      %dma_start3A_560 = tpu.memref_slice %arg2[%add3A_548, %mul3A_552] : memref<32768x2048xf32, #tpu.memory_space<hbm>> -> memref<1x128xf32, #tpu.memory_space<hbm>>
      %dma_start3A_561 = tpu.memref_squeeze %dma_start3A_560 : memref<1x128xf32, #tpu.memory_space<hbm>> -> memref<128xf32, #tpu.memory_space<hbm>>
      %dma_start3A_562 = arith.constant 0 : i32
      %dma_start3A_563 = tpu.memref_slice %arg6[%rem3A_270, %add3A_556, %dma_start3A_562] : memref<2x128x128xf32, #tpu.memory_space<vmem>> -> memref<1x1x128xf32, #tpu.memory_space<vmem>>
      %dma_start3A_564 = tpu.memref_squeeze %dma_start3A_563 : memref<1x1x128xf32, #tpu.memory_space<vmem>> -> memref<128xf32, #tpu.memory_space<vmem>>
      %dma_start3A_565 = tpu.memref_slice %arg2[%add3A_548, %mul3A_552] : memref<32768x2048xf32, #tpu.memory_space<hbm>> -> memref<1x128xf32, #tpu.memory_space<hbm>>
      %dma_start3A_566 = tpu.memref_squeeze %dma_start3A_565 : memref<1x128xf32, #tpu.memory_space<hbm>> -> memref<128xf32, #tpu.memory_space<hbm>>
      tpu.enqueue_dma source(%dma_start3A_566 : memref<128xf32, #tpu.memory_space<hbm>>) target(%dma_start3A_564 : memref<128xf32, #tpu.memory_space<vmem>>) target_semaphore(%arg7 : memref<!tpu.dma_semaphore, #tpu.memory_space<semaphore_mem>>)
      %add3A_567 = arith.addi %mul3A_2, %add3A_419 : i32
      %add3A_568 = arith.constant 7 : i32
      %add3A_569 = arith.addi %add3A_567, %add3A_568 : i32
      %slice3A_570 = vector.extract_strided_slice %get3A_421 {offsets = [7], sizes = [1], strides = [1]} : vector<16xi32> to vector<1xi32>
      %squeeze3A_571 = vector.extract %slice3A_570[0] : i32 from vector<1xi32>
      %mul3A_572 = arith.constant 128 : i32
      %mul3A_573 = arith.muli %squeeze3A_571, %mul3A_572 : i32
      %mul3A_574 = arith.constant 16 : i32
      %mul3A_575 = arith.muli %scan3A_415, %mul3A_574 : i32
      %add3A_576 = arith.constant 7 : i32
      %add3A_577 = arith.addi %mul3A_575, %add3A_576 : i32
      %dma_start3A_578 = arith.constant 0 : i32
      %dma_start3A_579 = tpu.memref_slice %arg6[%rem3A_270, %add3A_577, %dma_start3A_578] : memref<2x128x128xf32, #tpu.memory_space<vmem>> -> memref<1x1x128xf32, #tpu.memory_space<vmem>>
      %dma_start3A_580 = tpu.memref_squeeze %dma_start3A_579 : memref<1x1x128xf32, #tpu.memory_space<vmem>> -> memref<128xf32, #tpu.memory_space<vmem>>
      %dma_start3A_581 = tpu.memref_slice %arg2[%add3A_569, %mul3A_573] : memref<32768x2048xf32, #tpu.memory_space<hbm>> -> memref<1x128xf32, #tpu.memory_space<hbm>>
      %dma_start3A_582 = tpu.memref_squeeze %dma_start3A_581 : memref<1x128xf32, #tpu.memory_space<hbm>> -> memref<128xf32, #tpu.memory_space<hbm>>
      %dma_start3A_583 = arith.constant 0 : i32
      %dma_start3A_584 = tpu.memref_slice %arg6[%rem3A_270, %add3A_577, %dma_start3A_583] : memref<2x128x128xf32, #tpu.memory_space<vmem>> -> memref<1x1x128xf32, #tpu.memory_space<vmem>>
      %dma_start3A_585 = tpu.memref_squeeze %dma_start3A_584 : memref<1x1x128xf32, #tpu.memory_space<vmem>> -> memref<128xf32, #tpu.memory_space<vmem>>
      %dma_start3A_586 = tpu.memref_slice %arg2[%add3A_569, %mul3A_573] : memref<32768x2048xf32, #tpu.memory_space<hbm>> -> memref<1x128xf32, #tpu.memory_space<hbm>>
      %dma_start3A_587 = tpu.memref_squeeze %dma_start3A_586 : memref<1x128xf32, #tpu.memory_space<hbm>> -> memref<128xf32, #tpu.memory_space<hbm>>
      tpu.enqueue_dma source(%dma_start3A_587 : memref<128xf32, #tpu.memory_space<hbm>>) target(%dma_start3A_585 : memref<128xf32, #tpu.memory_space<vmem>>) target_semaphore(%arg7 : memref<!tpu.dma_semaphore, #tpu.memory_space<semaphore_mem>>)
      %add3A_588 = arith.addi %mul3A_2, %add3A_419 : i32
      %add3A_589 = arith.constant 8 : i32
      %add3A_590 = arith.addi %add3A_588, %add3A_589 : i32
      %slice3A_591 = vector.extract_strided_slice %get3A_421 {offsets = [8], sizes = [1], strides = [1]} : vector<16xi32> to vector<1xi32>
      %squeeze3A_592 = vector.extract %slice3A_591[0] : i32 from vector<1xi32>
      %mul3A_593 = arith.constant 128 : i32
      %mul3A_594 = arith.muli %squeeze3A_592, %mul3A_593 : i32
      %mul3A_595 = arith.constant 16 : i32
      %mul3A_596 = arith.muli %scan3A_415, %mul3A_595 : i32
      %add3A_597 = arith.constant 8 : i32
      %add3A_598 = arith.addi %mul3A_596, %add3A_597 : i32
      %dma_start3A_599 = arith.constant 0 : i32
      %dma_start3A_600 = tpu.memref_slice %arg6[%rem3A_270, %add3A_598, %dma_start3A_599] : memref<2x128x128xf32, #tpu.memory_space<vmem>> -> memref<1x1x128xf32, #tpu.memory_space<vmem>>
      %dma_start3A_601 = tpu.memref_squeeze %dma_start3A_600 : memref<1x1x128xf32, #tpu.memory_space<vmem>> -> memref<128xf32, #tpu.memory_space<vmem>>
      %dma_start3A_602 = tpu.memref_slice %arg2[%add3A_590, %mul3A_594] : memref<32768x2048xf32, #tpu.memory_space<hbm>> -> memref<1x128xf32, #tpu.memory_space<hbm>>
      %dma_start3A_603 = tpu.memref_squeeze %dma_start3A_602 : memref<1x128xf32, #tpu.memory_space<hbm>> -> memref<128xf32, #tpu.memory_space<hbm>>
      %dma_start3A_604 = arith.constant 0 : i32
      %dma_start3A_605 = tpu.memref_slice %arg6[%rem3A_270, %add3A_598, %dma_start3A_604] : memref<2x128x128xf32, #tpu.memory_space<vmem>> -> memref<1x1x128xf32, #tpu.memory_space<vmem>>
      %dma_start3A_606 = tpu.memref_squeeze %dma_start3A_605 : memref<1x1x128xf32, #tpu.memory_space<vmem>> -> memref<128xf32, #tpu.memory_space<vmem>>
      %dma_start3A_607 = tpu.memref_slice %arg2[%add3A_590, %mul3A_594] : memref<32768x2048xf32, #tpu.memory_space<hbm>> -> memref<1x128xf32, #tpu.memory_space<hbm>>
      %dma_start3A_608 = tpu.memref_squeeze %dma_start3A_607 : memref<1x128xf32, #tpu.memory_space<hbm>> -> memref<128xf32, #tpu.memory_space<hbm>>
      tpu.enqueue_dma source(%dma_start3A_608 : memref<128xf32, #tpu.memory_space<hbm>>) target(%dma_start3A_606 : memref<128xf32, #tpu.memory_space<vmem>>) target_semaphore(%arg7 : memref<!tpu.dma_semaphore, #tpu.memory_space<semaphore_mem>>)
      %add3A_609 = arith.addi %mul3A_2, %add3A_419 : i32
      %add3A_610 = arith.constant 9 : i32
      %add3A_611 = arith.addi %add3A_609, %add3A_610 : i32
      %slice3A_612 = vector.extract_strided_slice %get3A_421 {offsets = [9], sizes = [1], strides = [1]} : vector<16xi32> to vector<1xi32>
      %squeeze3A_613 = vector.extract %slice3A_612[0] : i32 from vector<1xi32>
      %mul3A_614 = arith.constant 128 : i32
      %mul3A_615 = arith.muli %squeeze3A_613, %mul3A_614 : i32
      %mul3A_616 = arith.constant 16 : i32
      %mul3A_617 = arith.muli %scan3A_415, %mul3A_616 : i32
      %add3A_618 = arith.constant 9 : i32
      %add3A_619 = arith.addi %mul3A_617, %add3A_618 : i32
      %dma_start3A_620 = arith.constant 0 : i32
      %dma_start3A_621 = tpu.memref_slice %arg6[%rem3A_270, %add3A_619, %dma_start3A_620] : memref<2x128x128xf32, #tpu.memory_space<vmem>> -> memref<1x1x128xf32, #tpu.memory_space<vmem>>
      %dma_start3A_622 = tpu.memref_squeeze %dma_start3A_621 : memref<1x1x128xf32, #tpu.memory_space<vmem>> -> memref<128xf32, #tpu.memory_space<vmem>>
      %dma_start3A_623 = tpu.memref_slice %arg2[%add3A_611, %mul3A_615] : memref<32768x2048xf32, #tpu.memory_space<hbm>> -> memref<1x128xf32, #tpu.memory_space<hbm>>
      %dma_start3A_624 = tpu.memref_squeeze %dma_start3A_623 : memref<1x128xf32, #tpu.memory_space<hbm>> -> memref<128xf32, #tpu.memory_space<hbm>>
      %dma_start3A_625 = arith.constant 0 : i32
      %dma_start3A_626 = tpu.memref_slice %arg6[%rem3A_270, %add3A_619, %dma_start3A_625] : memref<2x128x128xf32, #tpu.memory_space<vmem>> -> memref<1x1x128xf32, #tpu.memory_space<vmem>>
      %dma_start3A_627 = tpu.memref_squeeze %dma_start3A_626 : memref<1x1x128xf32, #tpu.memory_space<vmem>> -> memref<128xf32, #tpu.memory_space<vmem>>
      %dma_start3A_628 = tpu.memref_slice %arg2[%add3A_611, %mul3A_615] : memref<32768x2048xf32, #tpu.memory_space<hbm>> -> memref<1x128xf32, #tpu.memory_space<hbm>>
      %dma_start3A_629 = tpu.memref_squeeze %dma_start3A_628 : memref<1x128xf32, #tpu.memory_space<hbm>> -> memref<128xf32, #tpu.memory_space<hbm>>
      tpu.enqueue_dma source(%dma_start3A_629 : memref<128xf32, #tpu.memory_space<hbm>>) target(%dma_start3A_627 : memref<128xf32, #tpu.memory_space<vmem>>) target_semaphore(%arg7 : memref<!tpu.dma_semaphore, #tpu.memory_space<semaphore_mem>>)
      %add3A_630 = arith.addi %mul3A_2, %add3A_419 : i32
      %add3A_631 = arith.constant 10 : i32
      %add3A_632 = arith.addi %add3A_630, %add3A_631 : i32
      %slice3A_633 = vector.extract_strided_slice %get3A_421 {offsets = [10], sizes = [1], strides = [1]} : vector<16xi32> to vector<1xi32>
      %squeeze3A_634 = vector.extract %slice3A_633[0] : i32 from vector<1xi32>
      %mul3A_635 = arith.constant 128 : i32
      %mul3A_636 = arith.muli %squeeze3A_634, %mul3A_635 : i32
      %mul3A_637 = arith.constant 16 : i32
      %mul3A_638 = arith.muli %scan3A_415, %mul3A_637 : i32
      %add3A_639 = arith.constant 10 : i32
      %add3A_640 = arith.addi %mul3A_638, %add3A_639 : i32
      %dma_start3A_641 = arith.constant 0 : i32
      %dma_start3A_642 = tpu.memref_slice %arg6[%rem3A_270, %add3A_640, %dma_start3A_641] : memref<2x128x128xf32, #tpu.memory_space<vmem>> -> memref<1x1x128xf32, #tpu.memory_space<vmem>>
      %dma_start3A_643 = tpu.memref_squeeze %dma_start3A_642 : memref<1x1x128xf32, #tpu.memory_space<vmem>> -> memref<128xf32, #tpu.memory_space<vmem>>
      %dma_start3A_644 = tpu.memref_slice %arg2[%add3A_632, %mul3A_636] : memref<32768x2048xf32, #tpu.memory_space<hbm>> -> memref<1x128xf32, #tpu.memory_space<hbm>>
      %dma_start3A_645 = tpu.memref_squeeze %dma_start3A_644 : memref<1x128xf32, #tpu.memory_space<hbm>> -> memref<128xf32, #tpu.memory_space<hbm>>
      %dma_start3A_646 = arith.constant 0 : i32
      %dma_start3A_647 = tpu.memref_slice %arg6[%rem3A_270, %add3A_640, %dma_start3A_646] : memref<2x128x128xf32, #tpu.memory_space<vmem>> -> memref<1x1x128xf32, #tpu.memory_space<vmem>>
      %dma_start3A_648 = tpu.memref_squeeze %dma_start3A_647 : memref<1x1x128xf32, #tpu.memory_space<vmem>> -> memref<128xf32, #tpu.memory_space<vmem>>
      %dma_start3A_649 = tpu.memref_slice %arg2[%add3A_632, %mul3A_636] : memref<32768x2048xf32, #tpu.memory_space<hbm>> -> memref<1x128xf32, #tpu.memory_space<hbm>>
      %dma_start3A_650 = tpu.memref_squeeze %dma_start3A_649 : memref<1x128xf32, #tpu.memory_space<hbm>> -> memref<128xf32, #tpu.memory_space<hbm>>
      tpu.enqueue_dma source(%dma_start3A_650 : memref<128xf32, #tpu.memory_space<hbm>>) target(%dma_start3A_648 : memref<128xf32, #tpu.memory_space<vmem>>) target_semaphore(%arg7 : memref<!tpu.dma_semaphore, #tpu.memory_space<semaphore_mem>>)
      %add3A_651 = arith.addi %mul3A_2, %add3A_419 : i32
      %add3A_652 = arith.constant 11 : i32
      %add3A_653 = arith.addi %add3A_651, %add3A_652 : i32
      %slice3A_654 = vector.extract_strided_slice %get3A_421 {offsets = [11], sizes = [1], strides = [1]} : vector<16xi32> to vector<1xi32>
      %squeeze3A_655 = vector.extract %slice3A_654[0] : i32 from vector<1xi32>
      %mul3A_656 = arith.constant 128 : i32
      %mul3A_657 = arith.muli %squeeze3A_655, %mul3A_656 : i32
      %mul3A_658 = arith.constant 16 : i32
      %mul3A_659 = arith.muli %scan3A_415, %mul3A_658 : i32
      %add3A_660 = arith.constant 11 : i32
      %add3A_661 = arith.addi %mul3A_659, %add3A_660 : i32
      %dma_start3A_662 = arith.constant 0 : i32
      %dma_start3A_663 = tpu.memref_slice %arg6[%rem3A_270, %add3A_661, %dma_start3A_662] : memref<2x128x128xf32, #tpu.memory_space<vmem>> -> memref<1x1x128xf32, #tpu.memory_space<vmem>>
      %dma_start3A_664 = tpu.memref_squeeze %dma_start3A_663 : memref<1x1x128xf32, #tpu.memory_space<vmem>> -> memref<128xf32, #tpu.memory_space<vmem>>
      %dma_start3A_665 = tpu.memref_slice %arg2[%add3A_653, %mul3A_657] : memref<32768x2048xf32, #tpu.memory_space<hbm>> -> memref<1x128xf32, #tpu.memory_space<hbm>>
      %dma_start3A_666 = tpu.memref_squeeze %dma_start3A_665 : memref<1x128xf32, #tpu.memory_space<hbm>> -> memref<128xf32, #tpu.memory_space<hbm>>
      %dma_start3A_667 = arith.constant 0 : i32
      %dma_start3A_668 = tpu.memref_slice %arg6[%rem3A_270, %add3A_661, %dma_start3A_667] : memref<2x128x128xf32, #tpu.memory_space<vmem>> -> memref<1x1x128xf32, #tpu.memory_space<vmem>>
      %dma_start3A_669 = tpu.memref_squeeze %dma_start3A_668 : memref<1x1x128xf32, #tpu.memory_space<vmem>> -> memref<128xf32, #tpu.memory_space<vmem>>
      %dma_start3A_670 = tpu.memref_slice %arg2[%add3A_653, %mul3A_657] : memref<32768x2048xf32, #tpu.memory_space<hbm>> -> memref<1x128xf32, #tpu.memory_space<hbm>>
      %dma_start3A_671 = tpu.memref_squeeze %dma_start3A_670 : memref<1x128xf32, #tpu.memory_space<hbm>> -> memref<128xf32, #tpu.memory_space<hbm>>
      tpu.enqueue_dma source(%dma_start3A_671 : memref<128xf32, #tpu.memory_space<hbm>>) target(%dma_start3A_669 : memref<128xf32, #tpu.memory_space<vmem>>) target_semaphore(%arg7 : memref<!tpu.dma_semaphore, #tpu.memory_space<semaphore_mem>>)
      %add3A_672 = arith.addi %mul3A_2, %add3A_419 : i32
      %add3A_673 = arith.constant 12 : i32
      %add3A_674 = arith.addi %add3A_672, %add3A_673 : i32
      %slice3A_675 = vector.extract_strided_slice %get3A_421 {offsets = [12], sizes = [1], strides = [1]} : vector<16xi32> to vector<1xi32>
      %squeeze3A_676 = vector.extract %slice3A_675[0] : i32 from vector<1xi32>
      %mul3A_677 = arith.constant 128 : i32
      %mul3A_678 = arith.muli %squeeze3A_676, %mul3A_677 : i32
      %mul3A_679 = arith.constant 16 : i32
      %mul3A_680 = arith.muli %scan3A_415, %mul3A_679 : i32
      %add3A_681 = arith.constant 12 : i32
      %add3A_682 = arith.addi %mul3A_680, %add3A_681 : i32
      %dma_start3A_683 = arith.constant 0 : i32
      %dma_start3A_684 = tpu.memref_slice %arg6[%rem3A_270, %add3A_682, %dma_start3A_683] : memref<2x128x128xf32, #tpu.memory_space<vmem>> -> memref<1x1x128xf32, #tpu.memory_space<vmem>>
      %dma_start3A_685 = tpu.memref_squeeze %dma_start3A_684 : memref<1x1x128xf32, #tpu.memory_space<vmem>> -> memref<128xf32, #tpu.memory_space<vmem>>
      %dma_start3A_686 = tpu.memref_slice %arg2[%add3A_674, %mul3A_678] : memref<32768x2048xf32, #tpu.memory_space<hbm>> -> memref<1x128xf32, #tpu.memory_space<hbm>>
      %dma_start3A_687 = tpu.memref_squeeze %dma_start3A_686 : memref<1x128xf32, #tpu.memory_space<hbm>> -> memref<128xf32, #tpu.memory_space<hbm>>
      %dma_start3A_688 = arith.constant 0 : i32
      %dma_start3A_689 = tpu.memref_slice %arg6[%rem3A_270, %add3A_682, %dma_start3A_688] : memref<2x128x128xf32, #tpu.memory_space<vmem>> -> memref<1x1x128xf32, #tpu.memory_space<vmem>>
      %dma_start3A_690 = tpu.memref_squeeze %dma_start3A_689 : memref<1x1x128xf32, #tpu.memory_space<vmem>> -> memref<128xf32, #tpu.memory_space<vmem>>
      %dma_start3A_691 = tpu.memref_slice %arg2[%add3A_674, %mul3A_678] : memref<32768x2048xf32, #tpu.memory_space<hbm>> -> memref<1x128xf32, #tpu.memory_space<hbm>>
      %dma_start3A_692 = tpu.memref_squeeze %dma_start3A_691 : memref<1x128xf32, #tpu.memory_space<hbm>> -> memref<128xf32, #tpu.memory_space<hbm>>
      tpu.enqueue_dma source(%dma_start3A_692 : memref<128xf32, #tpu.memory_space<hbm>>) target(%dma_start3A_690 : memref<128xf32, #tpu.memory_space<vmem>>) target_semaphore(%arg7 : memref<!tpu.dma_semaphore, #tpu.memory_space<semaphore_mem>>)
      %add3A_693 = arith.addi %mul3A_2, %add3A_419 : i32
      %add3A_694 = arith.constant 13 : i32
      %add3A_695 = arith.addi %add3A_693, %add3A_694 : i32
      %slice3A_696 = vector.extract_strided_slice %get3A_421 {offsets = [13], sizes = [1], strides = [1]} : vector<16xi32> to vector<1xi32>
      %squeeze3A_697 = vector.extract %slice3A_696[0] : i32 from vector<1xi32>
      %mul3A_698 = arith.constant 128 : i32
      %mul3A_699 = arith.muli %squeeze3A_697, %mul3A_698 : i32
      %mul3A_700 = arith.constant 16 : i32
      %mul3A_701 = arith.muli %scan3A_415, %mul3A_700 : i32
      %add3A_702 = arith.constant 13 : i32
      %add3A_703 = arith.addi %mul3A_701, %add3A_702 : i32
      %dma_start3A_704 = arith.constant 0 : i32
      %dma_start3A_705 = tpu.memref_slice %arg6[%rem3A_270, %add3A_703, %dma_start3A_704] : memref<2x128x128xf32, #tpu.memory_space<vmem>> -> memref<1x1x128xf32, #tpu.memory_space<vmem>>
      %dma_start3A_706 = tpu.memref_squeeze %dma_start3A_705 : memref<1x1x128xf32, #tpu.memory_space<vmem>> -> memref<128xf32, #tpu.memory_space<vmem>>
      %dma_start3A_707 = tpu.memref_slice %arg2[%add3A_695, %mul3A_699] : memref<32768x2048xf32, #tpu.memory_space<hbm>> -> memref<1x128xf32, #tpu.memory_space<hbm>>
      %dma_start3A_708 = tpu.memref_squeeze %dma_start3A_707 : memref<1x128xf32, #tpu.memory_space<hbm>> -> memref<128xf32, #tpu.memory_space<hbm>>
      %dma_start3A_709 = arith.constant 0 : i32
      %dma_start3A_710 = tpu.memref_slice %arg6[%rem3A_270, %add3A_703, %dma_start3A_709] : memref<2x128x128xf32, #tpu.memory_space<vmem>> -> memref<1x1x128xf32, #tpu.memory_space<vmem>>
      %dma_start3A_711 = tpu.memref_squeeze %dma_start3A_710 : memref<1x1x128xf32, #tpu.memory_space<vmem>> -> memref<128xf32, #tpu.memory_space<vmem>>
      %dma_start3A_712 = tpu.memref_slice %arg2[%add3A_695, %mul3A_699] : memref<32768x2048xf32, #tpu.memory_space<hbm>> -> memref<1x128xf32, #tpu.memory_space<hbm>>
      %dma_start3A_713 = tpu.memref_squeeze %dma_start3A_712 : memref<1x128xf32, #tpu.memory_space<hbm>> -> memref<128xf32, #tpu.memory_space<hbm>>
      tpu.enqueue_dma source(%dma_start3A_713 : memref<128xf32, #tpu.memory_space<hbm>>) target(%dma_start3A_711 : memref<128xf32, #tpu.memory_space<vmem>>) target_semaphore(%arg7 : memref<!tpu.dma_semaphore, #tpu.memory_space<semaphore_mem>>)
      %add3A_714 = arith.addi %mul3A_2, %add3A_419 : i32
      %add3A_715 = arith.constant 14 : i32
      %add3A_716 = arith.addi %add3A_714, %add3A_715 : i32
      %slice3A_717 = vector.extract_strided_slice %get3A_421 {offsets = [14], sizes = [1], strides = [1]} : vector<16xi32> to vector<1xi32>
      %squeeze3A_718 = vector.extract %slice3A_717[0] : i32 from vector<1xi32>
      %mul3A_719 = arith.constant 128 : i32
      %mul3A_720 = arith.muli %squeeze3A_718, %mul3A_719 : i32
      %mul3A_721 = arith.constant 16 : i32
      %mul3A_722 = arith.muli %scan3A_415, %mul3A_721 : i32
      %add3A_723 = arith.constant 14 : i32
      %add3A_724 = arith.addi %mul3A_722, %add3A_723 : i32
      %dma_start3A_725 = arith.constant 0 : i32
      %dma_start3A_726 = tpu.memref_slice %arg6[%rem3A_270, %add3A_724, %dma_start3A_725] : memref<2x128x128xf32, #tpu.memory_space<vmem>> -> memref<1x1x128xf32, #tpu.memory_space<vmem>>
      %dma_start3A_727 = tpu.memref_squeeze %dma_start3A_726 : memref<1x1x128xf32, #tpu.memory_space<vmem>> -> memref<128xf32, #tpu.memory_space<vmem>>
      %dma_start3A_728 = tpu.memref_slice %arg2[%add3A_716, %mul3A_720] : memref<32768x2048xf32, #tpu.memory_space<hbm>> -> memref<1x128xf32, #tpu.memory_space<hbm>>
      %dma_start3A_729 = tpu.memref_squeeze %dma_start3A_728 : memref<1x128xf32, #tpu.memory_space<hbm>> -> memref<128xf32, #tpu.memory_space<hbm>>
      %dma_start3A_730 = arith.constant 0 : i32
      %dma_start3A_731 = tpu.memref_slice %arg6[%rem3A_270, %add3A_724, %dma_start3A_730] : memref<2x128x128xf32, #tpu.memory_space<vmem>> -> memref<1x1x128xf32, #tpu.memory_space<vmem>>
      %dma_start3A_732 = tpu.memref_squeeze %dma_start3A_731 : memref<1x1x128xf32, #tpu.memory_space<vmem>> -> memref<128xf32, #tpu.memory_space<vmem>>
      %dma_start3A_733 = tpu.memref_slice %arg2[%add3A_716, %mul3A_720] : memref<32768x2048xf32, #tpu.memory_space<hbm>> -> memref<1x128xf32, #tpu.memory_space<hbm>>
      %dma_start3A_734 = tpu.memref_squeeze %dma_start3A_733 : memref<1x128xf32, #tpu.memory_space<hbm>> -> memref<128xf32, #tpu.memory_space<hbm>>
      tpu.enqueue_dma source(%dma_start3A_734 : memref<128xf32, #tpu.memory_space<hbm>>) target(%dma_start3A_732 : memref<128xf32, #tpu.memory_space<vmem>>) target_semaphore(%arg7 : memref<!tpu.dma_semaphore, #tpu.memory_space<semaphore_mem>>)
      %add3A_735 = arith.addi %mul3A_2, %add3A_419 : i32
      %add3A_736 = arith.constant 15 : i32
      %add3A_737 = arith.addi %add3A_735, %add3A_736 : i32
      %slice3A_738 = vector.extract_strided_slice %get3A_421 {offsets = [15], sizes = [1], strides = [1]} : vector<16xi32> to vector<1xi32>
      %squeeze3A_739 = vector.extract %slice3A_738[0] : i32 from vector<1xi32>
      %mul3A_740 = arith.constant 128 : i32
      %mul3A_741 = arith.muli %squeeze3A_739, %mul3A_740 : i32
      %mul3A_742 = arith.constant 16 : i32
      %mul3A_743 = arith.muli %scan3A_415, %mul3A_742 : i32
      %add3A_744 = arith.constant 15 : i32
      %add3A_745 = arith.addi %mul3A_743, %add3A_744 : i32
      %dma_start3A_746 = arith.constant 0 : i32
      %dma_start3A_747 = tpu.memref_slice %arg6[%rem3A_270, %add3A_745, %dma_start3A_746] : memref<2x128x128xf32, #tpu.memory_space<vmem>> -> memref<1x1x128xf32, #tpu.memory_space<vmem>>
      %dma_start3A_748 = tpu.memref_squeeze %dma_start3A_747 : memref<1x1x128xf32, #tpu.memory_space<vmem>> -> memref<128xf32, #tpu.memory_space<vmem>>
      %dma_start3A_749 = tpu.memref_slice %arg2[%add3A_737, %mul3A_741] : memref<32768x2048xf32, #tpu.memory_space<hbm>> -> memref<1x128xf32, #tpu.memory_space<hbm>>
      %dma_start3A_750 = tpu.memref_squeeze %dma_start3A_749 : memref<1x128xf32, #tpu.memory_space<hbm>> -> memref<128xf32, #tpu.memory_space<hbm>>
      %dma_start3A_751 = arith.constant 0 : i32
      %dma_start3A_752 = tpu.memref_slice %arg6[%rem3A_270, %add3A_745, %dma_start3A_751] : memref<2x128x128xf32, #tpu.memory_space<vmem>> -> memref<1x1x128xf32, #tpu.memory_space<vmem>>
      %dma_start3A_753 = tpu.memref_squeeze %dma_start3A_752 : memref<1x1x128xf32, #tpu.memory_space<vmem>> -> memref<128xf32, #tpu.memory_space<vmem>>
      %dma_start3A_754 = tpu.memref_slice %arg2[%add3A_737, %mul3A_741] : memref<32768x2048xf32, #tpu.memory_space<hbm>> -> memref<1x128xf32, #tpu.memory_space<hbm>>
      %dma_start3A_755 = tpu.memref_squeeze %dma_start3A_754 : memref<1x128xf32, #tpu.memory_space<hbm>> -> memref<128xf32, #tpu.memory_space<hbm>>
      tpu.enqueue_dma source(%dma_start3A_755 : memref<128xf32, #tpu.memory_space<hbm>>) target(%dma_start3A_753 : memref<128xf32, #tpu.memory_space<vmem>>) target_semaphore(%arg7 : memref<!tpu.dma_semaphore, #tpu.memory_space<semaphore_mem>>)
    }
    %scan3A_276 = arith.constant 8 : i32
    %rem3A_277 = arith.constant 5 : i32
    %rem3A_278 = arith.constant 2 : i32
    %rem3A_279 = arith.remsi %rem3A_277, %rem3A_278 : i32
    %dma_wait3A_280 = arith.constant 0 : i32
    %dma_wait3A_281 = arith.constant 0 : i32
    %dma_wait3A_282 = tpu.memref_slice %arg6[%rem3A_279, %dma_wait3A_280, %dma_wait3A_281] : memref<2x128x128xf32, #tpu.memory_space<vmem>> -> memref<1x128x128xf32, #tpu.memory_space<vmem>>
    %dma_wait3A_283 = tpu.memref_squeeze %dma_wait3A_282 : memref<1x128x128xf32, #tpu.memory_space<vmem>> -> memref<128x128xf32, #tpu.memory_space<vmem>>
    %dma_wait3A_284 = arith.constant 0 : i32
    %dma_wait3A_285 = arith.constant 0 : i32
    %dma_wait3A_286 = tpu.memref_slice %arg2[%dma_wait3A_284, %dma_wait3A_285] : memref<32768x2048xf32, #tpu.memory_space<hbm>> -> memref<128x128xf32, #tpu.memory_space<hbm>>
    %dma_wait3A_287 = arith.constant 0 : i32
    %dma_wait3A_288 = arith.constant 0 : i32
    %dma_wait3A_289 = tpu.memref_slice %arg6[%rem3A_279, %dma_wait3A_287, %dma_wait3A_288] : memref<2x128x128xf32, #tpu.memory_space<vmem>> -> memref<1x128x128xf32, #tpu.memory_space<vmem>>
    %dma_wait3A_290 = tpu.memref_squeeze %dma_wait3A_289 : memref<1x128x128xf32, #tpu.memory_space<vmem>> -> memref<128x128xf32, #tpu.memory_space<vmem>>
    %dma_wait3A_291 = arith.constant 0 : i32
    %dma_wait3A_292 = arith.constant 0 : i32
    %dma_wait3A_293 = tpu.memref_slice %arg2[%dma_wait3A_291, %dma_wait3A_292] : memref<32768x2048xf32, #tpu.memory_space<hbm>> -> memref<128x128xf32, #tpu.memory_space<hbm>>
    tpu.wait_dma2 semaphore(%arg7 : memref<!tpu.dma_semaphore, #tpu.memory_space<semaphore_mem>>) src(%dma_wait3A_293 : memref<128x128xf32, #tpu.memory_space<hbm>>) dst(%dma_wait3A_290 : memref<128x128xf32, #tpu.memory_space<vmem>>)
    %add3A_294 = arith.constant 640 : i32
    %add3A_295 = arith.addi %mul3A_2, %add3A_294 : i32
    %dma_start3A_296 = arith.constant 0 : i32
    %dma_start3A_297 = arith.constant 0 : i32
    %dma_start3A_298 = tpu.memref_slice %arg6[%rem3A_279, %dma_start3A_296, %dma_start3A_297] : memref<2x128x128xf32, #tpu.memory_space<vmem>> -> memref<1x128x128xf32, #tpu.memory_space<vmem>>
    %dma_start3A_299 = tpu.memref_squeeze %dma_start3A_298 : memref<1x128x128xf32, #tpu.memory_space<vmem>> -> memref<128x128xf32, #tpu.memory_space<vmem>>
    %dma_start3A_300 = arith.constant 0 : i32
    %dma_start3A_301 = tpu.memref_slice %arg4[%add3A_295, %dma_start3A_300] : memref<32768x128xf32, #tpu.memory_space<hbm>> -> memref<128x128xf32, #tpu.memory_space<hbm>>
    %dma_start3A_302 = arith.constant 0 : i32
    %dma_start3A_303 = tpu.memref_slice %arg4[%add3A_295, %dma_start3A_302] : memref<32768x128xf32, #tpu.memory_space<hbm>> -> memref<128x128xf32, #tpu.memory_space<hbm>>
    %dma_start3A_304 = arith.constant 0 : i32
    %dma_start3A_305 = arith.constant 0 : i32
    %dma_start3A_306 = tpu.memref_slice %arg6[%rem3A_279, %dma_start3A_304, %dma_start3A_305] : memref<2x128x128xf32, #tpu.memory_space<vmem>> -> memref<1x128x128xf32, #tpu.memory_space<vmem>>
    %dma_start3A_307 = tpu.memref_squeeze %dma_start3A_306 : memref<1x128x128xf32, #tpu.memory_space<vmem>> -> memref<128x128xf32, #tpu.memory_space<vmem>>
    tpu.enqueue_dma source(%dma_start3A_307 : memref<128x128xf32, #tpu.memory_space<vmem>>) target(%dma_start3A_303 : memref<128x128xf32, #tpu.memory_space<hbm>>) target_semaphore(%arg8 : memref<!tpu.dma_semaphore, #tpu.memory_space<semaphore_mem>>)
    %dma_wait3A_308 = arith.constant 0 : i32
    %dma_wait3A_309 = arith.constant 0 : i32
    %dma_wait3A_310 = tpu.memref_slice %arg6[%rem3A_279, %dma_wait3A_308, %dma_wait3A_309] : memref<2x128x128xf32, #tpu.memory_space<vmem>> -> memref<1x128x128xf32, #tpu.memory_space<vmem>>
    %dma_wait3A_311 = tpu.memref_squeeze %dma_wait3A_310 : memref<1x128x128xf32, #tpu.memory_space<vmem>> -> memref<128x128xf32, #tpu.memory_space<vmem>>
    %dma_wait3A_312 = arith.constant 0 : i32
    %dma_wait3A_313 = tpu.memref_slice %arg4[%add3A_295, %dma_wait3A_312] : memref<32768x128xf32, #tpu.memory_space<hbm>> -> memref<128x128xf32, #tpu.memory_space<hbm>>
    %dma_wait3A_314 = arith.constant 0 : i32
    %dma_wait3A_315 = tpu.memref_slice %arg4[%add3A_295, %dma_wait3A_314] : memref<32768x128xf32, #tpu.memory_space<hbm>> -> memref<128x128xf32, #tpu.memory_space<hbm>>
    %dma_wait3A_316 = arith.constant 0 : i32
    %dma_wait3A_317 = arith.constant 0 : i32
    %dma_wait3A_318 = tpu.memref_slice %arg6[%rem3A_279, %dma_wait3A_316, %dma_wait3A_317] : memref<2x128x128xf32, #tpu.memory_space<vmem>> -> memref<1x128x128xf32, #tpu.memory_space<vmem>>
    %dma_wait3A_319 = tpu.memref_squeeze %dma_wait3A_318 : memref<1x128x128xf32, #tpu.memory_space<vmem>> -> memref<128x128xf32, #tpu.memory_space<vmem>>
    tpu.wait_dma2 semaphore(%arg8 : memref<!tpu.dma_semaphore, #tpu.memory_space<semaphore_mem>>) src(%dma_wait3A_319 : memref<128x128xf32, #tpu.memory_space<vmem>>) dst(%dma_wait3A_315 : memref<128x128xf32, #tpu.memory_space<hbm>>)
    %rem3A_320 = arith.constant 7 : i32
    %rem3A_321 = arith.constant 2 : i32
    %rem3A_322 = arith.remsi %rem3A_320, %rem3A_321 : i32
    %scan3A_323 = arith.constant 0 : i32
    %scan3A_324 = arith.constant 0 : i32
    %scan3A_325 = arith.constant 8 : i32
    %scan3A_326 = arith.addi %scan3A_324, %scan3A_325 : i32
    %scan3A_327 = arith.constant 1 : i32
    scf.for %scan3A_415 = %scan3A_324 to %scan3A_326 step %scan3A_327  : i32 {
      %mul3A_416 = arith.constant 16 : i32
      %mul3A_417 = arith.muli %scan3A_415, %mul3A_416 : i32
      %add3A_418 = arith.constant 896 : i32
      %add3A_419 = arith.addi %add3A_418, %mul3A_417 : i32
      %get3A = arith.index_cast %add3A_419 : i32 to index
      %get3A_420 = tpu.vector_load %arg5[%get3A] {strides = array<i32>} : memref<1024xi32, #tpu.memory_space<vmem>>, vector<16xi32>,
      %get3A_421 = vector.shape_cast %get3A_420 : vector<16xi32> to vector<16xi32>
      %add3A_422 = arith.addi %mul3A_2, %add3A_419 : i32
      %add3A_423 = arith.constant 0 : i32
      %add3A_424 = arith.addi %add3A_422, %add3A_423 : i32
      %slice3A = vector.extract_strided_slice %get3A_421 {offsets = [0], sizes = [1], strides = [1]} : vector<16xi32> to vector<1xi32>
      %squeeze3A = vector.extract %slice3A[0] : i32 from vector<1xi32>
      %mul3A_425 = arith.constant 128 : i32
      %mul3A_426 = arith.muli %squeeze3A, %mul3A_425 : i32
      %mul3A_427 = arith.constant 16 : i32
      %mul3A_428 = arith.muli %scan3A_415, %mul3A_427 : i32
      %add3A_429 = arith.constant 0 : i32
      %add3A_430 = arith.addi %mul3A_428, %add3A_429 : i32
      %dma_start3A_431 = arith.constant 0 : i32
      %dma_start3A_432 = tpu.memref_slice %arg6[%rem3A_322, %add3A_430, %dma_start3A_431] : memref<2x128x128xf32, #tpu.memory_space<vmem>> -> memref<1x1x128xf32, #tpu.memory_space<vmem>>
      %dma_start3A_433 = tpu.memref_squeeze %dma_start3A_432 : memref<1x1x128xf32, #tpu.memory_space<vmem>> -> memref<128xf32, #tpu.memory_space<vmem>>
      %dma_start3A_434 = tpu.memref_slice %arg2[%add3A_424, %mul3A_426] : memref<32768x2048xf32, #tpu.memory_space<hbm>> -> memref<1x128xf32, #tpu.memory_space<hbm>>
      %dma_start3A_435 = tpu.memref_squeeze %dma_start3A_434 : memref<1x128xf32, #tpu.memory_space<hbm>> -> memref<128xf32, #tpu.memory_space<hbm>>
      %dma_start3A_436 = arith.constant 0 : i32
      %dma_start3A_437 = tpu.memref_slice %arg6[%rem3A_322, %add3A_430, %dma_start3A_436] : memref<2x128x128xf32, #tpu.memory_space<vmem>> -> memref<1x1x128xf32, #tpu.memory_space<vmem>>
      %dma_start3A_438 = tpu.memref_squeeze %dma_start3A_437 : memref<1x1x128xf32, #tpu.memory_space<vmem>> -> memref<128xf32, #tpu.memory_space<vmem>>
      %dma_start3A_439 = tpu.memref_slice %arg2[%add3A_424, %mul3A_426] : memref<32768x2048xf32, #tpu.memory_space<hbm>> -> memref<1x128xf32, #tpu.memory_space<hbm>>
      %dma_start3A_440 = tpu.memref_squeeze %dma_start3A_439 : memref<1x128xf32, #tpu.memory_space<hbm>> -> memref<128xf32, #tpu.memory_space<hbm>>
      tpu.enqueue_dma source(%dma_start3A_440 : memref<128xf32, #tpu.memory_space<hbm>>) target(%dma_start3A_438 : memref<128xf32, #tpu.memory_space<vmem>>) target_semaphore(%arg7 : memref<!tpu.dma_semaphore, #tpu.memory_space<semaphore_mem>>)
      %add3A_441 = arith.addi %mul3A_2, %add3A_419 : i32
      %add3A_442 = arith.constant 1 : i32
      %add3A_443 = arith.addi %add3A_441, %add3A_442 : i32
      %slice3A_444 = vector.extract_strided_slice %get3A_421 {offsets = [1], sizes = [1], strides = [1]} : vector<16xi32> to vector<1xi32>
      %squeeze3A_445 = vector.extract %slice3A_444[0] : i32 from vector<1xi32>
      %mul3A_446 = arith.constant 128 : i32
      %mul3A_447 = arith.muli %squeeze3A_445, %mul3A_446 : i32
      %mul3A_448 = arith.constant 16 : i32
      %mul3A_449 = arith.muli %scan3A_415, %mul3A_448 : i32
      %add3A_450 = arith.constant 1 : i32
      %add3A_451 = arith.addi %mul3A_449, %add3A_450 : i32
      %dma_start3A_452 = arith.constant 0 : i32
      %dma_start3A_453 = tpu.memref_slice %arg6[%rem3A_322, %add3A_451, %dma_start3A_452] : memref<2x128x128xf32, #tpu.memory_space<vmem>> -> memref<1x1x128xf32, #tpu.memory_space<vmem>>
      %dma_start3A_454 = tpu.memref_squeeze %dma_start3A_453 : memref<1x1x128xf32, #tpu.memory_space<vmem>> -> memref<128xf32, #tpu.memory_space<vmem>>
      %dma_start3A_455 = tpu.memref_slice %arg2[%add3A_443, %mul3A_447] : memref<32768x2048xf32, #tpu.memory_space<hbm>> -> memref<1x128xf32, #tpu.memory_space<hbm>>
      %dma_start3A_456 = tpu.memref_squeeze %dma_start3A_455 : memref<1x128xf32, #tpu.memory_space<hbm>> -> memref<128xf32, #tpu.memory_space<hbm>>
      %dma_start3A_457 = arith.constant 0 : i32
      %dma_start3A_458 = tpu.memref_slice %arg6[%rem3A_322, %add3A_451, %dma_start3A_457] : memref<2x128x128xf32, #tpu.memory_space<vmem>> -> memref<1x1x128xf32, #tpu.memory_space<vmem>>
      %dma_start3A_459 = tpu.memref_squeeze %dma_start3A_458 : memref<1x1x128xf32, #tpu.memory_space<vmem>> -> memref<128xf32, #tpu.memory_space<vmem>>
      %dma_start3A_460 = tpu.memref_slice %arg2[%add3A_443, %mul3A_447] : memref<32768x2048xf32, #tpu.memory_space<hbm>> -> memref<1x128xf32, #tpu.memory_space<hbm>>
      %dma_start3A_461 = tpu.memref_squeeze %dma_start3A_460 : memref<1x128xf32, #tpu.memory_space<hbm>> -> memref<128xf32, #tpu.memory_space<hbm>>
      tpu.enqueue_dma source(%dma_start3A_461 : memref<128xf32, #tpu.memory_space<hbm>>) target(%dma_start3A_459 : memref<128xf32, #tpu.memory_space<vmem>>) target_semaphore(%arg7 : memref<!tpu.dma_semaphore, #tpu.memory_space<semaphore_mem>>)
      %add3A_462 = arith.addi %mul3A_2, %add3A_419 : i32
      %add3A_463 = arith.constant 2 : i32
      %add3A_464 = arith.addi %add3A_462, %add3A_463 : i32
      %slice3A_465 = vector.extract_strided_slice %get3A_421 {offsets = [2], sizes = [1], strides = [1]} : vector<16xi32> to vector<1xi32>
      %squeeze3A_466 = vector.extract %slice3A_465[0] : i32 from vector<1xi32>
      %mul3A_467 = arith.constant 128 : i32
      %mul3A_468 = arith.muli %squeeze3A_466, %mul3A_467 : i32
      %mul3A_469 = arith.constant 16 : i32
      %mul3A_470 = arith.muli %scan3A_415, %mul3A_469 : i32
      %add3A_471 = arith.constant 2 : i32
      %add3A_472 = arith.addi %mul3A_470, %add3A_471 : i32
      %dma_start3A_473 = arith.constant 0 : i32
      %dma_start3A_474 = tpu.memref_slice %arg6[%rem3A_322, %add3A_472, %dma_start3A_473] : memref<2x128x128xf32, #tpu.memory_space<vmem>> -> memref<1x1x128xf32, #tpu.memory_space<vmem>>
      %dma_start3A_475 = tpu.memref_squeeze %dma_start3A_474 : memref<1x1x128xf32, #tpu.memory_space<vmem>> -> memref<128xf32, #tpu.memory_space<vmem>>
      %dma_start3A_476 = tpu.memref_slice %arg2[%add3A_464, %mul3A_468] : memref<32768x2048xf32, #tpu.memory_space<hbm>> -> memref<1x128xf32, #tpu.memory_space<hbm>>
      %dma_start3A_477 = tpu.memref_squeeze %dma_start3A_476 : memref<1x128xf32, #tpu.memory_space<hbm>> -> memref<128xf32, #tpu.memory_space<hbm>>
      %dma_start3A_478 = arith.constant 0 : i32
      %dma_start3A_479 = tpu.memref_slice %arg6[%rem3A_322, %add3A_472, %dma_start3A_478] : memref<2x128x128xf32, #tpu.memory_space<vmem>> -> memref<1x1x128xf32, #tpu.memory_space<vmem>>
      %dma_start3A_480 = tpu.memref_squeeze %dma_start3A_479 : memref<1x1x128xf32, #tpu.memory_space<vmem>> -> memref<128xf32, #tpu.memory_space<vmem>>
      %dma_start3A_481 = tpu.memref_slice %arg2[%add3A_464, %mul3A_468] : memref<32768x2048xf32, #tpu.memory_space<hbm>> -> memref<1x128xf32, #tpu.memory_space<hbm>>
      %dma_start3A_482 = tpu.memref_squeeze %dma_start3A_481 : memref<1x128xf32, #tpu.memory_space<hbm>> -> memref<128xf32, #tpu.memory_space<hbm>>
      tpu.enqueue_dma source(%dma_start3A_482 : memref<128xf32, #tpu.memory_space<hbm>>) target(%dma_start3A_480 : memref<128xf32, #tpu.memory_space<vmem>>) target_semaphore(%arg7 : memref<!tpu.dma_semaphore, #tpu.memory_space<semaphore_mem>>)
      %add3A_483 = arith.addi %mul3A_2, %add3A_419 : i32
      %add3A_484 = arith.constant 3 : i32
      %add3A_485 = arith.addi %add3A_483, %add3A_484 : i32
      %slice3A_486 = vector.extract_strided_slice %get3A_421 {offsets = [3], sizes = [1], strides = [1]} : vector<16xi32> to vector<1xi32>
      %squeeze3A_487 = vector.extract %slice3A_486[0] : i32 from vector<1xi32>
      %mul3A_488 = arith.constant 128 : i32
      %mul3A_489 = arith.muli %squeeze3A_487, %mul3A_488 : i32
      %mul3A_490 = arith.constant 16 : i32
      %mul3A_491 = arith.muli %scan3A_415, %mul3A_490 : i32
      %add3A_492 = arith.constant 3 : i32
      %add3A_493 = arith.addi %mul3A_491, %add3A_492 : i32
      %dma_start3A_494 = arith.constant 0 : i32
      %dma_start3A_495 = tpu.memref_slice %arg6[%rem3A_322, %add3A_493, %dma_start3A_494] : memref<2x128x128xf32, #tpu.memory_space<vmem>> -> memref<1x1x128xf32, #tpu.memory_space<vmem>>
      %dma_start3A_496 = tpu.memref_squeeze %dma_start3A_495 : memref<1x1x128xf32, #tpu.memory_space<vmem>> -> memref<128xf32, #tpu.memory_space<vmem>>
      %dma_start3A_497 = tpu.memref_slice %arg2[%add3A_485, %mul3A_489] : memref<32768x2048xf32, #tpu.memory_space<hbm>> -> memref<1x128xf32, #tpu.memory_space<hbm>>
      %dma_start3A_498 = tpu.memref_squeeze %dma_start3A_497 : memref<1x128xf32, #tpu.memory_space<hbm>> -> memref<128xf32, #tpu.memory_space<hbm>>
      %dma_start3A_499 = arith.constant 0 : i32
      %dma_start3A_500 = tpu.memref_slice %arg6[%rem3A_322, %add3A_493, %dma_start3A_499] : memref<2x128x128xf32, #tpu.memory_space<vmem>> -> memref<1x1x128xf32, #tpu.memory_space<vmem>>
      %dma_start3A_501 = tpu.memref_squeeze %dma_start3A_500 : memref<1x1x128xf32, #tpu.memory_space<vmem>> -> memref<128xf32, #tpu.memory_space<vmem>>
      %dma_start3A_502 = tpu.memref_slice %arg2[%add3A_485, %mul3A_489] : memref<32768x2048xf32, #tpu.memory_space<hbm>> -> memref<1x128xf32, #tpu.memory_space<hbm>>
      %dma_start3A_503 = tpu.memref_squeeze %dma_start3A_502 : memref<1x128xf32, #tpu.memory_space<hbm>> -> memref<128xf32, #tpu.memory_space<hbm>>
      tpu.enqueue_dma source(%dma_start3A_503 : memref<128xf32, #tpu.memory_space<hbm>>) target(%dma_start3A_501 : memref<128xf32, #tpu.memory_space<vmem>>) target_semaphore(%arg7 : memref<!tpu.dma_semaphore, #tpu.memory_space<semaphore_mem>>)
      %add3A_504 = arith.addi %mul3A_2, %add3A_419 : i32
      %add3A_505 = arith.constant 4 : i32
      %add3A_506 = arith.addi %add3A_504, %add3A_505 : i32
      %slice3A_507 = vector.extract_strided_slice %get3A_421 {offsets = [4], sizes = [1], strides = [1]} : vector<16xi32> to vector<1xi32>
      %squeeze3A_508 = vector.extract %slice3A_507[0] : i32 from vector<1xi32>
      %mul3A_509 = arith.constant 128 : i32
      %mul3A_510 = arith.muli %squeeze3A_508, %mul3A_509 : i32
      %mul3A_511 = arith.constant 16 : i32
      %mul3A_512 = arith.muli %scan3A_415, %mul3A_511 : i32
      %add3A_513 = arith.constant 4 : i32
      %add3A_514 = arith.addi %mul3A_512, %add3A_513 : i32
      %dma_start3A_515 = arith.constant 0 : i32
      %dma_start3A_516 = tpu.memref_slice %arg6[%rem3A_322, %add3A_514, %dma_start3A_515] : memref<2x128x128xf32, #tpu.memory_space<vmem>> -> memref<1x1x128xf32, #tpu.memory_space<vmem>>
      %dma_start3A_517 = tpu.memref_squeeze %dma_start3A_516 : memref<1x1x128xf32, #tpu.memory_space<vmem>> -> memref<128xf32, #tpu.memory_space<vmem>>
      %dma_start3A_518 = tpu.memref_slice %arg2[%add3A_506, %mul3A_510] : memref<32768x2048xf32, #tpu.memory_space<hbm>> -> memref<1x128xf32, #tpu.memory_space<hbm>>
      %dma_start3A_519 = tpu.memref_squeeze %dma_start3A_518 : memref<1x128xf32, #tpu.memory_space<hbm>> -> memref<128xf32, #tpu.memory_space<hbm>>
      %dma_start3A_520 = arith.constant 0 : i32
      %dma_start3A_521 = tpu.memref_slice %arg6[%rem3A_322, %add3A_514, %dma_start3A_520] : memref<2x128x128xf32, #tpu.memory_space<vmem>> -> memref<1x1x128xf32, #tpu.memory_space<vmem>>
      %dma_start3A_522 = tpu.memref_squeeze %dma_start3A_521 : memref<1x1x128xf32, #tpu.memory_space<vmem>> -> memref<128xf32, #tpu.memory_space<vmem>>
      %dma_start3A_523 = tpu.memref_slice %arg2[%add3A_506, %mul3A_510] : memref<32768x2048xf32, #tpu.memory_space<hbm>> -> memref<1x128xf32, #tpu.memory_space<hbm>>
      %dma_start3A_524 = tpu.memref_squeeze %dma_start3A_523 : memref<1x128xf32, #tpu.memory_space<hbm>> -> memref<128xf32, #tpu.memory_space<hbm>>
      tpu.enqueue_dma source(%dma_start3A_524 : memref<128xf32, #tpu.memory_space<hbm>>) target(%dma_start3A_522 : memref<128xf32, #tpu.memory_space<vmem>>) target_semaphore(%arg7 : memref<!tpu.dma_semaphore, #tpu.memory_space<semaphore_mem>>)
      %add3A_525 = arith.addi %mul3A_2, %add3A_419 : i32
      %add3A_526 = arith.constant 5 : i32
      %add3A_527 = arith.addi %add3A_525, %add3A_526 : i32
      %slice3A_528 = vector.extract_strided_slice %get3A_421 {offsets = [5], sizes = [1], strides = [1]} : vector<16xi32> to vector<1xi32>
      %squeeze3A_529 = vector.extract %slice3A_528[0] : i32 from vector<1xi32>
      %mul3A_530 = arith.constant 128 : i32
      %mul3A_531 = arith.muli %squeeze3A_529, %mul3A_530 : i32
      %mul3A_532 = arith.constant 16 : i32
      %mul3A_533 = arith.muli %scan3A_415, %mul3A_532 : i32
      %add3A_534 = arith.constant 5 : i32
      %add3A_535 = arith.addi %mul3A_533, %add3A_534 : i32
      %dma_start3A_536 = arith.constant 0 : i32
      %dma_start3A_537 = tpu.memref_slice %arg6[%rem3A_322, %add3A_535, %dma_start3A_536] : memref<2x128x128xf32, #tpu.memory_space<vmem>> -> memref<1x1x128xf32, #tpu.memory_space<vmem>>
      %dma_start3A_538 = tpu.memref_squeeze %dma_start3A_537 : memref<1x1x128xf32, #tpu.memory_space<vmem>> -> memref<128xf32, #tpu.memory_space<vmem>>
      %dma_start3A_539 = tpu.memref_slice %arg2[%add3A_527, %mul3A_531] : memref<32768x2048xf32, #tpu.memory_space<hbm>> -> memref<1x128xf32, #tpu.memory_space<hbm>>
      %dma_start3A_540 = tpu.memref_squeeze %dma_start3A_539 : memref<1x128xf32, #tpu.memory_space<hbm>> -> memref<128xf32, #tpu.memory_space<hbm>>
      %dma_start3A_541 = arith.constant 0 : i32
      %dma_start3A_542 = tpu.memref_slice %arg6[%rem3A_322, %add3A_535, %dma_start3A_541] : memref<2x128x128xf32, #tpu.memory_space<vmem>> -> memref<1x1x128xf32, #tpu.memory_space<vmem>>
      %dma_start3A_543 = tpu.memref_squeeze %dma_start3A_542 : memref<1x1x128xf32, #tpu.memory_space<vmem>> -> memref<128xf32, #tpu.memory_space<vmem>>
      %dma_start3A_544 = tpu.memref_slice %arg2[%add3A_527, %mul3A_531] : memref<32768x2048xf32, #tpu.memory_space<hbm>> -> memref<1x128xf32, #tpu.memory_space<hbm>>
      %dma_start3A_545 = tpu.memref_squeeze %dma_start3A_544 : memref<1x128xf32, #tpu.memory_space<hbm>> -> memref<128xf32, #tpu.memory_space<hbm>>
      tpu.enqueue_dma source(%dma_start3A_545 : memref<128xf32, #tpu.memory_space<hbm>>) target(%dma_start3A_543 : memref<128xf32, #tpu.memory_space<vmem>>) target_semaphore(%arg7 : memref<!tpu.dma_semaphore, #tpu.memory_space<semaphore_mem>>)
      %add3A_546 = arith.addi %mul3A_2, %add3A_419 : i32
      %add3A_547 = arith.constant 6 : i32
      %add3A_548 = arith.addi %add3A_546, %add3A_547 : i32
      %slice3A_549 = vector.extract_strided_slice %get3A_421 {offsets = [6], sizes = [1], strides = [1]} : vector<16xi32> to vector<1xi32>
      %squeeze3A_550 = vector.extract %slice3A_549[0] : i32 from vector<1xi32>
      %mul3A_551 = arith.constant 128 : i32
      %mul3A_552 = arith.muli %squeeze3A_550, %mul3A_551 : i32
      %mul3A_553 = arith.constant 16 : i32
      %mul3A_554 = arith.muli %scan3A_415, %mul3A_553 : i32
      %add3A_555 = arith.constant 6 : i32
      %add3A_556 = arith.addi %mul3A_554, %add3A_555 : i32
      %dma_start3A_557 = arith.constant 0 : i32
      %dma_start3A_558 = tpu.memref_slice %arg6[%rem3A_322, %add3A_556, %dma_start3A_557] : memref<2x128x128xf32, #tpu.memory_space<vmem>> -> memref<1x1x128xf32, #tpu.memory_space<vmem>>
      %dma_start3A_559 = tpu.memref_squeeze %dma_start3A_558 : memref<1x1x128xf32, #tpu.memory_space<vmem>> -> memref<128xf32, #tpu.memory_space<vmem>>
      %dma_start3A_560 = tpu.memref_slice %arg2[%add3A_548, %mul3A_552] : memref<32768x2048xf32, #tpu.memory_space<hbm>> -> memref<1x128xf32, #tpu.memory_space<hbm>>
      %dma_start3A_561 = tpu.memref_squeeze %dma_start3A_560 : memref<1x128xf32, #tpu.memory_space<hbm>> -> memref<128xf32, #tpu.memory_space<hbm>>
      %dma_start3A_562 = arith.constant 0 : i32
      %dma_start3A_563 = tpu.memref_slice %arg6[%rem3A_322, %add3A_556, %dma_start3A_562] : memref<2x128x128xf32, #tpu.memory_space<vmem>> -> memref<1x1x128xf32, #tpu.memory_space<vmem>>
      %dma_start3A_564 = tpu.memref_squeeze %dma_start3A_563 : memref<1x1x128xf32, #tpu.memory_space<vmem>> -> memref<128xf32, #tpu.memory_space<vmem>>
      %dma_start3A_565 = tpu.memref_slice %arg2[%add3A_548, %mul3A_552] : memref<32768x2048xf32, #tpu.memory_space<hbm>> -> memref<1x128xf32, #tpu.memory_space<hbm>>
      %dma_start3A_566 = tpu.memref_squeeze %dma_start3A_565 : memref<1x128xf32, #tpu.memory_space<hbm>> -> memref<128xf32, #tpu.memory_space<hbm>>
      tpu.enqueue_dma source(%dma_start3A_566 : memref<128xf32, #tpu.memory_space<hbm>>) target(%dma_start3A_564 : memref<128xf32, #tpu.memory_space<vmem>>) target_semaphore(%arg7 : memref<!tpu.dma_semaphore, #tpu.memory_space<semaphore_mem>>)
      %add3A_567 = arith.addi %mul3A_2, %add3A_419 : i32
      %add3A_568 = arith.constant 7 : i32
      %add3A_569 = arith.addi %add3A_567, %add3A_568 : i32
      %slice3A_570 = vector.extract_strided_slice %get3A_421 {offsets = [7], sizes = [1], strides = [1]} : vector<16xi32> to vector<1xi32>
      %squeeze3A_571 = vector.extract %slice3A_570[0] : i32 from vector<1xi32>
      %mul3A_572 = arith.constant 128 : i32
      %mul3A_573 = arith.muli %squeeze3A_571, %mul3A_572 : i32
      %mul3A_574 = arith.constant 16 : i32
      %mul3A_575 = arith.muli %scan3A_415, %mul3A_574 : i32
      %add3A_576 = arith.constant 7 : i32
      %add3A_577 = arith.addi %mul3A_575, %add3A_576 : i32
      %dma_start3A_578 = arith.constant 0 : i32
      %dma_start3A_579 = tpu.memref_slice %arg6[%rem3A_322, %add3A_577, %dma_start3A_578] : memref<2x128x128xf32, #tpu.memory_space<vmem>> -> memref<1x1x128xf32, #tpu.memory_space<vmem>>
      %dma_start3A_580 = tpu.memref_squeeze %dma_start3A_579 : memref<1x1x128xf32, #tpu.memory_space<vmem>> -> memref<128xf32, #tpu.memory_space<vmem>>
      %dma_start3A_581 = tpu.memref_slice %arg2[%add3A_569, %mul3A_573] : memref<32768x2048xf32, #tpu.memory_space<hbm>> -> memref<1x128xf32, #tpu.memory_space<hbm>>
      %dma_start3A_582 = tpu.memref_squeeze %dma_start3A_581 : memref<1x128xf32, #tpu.memory_space<hbm>> -> memref<128xf32, #tpu.memory_space<hbm>>
      %dma_start3A_583 = arith.constant 0 : i32
      %dma_start3A_584 = tpu.memref_slice %arg6[%rem3A_322, %add3A_577, %dma_start3A_583] : memref<2x128x128xf32, #tpu.memory_space<vmem>> -> memref<1x1x128xf32, #tpu.memory_space<vmem>>
      %dma_start3A_585 = tpu.memref_squeeze %dma_start3A_584 : memref<1x1x128xf32, #tpu.memory_space<vmem>> -> memref<128xf32, #tpu.memory_space<vmem>>
      %dma_start3A_586 = tpu.memref_slice %arg2[%add3A_569, %mul3A_573] : memref<32768x2048xf32, #tpu.memory_space<hbm>> -> memref<1x128xf32, #tpu.memory_space<hbm>>
      %dma_start3A_587 = tpu.memref_squeeze %dma_start3A_586 : memref<1x128xf32, #tpu.memory_space<hbm>> -> memref<128xf32, #tpu.memory_space<hbm>>
      tpu.enqueue_dma source(%dma_start3A_587 : memref<128xf32, #tpu.memory_space<hbm>>) target(%dma_start3A_585 : memref<128xf32, #tpu.memory_space<vmem>>) target_semaphore(%arg7 : memref<!tpu.dma_semaphore, #tpu.memory_space<semaphore_mem>>)
      %add3A_588 = arith.addi %mul3A_2, %add3A_419 : i32
      %add3A_589 = arith.constant 8 : i32
      %add3A_590 = arith.addi %add3A_588, %add3A_589 : i32
      %slice3A_591 = vector.extract_strided_slice %get3A_421 {offsets = [8], sizes = [1], strides = [1]} : vector<16xi32> to vector<1xi32>
      %squeeze3A_592 = vector.extract %slice3A_591[0] : i32 from vector<1xi32>
      %mul3A_593 = arith.constant 128 : i32
      %mul3A_594 = arith.muli %squeeze3A_592, %mul3A_593 : i32
      %mul3A_595 = arith.constant 16 : i32
      %mul3A_596 = arith.muli %scan3A_415, %mul3A_595 : i32
      %add3A_597 = arith.constant 8 : i32
      %add3A_598 = arith.addi %mul3A_596, %add3A_597 : i32
      %dma_start3A_599 = arith.constant 0 : i32
      %dma_start3A_600 = tpu.memref_slice %arg6[%rem3A_322, %add3A_598, %dma_start3A_599] : memref<2x128x128xf32, #tpu.memory_space<vmem>> -> memref<1x1x128xf32, #tpu.memory_space<vmem>>
      %dma_start3A_601 = tpu.memref_squeeze %dma_start3A_600 : memref<1x1x128xf32, #tpu.memory_space<vmem>> -> memref<128xf32, #tpu.memory_space<vmem>>
      %dma_start3A_602 = tpu.memref_slice %arg2[%add3A_590, %mul3A_594] : memref<32768x2048xf32, #tpu.memory_space<hbm>> -> memref<1x128xf32, #tpu.memory_space<hbm>>
      %dma_start3A_603 = tpu.memref_squeeze %dma_start3A_602 : memref<1x128xf32, #tpu.memory_space<hbm>> -> memref<128xf32, #tpu.memory_space<hbm>>
      %dma_start3A_604 = arith.constant 0 : i32
      %dma_start3A_605 = tpu.memref_slice %arg6[%rem3A_322, %add3A_598, %dma_start3A_604] : memref<2x128x128xf32, #tpu.memory_space<vmem>> -> memref<1x1x128xf32, #tpu.memory_space<vmem>>
      %dma_start3A_606 = tpu.memref_squeeze %dma_start3A_605 : memref<1x1x128xf32, #tpu.memory_space<vmem>> -> memref<128xf32, #tpu.memory_space<vmem>>
      %dma_start3A_607 = tpu.memref_slice %arg2[%add3A_590, %mul3A_594] : memref<32768x2048xf32, #tpu.memory_space<hbm>> -> memref<1x128xf32, #tpu.memory_space<hbm>>
      %dma_start3A_608 = tpu.memref_squeeze %dma_start3A_607 : memref<1x128xf32, #tpu.memory_space<hbm>> -> memref<128xf32, #tpu.memory_space<hbm>>
      tpu.enqueue_dma source(%dma_start3A_608 : memref<128xf32, #tpu.memory_space<hbm>>) target(%dma_start3A_606 : memref<128xf32, #tpu.memory_space<vmem>>) target_semaphore(%arg7 : memref<!tpu.dma_semaphore, #tpu.memory_space<semaphore_mem>>)
      %add3A_609 = arith.addi %mul3A_2, %add3A_419 : i32
      %add3A_610 = arith.constant 9 : i32
      %add3A_611 = arith.addi %add3A_609, %add3A_610 : i32
      %slice3A_612 = vector.extract_strided_slice %get3A_421 {offsets = [9], sizes = [1], strides = [1]} : vector<16xi32> to vector<1xi32>
      %squeeze3A_613 = vector.extract %slice3A_612[0] : i32 from vector<1xi32>
      %mul3A_614 = arith.constant 128 : i32
      %mul3A_615 = arith.muli %squeeze3A_613, %mul3A_614 : i32
      %mul3A_616 = arith.constant 16 : i32
      %mul3A_617 = arith.muli %scan3A_415, %mul3A_616 : i32
      %add3A_618 = arith.constant 9 : i32
      %add3A_619 = arith.addi %mul3A_617, %add3A_618 : i32
      %dma_start3A_620 = arith.constant 0 : i32
      %dma_start3A_621 = tpu.memref_slice %arg6[%rem3A_322, %add3A_619, %dma_start3A_620] : memref<2x128x128xf32, #tpu.memory_space<vmem>> -> memref<1x1x128xf32, #tpu.memory_space<vmem>>
      %dma_start3A_622 = tpu.memref_squeeze %dma_start3A_621 : memref<1x1x128xf32, #tpu.memory_space<vmem>> -> memref<128xf32, #tpu.memory_space<vmem>>
      %dma_start3A_623 = tpu.memref_slice %arg2[%add3A_611, %mul3A_615] : memref<32768x2048xf32, #tpu.memory_space<hbm>> -> memref<1x128xf32, #tpu.memory_space<hbm>>
      %dma_start3A_624 = tpu.memref_squeeze %dma_start3A_623 : memref<1x128xf32, #tpu.memory_space<hbm>> -> memref<128xf32, #tpu.memory_space<hbm>>
      %dma_start3A_625 = arith.constant 0 : i32
      %dma_start3A_626 = tpu.memref_slice %arg6[%rem3A_322, %add3A_619, %dma_start3A_625] : memref<2x128x128xf32, #tpu.memory_space<vmem>> -> memref<1x1x128xf32, #tpu.memory_space<vmem>>
      %dma_start3A_627 = tpu.memref_squeeze %dma_start3A_626 : memref<1x1x128xf32, #tpu.memory_space<vmem>> -> memref<128xf32, #tpu.memory_space<vmem>>
      %dma_start3A_628 = tpu.memref_slice %arg2[%add3A_611, %mul3A_615] : memref<32768x2048xf32, #tpu.memory_space<hbm>> -> memref<1x128xf32, #tpu.memory_space<hbm>>
      %dma_start3A_629 = tpu.memref_squeeze %dma_start3A_628 : memref<1x128xf32, #tpu.memory_space<hbm>> -> memref<128xf32, #tpu.memory_space<hbm>>
      tpu.enqueue_dma source(%dma_start3A_629 : memref<128xf32, #tpu.memory_space<hbm>>) target(%dma_start3A_627 : memref<128xf32, #tpu.memory_space<vmem>>) target_semaphore(%arg7 : memref<!tpu.dma_semaphore, #tpu.memory_space<semaphore_mem>>)
      %add3A_630 = arith.addi %mul3A_2, %add3A_419 : i32
      %add3A_631 = arith.constant 10 : i32
      %add3A_632 = arith.addi %add3A_630, %add3A_631 : i32
      %slice3A_633 = vector.extract_strided_slice %get3A_421 {offsets = [10], sizes = [1], strides = [1]} : vector<16xi32> to vector<1xi32>
      %squeeze3A_634 = vector.extract %slice3A_633[0] : i32 from vector<1xi32>
      %mul3A_635 = arith.constant 128 : i32
      %mul3A_636 = arith.muli %squeeze3A_634, %mul3A_635 : i32
      %mul3A_637 = arith.constant 16 : i32
      %mul3A_638 = arith.muli %scan3A_415, %mul3A_637 : i32
      %add3A_639 = arith.constant 10 : i32
      %add3A_640 = arith.addi %mul3A_638, %add3A_639 : i32
      %dma_start3A_641 = arith.constant 0 : i32
      %dma_start3A_642 = tpu.memref_slice %arg6[%rem3A_322, %add3A_640, %dma_start3A_641] : memref<2x128x128xf32, #tpu.memory_space<vmem>> -> memref<1x1x128xf32, #tpu.memory_space<vmem>>
      %dma_start3A_643 = tpu.memref_squeeze %dma_start3A_642 : memref<1x1x128xf32, #tpu.memory_space<vmem>> -> memref<128xf32, #tpu.memory_space<vmem>>
      %dma_start3A_644 = tpu.memref_slice %arg2[%add3A_632, %mul3A_636] : memref<32768x2048xf32, #tpu.memory_space<hbm>> -> memref<1x128xf32, #tpu.memory_space<hbm>>
      %dma_start3A_645 = tpu.memref_squeeze %dma_start3A_644 : memref<1x128xf32, #tpu.memory_space<hbm>> -> memref<128xf32, #tpu.memory_space<hbm>>
      %dma_start3A_646 = arith.constant 0 : i32
      %dma_start3A_647 = tpu.memref_slice %arg6[%rem3A_322, %add3A_640, %dma_start3A_646] : memref<2x128x128xf32, #tpu.memory_space<vmem>> -> memref<1x1x128xf32, #tpu.memory_space<vmem>>
      %dma_start3A_648 = tpu.memref_squeeze %dma_start3A_647 : memref<1x1x128xf32, #tpu.memory_space<vmem>> -> memref<128xf32, #tpu.memory_space<vmem>>
      %dma_start3A_649 = tpu.memref_slice %arg2[%add3A_632, %mul3A_636] : memref<32768x2048xf32, #tpu.memory_space<hbm>> -> memref<1x128xf32, #tpu.memory_space<hbm>>
      %dma_start3A_650 = tpu.memref_squeeze %dma_start3A_649 : memref<1x128xf32, #tpu.memory_space<hbm>> -> memref<128xf32, #tpu.memory_space<hbm>>
      tpu.enqueue_dma source(%dma_start3A_650 : memref<128xf32, #tpu.memory_space<hbm>>) target(%dma_start3A_648 : memref<128xf32, #tpu.memory_space<vmem>>) target_semaphore(%arg7 : memref<!tpu.dma_semaphore, #tpu.memory_space<semaphore_mem>>)
      %add3A_651 = arith.addi %mul3A_2, %add3A_419 : i32
      %add3A_652 = arith.constant 11 : i32
      %add3A_653 = arith.addi %add3A_651, %add3A_652 : i32
      %slice3A_654 = vector.extract_strided_slice %get3A_421 {offsets = [11], sizes = [1], strides = [1]} : vector<16xi32> to vector<1xi32>
      %squeeze3A_655 = vector.extract %slice3A_654[0] : i32 from vector<1xi32>
      %mul3A_656 = arith.constant 128 : i32
      %mul3A_657 = arith.muli %squeeze3A_655, %mul3A_656 : i32
      %mul3A_658 = arith.constant 16 : i32
      %mul3A_659 = arith.muli %scan3A_415, %mul3A_658 : i32
      %add3A_660 = arith.constant 11 : i32
      %add3A_661 = arith.addi %mul3A_659, %add3A_660 : i32
      %dma_start3A_662 = arith.constant 0 : i32
      %dma_start3A_663 = tpu.memref_slice %arg6[%rem3A_322, %add3A_661, %dma_start3A_662] : memref<2x128x128xf32, #tpu.memory_space<vmem>> -> memref<1x1x128xf32, #tpu.memory_space<vmem>>
      %dma_start3A_664 = tpu.memref_squeeze %dma_start3A_663 : memref<1x1x128xf32, #tpu.memory_space<vmem>> -> memref<128xf32, #tpu.memory_space<vmem>>
      %dma_start3A_665 = tpu.memref_slice %arg2[%add3A_653, %mul3A_657] : memref<32768x2048xf32, #tpu.memory_space<hbm>> -> memref<1x128xf32, #tpu.memory_space<hbm>>
      %dma_start3A_666 = tpu.memref_squeeze %dma_start3A_665 : memref<1x128xf32, #tpu.memory_space<hbm>> -> memref<128xf32, #tpu.memory_space<hbm>>
      %dma_start3A_667 = arith.constant 0 : i32
      %dma_start3A_668 = tpu.memref_slice %arg6[%rem3A_322, %add3A_661, %dma_start3A_667] : memref<2x128x128xf32, #tpu.memory_space<vmem>> -> memref<1x1x128xf32, #tpu.memory_space<vmem>>
      %dma_start3A_669 = tpu.memref_squeeze %dma_start3A_668 : memref<1x1x128xf32, #tpu.memory_space<vmem>> -> memref<128xf32, #tpu.memory_space<vmem>>
      %dma_start3A_670 = tpu.memref_slice %arg2[%add3A_653, %mul3A_657] : memref<32768x2048xf32, #tpu.memory_space<hbm>> -> memref<1x128xf32, #tpu.memory_space<hbm>>
      %dma_start3A_671 = tpu.memref_squeeze %dma_start3A_670 : memref<1x128xf32, #tpu.memory_space<hbm>> -> memref<128xf32, #tpu.memory_space<hbm>>
      tpu.enqueue_dma source(%dma_start3A_671 : memref<128xf32, #tpu.memory_space<hbm>>) target(%dma_start3A_669 : memref<128xf32, #tpu.memory_space<vmem>>) target_semaphore(%arg7 : memref<!tpu.dma_semaphore, #tpu.memory_space<semaphore_mem>>)
      %add3A_672 = arith.addi %mul3A_2, %add3A_419 : i32
      %add3A_673 = arith.constant 12 : i32
      %add3A_674 = arith.addi %add3A_672, %add3A_673 : i32
      %slice3A_675 = vector.extract_strided_slice %get3A_421 {offsets = [12], sizes = [1], strides = [1]} : vector<16xi32> to vector<1xi32>
      %squeeze3A_676 = vector.extract %slice3A_675[0] : i32 from vector<1xi32>
      %mul3A_677 = arith.constant 128 : i32
      %mul3A_678 = arith.muli %squeeze3A_676, %mul3A_677 : i32
      %mul3A_679 = arith.constant 16 : i32
      %mul3A_680 = arith.muli %scan3A_415, %mul3A_679 : i32
      %add3A_681 = arith.constant 12 : i32
      %add3A_682 = arith.addi %mul3A_680, %add3A_681 : i32
      %dma_start3A_683 = arith.constant 0 : i32
      %dma_start3A_684 = tpu.memref_slice %arg6[%rem3A_322, %add3A_682, %dma_start3A_683] : memref<2x128x128xf32, #tpu.memory_space<vmem>> -> memref<1x1x128xf32, #tpu.memory_space<vmem>>
      %dma_start3A_685 = tpu.memref_squeeze %dma_start3A_684 : memref<1x1x128xf32, #tpu.memory_space<vmem>> -> memref<128xf32, #tpu.memory_space<vmem>>
      %dma_start3A_686 = tpu.memref_slice %arg2[%add3A_674, %mul3A_678] : memref<32768x2048xf32, #tpu.memory_space<hbm>> -> memref<1x128xf32, #tpu.memory_space<hbm>>
      %dma_start3A_687 = tpu.memref_squeeze %dma_start3A_686 : memref<1x128xf32, #tpu.memory_space<hbm>> -> memref<128xf32, #tpu.memory_space<hbm>>
      %dma_start3A_688 = arith.constant 0 : i32
      %dma_start3A_689 = tpu.memref_slice %arg6[%rem3A_322, %add3A_682, %dma_start3A_688] : memref<2x128x128xf32, #tpu.memory_space<vmem>> -> memref<1x1x128xf32, #tpu.memory_space<vmem>>
      %dma_start3A_690 = tpu.memref_squeeze %dma_start3A_689 : memref<1x1x128xf32, #tpu.memory_space<vmem>> -> memref<128xf32, #tpu.memory_space<vmem>>
      %dma_start3A_691 = tpu.memref_slice %arg2[%add3A_674, %mul3A_678] : memref<32768x2048xf32, #tpu.memory_space<hbm>> -> memref<1x128xf32, #tpu.memory_space<hbm>>
      %dma_start3A_692 = tpu.memref_squeeze %dma_start3A_691 : memref<1x128xf32, #tpu.memory_space<hbm>> -> memref<128xf32, #tpu.memory_space<hbm>>
      tpu.enqueue_dma source(%dma_start3A_692 : memref<128xf32, #tpu.memory_space<hbm>>) target(%dma_start3A_690 : memref<128xf32, #tpu.memory_space<vmem>>) target_semaphore(%arg7 : memref<!tpu.dma_semaphore, #tpu.memory_space<semaphore_mem>>)
      %add3A_693 = arith.addi %mul3A_2, %add3A_419 : i32
      %add3A_694 = arith.constant 13 : i32
      %add3A_695 = arith.addi %add3A_693, %add3A_694 : i32
      %slice3A_696 = vector.extract_strided_slice %get3A_421 {offsets = [13], sizes = [1], strides = [1]} : vector<16xi32> to vector<1xi32>
      %squeeze3A_697 = vector.extract %slice3A_696[0] : i32 from vector<1xi32>
      %mul3A_698 = arith.constant 128 : i32
      %mul3A_699 = arith.muli %squeeze3A_697, %mul3A_698 : i32
      %mul3A_700 = arith.constant 16 : i32
      %mul3A_701 = arith.muli %scan3A_415, %mul3A_700 : i32
      %add3A_702 = arith.constant 13 : i32
      %add3A_703 = arith.addi %mul3A_701, %add3A_702 : i32
      %dma_start3A_704 = arith.constant 0 : i32
      %dma_start3A_705 = tpu.memref_slice %arg6[%rem3A_322, %add3A_703, %dma_start3A_704] : memref<2x128x128xf32, #tpu.memory_space<vmem>> -> memref<1x1x128xf32, #tpu.memory_space<vmem>>
      %dma_start3A_706 = tpu.memref_squeeze %dma_start3A_705 : memref<1x1x128xf32, #tpu.memory_space<vmem>> -> memref<128xf32, #tpu.memory_space<vmem>>
      %dma_start3A_707 = tpu.memref_slice %arg2[%add3A_695, %mul3A_699] : memref<32768x2048xf32, #tpu.memory_space<hbm>> -> memref<1x128xf32, #tpu.memory_space<hbm>>
      %dma_start3A_708 = tpu.memref_squeeze %dma_start3A_707 : memref<1x128xf32, #tpu.memory_space<hbm>> -> memref<128xf32, #tpu.memory_space<hbm>>
      %dma_start3A_709 = arith.constant 0 : i32
      %dma_start3A_710 = tpu.memref_slice %arg6[%rem3A_322, %add3A_703, %dma_start3A_709] : memref<2x128x128xf32, #tpu.memory_space<vmem>> -> memref<1x1x128xf32, #tpu.memory_space<vmem>>
      %dma_start3A_711 = tpu.memref_squeeze %dma_start3A_710 : memref<1x1x128xf32, #tpu.memory_space<vmem>> -> memref<128xf32, #tpu.memory_space<vmem>>
      %dma_start3A_712 = tpu.memref_slice %arg2[%add3A_695, %mul3A_699] : memref<32768x2048xf32, #tpu.memory_space<hbm>> -> memref<1x128xf32, #tpu.memory_space<hbm>>
      %dma_start3A_713 = tpu.memref_squeeze %dma_start3A_712 : memref<1x128xf32, #tpu.memory_space<hbm>> -> memref<128xf32, #tpu.memory_space<hbm>>
      tpu.enqueue_dma source(%dma_start3A_713 : memref<128xf32, #tpu.memory_space<hbm>>) target(%dma_start3A_711 : memref<128xf32, #tpu.memory_space<vmem>>) target_semaphore(%arg7 : memref<!tpu.dma_semaphore, #tpu.memory_space<semaphore_mem>>)
      %add3A_714 = arith.addi %mul3A_2, %add3A_419 : i32
      %add3A_715 = arith.constant 14 : i32
      %add3A_716 = arith.addi %add3A_714, %add3A_715 : i32
      %slice3A_717 = vector.extract_strided_slice %get3A_421 {offsets = [14], sizes = [1], strides = [1]} : vector<16xi32> to vector<1xi32>
      %squeeze3A_718 = vector.extract %slice3A_717[0] : i32 from vector<1xi32>
      %mul3A_719 = arith.constant 128 : i32
      %mul3A_720 = arith.muli %squeeze3A_718, %mul3A_719 : i32
      %mul3A_721 = arith.constant 16 : i32
      %mul3A_722 = arith.muli %scan3A_415, %mul3A_721 : i32
      %add3A_723 = arith.constant 14 : i32
      %add3A_724 = arith.addi %mul3A_722, %add3A_723 : i32
      %dma_start3A_725 = arith.constant 0 : i32
      %dma_start3A_726 = tpu.memref_slice %arg6[%rem3A_322, %add3A_724, %dma_start3A_725] : memref<2x128x128xf32, #tpu.memory_space<vmem>> -> memref<1x1x128xf32, #tpu.memory_space<vmem>>
      %dma_start3A_727 = tpu.memref_squeeze %dma_start3A_726 : memref<1x1x128xf32, #tpu.memory_space<vmem>> -> memref<128xf32, #tpu.memory_space<vmem>>
      %dma_start3A_728 = tpu.memref_slice %arg2[%add3A_716, %mul3A_720] : memref<32768x2048xf32, #tpu.memory_space<hbm>> -> memref<1x128xf32, #tpu.memory_space<hbm>>
      %dma_start3A_729 = tpu.memref_squeeze %dma_start3A_728 : memref<1x128xf32, #tpu.memory_space<hbm>> -> memref<128xf32, #tpu.memory_space<hbm>>
      %dma_start3A_730 = arith.constant 0 : i32
      %dma_start3A_731 = tpu.memref_slice %arg6[%rem3A_322, %add3A_724, %dma_start3A_730] : memref<2x128x128xf32, #tpu.memory_space<vmem>> -> memref<1x1x128xf32, #tpu.memory_space<vmem>>
      %dma_start3A_732 = tpu.memref_squeeze %dma_start3A_731 : memref<1x1x128xf32, #tpu.memory_space<vmem>> -> memref<128xf32, #tpu.memory_space<vmem>>
      %dma_start3A_733 = tpu.memref_slice %arg2[%add3A_716, %mul3A_720] : memref<32768x2048xf32, #tpu.memory_space<hbm>> -> memref<1x128xf32, #tpu.memory_space<hbm>>
      %dma_start3A_734 = tpu.memref_squeeze %dma_start3A_733 : memref<1x128xf32, #tpu.memory_space<hbm>> -> memref<128xf32, #tpu.memory_space<hbm>>
      tpu.enqueue_dma source(%dma_start3A_734 : memref<128xf32, #tpu.memory_space<hbm>>) target(%dma_start3A_732 : memref<128xf32, #tpu.memory_space<vmem>>) target_semaphore(%arg7 : memref<!tpu.dma_semaphore, #tpu.memory_space<semaphore_mem>>)
      %add3A_735 = arith.addi %mul3A_2, %add3A_419 : i32
      %add3A_736 = arith.constant 15 : i32
      %add3A_737 = arith.addi %add3A_735, %add3A_736 : i32
      %slice3A_738 = vector.extract_strided_slice %get3A_421 {offsets = [15], sizes = [1], strides = [1]} : vector<16xi32> to vector<1xi32>
      %squeeze3A_739 = vector.extract %slice3A_738[0] : i32 from vector<1xi32>
      %mul3A_740 = arith.constant 128 : i32
      %mul3A_741 = arith.muli %squeeze3A_739, %mul3A_740 : i32
      %mul3A_742 = arith.constant 16 : i32
      %mul3A_743 = arith.muli %scan3A_415, %mul3A_742 : i32
      %add3A_744 = arith.constant 15 : i32
      %add3A_745 = arith.addi %mul3A_743, %add3A_744 : i32
      %dma_start3A_746 = arith.constant 0 : i32
      %dma_start3A_747 = tpu.memref_slice %arg6[%rem3A_322, %add3A_745, %dma_start3A_746] : memref<2x128x128xf32, #tpu.memory_space<vmem>> -> memref<1x1x128xf32, #tpu.memory_space<vmem>>
      %dma_start3A_748 = tpu.memref_squeeze %dma_start3A_747 : memref<1x1x128xf32, #tpu.memory_space<vmem>> -> memref<128xf32, #tpu.memory_space<vmem>>
      %dma_start3A_749 = tpu.memref_slice %arg2[%add3A_737, %mul3A_741] : memref<32768x2048xf32, #tpu.memory_space<hbm>> -> memref<1x128xf32, #tpu.memory_space<hbm>>
      %dma_start3A_750 = tpu.memref_squeeze %dma_start3A_749 : memref<1x128xf32, #tpu.memory_space<hbm>> -> memref<128xf32, #tpu.memory_space<hbm>>
      %dma_start3A_751 = arith.constant 0 : i32
      %dma_start3A_752 = tpu.memref_slice %arg6[%rem3A_322, %add3A_745, %dma_start3A_751] : memref<2x128x128xf32, #tpu.memory_space<vmem>> -> memref<1x1x128xf32, #tpu.memory_space<vmem>>
      %dma_start3A_753 = tpu.memref_squeeze %dma_start3A_752 : memref<1x1x128xf32, #tpu.memory_space<vmem>> -> memref<128xf32, #tpu.memory_space<vmem>>
      %dma_start3A_754 = tpu.memref_slice %arg2[%add3A_737, %mul3A_741] : memref<32768x2048xf32, #tpu.memory_space<hbm>> -> memref<1x128xf32, #tpu.memory_space<hbm>>
      %dma_start3A_755 = tpu.memref_squeeze %dma_start3A_754 : memref<1x128xf32, #tpu.memory_space<hbm>> -> memref<128xf32, #tpu.memory_space<hbm>>
      tpu.enqueue_dma source(%dma_start3A_755 : memref<128xf32, #tpu.memory_space<hbm>>) target(%dma_start3A_753 : memref<128xf32, #tpu.memory_space<vmem>>) target_semaphore(%arg7 : memref<!tpu.dma_semaphore, #tpu.memory_space<semaphore_mem>>)
    }
    %scan3A_328 = arith.constant 8 : i32
    %rem3A_329 = arith.constant 6 : i32
    %rem3A_330 = arith.constant 2 : i32
    %rem3A_331 = arith.remsi %rem3A_329, %rem3A_330 : i32
    %dma_wait3A_332 = arith.constant 0 : i32
    %dma_wait3A_333 = arith.constant 0 : i32
    %dma_wait3A_334 = tpu.memref_slice %arg6[%rem3A_331, %dma_wait3A_332, %dma_wait3A_333] : memref<2x128x128xf32, #tpu.memory_space<vmem>> -> memref<1x128x128xf32, #tpu.memory_space<vmem>>
    %dma_wait3A_335 = tpu.memref_squeeze %dma_wait3A_334 : memref<1x128x128xf32, #tpu.memory_space<vmem>> -> memref<128x128xf32, #tpu.memory_space<vmem>>
    %dma_wait3A_336 = arith.constant 0 : i32
    %dma_wait3A_337 = arith.constant 0 : i32
    %dma_wait3A_338 = tpu.memref_slice %arg2[%dma_wait3A_336, %dma_wait3A_337] : memref<32768x2048xf32, #tpu.memory_space<hbm>> -> memref<128x128xf32, #tpu.memory_space<hbm>>
    %dma_wait3A_339 = arith.constant 0 : i32
    %dma_wait3A_340 = arith.constant 0 : i32
    %dma_wait3A_341 = tpu.memref_slice %arg6[%rem3A_331, %dma_wait3A_339, %dma_wait3A_340] : memref<2x128x128xf32, #tpu.memory_space<vmem>> -> memref<1x128x128xf32, #tpu.memory_space<vmem>>
    %dma_wait3A_342 = tpu.memref_squeeze %dma_wait3A_341 : memref<1x128x128xf32, #tpu.memory_space<vmem>> -> memref<128x128xf32, #tpu.memory_space<vmem>>
    %dma_wait3A_343 = arith.constant 0 : i32
    %dma_wait3A_344 = arith.constant 0 : i32
    %dma_wait3A_345 = tpu.memref_slice %arg2[%dma_wait3A_343, %dma_wait3A_344] : memref<32768x2048xf32, #tpu.memory_space<hbm>> -> memref<128x128xf32, #tpu.memory_space<hbm>>
    tpu.wait_dma2 semaphore(%arg7 : memref<!tpu.dma_semaphore, #tpu.memory_space<semaphore_mem>>) src(%dma_wait3A_345 : memref<128x128xf32, #tpu.memory_space<hbm>>) dst(%dma_wait3A_342 : memref<128x128xf32, #tpu.memory_space<vmem>>)
    %add3A_346 = arith.constant 768 : i32
    %add3A_347 = arith.addi %mul3A_2, %add3A_346 : i32
    %dma_start3A_348 = arith.constant 0 : i32
    %dma_start3A_349 = arith.constant 0 : i32
    %dma_start3A_350 = tpu.memref_slice %arg6[%rem3A_331, %dma_start3A_348, %dma_start3A_349] : memref<2x128x128xf32, #tpu.memory_space<vmem>> -> memref<1x128x128xf32, #tpu.memory_space<vmem>>
    %dma_start3A_351 = tpu.memref_squeeze %dma_start3A_350 : memref<1x128x128xf32, #tpu.memory_space<vmem>> -> memref<128x128xf32, #tpu.memory_space<vmem>>
    %dma_start3A_352 = arith.constant 0 : i32
    %dma_start3A_353 = tpu.memref_slice %arg4[%add3A_347, %dma_start3A_352] : memref<32768x128xf32, #tpu.memory_space<hbm>> -> memref<128x128xf32, #tpu.memory_space<hbm>>
    %dma_start3A_354 = arith.constant 0 : i32
    %dma_start3A_355 = tpu.memref_slice %arg4[%add3A_347, %dma_start3A_354] : memref<32768x128xf32, #tpu.memory_space<hbm>> -> memref<128x128xf32, #tpu.memory_space<hbm>>
    %dma_start3A_356 = arith.constant 0 : i32
    %dma_start3A_357 = arith.constant 0 : i32
    %dma_start3A_358 = tpu.memref_slice %arg6[%rem3A_331, %dma_start3A_356, %dma_start3A_357] : memref<2x128x128xf32, #tpu.memory_space<vmem>> -> memref<1x128x128xf32, #tpu.memory_space<vmem>>
    %dma_start3A_359 = tpu.memref_squeeze %dma_start3A_358 : memref<1x128x128xf32, #tpu.memory_space<vmem>> -> memref<128x128xf32, #tpu.memory_space<vmem>>
    tpu.enqueue_dma source(%dma_start3A_359 : memref<128x128xf32, #tpu.memory_space<vmem>>) target(%dma_start3A_355 : memref<128x128xf32, #tpu.memory_space<hbm>>) target_semaphore(%arg8 : memref<!tpu.dma_semaphore, #tpu.memory_space<semaphore_mem>>)
    %dma_wait3A_360 = arith.constant 0 : i32
    %dma_wait3A_361 = arith.constant 0 : i32
    %dma_wait3A_362 = tpu.memref_slice %arg6[%rem3A_331, %dma_wait3A_360, %dma_wait3A_361] : memref<2x128x128xf32, #tpu.memory_space<vmem>> -> memref<1x128x128xf32, #tpu.memory_space<vmem>>
    %dma_wait3A_363 = tpu.memref_squeeze %dma_wait3A_362 : memref<1x128x128xf32, #tpu.memory_space<vmem>> -> memref<128x128xf32, #tpu.memory_space<vmem>>
    %dma_wait3A_364 = arith.constant 0 : i32
    %dma_wait3A_365 = tpu.memref_slice %arg4[%add3A_347, %dma_wait3A_364] : memref<32768x128xf32, #tpu.memory_space<hbm>> -> memref<128x128xf32, #tpu.memory_space<hbm>>
    %dma_wait3A_366 = arith.constant 0 : i32
    %dma_wait3A_367 = tpu.memref_slice %arg4[%add3A_347, %dma_wait3A_366] : memref<32768x128xf32, #tpu.memory_space<hbm>> -> memref<128x128xf32, #tpu.memory_space<hbm>>
    %dma_wait3A_368 = arith.constant 0 : i32
    %dma_wait3A_369 = arith.constant 0 : i32
    %dma_wait3A_370 = tpu.memref_slice %arg6[%rem3A_331, %dma_wait3A_368, %dma_wait3A_369] : memref<2x128x128xf32, #tpu.memory_space<vmem>> -> memref<1x128x128xf32, #tpu.memory_space<vmem>>
    %dma_wait3A_371 = tpu.memref_squeeze %dma_wait3A_370 : memref<1x128x128xf32, #tpu.memory_space<vmem>> -> memref<128x128xf32, #tpu.memory_space<vmem>>
    tpu.wait_dma2 semaphore(%arg8 : memref<!tpu.dma_semaphore, #tpu.memory_space<semaphore_mem>>) src(%dma_wait3A_371 : memref<128x128xf32, #tpu.memory_space<vmem>>) dst(%dma_wait3A_367 : memref<128x128xf32, #tpu.memory_space<hbm>>)
    %rem3A_372 = arith.constant 7 : i32
    %rem3A_373 = arith.constant 2 : i32
    %rem3A_374 = arith.remsi %rem3A_372, %rem3A_373 : i32
    %dma_wait3A_375 = arith.constant 0 : i32
    %dma_wait3A_376 = arith.constant 0 : i32
    %dma_wait3A_377 = tpu.memref_slice %arg6[%rem3A_374, %dma_wait3A_375, %dma_wait3A_376] : memref<2x128x128xf32, #tpu.memory_space<vmem>> -> memref<1x128x128xf32, #tpu.memory_space<vmem>>
    %dma_wait3A_378 = tpu.memref_squeeze %dma_wait3A_377 : memref<1x128x128xf32, #tpu.memory_space<vmem>> -> memref<128x128xf32, #tpu.memory_space<vmem>>
    %dma_wait3A_379 = arith.constant 0 : i32
    %dma_wait3A_380 = arith.constant 0 : i32
    %dma_wait3A_381 = tpu.memref_slice %arg2[%dma_wait3A_379, %dma_wait3A_380] : memref<32768x2048xf32, #tpu.memory_space<hbm>> -> memref<128x128xf32, #tpu.memory_space<hbm>>
    %dma_wait3A_382 = arith.constant 0 : i32
    %dma_wait3A_383 = arith.constant 0 : i32
    %dma_wait3A_384 = tpu.memref_slice %arg6[%rem3A_374, %dma_wait3A_382, %dma_wait3A_383] : memref<2x128x128xf32, #tpu.memory_space<vmem>> -> memref<1x128x128xf32, #tpu.memory_space<vmem>>
    %dma_wait3A_385 = tpu.memref_squeeze %dma_wait3A_384 : memref<1x128x128xf32, #tpu.memory_space<vmem>> -> memref<128x128xf32, #tpu.memory_space<vmem>>
    %dma_wait3A_386 = arith.constant 0 : i32
    %dma_wait3A_387 = arith.constant 0 : i32
    %dma_wait3A_388 = tpu.memref_slice %arg2[%dma_wait3A_386, %dma_wait3A_387] : memref<32768x2048xf32, #tpu.memory_space<hbm>> -> memref<128x128xf32, #tpu.memory_space<hbm>>
    tpu.wait_dma2 semaphore(%arg7 : memref<!tpu.dma_semaphore, #tpu.memory_space<semaphore_mem>>) src(%dma_wait3A_388 : memref<128x128xf32, #tpu.memory_space<hbm>>) dst(%dma_wait3A_385 : memref<128x128xf32, #tpu.memory_space<vmem>>)
    %add3A_389 = arith.constant 896 : i32
    %add3A_390 = arith.addi %mul3A_2, %add3A_389 : i32
    %dma_start3A_391 = arith.constant 0 : i32
    %dma_start3A_392 = arith.constant 0 : i32
    %dma_start3A_393 = tpu.memref_slice %arg6[%rem3A_374, %dma_start3A_391, %dma_start3A_392] : memref<2x128x128xf32, #tpu.memory_space<vmem>> -> memref<1x128x128xf32, #tpu.memory_space<vmem>>
    %dma_start3A_394 = tpu.memref_squeeze %dma_start3A_393 : memref<1x128x128xf32, #tpu.memory_space<vmem>> -> memref<128x128xf32, #tpu.memory_space<vmem>>
    %dma_start3A_395 = arith.constant 0 : i32
    %dma_start3A_396 = tpu.memref_slice %arg4[%add3A_390, %dma_start3A_395] : memref<32768x128xf32, #tpu.memory_space<hbm>> -> memref<128x128xf32, #tpu.memory_space<hbm>>
    %dma_start3A_397 = arith.constant 0 : i32
    %dma_start3A_398 = tpu.memref_slice %arg4[%add3A_390, %dma_start3A_397] : memref<32768x128xf32, #tpu.memory_space<hbm>> -> memref<128x128xf32, #tpu.memory_space<hbm>>
    %dma_start3A_399 = arith.constant 0 : i32
    %dma_start3A_400 = arith.constant 0 : i32
    %dma_start3A_401 = tpu.memref_slice %arg6[%rem3A_374, %dma_start3A_399, %dma_start3A_400] : memref<2x128x128xf32, #tpu.memory_space<vmem>> -> memref<1x128x128xf32, #tpu.memory_space<vmem>>
    %dma_start3A_402 = tpu.memref_squeeze %dma_start3A_401 : memref<1x128x128xf32, #tpu.memory_space<vmem>> -> memref<128x128xf32, #tpu.memory_space<vmem>>
    tpu.enqueue_dma source(%dma_start3A_402 : memref<128x128xf32, #tpu.memory_space<vmem>>) target(%dma_start3A_398 : memref<128x128xf32, #tpu.memory_space<hbm>>) target_semaphore(%arg8 : memref<!tpu.dma_semaphore, #tpu.memory_space<semaphore_mem>>)
    %dma_wait3A_403 = arith.constant 0 : i32
    %dma_wait3A_404 = arith.constant 0 : i32
    %dma_wait3A_405 = tpu.memref_slice %arg6[%rem3A_374, %dma_wait3A_403, %dma_wait3A_404] : memref<2x128x128xf32, #tpu.memory_space<vmem>> -> memref<1x128x128xf32, #tpu.memory_space<vmem>>
    %dma_wait3A_406 = tpu.memref_squeeze %dma_wait3A_405 : memref<1x128x128xf32, #tpu.memory_space<vmem>> -> memref<128x128xf32, #tpu.memory_space<vmem>>
    %dma_wait3A_407 = arith.constant 0 : i32
    %dma_wait3A_408 = tpu.memref_slice %arg4[%add3A_390, %dma_wait3A_407] : memref<32768x128xf32, #tpu.memory_space<hbm>> -> memref<128x128xf32, #tpu.memory_space<hbm>>
    %dma_wait3A_409 = arith.constant 0 : i32
    %dma_wait3A_410 = tpu.memref_slice %arg4[%add3A_390, %dma_wait3A_409] : memref<32768x128xf32, #tpu.memory_space<hbm>> -> memref<128x128xf32, #tpu.memory_space<hbm>>
    %dma_wait3A_411 = arith.constant 0 : i32
    %dma_wait3A_412 = arith.constant 0 : i32
    %dma_wait3A_413 = tpu.memref_slice %arg6[%rem3A_374, %dma_wait3A_411, %dma_wait3A_412] : memref<2x128x128xf32, #tpu.memory_space<vmem>> -> memref<1x128x128xf32, #tpu.memory_space<vmem>>
    %dma_wait3A_414 = tpu.memref_squeeze %dma_wait3A_413 : memref<1x128x128xf32, #tpu.memory_space<vmem>> -> memref<128x128xf32, #tpu.memory_space<vmem>>
    tpu.wait_dma2 semaphore(%arg8 : memref<!tpu.dma_semaphore, #tpu.memory_space<semaphore_mem>>) src(%dma_wait3A_414 : memref<128x128xf32, #tpu.memory_space<vmem>>) dst(%dma_wait3A_410 : memref<128x128xf32, #tpu.memory_space<hbm>>)
    return
  }
}

</mosaic_0001>

<sc_bundles>
// kernel: kernel.3.cloned.1.call-start
scs
__scs_entry_jumppad:
0x0: {  	(pc) =	sbr.rel $0x88, $3  }
0x1: {  	(tag) =	ssettag $0x0;
	lr =	simm.s32 $0x1  }
0x2: {  	[smem:$0x3FA0] =	sst lr;
	_ =	strace $0xD0000000  }
0x3: {  	_ = 	snop  }
0x4: {  	_ = 	snop  }
0x5: {  	_ = 	snop  }
0x6: {  	_ = 	snop  }
0x7: {  	_ = 	snop  }
__scs_overlays_trampoline_lowered:
0x8: {  	[smem:$0x3FAF] =	sst s0  }
0x9: {  	[smem:$0x3FB0] =	sst s1  }
0xa: {  	[smem:$0x3FB1] =	sst s2  }
0xb: {  	[smem:$0x3FB2] =	sst s3  }
0xc: {  	[smem:$0x3FB3] =	sst s4  }
0xd: {  	[smem:$0x3FB4] =	sst s5  }
0xe: {  	[smem:$0x3FB5] =	sst s6  }
0xf: {  	[smem:$0x3FB6] =	sst s7  }
0x10: {  	[smem:$0x3FB7] =	sst s8  }
0x11: {  	[smem:$0x3FB8] =	sst s9;
	s0 =	simm.s32 @!p0 $0x0  }
0x12: {  	s1 =	sld [smem:$0x3F9E];
	s0 =	simm.s32 @p0 $0x1  }
0x13: {  	[smem:$0x3FB9] =	sst s0;
	s0 =	simm.s32 @!p1 $0x0  }
0x14: {  	s2 =	sld [smem:$0x3F9D];
	s0 =	simm.s32 @p1 $0x1  }
0x15: {  	[smem:$0x3FBA] =	sst s0;
	s0 =	simm.s32 @!p2 $0x0  }
0x16: {  	s3 =	sld [smem:$0x3FDB];
	s0 =	simm.s32 @p2 $0x1  }
0x17: {  	s4 =	simm.s32 $0x1BF5;
	[smem:$0x3FBC] =	sst s0  }
0x18: {  	s0 =	sld [smem:$0x3F9F];
	_ =	swait.ge [sflag:s4], $0x0  }
0x19: {  	s7 =	sld [smem:$0x3FA0]  }
0x1a: {  	s8 =	sadd.s32 $0xFFFFE003, lr  }
0x1b: {  	s9 =	sadd.s32 $0xFFFFFEF7, lr;
	s5 =	simm.s32 $0xFFFFFFFF;
	p2 =	slt.u32 s8, $0xFFFFF086  }
0x1c: {  	p1 =	slt.u32 s9, $0xF7A;
	s5 =	simm.s32 @!p2 $0x0  }
0x1d: {  	s5 =	simm.s32 @p1 $0x1;
	p0 =	seq.s32 s7, s2  }
0x1e: {  	s7 =	smul.u32 @!p0 $0xF7A, s2;
	p2 =	seq.s32 @!p0 s5, $0x0  }
0x1f: {  	s9 =	smul.u32 $0xF7A, s1;
	s8 =	simm.s32 @!p0 $0x1BF5;
	p2 =	por !p2, p0  }
0x20: {  	[sflag:s8] =	ssyncset.s32 @!p0 $0xFFFFF086;
	s6 =	sadd.s32 @!p0 s3, s7;
	s7 =	simm.s32 @!p0 $0x108  }
0x21: {  	s3 =	sadd.s32 s3, s9;
	s6 =	sadd.s32 @!p0 $0x88, s6;
	s7 =	simm.s32 @p2 $0x1082  }
0x22: {  	[simem:s7], [sflag:s8] =	dma.local @!p0 [hbm:s6], $0xF7A  }
0x23: {  	s9 =	sor.u32 $0xD0000000, s2;
	s6 =	simm.s32 $0x108;
	_ =	swait.ge @!p0 [sflag:s8], $0x0  }
0x24: {  	s3 =	sadd.s32 $0x88, s3;
	s6 =	simm.s32 @!p1 $0x1082;
	[sflag:s4] =	ssyncset.s32 $0xFFFFF086  }
0x25: {  	[simem:s6], [sflag:s4] =	dma.local [hbm:s3], $0xF7A  }
0x26: {  	[smem:$0x3FA0] =	sst s1;
	(tag) =	ssettag s2;
	_ =	strace s9  }
0x27: {  	s1 =	sld [smem:$0x3FB0]  }
0x28: {  	s2 =	sld [smem:$0x3FB1]  }
0x29: {  	s4 =	sld [smem:$0x3FB3]  }
0x2a: {  	p0 =	seq.s32 s5, $0x0;
	s5 =	sld [smem:$0x3FB4]  }
0x2b: {  	s6 =	sld [smem:$0x3FB5]  }
0x2c: {  	s7 =	sld [smem:$0x3FB6]  }
0x2d: {  	s3 =	simm.s32 $0x108;
	s8 =	sld [smem:$0x3FB7]  }
0x2e: {  	s3 =	simm.s32 @!p0 $0x1082;
	s9 =	sld [smem:$0x3FB8]  }
0x2f: {  	lr =	sadd.s32 s0, s3;
	s0 =	sld [smem:$0x3FAF]  }
0x30: {  	s3 =	sld [smem:$0x3FB2]  }
0x31: {  	[smem:$0x3FBB] =	sst s10  }
0x32: {  	s10 =	sld [smem:$0x3FB9];
	_ =	sdelay $0x3  }
0x33: {  	p0 =	seq.s32 s10, $0x1;
	s10 =	sld [smem:$0x3FBB];
	_ =	sdelay $0x3  }
0x34: {  	[smem:$0x3FBB] =	sst s10  }
0x35: {  	s10 =	sld [smem:$0x3FBA];
	_ =	sdelay $0x3  }
0x36: {  	p1 =	seq.s32 s10, $0x1;
	s10 =	sld [smem:$0x3FBB];
	_ =	sdelay $0x3  }
0x37: {  	[smem:$0x3FBB] =	sst s10  }
0x38: {  	s10 =	sld [smem:$0x3FBC]  }
0x39: {  	_ = 	snop;
	(pc) =	sbr.ind lr, $3  }
0x3a: {  	_ = 	snop  }
0x3b: {  	_ = 	snop  }
0x3c: {  	p2 =	seq.s32 s10, $0x1;
	s10 =	sld [smem:$0x3FBB]  }
0x3d: {  	_ =	shalt  }
0x3e: {  	_ =	shalt  }
0x3f: {  	_ =	shalt  }
0x40: {  	_ =	shalt  }
0x41: {  	_ =	shalt  }
0x42: {  	_ =	shalt  }
0x43: {  	_ =	shalt  }
0x44: {  	_ =	shalt  }
0x45: {  	_ =	shalt  }
0x46: {  	_ =	shalt  }
0x47: {  	_ =	shalt  }
0x48: {  	_ =	shalt  }
0x49: {  	_ =	shalt  }
0x4a: {  	_ =	shalt  }
0x4b: {  	_ =	shalt  }
0x4c: {  	_ =	shalt  }
0x4d: {  	_ =	shalt  }
0x4e: {  	_ =	shalt  }
0x4f: {  	_ =	shalt  }
0x50: {  	_ =	shalt  }
0x51: {  	_ =	shalt  }
0x52: {  	_ =	shalt  }
0x53: {  	_ =	shalt  }
0x54: {  	_ =	shalt  }
0x55: {  	_ =	shalt  }
0x56: {  	_ =	shalt  }
0x57: {  	_ =	shalt  }
0x58: {  	_ =	shalt  }
0x59: {  	_ =	shalt  }
0x5a: {  	_ =	shalt  }
0x5b: {  	_ =	shalt  }
0x5c: {  	_ =	shalt  }
0x5d: {  	_ =	shalt  }
0x5e: {  	_ =	shalt  }
0x5f: {  	_ =	shalt  }
0x60: {  	_ =	shalt  }
0x61: {  	_ =	shalt  }
0x62: {  	_ =	shalt  }
0x63: {  	_ =	shalt  }
0x64: {  	_ =	shalt  }
0x65: {  	_ =	shalt  }
0x66: {  	_ =	shalt  }
0x67: {  	_ =	shalt  }
0x68: {  	_ =	shalt  }
0x69: {  	_ =	shalt  }
0x6a: {  	_ =	shalt  }
0x6b: {  	_ =	shalt  }
0x6c: {  	_ =	shalt  }
0x6d: {  	_ =	shalt  }
0x6e: {  	_ =	shalt  }
0x6f: {  	_ =	shalt  }
0x70: {  	_ =	shalt  }
0x71: {  	_ =	shalt  }
0x72: {  	_ =	shalt  }
0x73: {  	_ =	shalt  }
0x74: {  	_ =	shalt  }
0x75: {  	_ =	shalt  }
0x76: {  	_ =	shalt  }
0x77: {  	_ =	shalt  }
0x78: {  	_ =	shalt  }
0x79: {  	_ =	shalt  }
0x7a: {  	_ =	shalt  }
0x7b: {  	_ =	shalt  }
0x7c: {  	_ =	shalt  }
0x7d: {  	_ =	shalt  }
0x7e: {  	_ =	shalt  }
0x7f: {  	_ =	shalt  }
0x80: {  	_ =	shalt  }
0x81: {  	_ =	shalt  }
0x82: {  	_ =	shalt  }
0x83: {  	_ =	shalt  }
0x84: {  	_ =	shalt  }
0x85: {  	_ =	shalt  }
0x86: {  	_ =	shalt  }
0x87: {  	_ =	shalt  }
.Lfunc_end0:
.L_simem_size_0:
called_computation_lowered:
.L_overlay_start_0:
0x88: {  	s2 =	sld [smem:$0x3FD9]  }
0x89: {  	s3 =	sld [smem:$0x3FFE];
	_ =	sdelay $0x1  }
0x8a: {  	s1 =	srdreg.scid  }
0x8b: {  	s0 =	sand.u32 $0x1, s1  }
0x8c: {  	s17 =	sshll.u32 s0, $0xA;
	s2 =	sadd.s32 s3, s2  }
0x8d: {  	s2 =	sadd.s32 s2, s17  }
0x8e: {  	[smem:$0x3FC7] =	sst s2  }
0x8f: {  	_ = 	snop  }
0x90: {  	s2 =	sld [smem:$0x3FC9]  }
0x91: {  	s18 =	sld [smem:$0x3FD0];
	(tm) =	ssettm $0x1  }
0x92: {  	s4 =	sld [smem:$0x3FFB];
	_ =	sdelay $0x3  }
0x93: {  	_ =	strace s4  }
0x94: {  	s4 =	sld [smem:$0x3FFC];
	_ =	sdelay $0x3  }
0x95: {  	_ =	strace s4  }
0x96: {  	s4 =	sld [smem:$0x3FFD];
	_ =	sdelay $0x3  }
0x97: {  	_ =	strace s4  }
0x98: {  	_ =	strace $0x8FFFFFFF  }
0x99: {  	s19 =	sld [smem:$0x3FDB];
	_ =	sdelay $0x1  }
0x9a: {  	s5 =	simm.s32 $_scs_section_size  }
0x9b: {  	s6 =	simm.s32 $_size__tile_overlayer_lowered;
	s7 =	simm.s32 $_tile_overlayer_lowered  }
0x9c: {  	s22 =	simm.s32 $0x1BFF;
	s21 =	sshll.u32 s7, $0x1;
	s4 =	sadd.s32 s5, s19  }
0x9d: {  	s8 =	simm.s32 $0x0;
	s20 =	sshll.u32 s6, $0x1;
	s6 =	sadd.s32 s21, s4  }
0x9e: {  	[timem:s8], [sflag:s22] =	dma.local [hbm:s6], s20  }
0x9f: {  	_ =	swait.ge [sflag:s22], s20  }
0xa0: {  	s5 =	ssub.s32 $0x0, s20;
	[sflag:s22] =	ssyncset.done $0x0  }
0xa1: {  	[sflag:s22] =	ssyncadd.s32 s5;
	_ =	sdelay $0x1  }
0xa2: {  	s23 =	simm.s32 $0x1B8B  }
0xa3: {  	_ =	swait.ge [sflag:s23], $0x1  }
0xa4: {  	[sflag:s23] =	ssyncset.done $0x0  }
0xa5: {  	s25 =	simm.s32 $0x1B8E;
	s24 =	sld [smem:$0x3FFE];
	[sflag:s23] =	ssyncadd.s32 $0xFFFFFFFF  }
0xa6: {  	s26 =	simm.s32 $execute0_lowered;
	[smem:$0x3FD2] =	sst s25  }
0xa7: {  	s6 =	sshll.u32 s26, $0x1;
	_ =	strace $0x80000046;
	[dreg:$0x1] =	wrdreg $0xFFFFFFFF  }
0xa8: {  	s28 =	simm.s32 $_size_execute0_lowered;
	s4 =	sadd.s32 s4, s6;
	[dreg:$0x0] =	wrdreg $0x0  }
0xa9: {  	s6 =	sshll.u32 s28, $0x1;
	[dreg:$0x2] =	wrdreg s4  }
0xaa: {  	[dreg:$0x3] =	wrdreg s6  }
0xab: {  	[dreg:$0x4] =	wrdreg $0xC0  }
0xac: {  	_ =	task [dreg:s8], $0x5FFFF  }
0xad: {  	[dreg:$0x1] =	wrdreg $0xFFFFFFFF  }
0xae: {  	[dreg:$0x0] =	wrdreg $0x60  }
0xaf: {  	[dreg:$0x2] =	wrdreg s2  }
0xb0: {  	[dreg:$0x3] =	wrdreg s24  }
0xb1: {  	[dreg:$0x4] =	wrdreg s18  }
0xb2: {  	[dreg:$0x5] =	wrdreg $0x9  }
0xb3: {  	_ =	task.clear_ibuf [dreg:s8], $0x6FFFF;
	_ =	strace $0x90000046  }
0xb4: {  	s29 =	simm.s32 $0x9;
	_ =	strace $0x80000048  }
0xb5: {  	_ =	swait.ge [sflag:s29], $0x1  }
0xb6: {  	[sflag:s29] =	ssyncadd.s32 $0xFFFFFFFF  }
0xb7: {  	_ =	strace $0x90000048  }
0xb8: {  	_ =	sfence  }
0xb9: {  	s30 =	sld [smem:$0x0];
	_ =	sdelay $0x2  }
0xba: {  	s31 =	sshll.u32 s1, $0xD;
	s1 =	sshrl.u32 s1, $0x2  }
0xbb: {  	s3 =	sand.u32 $0x4000, s31;
	s1 =	sadd.s32 s1, s30  }
0xbc: {  	s0 =	sor.u32 s3, s0;
	s1 =	sshll.u32 s1, $0x11  }
0xbd: {  	s0 =	sor.u32 s1, s0  }
0xbe: {  	s0 =	sadd.s32 $0x8F2B, s0  }
0xbf: {  	[sflag:s0] =	ssyncadd.remote.s32 $0x1  }
0xc0: {  	_ =	sfence.sel $0xFFFF  }
0xc1: {  	[dreg:$0x0] =	wrdreg $0xFFFFFFFF;
	(pc) =	sbr.abs _section_cstart, $3  }
0xc2: {  	[dreg:$0x1] =	wrdreg $0xFFFFFFFF  }
0xc3: {  	_ =	task.clear_ibuf [dreg:s8], $0x2FFFF;
	_ =	strace $0x9FFFFFFF  }
0xc4: {  	(tm) =	ssettm $0x7FFFFFFF  }
0xc5: {  	_ =	shalt  }
tec
execute0_lowered:
.L_overlay_start_1:
0x0: {  	(tag) =	ssettag $0x1  }
0x1: {  	s1 =	rddreg [dreg:$0x0]  }
0x2: {  	s0 =	srdreg.scid;
	s2 =	rddreg [dreg:$0x1]  }
0x3: {  	s14 =	stileid.u32;
	s4 =	rddreg [dreg:$0x2]  }
0x4: {  	s28 =	simm.s32 $0x4400;
	s29 =	simm.s32 $0x0;
	s0 =	sand.u32 $0x1, s0  }
0x5: {  	s3 =	sshll.u32 s14, $0xB;
	s7 =	sadd.s32 $0x30, s1;
	s8 =	sadd.s32 $0x40, s1  }
0x6: {  	s9 =	sadd.s32 $0x50, s1;
	s11 =	sadd.s32 $0x70, s1;
	s31 =	sshll.u32 s14, $0x16  }
0x7: {  	s5 =	sshll.u32 s0, $0xA;
	s6 =	ssub.s32 $0x2, s0;
	s0 =	sshll.u32 s0, $0x15  }
0x8: {  	s10 =	sor.u32 s5, s3;
	s3 =	simm.s32 $0x0;
	s23 =	sshrl.u32 s6, $0x1  }
0x9: {  	s19 =	sor.u32 s0, s31;
	s5 =	sshrl.u32 s10, $0x3;
	[smem:$0x7FF] =	sst s3  }
0xa: {  	s13 =	ssub.s32 s6, s23;
	s6 =	sadd.s32 $0x20, s1;
	s24 =	sshll.u32 s10, $0x4  }
0xb: {  	s10 =	sadd.s32 $0x60, s1;
	s22 =	sor.u32 $0x4000, s19;
	s23 =	simm.s32 $0x3  }
0xc: {  	s2 =	sadd.s32 s5, s2;
	_ =	strace $0x80000047;
	s5 =	sadd.s32 $0x10, s1  }
0xd: {  	s12 =	sadd.s32 s4, s24;
	s21 =	smax.u32 s13, $0x1;
	s2 =	sadd.s32 $0x400, s2  }
0xe: {  	s24 =	simm.s32 $0x1;
	s25 =	sadd.s32 $0x1000, s12;
	[dreg:$0x4] =	wrdreg s2  }
0xf: {  	s26 =	sadd.s32 $0x1800, s12;
	s30 =	sadd.s32 $0x2000, s12;
	[dreg:$0x6] =	wrdreg s25  }
0x10: {  	s17 =	sadd.s32 $0x2800, s12;
	s18 =	sadd.s32 $0x3000, s12;
	[dreg:$0x7] =	wrdreg s26  }
0x11: {  	s20 =	sadd.s32 $0x3800, s12;
	s2 =	sadd.s32 $0x800, s12;
	[dreg:$0x8] =	wrdreg s30  }
0x12: {  	s25 =	simm.s32 $0x400;
	s26 =	simm.s32 $0x2;
	[dreg:$0x5] =	wrdreg s2  }
.LBB2_1:
0x13: {  	s0 =	rddreg [dreg:$0x4]  }
0x14: {  	[tilespmem:s3], [sflag:$0x3] =	stream.linear.gather [hbm4b:s0+s3], $0x400, $0x38;
	[tilespmem:$0x8400] =	vst v63  }
0x15: {  	_ =	swait.ge [sflag:s23], $0x400  }
0x16: {  	[sflag:s23] =	ssyncset.done $0x0  }
0x17: {  	[sflag:s23] =	ssyncadd.s32 $0xFFFFFC00  }
0x18: {  	v0 =	vld [tilespmem:s3+$0x0];
	_ =	sdelay $0x4  }
0x19: {  	v0 =	vshll.u32 v0, $0xA  }
0x1a: {  	v0 =	vadd.s32 s22, v0  }
0x1b: {  	v1 =	vadd.s32 $0xFFFFC000, v0;
	v0 =	vshrl.u32 v0, $0x3  }
0x1c: {  	v1 =	vshrl.u32 v1, $0x3;
	(v2sf) =	vpush v0, $0x8  }
0x1d: {  	(v2sf) =	vpush v1, $0x0  }
0x1e: {  	(v2sf) =	vpush v1, $0x1;
	_ =	sdelay $0x1  }
0x1f: {  	(v2sf) =	vpush v1, $0x2;
	_ =	sdelay $0x1  }
0x20: {  	(v2sf) =	vpush v1, $0x3;
	_ =	sdelay $0x1  }
0x21: {  	(v2sf) =	vpush v1, $0x4;
	_ =	sdelay $0x1  }
0x22: {  	(v2sf) =	vpush v1, $0x5;
	_ =	sdelay $0x1  }
0x23: {  	(v2sf) =	vpush v1, $0x6;
	_ =	sdelay $0x1  }
0x24: {  	(v2sf) =	vpush v1, $0x7  }
0x25: {  	s0 =	spop (v2sf)  }
0x26: {  	s4 =	simm.s32 $0x400;
	s14 =	simm.s32 $0x480;
	(v2sf) =	vpush v0, $0x9;
	s2 =	spop (v2sf)  }
0x27: {  	s30 =	simm.s32 $0x2000;
	s2 =	sadd.s32 s1, s2;
	s13 =	spop (v2sf)  }
0x28: {  	(v2sf) =	vpush v0, $0xA;
	[tilespmem:s4], [sflag:$0x1] =	stream.linear.gather [hbm4b:s2+s3], $0x80, $0x38;
	[tilespmem:$0x8400] =	vst v63  }
0x29: {  	s31 =	simm.s32 $0x10;
	s15 =	sadd.s32 s13, s5;
	s16 =	spop (v2sf)  }
0x2a: {  	(v2sf) =	vpush v0, $0xB;
	[tilespmem:s14], [sflag:$0x1] =	stream.linear.gather [hbm4b:s15+s3], $0x80, $0x38;
	[tilespmem:$0x8400] =	vst v63  }
0x2b: {  	s14 =	simm.s32 $0x500;
	s15 =	sadd.s32 s16, s6;
	s16 =	spop (v2sf)  }
0x2c: {  	[tilespmem:s14], [sflag:$0x1] =	stream.linear.gather [hbm4b:s15+s3], $0x80, $0x38;
	[tilespmem:$0x8400] =	vst v63  }
0x2d: {  	s14 =	simm.s32 $0x580;
	s15 =	sadd.s32 s16, s7;
	s16 =	spop (v2sf)  }
0x2e: {  	(v2sf) =	vpush v0, $0xC;
	[tilespmem:s14], [sflag:$0x1] =	stream.linear.gather [hbm4b:s15+s3], $0x80, $0x38;
	[tilespmem:$0x8400] =	vst v63  }
0x2f: {  	s14 =	simm.s32 $0x600;
	s15 =	sadd.s32 s16, s8;
	s16 =	spop (v2sf)  }
0x30: {  	(v2sf) =	vpush v0, $0xD;
	[tilespmem:s14], [sflag:$0x1] =	stream.linear.gather [hbm4b:s15+s3], $0x80, $0x38;
	[tilespmem:$0x8400] =	vst v63  }
0x31: {  	s14 =	simm.s32 $0x680;
	s15 =	sadd.s32 s16, s9;
	s16 =	spop (v2sf)  }
0x32: {  	(v2sf) =	vpush v0, $0xE;
	[tilespmem:s14], [sflag:$0x1] =	stream.linear.gather [hbm4b:s15+s3], $0x80, $0x38;
	[tilespmem:$0x8400] =	vst v63  }
0x33: {  	s14 =	simm.s32 $0x700;
	s15 =	sadd.s32 s16, s10;
	s16 =	spop (v2sf)  }
0x34: {  	(v2sf) =	vpush v0, $0xF;
	[tilespmem:s14], [sflag:$0x1] =	stream.linear.gather [hbm4b:s15+s3], $0x80, $0x38;
	[tilespmem:$0x8400] =	vst v63  }
0x35: {  	s4 =	simm.s32 $0x780;
	s14 =	sadd.s32 s16, s11;
	s15 =	spop (v2sf)  }
0x36: {  	[tilespmem:s4], [sflag:$0x1] =	stream.linear.gather [hbm4b:s14+s3], $0x80, $0x38;
	[tilespmem:$0x8400] =	vst v63  }
0x37: {  	s0 =	sadd.s32 s1, s0;
	s16 =	simm.s32 $0x800;
	s13 =	spop (v2sf)  }
0x38: {  	[tilespmem:s16], [sflag:$0x1] =	stream.linear.gather [hbm4b:s0+s3], $0x80, $0x38;
	[tilespmem:$0x8400] =	vst v63  }
0x39: {  	s2 =	sadd.s32 s15, s5;
	s14 =	simm.s32 $0x880;
	s15 =	spop (v2sf)  }
0x3a: {  	[tilespmem:s14], [sflag:$0x1] =	stream.linear.gather [hbm4b:s2+s3], $0x80, $0x38;
	[tilespmem:$0x8400] =	vst v63  }
0x3b: {  	s4 =	simm.s32 $0xB80;
	s16 =	simm.s32 $0x900;
	s0 =	sadd.s32 s13, s6  }
0x3c: {  	[tilespmem:s16], [sflag:$0x1] =	stream.linear.gather [hbm4b:s0+s3], $0x80, $0x38;
	[tilespmem:$0x8400] =	vst v63  }
0x3d: {  	s13 =	spop (v2sf);
	s14 =	simm.s32 $0x980;
	s2 =	sadd.s32 s15, s7  }
0x3e: {  	[tilespmem:s14], [sflag:$0x1] =	stream.linear.gather [hbm4b:s2+s3], $0x80, $0x38;
	[tilespmem:$0x8400] =	vst v63  }
0x3f: {  	s15 =	spop (v2sf);
	s16 =	simm.s32 $0xA00;
	s0 =	sadd.s32 s13, s8  }
0x40: {  	[tilespmem:s16], [sflag:$0x1] =	stream.linear.gather [hbm4b:s0+s3], $0x80, $0x38;
	[tilespmem:$0x8400] =	vst v63  }
0x41: {  	s13 =	spop (v2sf);
	s14 =	simm.s32 $0xA80;
	s2 =	sadd.s32 s15, s9  }
0x42: {  	[tilespmem:s14], [sflag:$0x1] =	stream.linear.gather [hbm4b:s2+s3], $0x80, $0x38;
	[tilespmem:$0x8400] =	vst v63  }
0x43: {  	s15 =	simm.s32 $0xB00;
	s0 =	sadd.s32 s13, s10;
	s16 =	spop (v2sf)  }
0x44: {  	[tilespmem:s15], [sflag:$0x1] =	stream.linear.gather [hbm4b:s0+s3], $0x80, $0x38;
	[tilespmem:$0x8400] =	vst v63  }
0x45: {  	s13 =	sadd.s32 s16, s11;
	s2 =	sadd.s32 $0x8000, s22;
	s0 =	simm.s32 $0x0  }
.LBB2_2:
0x46: {  	[tilespmem:s4], [sflag:$0x1] =	stream.linear.gather [hbm4b:s13+s0], $0x80, $0x38;
	[tilespmem:$0x8400] =	vst v63  }
0x47: {  	p0 =	sne.s32 s30, $0xE000;
	s0 =	smov.u32 s30;
	s30 =	sadd.s32 $0x2000, s30;
	v0 =	vld [tilespmem:s31+$0x0]  }
0x48: {  	_ =	sdelay $0x3  }
0x49: {  	v0 =	vshll.u32 v0, $0xA  }
0x4a: {  	v0 =	vadd.s32 s2, v0  }
0x4b: {  	v1 =	vadd.s32 $0xFFFFC000, v0;
	v0 =	vshrl.u32 v0, $0x3  }
0x4c: {  	v1 =	vshrl.u32 v1, $0x3;
	(v2sf) =	vpush v0, $0x8  }
0x4d: {  	(v2sf) =	vpush v1, $0x0  }
0x4e: {  	(v2sf) =	vpush v1, $0x1;
	_ =	sdelay $0x1  }
0x4f: {  	(v2sf) =	vpush v1, $0x2;
	_ =	sdelay $0x1  }
0x50: {  	(v2sf) =	vpush v1, $0x3;
	_ =	sdelay $0x1  }
0x51: {  	(v2sf) =	vpush v1, $0x4;
	_ =	sdelay $0x1  }
0x52: {  	(v2sf) =	vpush v1, $0x5;
	_ =	sdelay $0x1  }
0x53: {  	(v2sf) =	vpush v1, $0x6;
	_ =	sdelay $0x1  }
0x54: {  	(v2sf) =	vpush v1, $0x7  }
0x55: {  	s31 =	sadd.s32 $0x10, s31;
	s13 =	spop (v2sf)  }
0x56: {  	s4 =	sshra.s32 s0, $0x2;
	s0 =	simm.s32 $0x0;
	s14 =	spop (v2sf);
	(v2sf) =	vpush v0, $0x9  }
0x57: {  	s15 =	sadd.s32 $0x400, s4;
	s14 =	sadd.s32 s1, s14;
	s16 =	spop (v2sf)  }
0x58: {  	[tilespmem:s15], [sflag:$0x1] =	stream.linear.gather [hbm4b:s14+s0], $0x80, $0x38;
	(v2sf) =	vpush v0, $0xA;
	[tilespmem:$0x8400] =	vst v63  }
0x59: {  	s14 =	sadd.s32 $0x480, s4;
	s15 =	sadd.s32 s16, s5;
	s16 =	spop (v2sf)  }
0x5a: {  	[tilespmem:s14], [sflag:$0x1] =	stream.linear.gather [hbm4b:s15+s0], $0x80, $0x38;
	(v2sf) =	vpush v0, $0xB;
	[tilespmem:$0x8400] =	vst v63  }
0x5b: {  	s14 =	sadd.s32 $0x500, s4;
	s15 =	sadd.s32 s16, s6;
	s16 =	spop (v2sf)  }
0x5c: {  	[tilespmem:s14], [sflag:$0x1] =	stream.linear.gather [hbm4b:s15+s0], $0x80, $0x38;
	(v2sf) =	vpush v0, $0xC;
	[tilespmem:$0x8400] =	vst v63  }
0x5d: {  	s14 =	sadd.s32 $0x580, s4;
	s15 =	sadd.s32 s16, s7;
	s16 =	spop (v2sf)  }
0x5e: {  	[tilespmem:s14], [sflag:$0x1] =	stream.linear.gather [hbm4b:s15+s0], $0x80, $0x38;
	(v2sf) =	vpush v0, $0xD;
	[tilespmem:$0x8400] =	vst v63  }
0x5f: {  	s14 =	sadd.s32 $0x600, s4;
	s15 =	sadd.s32 s16, s8;
	s16 =	spop (v2sf)  }
0x60: {  	[tilespmem:s14], [sflag:$0x1] =	stream.linear.gather [hbm4b:s15+s0], $0x80, $0x38;
	(v2sf) =	vpush v0, $0xE;
	[tilespmem:$0x8400] =	vst v63  }
0x61: {  	s14 =	sadd.s32 $0x680, s4;
	s15 =	sadd.s32 s16, s9;
	s16 =	spop (v2sf)  }
0x62: {  	[tilespmem:s14], [sflag:$0x1] =	stream.linear.gather [hbm4b:s15+s0], $0x80, $0x38;
	[tilespmem:$0x8400] =	vst v63  }
0x63: {  	s14 =	sadd.s32 $0x700, s4;
	s15 =	sadd.s32 s16, s10;
	s16 =	spop (v2sf)  }
0x64: {  	[tilespmem:s14], [sflag:$0x1] =	stream.linear.gather [hbm4b:s15+s0], $0x80, $0x38;
	(v2sf) =	vpush v0, $0xF;
	[tilespmem:$0x8400] =	vst v63  }
0x65: {  	s14 =	sadd.s32 $0x780, s4;
	s15 =	sadd.s32 s16, s11;
	s16 =	spop (v2sf)  }
0x66: {  	[tilespmem:s14], [sflag:$0x1] =	stream.linear.gather [hbm4b:s15+s0], $0x80, $0x38;
	[tilespmem:$0x8400] =	vst v63  }
0x67: {  	s13 =	sadd.s32 s1, s13;
	s14 =	sadd.s32 $0x800, s4;
	s15 =	spop (v2sf)  }
0x68: {  	[tilespmem:s14], [sflag:$0x1] =	stream.linear.gather [hbm4b:s13+s0], $0x80, $0x38;
	[tilespmem:$0x8400] =	vst v63  }
0x69: {  	s13 =	sadd.s32 $0x880, s4;
	s14 =	sadd.s32 s16, s5;
	s16 =	spop (v2sf)  }
0x6a: {  	[tilespmem:s13], [sflag:$0x1] =	stream.linear.gather [hbm4b:s14+s0], $0x80, $0x38;
	[tilespmem:$0x8400] =	vst v63  }
0x6b: {  	s13 =	sadd.s32 $0x900, s4;
	s14 =	sadd.s32 s15, s6;
	s15 =	spop (v2sf)  }
0x6c: {  	[tilespmem:s13], [sflag:$0x1] =	stream.linear.gather [hbm4b:s14+s0], $0x80, $0x38;
	[tilespmem:$0x8400] =	vst v63  }
0x6d: {  	s13 =	sadd.s32 $0x980, s4;
	s14 =	sadd.s32 s16, s7;
	s16 =	spop (v2sf)  }
0x6e: {  	[tilespmem:s13], [sflag:$0x1] =	stream.linear.gather [hbm4b:s14+s0], $0x80, $0x38;
	[tilespmem:$0x8400] =	vst v63  }
0x6f: {  	s13 =	sadd.s32 $0xA00, s4;
	s14 =	sadd.s32 s15, s8;
	s15 =	spop (v2sf)  }
0x70: {  	[tilespmem:s13], [sflag:$0x1] =	stream.linear.gather [hbm4b:s14+s0], $0x80, $0x38;
	[tilespmem:$0x8400] =	vst v63  }
.Ltmp0:
0x71: {  	s13 =	sadd.s32 $0xA80, s4;
	s14 =	sadd.s32 s16, s9;
	(pc) =	sbr.rel @p0 .LBB2_2-.Ltmp0, $4  }
0x72: {  	[tilespmem:s13], [sflag:$0x1] =	stream.linear.gather [hbm4b:s14+s0], $0x80, $0x38;
	[tilespmem:$0x8400] =	vst v63  }
0x73: {  	s13 =	sadd.s32 $0xB00, s4;
	s14 =	sadd.s32 s15, s10;
	s15 =	spop (v2sf)  }
0x74: {  	[tilespmem:s13], [sflag:$0x1] =	stream.linear.gather [hbm4b:s14+s0], $0x80, $0x38;
	[tilespmem:$0x8400] =	vst v63  }
0x75: {  	s2 =	sadd.s32 $0x8000, s2;
	s4 =	sadd.s32 $0xB80, s4;
	s13 =	sadd.s32 s15, s11  }
0x76: {  	[tilespmem:s4], [sflag:$0x1] =	stream.linear.gather [hbm4b:s13+s0], $0x80, $0x38;
	[tilespmem:$0x8400] =	vst v63  }
0x77: {  	s4 =	simm.s32 $0x80  }
0x78: {  	v0 =	vld [tilespmem:s4+$0x0];
	_ =	sdelay $0x4  }
0x79: {  	s13 =	sor.u32 $0x40000, s19;
	v0 =	vshll.u32 v0, $0xA  }
0x7a: {  	v1 =	vadd.s32 s13, v0  }
0x7b: {  	v1 =	vshrl.u32 v1, $0x3  }
0x7c: {  	(v2sf) =	vpush v1, $0x0  }
0x7d: {  	(v2sf) =	vpush v1, $0x1;
	_ =	sdelay $0x1  }
0x7e: {  	(v2sf) =	vpush v1, $0x2;
	_ =	sdelay $0x1  }
0x7f: {  	(v2sf) =	vpush v1, $0x3;
	_ =	sdelay $0x1  }
0x80: {  	(v2sf) =	vpush v1, $0x4;
	_ =	sdelay $0x1  }
0x81: {  	(v2sf) =	vpush v1, $0x5;
	_ =	sdelay $0x1  }
0x82: {  	(v2sf) =	vpush v1, $0x6  }
0x83: {  	s14 =	sor.u32 $0x44000, s19  }
0x84: {  	v0 =	vadd.s32 s14, v0;
	(v2sf) =	vpush v1, $0x7  }
0x85: {  	v0 =	vshrl.u32 v0, $0x3  }
0x86: {  	s15 =	spop (v2sf);
	(v2sf) =	vpush v0, $0x8  }
0x87: {  	s2 =	simm.s32 $0x4400;
	s0 =	sadd.s32 s1, s15;
	s16 =	spop (v2sf)  }
0x88: {  	(v2sf) =	vpush v0, $0x9;
	[tilespmem:s2], [sflag:$0x1] =	stream.linear.gather [hbm4b:s0+s3], $0x80, $0x38;
	[tilespmem:$0x8400] =	vst v63  }
0x89: {  	s2 =	simm.s32 $0x4480;
	s4 =	sadd.s32 s16, s5;
	s13 =	spop (v2sf)  }
0x8a: {  	(v2sf) =	vpush v0, $0xA;
	[tilespmem:s2], [sflag:$0x1] =	stream.linear.gather [hbm4b:s4+s3], $0x80, $0x38;
	[tilespmem:$0x8400] =	vst v63  }
0x8b: {  	s14 =	simm.s32 $0x4500;
	s15 =	sadd.s32 s13, s6;
	s16 =	spop (v2sf)  }
0x8c: {  	(v2sf) =	vpush v0, $0xB;
	[tilespmem:s14], [sflag:$0x1] =	stream.linear.gather [hbm4b:s15+s3], $0x80, $0x38;
	[tilespmem:$0x8400] =	vst v63  }
0x8d: {  	s2 =	simm.s32 $0x4580;
	s4 =	sadd.s32 s16, s7;
	s13 =	spop (v2sf)  }
0x8e: {  	(v2sf) =	vpush v0, $0xC;
	[tilespmem:s2], [sflag:$0x1] =	stream.linear.gather [hbm4b:s4+s3], $0x80, $0x38;
	[tilespmem:$0x8400] =	vst v63  }
0x8f: {  	s16 =	spop (v2sf);
	s14 =	simm.s32 $0x4600;
	s15 =	sadd.s32 s13, s8  }
0x90: {  	(v2sf) =	vpush v0, $0xD;
	[tilespmem:s14], [sflag:$0x1] =	stream.linear.gather [hbm4b:s15+s3], $0x80, $0x38;
	[tilespmem:$0x8400] =	vst v63  }
0x91: {  	s13 =	spop (v2sf);
	s2 =	simm.s32 $0x4680;
	s4 =	sadd.s32 s16, s9  }
0x92: {  	(v2sf) =	vpush v0, $0xE;
	[tilespmem:s2], [sflag:$0x1] =	stream.linear.gather [hbm4b:s4+s3], $0x80, $0x38;
	[tilespmem:$0x8400] =	vst v63  }
0x93: {  	s16 =	spop (v2sf);
	s14 =	simm.s32 $0x4700;
	s15 =	sadd.s32 s13, s10  }
0x94: {  	[tilespmem:s14], [sflag:$0x1] =	stream.linear.gather [hbm4b:s15+s3], $0x80, $0x38;
	[tilespmem:$0x8400] =	vst v63  }
0x95: {  	s2 =	simm.s32 $0x4780;
	s4 =	sadd.s32 s16, s11;
	s13 =	spop (v2sf)  }
0x96: {  	(v2sf) =	vpush v0, $0xF;
	[tilespmem:s2], [sflag:$0x1] =	stream.linear.gather [hbm4b:s4+s3], $0x80, $0x38;
	[tilespmem:$0x8400] =	vst v63  }
0x97: {  	s14 =	simm.s32 $0x4800;
	s15 =	sadd.s32 s1, s13;
	s16 =	spop (v2sf)  }
0x98: {  	[tilespmem:s14], [sflag:$0x1] =	stream.linear.gather [hbm4b:s15+s3], $0x80, $0x38;
	[tilespmem:$0x8400] =	vst v63  }
0x99: {  	s2 =	simm.s32 $0x4880;
	s4 =	sadd.s32 s16, s5;
	s13 =	spop (v2sf)  }
0x9a: {  	[tilespmem:s2], [sflag:$0x1] =	stream.linear.gather [hbm4b:s4+s3], $0x80, $0x38;
	[tilespmem:$0x8400] =	vst v63  }
0x9b: {  	s14 =	simm.s32 $0x4900;
	s15 =	sadd.s32 s13, s6;
	s16 =	spop (v2sf)  }
0x9c: {  	[tilespmem:s14], [sflag:$0x1] =	stream.linear.gather [hbm4b:s15+s3], $0x80, $0x38;
	[tilespmem:$0x8400] =	vst v63  }
0x9d: {  	s13 =	spop (v2sf);
	s2 =	simm.s32 $0x4980;
	s4 =	sadd.s32 s16, s7  }
0x9e: {  	[tilespmem:s2], [sflag:$0x1] =	stream.linear.gather [hbm4b:s4+s3], $0x80, $0x38;
	[tilespmem:$0x8400] =	vst v63  }
0x9f: {  	s16 =	spop (v2sf);
	s14 =	simm.s32 $0x4A00;
	s15 =	sadd.s32 s13, s8  }
0xa0: {  	[tilespmem:s14], [sflag:$0x1] =	stream.linear.gather [hbm4b:s15+s3], $0x80, $0x38;
	[tilespmem:$0x8400] =	vst v63  }
0xa1: {  	s13 =	spop (v2sf);
	s2 =	simm.s32 $0x4A80;
	s4 =	sadd.s32 s16, s9  }
0xa2: {  	[tilespmem:s2], [sflag:$0x1] =	stream.linear.gather [hbm4b:s4+s3], $0x80, $0x38;
	[tilespmem:$0x8400] =	vst v63  }
0xa3: {  	s14 =	simm.s32 $0x4B00;
	s15 =	sadd.s32 s13, s10  }
0xa4: {  	[tilespmem:s14], [sflag:$0x1] =	stream.linear.gather [hbm4b:s15+s3], $0x80, $0x38;
	[tilespmem:$0x8400] =	vst v63  }
0xa5: {  	s30 =	simm.s32 $0x2000;
	s31 =	simm.s32 $0x90;
	s16 =	spop (v2sf)  }
0xa6: {  	s0 =	simm.s32 $0x4B80;
	s2 =	sadd.s32 $0x8000, s19;
	s4 =	sadd.s32 s16, s11  }
.LBB2_4:
0xa7: {  	[tilespmem:s0], [sflag:$0x1] =	stream.linear.gather [hbm4b:s4+s3], $0x80, $0x38;
	[tilespmem:$0x8400] =	vst v63  }
0xa8: {  	p0 =	sne.s32 s30, $0xE000;
	s0 =	smov.u32 s30;
	s30 =	sadd.s32 $0x2000, s30  }
0xa9: {  	v0 =	vld [tilespmem:s31+$0x0];
	_ =	sdelay $0x4  }
0xaa: {  	s4 =	sor.u32 $0x40000, s2;
	s13 =	sor.u32 $0x44000, s2;
	v0 =	vshll.u32 v0, $0xA  }
0xab: {  	v1 =	vadd.s32 s4, v0;
	v0 =	vadd.s32 s13, v0  }
0xac: {  	v1 =	vshrl.u32 v1, $0x3;
	v0 =	vshrl.u32 v0, $0x3  }
0xad: {  	(v2sf) =	vpush v1, $0x0  }
0xae: {  	(v2sf) =	vpush v1, $0x1;
	_ =	sdelay $0x1  }
0xaf: {  	(v2sf) =	vpush v1, $0x2;
	_ =	sdelay $0x1  }
0xb0: {  	(v2sf) =	vpush v1, $0x3;
	_ =	sdelay $0x1  }
0xb1: {  	(v2sf) =	vpush v1, $0x4;
	_ =	sdelay $0x1  }
0xb2: {  	(v2sf) =	vpush v1, $0x5;
	_ =	sdelay $0x1  }
0xb3: {  	(v2sf) =	vpush v1, $0x6;
	_ =	sdelay $0x1  }
0xb4: {  	(v2sf) =	vpush v1, $0x7;
	_ =	sdelay $0x1  }
0xb5: {  	s0 =	sshra.s32 s0, $0x2;
	s31 =	sadd.s32 $0x10, s31;
	s4 =	spop (v2sf);
	(v2sf) =	vpush v0, $0x8  }
0xb6: {  	s13 =	sadd.s32 $0x4400, s0;
	s4 =	sadd.s32 s1, s4;
	s14 =	spop (v2sf)  }
0xb7: {  	[tilespmem:s13], [sflag:$0x1] =	stream.linear.gather [hbm4b:s4+s3], $0x80, $0x38;
	(v2sf) =	vpush v0, $0x9;
	[tilespmem:$0x8400] =	vst v63  }
0xb8: {  	s4 =	sadd.s32 $0x4480, s0;
	s13 =	sadd.s32 s14, s5;
	s14 =	spop (v2sf)  }
0xb9: {  	[tilespmem:s4], [sflag:$0x1] =	stream.linear.gather [hbm4b:s13+s3], $0x80, $0x38;
	(v2sf) =	vpush v0, $0xA;
	[tilespmem:$0x8400] =	vst v63  }
0xba: {  	s4 =	sadd.s32 $0x4500, s0;
	s13 =	sadd.s32 s14, s6;
	s14 =	spop (v2sf)  }
0xbb: {  	[tilespmem:s4], [sflag:$0x1] =	stream.linear.gather [hbm4b:s13+s3], $0x80, $0x38;
	(v2sf) =	vpush v0, $0xB;
	[tilespmem:$0x8400] =	vst v63  }
0xbc: {  	s4 =	sadd.s32 $0x4580, s0;
	s13 =	sadd.s32 s14, s7;
	s14 =	spop (v2sf)  }
0xbd: {  	[tilespmem:s4], [sflag:$0x1] =	stream.linear.gather [hbm4b:s13+s3], $0x80, $0x38;
	(v2sf) =	vpush v0, $0xC;
	[tilespmem:$0x8400] =	vst v63  }
0xbe: {  	s4 =	sadd.s32 $0x4600, s0;
	s13 =	sadd.s32 s14, s8;
	s14 =	spop (v2sf)  }
0xbf: {  	[tilespmem:s4], [sflag:$0x1] =	stream.linear.gather [hbm4b:s13+s3], $0x80, $0x38;
	(v2sf) =	vpush v0, $0xD;
	[tilespmem:$0x8400] =	vst v63  }
0xc0: {  	s4 =	sadd.s32 $0x4680, s0;
	s13 =	sadd.s32 s14, s9;
	s14 =	spop (v2sf)  }
0xc1: {  	[tilespmem:s4], [sflag:$0x1] =	stream.linear.gather [hbm4b:s13+s3], $0x80, $0x38;
	(v2sf) =	vpush v0, $0xE;
	[tilespmem:$0x8400] =	vst v63  }
0xc2: {  	s4 =	sadd.s32 $0x4700, s0;
	s13 =	sadd.s32 s14, s10;
	s14 =	spop (v2sf)  }
0xc3: {  	[tilespmem:s4], [sflag:$0x1] =	stream.linear.gather [hbm4b:s13+s3], $0x80, $0x38;
	(v2sf) =	vpush v0, $0xF;
	[tilespmem:$0x8400] =	vst v63  }
0xc4: {  	s4 =	sadd.s32 $0x4780, s0;
	s13 =	sadd.s32 s14, s11;
	s14 =	spop (v2sf)  }
0xc5: {  	[tilespmem:s4], [sflag:$0x1] =	stream.linear.gather [hbm4b:s13+s3], $0x80, $0x38;
	[tilespmem:$0x8400] =	vst v63  }
0xc6: {  	s4 =	sadd.s32 $0x4800, s0;
	s13 =	sadd.s32 s1, s14;
	s14 =	spop (v2sf)  }
0xc7: {  	[tilespmem:s4], [sflag:$0x1] =	stream.linear.gather [hbm4b:s13+s3], $0x80, $0x38;
	[tilespmem:$0x8400] =	vst v63  }
0xc8: {  	s4 =	sadd.s32 $0x4880, s0;
	s13 =	sadd.s32 s14, s5;
	s14 =	spop (v2sf)  }
0xc9: {  	[tilespmem:s4], [sflag:$0x1] =	stream.linear.gather [hbm4b:s13+s3], $0x80, $0x38;
	[tilespmem:$0x8400] =	vst v63  }
0xca: {  	s4 =	sadd.s32 $0x4900, s0;
	s13 =	sadd.s32 s14, s6;
	s14 =	spop (v2sf)  }
0xcb: {  	[tilespmem:s4], [sflag:$0x1] =	stream.linear.gather [hbm4b:s13+s3], $0x80, $0x38;
	[tilespmem:$0x8400] =	vst v63  }
0xcc: {  	s4 =	sadd.s32 $0x4980, s0;
	s13 =	sadd.s32 s14, s7;
	s14 =	spop (v2sf)  }
0xcd: {  	[tilespmem:s4], [sflag:$0x1] =	stream.linear.gather [hbm4b:s13+s3], $0x80, $0x38;
	[tilespmem:$0x8400] =	vst v63  }
0xce: {  	s4 =	sadd.s32 $0x4A00, s0;
	s13 =	sadd.s32 s14, s8;
	s14 =	spop (v2sf)  }
0xcf: {  	[tilespmem:s4], [sflag:$0x1] =	stream.linear.gather [hbm4b:s13+s3], $0x80, $0x38;
	[tilespmem:$0x8400] =	vst v63  }
0xd0: {  	s4 =	sadd.s32 $0x4A80, s0  }
.Ltmp1:
0xd1: {  	s13 =	sadd.s32 s14, s9;
	s14 =	spop (v2sf);
	(pc) =	sbr.rel @p0 .LBB2_4-.Ltmp1, $4  }
0xd2: {  	[tilespmem:s4], [sflag:$0x1] =	stream.linear.gather [hbm4b:s13+s3], $0x80, $0x38;
	[tilespmem:$0x8400] =	vst v63  }
0xd3: {  	s4 =	sadd.s32 $0x4B00, s0;
	s13 =	sadd.s32 s14, s10;
	s14 =	spop (v2sf)  }
0xd4: {  	[tilespmem:s4], [sflag:$0x1] =	stream.linear.gather [hbm4b:s13+s3], $0x80, $0x38;
	[tilespmem:$0x8400] =	vst v63  }
0xd5: {  	s2 =	sadd.s32 $0x8000, s2;
	s0 =	sadd.s32 $0x4B80, s0;
	s4 =	sadd.s32 s14, s11  }
0xd6: {  	[tilespmem:s0], [sflag:$0x1] =	stream.linear.gather [hbm4b:s4+s3], $0x80, $0x38;
	[tilespmem:$0x8400] =	vst v63  }
0xd7: {  	_ =	swait.ge [sflag:s24], $0x4000  }
0xd8: {  	[sflag:s24] =	ssyncset.done $0x0  }
0xd9: {  	s2 =	simm.s32 $0x0;
	[sflag:s24] =	ssyncadd.s32 $0xFFFFC000  }
0xda: {  	[hbm4b:s12+s2] =	stream.linear.scatter [tilespmem:s25], [sflag:$0x2], $0x4000, $0x38;
	[tilespmem:$0x8400] =	vst v63  }
0xdb: {  	_ =	swait.ge [sflag:s26], $0x4000  }
0xdc: {  	[sflag:s26] =	ssyncset.done $0x0  }
0xdd: {  	s4 =	simm.s32 $0x100;
	[sflag:s26] =	ssyncadd.s32 $0xFFFFC000  }
0xde: {  	v0 =	vld [tilespmem:s4+$0x0];
	_ =	sdelay $0x4  }
0xdf: {  	s13 =	sor.u32 $0x80000, s19;
	v0 =	vshll.u32 v0, $0xA  }
0xe0: {  	v1 =	vadd.s32 s13, v0  }
0xe1: {  	v1 =	vshrl.u32 v1, $0x3  }
0xe2: {  	(v2sf) =	vpush v1, $0x0  }
0xe3: {  	(v2sf) =	vpush v1, $0x1;
	_ =	sdelay $0x1  }
0xe4: {  	(v2sf) =	vpush v1, $0x2;
	_ =	sdelay $0x1  }
0xe5: {  	(v2sf) =	vpush v1, $0x3;
	_ =	sdelay $0x1  }
0xe6: {  	(v2sf) =	vpush v1, $0x4;
	_ =	sdelay $0x1  }
0xe7: {  	(v2sf) =	vpush v1, $0x5;
	_ =	sdelay $0x1  }
0xe8: {  	(v2sf) =	vpush v1, $0x6  }
0xe9: {  	s14 =	sor.u32 $0x84000, s19  }
0xea: {  	v0 =	vadd.s32 s14, v0;
	(v2sf) =	vpush v1, $0x7  }
0xeb: {  	v0 =	vshrl.u32 v0, $0x3  }
0xec: {  	s15 =	spop (v2sf);
	(v2sf) =	vpush v0, $0x8  }
0xed: {  	s2 =	simm.s32 $0x400;
	s0 =	sadd.s32 s1, s15;
	s16 =	spop (v2sf)  }
0xee: {  	(v2sf) =	vpush v0, $0x9;
	[tilespmem:s2], [sflag:$0x1] =	stream.linear.gather [hbm4b:s0+s3], $0x80, $0x38;
	[tilespmem:$0x8400] =	vst v63  }
0xef: {  	s2 =	simm.s32 $0x480;
	s4 =	sadd.s32 s16, s5;
	s13 =	spop (v2sf)  }
0xf0: {  	(v2sf) =	vpush v0, $0xA;
	[tilespmem:s2], [sflag:$0x1] =	stream.linear.gather [hbm4b:s4+s3], $0x80, $0x38;
	[tilespmem:$0x8400] =	vst v63  }
0xf1: {  	s14 =	simm.s32 $0x500;
	s15 =	sadd.s32 s13, s6;
	s16 =	spop (v2sf)  }
0xf2: {  	(v2sf) =	vpush v0, $0xB;
	[tilespmem:s14], [sflag:$0x1] =	stream.linear.gather [hbm4b:s15+s3], $0x80, $0x38;
	[tilespmem:$0x8400] =	vst v63  }
0xf3: {  	s2 =	simm.s32 $0x580;
	s4 =	sadd.s32 s16, s7;
	s13 =	spop (v2sf)  }
0xf4: {  	(v2sf) =	vpush v0, $0xC;
	[tilespmem:s2], [sflag:$0x1] =	stream.linear.gather [hbm4b:s4+s3], $0x80, $0x38;
	[tilespmem:$0x8400] =	vst v63  }
0xf5: {  	s16 =	spop (v2sf);
	s14 =	simm.s32 $0x600;
	s15 =	sadd.s32 s13, s8  }
0xf6: {  	(v2sf) =	vpush v0, $0xD;
	[tilespmem:s14], [sflag:$0x1] =	stream.linear.gather [hbm4b:s15+s3], $0x80, $0x38;
	[tilespmem:$0x8400] =	vst v63  }
0xf7: {  	s13 =	spop (v2sf);
	s2 =	simm.s32 $0x680;
	s4 =	sadd.s32 s16, s9  }
0xf8: {  	(v2sf) =	vpush v0, $0xE;
	[tilespmem:s2], [sflag:$0x1] =	stream.linear.gather [hbm4b:s4+s3], $0x80, $0x38;
	[tilespmem:$0x8400] =	vst v63  }
0xf9: {  	s16 =	spop (v2sf);
	s14 =	simm.s32 $0x700;
	s15 =	sadd.s32 s13, s10  }
0xfa: {  	[tilespmem:s14], [sflag:$0x1] =	stream.linear.gather [hbm4b:s15+s3], $0x80, $0x38;
	[tilespmem:$0x8400] =	vst v63  }
0xfb: {  	s2 =	simm.s32 $0x780;
	s4 =	sadd.s32 s16, s11;
	s13 =	spop (v2sf)  }
0xfc: {  	(v2sf) =	vpush v0, $0xF;
	[tilespmem:s2], [sflag:$0x1] =	stream.linear.gather [hbm4b:s4+s3], $0x80, $0x38;
	[tilespmem:$0x8400] =	vst v63  }
0xfd: {  	s14 =	simm.s32 $0x800;
	s15 =	sadd.s32 s1, s13;
	s16 =	spop (v2sf)  }
0xfe: {  	[tilespmem:s14], [sflag:$0x1] =	stream.linear.gather [hbm4b:s15+s3], $0x80, $0x38;
	[tilespmem:$0x8400] =	vst v63  }
0xff: {  	s2 =	simm.s32 $0x880;
	s4 =	sadd.s32 s16, s5;
	s13 =	spop (v2sf)  }
0x100: {  	[tilespmem:s2], [sflag:$0x1] =	stream.linear.gather [hbm4b:s4+s3], $0x80, $0x38;
	[tilespmem:$0x8400] =	vst v63  }
0x101: {  	s14 =	simm.s32 $0x900;
	s15 =	sadd.s32 s13, s6;
	s16 =	spop (v2sf)  }
0x102: {  	[tilespmem:s14], [sflag:$0x1] =	stream.linear.gather [hbm4b:s15+s3], $0x80, $0x38;
	[tilespmem:$0x8400] =	vst v63  }
0x103: {  	s13 =	spop (v2sf);
	s2 =	simm.s32 $0x980;
	s4 =	sadd.s32 s16, s7  }
0x104: {  	[tilespmem:s2], [sflag:$0x1] =	stream.linear.gather [hbm4b:s4+s3], $0x80, $0x38;
	[tilespmem:$0x8400] =	vst v63  }
0x105: {  	s16 =	spop (v2sf);
	s14 =	simm.s32 $0xA00;
	s15 =	sadd.s32 s13, s8  }
0x106: {  	[tilespmem:s14], [sflag:$0x1] =	stream.linear.gather [hbm4b:s15+s3], $0x80, $0x38;
	[tilespmem:$0x8400] =	vst v63  }
0x107: {  	s13 =	spop (v2sf);
	s2 =	simm.s32 $0xA80;
	s4 =	sadd.s32 s16, s9  }
0x108: {  	[tilespmem:s2], [sflag:$0x1] =	stream.linear.gather [hbm4b:s4+s3], $0x80, $0x38;
	[tilespmem:$0x8400] =	vst v63  }
0x109: {  	s14 =	simm.s32 $0xB00;
	s15 =	sadd.s32 s13, s10  }
0x10a: {  	[tilespmem:s14], [sflag:$0x1] =	stream.linear.gather [hbm4b:s15+s3], $0x80, $0x38;
	[tilespmem:$0x8400] =	vst v63  }
0x10b: {  	s30 =	simm.s32 $0x2000;
	s31 =	simm.s32 $0x110;
	s16 =	spop (v2sf)  }
0x10c: {  	s0 =	simm.s32 $0xB80;
	s2 =	sadd.s32 $0x8000, s19;
	s4 =	sadd.s32 s16, s11  }
.LBB2_6:
0x10d: {  	[tilespmem:s0], [sflag:$0x1] =	stream.linear.gather [hbm4b:s4+s3], $0x80, $0x38;
	[tilespmem:$0x8400] =	vst v63  }
0x10e: {  	p0 =	sne.s32 s30, $0xE000;
	s0 =	smov.u32 s30;
	s30 =	sadd.s32 $0x2000, s30  }
0x10f: {  	v0 =	vld [tilespmem:s31+$0x0];
	_ =	sdelay $0x4  }
0x110: {  	s4 =	sor.u32 $0x80000, s2;
	s13 =	sor.u32 $0x84000, s2;
	v0 =	vshll.u32 v0, $0xA  }
0x111: {  	v1 =	vadd.s32 s4, v0;
	v0 =	vadd.s32 s13, v0  }
0x112: {  	v1 =	vshrl.u32 v1, $0x3;
	v0 =	vshrl.u32 v0, $0x3  }
0x113: {  	(v2sf) =	vpush v1, $0x0  }
0x114: {  	(v2sf) =	vpush v1, $0x1;
	_ =	sdelay $0x1  }
0x115: {  	(v2sf) =	vpush v1, $0x2;
	_ =	sdelay $0x1  }
0x116: {  	(v2sf) =	vpush v1, $0x3;
	_ =	sdelay $0x1  }
0x117: {  	(v2sf) =	vpush v1, $0x4;
	_ =	sdelay $0x1  }
0x118: {  	(v2sf) =	vpush v1, $0x5;
	_ =	sdelay $0x1  }
0x119: {  	(v2sf) =	vpush v1, $0x6;
	_ =	sdelay $0x1  }
0x11a: {  	(v2sf) =	vpush v1, $0x7;
	_ =	sdelay $0x1  }
0x11b: {  	s0 =	sshra.s32 s0, $0x2;
	s31 =	sadd.s32 $0x10, s31;
	s4 =	spop (v2sf);
	(v2sf) =	vpush v0, $0x8  }
0x11c: {  	s13 =	sadd.s32 $0x400, s0;
	s4 =	sadd.s32 s1, s4;
	s14 =	spop (v2sf)  }
0x11d: {  	[tilespmem:s13], [sflag:$0x1] =	stream.linear.gather [hbm4b:s4+s3], $0x80, $0x38;
	(v2sf) =	vpush v0, $0x9;
	[tilespmem:$0x8400] =	vst v63  }
0x11e: {  	s4 =	sadd.s32 $0x480, s0;
	s13 =	sadd.s32 s14, s5;
	s14 =	spop (v2sf)  }
0x11f: {  	[tilespmem:s4], [sflag:$0x1] =	stream.linear.gather [hbm4b:s13+s3], $0x80, $0x38;
	(v2sf) =	vpush v0, $0xA;
	[tilespmem:$0x8400] =	vst v63  }
0x120: {  	s4 =	sadd.s32 $0x500, s0;
	s13 =	sadd.s32 s14, s6;
	s14 =	spop (v2sf)  }
0x121: {  	[tilespmem:s4], [sflag:$0x1] =	stream.linear.gather [hbm4b:s13+s3], $0x80, $0x38;
	(v2sf) =	vpush v0, $0xB;
	[tilespmem:$0x8400] =	vst v63  }
0x122: {  	s4 =	sadd.s32 $0x580, s0;
	s13 =	sadd.s32 s14, s7;
	s14 =	spop (v2sf)  }
0x123: {  	[tilespmem:s4], [sflag:$0x1] =	stream.linear.gather [hbm4b:s13+s3], $0x80, $0x38;
	(v2sf) =	vpush v0, $0xC;
	[tilespmem:$0x8400] =	vst v63  }
0x124: {  	s4 =	sadd.s32 $0x600, s0;
	s13 =	sadd.s32 s14, s8;
	s14 =	spop (v2sf)  }
0x125: {  	[tilespmem:s4], [sflag:$0x1] =	stream.linear.gather [hbm4b:s13+s3], $0x80, $0x38;
	(v2sf) =	vpush v0, $0xD;
	[tilespmem:$0x8400] =	vst v63  }
0x126: {  	s4 =	sadd.s32 $0x680, s0;
	s13 =	sadd.s32 s14, s9;
	s14 =	spop (v2sf)  }
0x127: {  	[tilespmem:s4], [sflag:$0x1] =	stream.linear.gather [hbm4b:s13+s3], $0x80, $0x38;
	(v2sf) =	vpush v0, $0xE;
	[tilespmem:$0x8400] =	vst v63  }
0x128: {  	s4 =	sadd.s32 $0x700, s0;
	s13 =	sadd.s32 s14, s10;
	s14 =	spop (v2sf)  }
0x129: {  	[tilespmem:s4], [sflag:$0x1] =	stream.linear.gather [hbm4b:s13+s3], $0x80, $0x38;
	(v2sf) =	vpush v0, $0xF;
	[tilespmem:$0x8400] =	vst v63  }
0x12a: {  	s4 =	sadd.s32 $0x780, s0;
	s13 =	sadd.s32 s14, s11;
	s14 =	spop (v2sf)  }
0x12b: {  	[tilespmem:s4], [sflag:$0x1] =	stream.linear.gather [hbm4b:s13+s3], $0x80, $0x38;
	[tilespmem:$0x8400] =	vst v63  }
0x12c: {  	s4 =	sadd.s32 $0x800, s0;
	s13 =	sadd.s32 s1, s14;
	s14 =	spop (v2sf)  }
0x12d: {  	[tilespmem:s4], [sflag:$0x1] =	stream.linear.gather [hbm4b:s13+s3], $0x80, $0x38;
	[tilespmem:$0x8400] =	vst v63  }
0x12e: {  	s4 =	sadd.s32 $0x880, s0;
	s13 =	sadd.s32 s14, s5;
	s14 =	spop (v2sf)  }
0x12f: {  	[tilespmem:s4], [sflag:$0x1] =	stream.linear.gather [hbm4b:s13+s3], $0x80, $0x38;
	[tilespmem:$0x8400] =	vst v63  }
0x130: {  	s4 =	sadd.s32 $0x900, s0;
	s13 =	sadd.s32 s14, s6;
	s14 =	spop (v2sf)  }
0x131: {  	[tilespmem:s4], [sflag:$0x1] =	stream.linear.gather [hbm4b:s13+s3], $0x80, $0x38;
	[tilespmem:$0x8400] =	vst v63  }
0x132: {  	s4 =	sadd.s32 $0x980, s0;
	s13 =	sadd.s32 s14, s7;
	s14 =	spop (v2sf)  }
0x133: {  	[tilespmem:s4], [sflag:$0x1] =	stream.linear.gather [hbm4b:s13+s3], $0x80, $0x38;
	[tilespmem:$0x8400] =	vst v63  }
0x134: {  	s4 =	sadd.s32 $0xA00, s0;
	s13 =	sadd.s32 s14, s8;
	s14 =	spop (v2sf)  }
0x135: {  	[tilespmem:s4], [sflag:$0x1] =	stream.linear.gather [hbm4b:s13+s3], $0x80, $0x38;
	[tilespmem:$0x8400] =	vst v63  }
0x136: {  	s4 =	sadd.s32 $0xA80, s0  }
.Ltmp2:
0x137: {  	s13 =	sadd.s32 s14, s9;
	s14 =	spop (v2sf);
	(pc) =	sbr.rel @p0 .LBB2_6-.Ltmp2, $4  }
0x138: {  	[tilespmem:s4], [sflag:$0x1] =	stream.linear.gather [hbm4b:s13+s3], $0x80, $0x38;
	[tilespmem:$0x8400] =	vst v63  }
0x139: {  	s4 =	sadd.s32 $0xB00, s0;
	s13 =	sadd.s32 s14, s10;
	s14 =	spop (v2sf)  }
0x13a: {  	[tilespmem:s4], [sflag:$0x1] =	stream.linear.gather [hbm4b:s13+s3], $0x80, $0x38;
	[tilespmem:$0x8400] =	vst v63  }
0x13b: {  	s2 =	sadd.s32 $0x8000, s2;
	s0 =	sadd.s32 $0xB80, s0;
	s4 =	sadd.s32 s14, s11  }
0x13c: {  	[tilespmem:s0], [sflag:$0x1] =	stream.linear.gather [hbm4b:s4+s3], $0x80, $0x38;
	[tilespmem:$0x8400] =	vst v63  }
0x13d: {  	_ =	swait.ge [sflag:s24], $0x4000  }
0x13e: {  	[sflag:s24] =	ssyncset.done $0x0  }
0x13f: {  	s16 =	simm.s32 $0x0;
	s2 =	rddreg [dreg:$0x5];
	[sflag:s24] =	ssyncadd.s32 $0xFFFFC000  }
0x140: {  	[hbm4b:s2+s16] =	stream.linear.scatter [tilespmem:s28], [sflag:$0x2], $0x4000, $0x38;
	[tilespmem:$0x8400] =	vst v63  }
0x141: {  	_ =	swait.ge [sflag:s26], $0x4000  }
0x142: {  	[sflag:s26] =	ssyncset.done $0x0  }
0x143: {  	s2 =	simm.s32 $0x180;
	[sflag:s26] =	ssyncadd.s32 $0xFFFFC000  }
0x144: {  	v0 =	vld [tilespmem:s2+$0x0];
	_ =	sdelay $0x4  }
0x145: {  	s4 =	sor.u32 $0xC0000, s19;
	v0 =	vshll.u32 v0, $0xA  }
0x146: {  	v1 =	vadd.s32 s4, v0  }
0x147: {  	v1 =	vshrl.u32 v1, $0x3  }
0x148: {  	(v2sf) =	vpush v1, $0x0  }
0x149: {  	(v2sf) =	vpush v1, $0x1;
	_ =	sdelay $0x1  }
0x14a: {  	(v2sf) =	vpush v1, $0x2;
	_ =	sdelay $0x1  }
0x14b: {  	(v2sf) =	vpush v1, $0x3;
	_ =	sdelay $0x1  }
0x14c: {  	(v2sf) =	vpush v1, $0x4;
	_ =	sdelay $0x1  }
0x14d: {  	(v2sf) =	vpush v1, $0x5;
	_ =	sdelay $0x1  }
0x14e: {  	(v2sf) =	vpush v1, $0x6  }
0x14f: {  	s13 =	sor.u32 $0xC4000, s19  }
0x150: {  	v0 =	vadd.s32 s13, v0;
	(v2sf) =	vpush v1, $0x7  }
0x151: {  	v0 =	vshrl.u32 v0, $0x3  }
0x152: {  	s14 =	spop (v2sf);
	(v2sf) =	vpush v0, $0x8  }
0x153: {  	s15 =	simm.s32 $0x4400;
	s0 =	sadd.s32 s1, s14;
	s16 =	spop (v2sf)  }
0x154: {  	(v2sf) =	vpush v0, $0x9;
	[tilespmem:s15], [sflag:$0x1] =	stream.linear.gather [hbm4b:s0+s3], $0x80, $0x38;
	[tilespmem:$0x8400] =	vst v63  }
0x155: {  	s2 =	simm.s32 $0x4480;
	s4 =	sadd.s32 s16, s5;
	s13 =	spop (v2sf)  }
0x156: {  	(v2sf) =	vpush v0, $0xA;
	[tilespmem:s2], [sflag:$0x1] =	stream.linear.gather [hbm4b:s4+s3], $0x80, $0x38;
	[tilespmem:$0x8400] =	vst v63  }
0x157: {  	s14 =	simm.s32 $0x4500;
	s15 =	sadd.s32 s13, s6;
	s16 =	spop (v2sf)  }
0x158: {  	(v2sf) =	vpush v0, $0xB;
	[tilespmem:s14], [sflag:$0x1] =	stream.linear.gather [hbm4b:s15+s3], $0x80, $0x38;
	[tilespmem:$0x8400] =	vst v63  }
0x159: {  	s2 =	simm.s32 $0x4580;
	s4 =	sadd.s32 s16, s7;
	s13 =	spop (v2sf)  }
0x15a: {  	(v2sf) =	vpush v0, $0xC;
	[tilespmem:s2], [sflag:$0x1] =	stream.linear.gather [hbm4b:s4+s3], $0x80, $0x38;
	[tilespmem:$0x8400] =	vst v63  }
0x15b: {  	s16 =	spop (v2sf);
	s14 =	simm.s32 $0x4600;
	s15 =	sadd.s32 s13, s8  }
0x15c: {  	(v2sf) =	vpush v0, $0xD;
	[tilespmem:s14], [sflag:$0x1] =	stream.linear.gather [hbm4b:s15+s3], $0x80, $0x38;
	[tilespmem:$0x8400] =	vst v63  }
0x15d: {  	s13 =	spop (v2sf);
	s2 =	simm.s32 $0x4680;
	s4 =	sadd.s32 s16, s9  }
0x15e: {  	(v2sf) =	vpush v0, $0xE;
	[tilespmem:s2], [sflag:$0x1] =	stream.linear.gather [hbm4b:s4+s3], $0x80, $0x38;
	[tilespmem:$0x8400] =	vst v63  }
0x15f: {  	s16 =	spop (v2sf);
	s14 =	simm.s32 $0x4700;
	s15 =	sadd.s32 s13, s10  }
0x160: {  	[tilespmem:s14], [sflag:$0x1] =	stream.linear.gather [hbm4b:s15+s3], $0x80, $0x38;
	[tilespmem:$0x8400] =	vst v63  }
0x161: {  	s2 =	simm.s32 $0x4780;
	s4 =	sadd.s32 s16, s11;
	s13 =	spop (v2sf)  }
0x162: {  	(v2sf) =	vpush v0, $0xF;
	[tilespmem:s2], [sflag:$0x1] =	stream.linear.gather [hbm4b:s4+s3], $0x80, $0x38;
	[tilespmem:$0x8400] =	vst v63  }
0x163: {  	s14 =	simm.s32 $0x4800;
	s15 =	sadd.s32 s1, s13;
	s16 =	spop (v2sf)  }
0x164: {  	[tilespmem:s14], [sflag:$0x1] =	stream.linear.gather [hbm4b:s15+s3], $0x80, $0x38;
	[tilespmem:$0x8400] =	vst v63  }
0x165: {  	s2 =	simm.s32 $0x4880;
	s4 =	sadd.s32 s16, s5;
	s13 =	spop (v2sf)  }
0x166: {  	[tilespmem:s2], [sflag:$0x1] =	stream.linear.gather [hbm4b:s4+s3], $0x80, $0x38;
	[tilespmem:$0x8400] =	vst v63  }
0x167: {  	s14 =	simm.s32 $0x4900;
	s15 =	sadd.s32 s13, s6;
	s16 =	spop (v2sf)  }
0x168: {  	[tilespmem:s14], [sflag:$0x1] =	stream.linear.gather [hbm4b:s15+s3], $0x80, $0x38;
	[tilespmem:$0x8400] =	vst v63  }
0x169: {  	s13 =	spop (v2sf);
	s2 =	simm.s32 $0x4980;
	s4 =	sadd.s32 s16, s7  }
0x16a: {  	[tilespmem:s2], [sflag:$0x1] =	stream.linear.gather [hbm4b:s4+s3], $0x80, $0x38;
	[tilespmem:$0x8400] =	vst v63  }
0x16b: {  	s16 =	spop (v2sf);
	s14 =	simm.s32 $0x4A00;
	s15 =	sadd.s32 s13, s8  }
0x16c: {  	[tilespmem:s14], [sflag:$0x1] =	stream.linear.gather [hbm4b:s15+s3], $0x80, $0x38;
	[tilespmem:$0x8400] =	vst v63  }
0x16d: {  	s13 =	spop (v2sf);
	s2 =	simm.s32 $0x4A80;
	s4 =	sadd.s32 s16, s9  }
0x16e: {  	[tilespmem:s2], [sflag:$0x1] =	stream.linear.gather [hbm4b:s4+s3], $0x80, $0x38;
	[tilespmem:$0x8400] =	vst v63  }
0x16f: {  	s14 =	simm.s32 $0x4B00;
	s15 =	sadd.s32 s13, s10  }
0x170: {  	[tilespmem:s14], [sflag:$0x1] =	stream.linear.gather [hbm4b:s15+s3], $0x80, $0x38;
	[tilespmem:$0x8400] =	vst v63  }
0x171: {  	s30 =	simm.s32 $0x2000;
	s31 =	simm.s32 $0x190;
	s16 =	spop (v2sf)  }
0x172: {  	s0 =	simm.s32 $0x4B80;
	s2 =	sadd.s32 $0x8000, s19;
	s4 =	sadd.s32 s16, s11  }
.LBB2_8:
0x173: {  	[tilespmem:s0], [sflag:$0x1] =	stream.linear.gather [hbm4b:s4+s3], $0x80, $0x38;
	[tilespmem:$0x8400] =	vst v63  }
0x174: {  	p0 =	sne.s32 s30, $0xE000;
	s0 =	smov.u32 s30;
	s30 =	sadd.s32 $0x2000, s30  }
0x175: {  	v0 =	vld [tilespmem:s31+$0x0];
	_ =	sdelay $0x4  }
0x176: {  	s4 =	sor.u32 $0xC0000, s2;
	s13 =	sor.u32 $0xC4000, s2;
	v0 =	vshll.u32 v0, $0xA  }
0x177: {  	v1 =	vadd.s32 s4, v0;
	v0 =	vadd.s32 s13, v0  }
0x178: {  	v1 =	vshrl.u32 v1, $0x3;
	v0 =	vshrl.u32 v0, $0x3  }
0x179: {  	(v2sf) =	vpush v1, $0x0  }
0x17a: {  	(v2sf) =	vpush v1, $0x1;
	_ =	sdelay $0x1  }
0x17b: {  	(v2sf) =	vpush v1, $0x2;
	_ =	sdelay $0x1  }
0x17c: {  	(v2sf) =	vpush v1, $0x3;
	_ =	sdelay $0x1  }
0x17d: {  	(v2sf) =	vpush v1, $0x4;
	_ =	sdelay $0x1  }
0x17e: {  	(v2sf) =	vpush v1, $0x5;
	_ =	sdelay $0x1  }
0x17f: {  	(v2sf) =	vpush v1, $0x6;
	_ =	sdelay $0x1  }
0x180: {  	(v2sf) =	vpush v1, $0x7;
	_ =	sdelay $0x1  }
0x181: {  	s0 =	sshra.s32 s0, $0x2;
	s31 =	sadd.s32 $0x10, s31;
	s4 =	spop (v2sf);
	(v2sf) =	vpush v0, $0x8  }
0x182: {  	s13 =	sadd.s32 $0x4400, s0;
	s4 =	sadd.s32 s1, s4;
	s14 =	spop (v2sf)  }
0x183: {  	[tilespmem:s13], [sflag:$0x1] =	stream.linear.gather [hbm4b:s4+s3], $0x80, $0x38;
	(v2sf) =	vpush v0, $0x9;
	[tilespmem:$0x8400] =	vst v63  }
0x184: {  	s4 =	sadd.s32 $0x4480, s0;
	s13 =	sadd.s32 s14, s5;
	s14 =	spop (v2sf)  }
0x185: {  	[tilespmem:s4], [sflag:$0x1] =	stream.linear.gather [hbm4b:s13+s3], $0x80, $0x38;
	(v2sf) =	vpush v0, $0xA;
	[tilespmem:$0x8400] =	vst v63  }
0x186: {  	s4 =	sadd.s32 $0x4500, s0;
	s13 =	sadd.s32 s14, s6;
	s14 =	spop (v2sf)  }
0x187: {  	[tilespmem:s4], [sflag:$0x1] =	stream.linear.gather [hbm4b:s13+s3], $0x80, $0x38;
	(v2sf) =	vpush v0, $0xB;
	[tilespmem:$0x8400] =	vst v63  }
0x188: {  	s4 =	sadd.s32 $0x4580, s0;
	s13 =	sadd.s32 s14, s7;
	s14 =	spop (v2sf)  }
0x189: {  	[tilespmem:s4], [sflag:$0x1] =	stream.linear.gather [hbm4b:s13+s3], $0x80, $0x38;
	(v2sf) =	vpush v0, $0xC;
	[tilespmem:$0x8400] =	vst v63  }
0x18a: {  	s4 =	sadd.s32 $0x4600, s0;
	s13 =	sadd.s32 s14, s8;
	s14 =	spop (v2sf)  }
0x18b: {  	[tilespmem:s4], [sflag:$0x1] =	stream.linear.gather [hbm4b:s13+s3], $0x80, $0x38;
	(v2sf) =	vpush v0, $0xD;
	[tilespmem:$0x8400] =	vst v63  }
0x18c: {  	s4 =	sadd.s32 $0x4680, s0;
	s13 =	sadd.s32 s14, s9;
	s14 =	spop (v2sf)  }
0x18d: {  	[tilespmem:s4], [sflag:$0x1] =	stream.linear.gather [hbm4b:s13+s3], $0x80, $0x38;
	(v2sf) =	vpush v0, $0xE;
	[tilespmem:$0x8400] =	vst v63  }
0x18e: {  	s4 =	sadd.s32 $0x4700, s0;
	s13 =	sadd.s32 s14, s10;
	s14 =	spop (v2sf)  }
0x18f: {  	[tilespmem:s4], [sflag:$0x1] =	stream.linear.gather [hbm4b:s13+s3], $0x80, $0x38;
	(v2sf) =	vpush v0, $0xF;
	[tilespmem:$0x8400] =	vst v63  }
0x190: {  	s4 =	sadd.s32 $0x4780, s0;
	s13 =	sadd.s32 s14, s11;
	s14 =	spop (v2sf)  }
0x191: {  	[tilespmem:s4], [sflag:$0x1] =	stream.linear.gather [hbm4b:s13+s3], $0x80, $0x38;
	[tilespmem:$0x8400] =	vst v63  }
0x192: {  	s4 =	sadd.s32 $0x4800, s0;
	s13 =	sadd.s32 s1, s14;
	s14 =	spop (v2sf)  }
0x193: {  	[tilespmem:s4], [sflag:$0x1] =	stream.linear.gather [hbm4b:s13+s3], $0x80, $0x38;
	[tilespmem:$0x8400] =	vst v63  }
0x194: {  	s4 =	sadd.s32 $0x4880, s0;
	s13 =	sadd.s32 s14, s5;
	s14 =	spop (v2sf)  }
0x195: {  	[tilespmem:s4], [sflag:$0x1] =	stream.linear.gather [hbm4b:s13+s3], $0x80, $0x38;
	[tilespmem:$0x8400] =	vst v63  }
0x196: {  	s4 =	sadd.s32 $0x4900, s0;
	s13 =	sadd.s32 s14, s6;
	s14 =	spop (v2sf)  }
0x197: {  	[tilespmem:s4], [sflag:$0x1] =	stream.linear.gather [hbm4b:s13+s3], $0x80, $0x38;
	[tilespmem:$0x8400] =	vst v63  }
0x198: {  	s4 =	sadd.s32 $0x4980, s0;
	s13 =	sadd.s32 s14, s7;
	s14 =	spop (v2sf)  }
0x199: {  	[tilespmem:s4], [sflag:$0x1] =	stream.linear.gather [hbm4b:s13+s3], $0x80, $0x38;
	[tilespmem:$0x8400] =	vst v63  }
0x19a: {  	s4 =	sadd.s32 $0x4A00, s0;
	s13 =	sadd.s32 s14, s8;
	s14 =	spop (v2sf)  }
0x19b: {  	[tilespmem:s4], [sflag:$0x1] =	stream.linear.gather [hbm4b:s13+s3], $0x80, $0x38;
	[tilespmem:$0x8400] =	vst v63  }
0x19c: {  	s4 =	sadd.s32 $0x4A80, s0  }
.Ltmp3:
0x19d: {  	s13 =	sadd.s32 s14, s9;
	s14 =	spop (v2sf);
	(pc) =	sbr.rel @p0 .LBB2_8-.Ltmp3, $4  }
0x19e: {  	[tilespmem:s4], [sflag:$0x1] =	stream.linear.gather [hbm4b:s13+s3], $0x80, $0x38;
	[tilespmem:$0x8400] =	vst v63  }
0x19f: {  	s4 =	sadd.s32 $0x4B00, s0;
	s13 =	sadd.s32 s14, s10;
	s14 =	spop (v2sf)  }
0x1a0: {  	[tilespmem:s4], [sflag:$0x1] =	stream.linear.gather [hbm4b:s13+s3], $0x80, $0x38;
	[tilespmem:$0x8400] =	vst v63  }
0x1a1: {  	s2 =	sadd.s32 $0x8000, s2;
	s0 =	sadd.s32 $0x4B80, s0;
	s4 =	sadd.s32 s14, s11  }
0x1a2: {  	[tilespmem:s0], [sflag:$0x1] =	stream.linear.gather [hbm4b:s4+s3], $0x80, $0x38;
	[tilespmem:$0x8400] =	vst v63  }
0x1a3: {  	_ =	swait.ge [sflag:s24], $0x4000  }
0x1a4: {  	[sflag:s24] =	ssyncset.done $0x0  }
0x1a5: {  	s16 =	simm.s32 $0x0;
	s2 =	rddreg [dreg:$0x6];
	[sflag:s24] =	ssyncadd.s32 $0xFFFFC000  }
0x1a6: {  	[hbm4b:s2+s16] =	stream.linear.scatter [tilespmem:s25], [sflag:$0x2], $0x4000, $0x38;
	[tilespmem:$0x8400] =	vst v63  }
0x1a7: {  	_ =	swait.ge [sflag:s26], $0x4000  }
0x1a8: {  	[sflag:s26] =	ssyncset.done $0x0  }
0x1a9: {  	s2 =	simm.s32 $0x200;
	[sflag:s26] =	ssyncadd.s32 $0xFFFFC000  }
0x1aa: {  	v0 =	vld [tilespmem:s2+$0x0];
	_ =	sdelay $0x4  }
0x1ab: {  	s4 =	sor.u32 $0x100000, s19;
	v0 =	vshll.u32 v0, $0xA  }
0x1ac: {  	v1 =	vadd.s32 s4, v0  }
0x1ad: {  	v1 =	vshrl.u32 v1, $0x3  }
0x1ae: {  	(v2sf) =	vpush v1, $0x0  }
0x1af: {  	(v2sf) =	vpush v1, $0x1;
	_ =	sdelay $0x1  }
0x1b0: {  	(v2sf) =	vpush v1, $0x2;
	_ =	sdelay $0x1  }
0x1b1: {  	(v2sf) =	vpush v1, $0x3;
	_ =	sdelay $0x1  }
0x1b2: {  	(v2sf) =	vpush v1, $0x4;
	_ =	sdelay $0x1  }
0x1b3: {  	(v2sf) =	vpush v1, $0x5;
	_ =	sdelay $0x1  }
0x1b4: {  	(v2sf) =	vpush v1, $0x6  }
0x1b5: {  	s13 =	sor.u32 $0x104000, s19  }
0x1b6: {  	v0 =	vadd.s32 s13, v0;
	(v2sf) =	vpush v1, $0x7  }
0x1b7: {  	v0 =	vshrl.u32 v0, $0x3  }
0x1b8: {  	s14 =	spop (v2sf);
	(v2sf) =	vpush v0, $0x8  }
0x1b9: {  	s15 =	simm.s32 $0x400;
	s0 =	sadd.s32 s1, s14;
	s16 =	spop (v2sf)  }
0x1ba: {  	(v2sf) =	vpush v0, $0x9;
	[tilespmem:s15], [sflag:$0x1] =	stream.linear.gather [hbm4b:s0+s3], $0x80, $0x38;
	[tilespmem:$0x8400] =	vst v63  }
0x1bb: {  	s2 =	simm.s32 $0x480;
	s4 =	sadd.s32 s16, s5;
	s13 =	spop (v2sf)  }
0x1bc: {  	(v2sf) =	vpush v0, $0xA;
	[tilespmem:s2], [sflag:$0x1] =	stream.linear.gather [hbm4b:s4+s3], $0x80, $0x38;
	[tilespmem:$0x8400] =	vst v63  }
0x1bd: {  	s14 =	simm.s32 $0x500;
	s15 =	sadd.s32 s13, s6;
	s16 =	spop (v2sf)  }
0x1be: {  	(v2sf) =	vpush v0, $0xB;
	[tilespmem:s14], [sflag:$0x1] =	stream.linear.gather [hbm4b:s15+s3], $0x80, $0x38;
	[tilespmem:$0x8400] =	vst v63  }
0x1bf: {  	s2 =	simm.s32 $0x580;
	s4 =	sadd.s32 s16, s7;
	s13 =	spop (v2sf)  }
0x1c0: {  	(v2sf) =	vpush v0, $0xC;
	[tilespmem:s2], [sflag:$0x1] =	stream.linear.gather [hbm4b:s4+s3], $0x80, $0x38;
	[tilespmem:$0x8400] =	vst v63  }
0x1c1: {  	s16 =	spop (v2sf);
	s14 =	simm.s32 $0x600;
	s15 =	sadd.s32 s13, s8  }
0x1c2: {  	(v2sf) =	vpush v0, $0xD;
	[tilespmem:s14], [sflag:$0x1] =	stream.linear.gather [hbm4b:s15+s3], $0x80, $0x38;
	[tilespmem:$0x8400] =	vst v63  }
0x1c3: {  	s13 =	spop (v2sf);
	s2 =	simm.s32 $0x680;
	s4 =	sadd.s32 s16, s9  }
0x1c4: {  	(v2sf) =	vpush v0, $0xE;
	[tilespmem:s2], [sflag:$0x1] =	stream.linear.gather [hbm4b:s4+s3], $0x80, $0x38;
	[tilespmem:$0x8400] =	vst v63  }
0x1c5: {  	s16 =	spop (v2sf);
	s14 =	simm.s32 $0x700;
	s15 =	sadd.s32 s13, s10  }
0x1c6: {  	[tilespmem:s14], [sflag:$0x1] =	stream.linear.gather [hbm4b:s15+s3], $0x80, $0x38;
	[tilespmem:$0x8400] =	vst v63  }
0x1c7: {  	s2 =	simm.s32 $0x780;
	s4 =	sadd.s32 s16, s11;
	s13 =	spop (v2sf)  }
0x1c8: {  	(v2sf) =	vpush v0, $0xF;
	[tilespmem:s2], [sflag:$0x1] =	stream.linear.gather [hbm4b:s4+s3], $0x80, $0x38;
	[tilespmem:$0x8400] =	vst v63  }
0x1c9: {  	s14 =	simm.s32 $0x800;
	s15 =	sadd.s32 s1, s13;
	s16 =	spop (v2sf)  }
0x1ca: {  	[tilespmem:s14], [sflag:$0x1] =	stream.linear.gather [hbm4b:s15+s3], $0x80, $0x38;
	[tilespmem:$0x8400] =	vst v63  }
0x1cb: {  	s2 =	simm.s32 $0x880;
	s4 =	sadd.s32 s16, s5;
	s13 =	spop (v2sf)  }
0x1cc: {  	[tilespmem:s2], [sflag:$0x1] =	stream.linear.gather [hbm4b:s4+s3], $0x80, $0x38;
	[tilespmem:$0x8400] =	vst v63  }
0x1cd: {  	s14 =	simm.s32 $0x900;
	s15 =	sadd.s32 s13, s6;
	s16 =	spop (v2sf)  }
0x1ce: {  	[tilespmem:s14], [sflag:$0x1] =	stream.linear.gather [hbm4b:s15+s3], $0x80, $0x38;
	[tilespmem:$0x8400] =	vst v63  }
0x1cf: {  	s13 =	spop (v2sf);
	s2 =	simm.s32 $0x980;
	s4 =	sadd.s32 s16, s7  }
0x1d0: {  	[tilespmem:s2], [sflag:$0x1] =	stream.linear.gather [hbm4b:s4+s3], $0x80, $0x38;
	[tilespmem:$0x8400] =	vst v63  }
0x1d1: {  	s16 =	spop (v2sf);
	s14 =	simm.s32 $0xA00;
	s15 =	sadd.s32 s13, s8  }
0x1d2: {  	[tilespmem:s14], [sflag:$0x1] =	stream.linear.gather [hbm4b:s15+s3], $0x80, $0x38;
	[tilespmem:$0x8400] =	vst v63  }
0x1d3: {  	s13 =	spop (v2sf);
	s2 =	simm.s32 $0xA80;
	s4 =	sadd.s32 s16, s9  }
0x1d4: {  	[tilespmem:s2], [sflag:$0x1] =	stream.linear.gather [hbm4b:s4+s3], $0x80, $0x38;
	[tilespmem:$0x8400] =	vst v63  }
0x1d5: {  	s14 =	simm.s32 $0xB00;
	s15 =	sadd.s32 s13, s10  }
0x1d6: {  	[tilespmem:s14], [sflag:$0x1] =	stream.linear.gather [hbm4b:s15+s3], $0x80, $0x38;
	[tilespmem:$0x8400] =	vst v63  }
0x1d7: {  	s30 =	simm.s32 $0x2000;
	s31 =	simm.s32 $0x210;
	s16 =	spop (v2sf)  }
0x1d8: {  	s0 =	simm.s32 $0xB80;
	s2 =	sadd.s32 $0x8000, s19;
	s4 =	sadd.s32 s16, s11  }
.LBB2_10:
0x1d9: {  	[tilespmem:s0], [sflag:$0x1] =	stream.linear.gather [hbm4b:s4+s3], $0x80, $0x38;
	[tilespmem:$0x8400] =	vst v63  }
0x1da: {  	p0 =	sne.s32 s30, $0xE000;
	s0 =	smov.u32 s30;
	s30 =	sadd.s32 $0x2000, s30  }
0x1db: {  	v0 =	vld [tilespmem:s31+$0x0];
	_ =	sdelay $0x4  }
0x1dc: {  	s4 =	sor.u32 $0x100000, s2;
	s13 =	sor.u32 $0x104000, s2;
	v0 =	vshll.u32 v0, $0xA  }
0x1dd: {  	v1 =	vadd.s32 s4, v0;
	v0 =	vadd.s32 s13, v0  }
0x1de: {  	v1 =	vshrl.u32 v1, $0x3;
	v0 =	vshrl.u32 v0, $0x3  }
0x1df: {  	(v2sf) =	vpush v1, $0x0  }
0x1e0: {  	(v2sf) =	vpush v1, $0x1;
	_ =	sdelay $0x1  }
0x1e1: {  	(v2sf) =	vpush v1, $0x2;
	_ =	sdelay $0x1  }
0x1e2: {  	(v2sf) =	vpush v1, $0x3;
	_ =	sdelay $0x1  }
0x1e3: {  	(v2sf) =	vpush v1, $0x4;
	_ =	sdelay $0x1  }
0x1e4: {  	(v2sf) =	vpush v1, $0x5;
	_ =	sdelay $0x1  }
0x1e5: {  	(v2sf) =	vpush v1, $0x6;
	_ =	sdelay $0x1  }
0x1e6: {  	(v2sf) =	vpush v1, $0x7;
	_ =	sdelay $0x1  }
0x1e7: {  	s0 =	sshra.s32 s0, $0x2;
	s31 =	sadd.s32 $0x10, s31;
	s4 =	spop (v2sf);
	(v2sf) =	vpush v0, $0x8  }
0x1e8: {  	s13 =	sadd.s32 $0x400, s0;
	s4 =	sadd.s32 s1, s4;
	s14 =	spop (v2sf)  }
0x1e9: {  	[tilespmem:s13], [sflag:$0x1] =	stream.linear.gather [hbm4b:s4+s3], $0x80, $0x38;
	(v2sf) =	vpush v0, $0x9;
	[tilespmem:$0x8400] =	vst v63  }
0x1ea: {  	s4 =	sadd.s32 $0x480, s0;
	s13 =	sadd.s32 s14, s5;
	s14 =	spop (v2sf)  }
0x1eb: {  	[tilespmem:s4], [sflag:$0x1] =	stream.linear.gather [hbm4b:s13+s3], $0x80, $0x38;
	(v2sf) =	vpush v0, $0xA;
	[tilespmem:$0x8400] =	vst v63  }
0x1ec: {  	s4 =	sadd.s32 $0x500, s0;
	s13 =	sadd.s32 s14, s6;
	s14 =	spop (v2sf)  }
0x1ed: {  	[tilespmem:s4], [sflag:$0x1] =	stream.linear.gather [hbm4b:s13+s3], $0x80, $0x38;
	(v2sf) =	vpush v0, $0xB;
	[tilespmem:$0x8400] =	vst v63  }
0x1ee: {  	s4 =	sadd.s32 $0x580, s0;
	s13 =	sadd.s32 s14, s7;
	s14 =	spop (v2sf)  }
0x1ef: {  	[tilespmem:s4], [sflag:$0x1] =	stream.linear.gather [hbm4b:s13+s3], $0x80, $0x38;
	(v2sf) =	vpush v0, $0xC;
	[tilespmem:$0x8400] =	vst v63  }
0x1f0: {  	s4 =	sadd.s32 $0x600, s0;
	s13 =	sadd.s32 s14, s8;
	s14 =	spop (v2sf)  }
0x1f1: {  	[tilespmem:s4], [sflag:$0x1] =	stream.linear.gather [hbm4b:s13+s3], $0x80, $0x38;
	(v2sf) =	vpush v0, $0xD;
	[tilespmem:$0x8400] =	vst v63  }
0x1f2: {  	s4 =	sadd.s32 $0x680, s0;
	s13 =	sadd.s32 s14, s9;
	s14 =	spop (v2sf)  }
0x1f3: {  	[tilespmem:s4], [sflag:$0x1] =	stream.linear.gather [hbm4b:s13+s3], $0x80, $0x38;
	(v2sf) =	vpush v0, $0xE;
	[tilespmem:$0x8400] =	vst v63  }
0x1f4: {  	s4 =	sadd.s32 $0x700, s0;
	s13 =	sadd.s32 s14, s10;
	s14 =	spop (v2sf)  }
0x1f5: {  	[tilespmem:s4], [sflag:$0x1] =	stream.linear.gather [hbm4b:s13+s3], $0x80, $0x38;
	(v2sf) =	vpush v0, $0xF;
	[tilespmem:$0x8400] =	vst v63  }
0x1f6: {  	s4 =	sadd.s32 $0x780, s0;
	s13 =	sadd.s32 s14, s11;
	s14 =	spop (v2sf)  }
0x1f7: {  	[tilespmem:s4], [sflag:$0x1] =	stream.linear.gather [hbm4b:s13+s3], $0x80, $0x38;
	[tilespmem:$0x8400] =	vst v63  }
0x1f8: {  	s4 =	sadd.s32 $0x800, s0;
	s13 =	sadd.s32 s1, s14;
	s14 =	spop (v2sf)  }
0x1f9: {  	[tilespmem:s4], [sflag:$0x1] =	stream.linear.gather [hbm4b:s13+s3], $0x80, $0x38;
	[tilespmem:$0x8400] =	vst v63  }
0x1fa: {  	s4 =	sadd.s32 $0x880, s0;
	s13 =	sadd.s32 s14, s5;
	s14 =	spop (v2sf)  }
0x1fb: {  	[tilespmem:s4], [sflag:$0x1] =	stream.linear.gather [hbm4b:s13+s3], $0x80, $0x38;
	[tilespmem:$0x8400] =	vst v63  }
0x1fc: {  	s4 =	sadd.s32 $0x900, s0;
	s13 =	sadd.s32 s14, s6;
	s14 =	spop (v2sf)  }
0x1fd: {  	[tilespmem:s4], [sflag:$0x1] =	stream.linear.gather [hbm4b:s13+s3], $0x80, $0x38;
	[tilespmem:$0x8400] =	vst v63  }
0x1fe: {  	s4 =	sadd.s32 $0x980, s0;
	s13 =	sadd.s32 s14, s7;
	s14 =	spop (v2sf)  }
0x1ff: {  	[tilespmem:s4], [sflag:$0x1] =	stream.linear.gather [hbm4b:s13+s3], $0x80, $0x38;
	[tilespmem:$0x8400] =	vst v63  }
0x200: {  	s4 =	sadd.s32 $0xA00, s0;
	s13 =	sadd.s32 s14, s8;
	s14 =	spop (v2sf)  }
0x201: {  	[tilespmem:s4], [sflag:$0x1] =	stream.linear.gather [hbm4b:s13+s3], $0x80, $0x38;
	[tilespmem:$0x8400] =	vst v63  }
0x202: {  	s4 =	sadd.s32 $0xA80, s0  }
.Ltmp4:
0x203: {  	s13 =	sadd.s32 s14, s9;
	s14 =	spop (v2sf);
	(pc) =	sbr.rel @p0 .LBB2_10-.Ltmp4, $4  }
0x204: {  	[tilespmem:s4], [sflag:$0x1] =	stream.linear.gather [hbm4b:s13+s3], $0x80, $0x38;
	[tilespmem:$0x8400] =	vst v63  }
0x205: {  	s4 =	sadd.s32 $0xB00, s0;
	s13 =	sadd.s32 s14, s10;
	s14 =	spop (v2sf)  }
0x206: {  	[tilespmem:s4], [sflag:$0x1] =	stream.linear.gather [hbm4b:s13+s3], $0x80, $0x38;
	[tilespmem:$0x8400] =	vst v63  }
0x207: {  	s2 =	sadd.s32 $0x8000, s2;
	s0 =	sadd.s32 $0xB80, s0;
	s4 =	sadd.s32 s14, s11  }
0x208: {  	[tilespmem:s0], [sflag:$0x1] =	stream.linear.gather [hbm4b:s4+s3], $0x80, $0x38;
	[tilespmem:$0x8400] =	vst v63  }
0x209: {  	_ =	swait.ge [sflag:s24], $0x4000  }
0x20a: {  	[sflag:s24] =	ssyncset.done $0x0  }
0x20b: {  	s16 =	simm.s32 $0x0;
	s2 =	rddreg [dreg:$0x7];
	[sflag:s24] =	ssyncadd.s32 $0xFFFFC000  }
0x20c: {  	[hbm4b:s2+s16] =	stream.linear.scatter [tilespmem:s28], [sflag:$0x2], $0x4000, $0x38;
	[tilespmem:$0x8400] =	vst v63  }
0x20d: {  	_ =	swait.ge [sflag:s26], $0x4000  }
0x20e: {  	[sflag:s26] =	ssyncset.done $0x0  }
0x20f: {  	s2 =	simm.s32 $0x280;
	[sflag:s26] =	ssyncadd.s32 $0xFFFFC000  }
0x210: {  	v0 =	vld [tilespmem:s2+$0x0];
	_ =	sdelay $0x4  }
0x211: {  	s4 =	sor.u32 $0x140000, s19;
	v0 =	vshll.u32 v0, $0xA  }
0x212: {  	v1 =	vadd.s32 s4, v0  }
0x213: {  	v1 =	vshrl.u32 v1, $0x3  }
0x214: {  	(v2sf) =	vpush v1, $0x0  }
0x215: {  	(v2sf) =	vpush v1, $0x1;
	_ =	sdelay $0x1  }
0x216: {  	(v2sf) =	vpush v1, $0x2;
	_ =	sdelay $0x1  }
0x217: {  	(v2sf) =	vpush v1, $0x3;
	_ =	sdelay $0x1  }
0x218: {  	(v2sf) =	vpush v1, $0x4;
	_ =	sdelay $0x1  }
0x219: {  	(v2sf) =	vpush v1, $0x5;
	_ =	sdelay $0x1  }
0x21a: {  	(v2sf) =	vpush v1, $0x6  }
0x21b: {  	s13 =	sor.u32 $0x144000, s19  }
0x21c: {  	v0 =	vadd.s32 s13, v0;
	(v2sf) =	vpush v1, $0x7  }
0x21d: {  	v0 =	vshrl.u32 v0, $0x3  }
0x21e: {  	s14 =	spop (v2sf);
	(v2sf) =	vpush v0, $0x8  }
0x21f: {  	s15 =	simm.s32 $0x4400;
	s0 =	sadd.s32 s1, s14;
	s16 =	spop (v2sf)  }
0x220: {  	(v2sf) =	vpush v0, $0x9;
	[tilespmem:s15], [sflag:$0x1] =	stream.linear.gather [hbm4b:s0+s3], $0x80, $0x38;
	[tilespmem:$0x8400] =	vst v63  }
0x221: {  	s2 =	simm.s32 $0x4480;
	s4 =	sadd.s32 s16, s5;
	s13 =	spop (v2sf)  }
0x222: {  	(v2sf) =	vpush v0, $0xA;
	[tilespmem:s2], [sflag:$0x1] =	stream.linear.gather [hbm4b:s4+s3], $0x80, $0x38;
	[tilespmem:$0x8400] =	vst v63  }
0x223: {  	s14 =	simm.s32 $0x4500;
	s15 =	sadd.s32 s13, s6;
	s16 =	spop (v2sf)  }
0x224: {  	(v2sf) =	vpush v0, $0xB;
	[tilespmem:s14], [sflag:$0x1] =	stream.linear.gather [hbm4b:s15+s3], $0x80, $0x38;
	[tilespmem:$0x8400] =	vst v63  }
0x225: {  	s2 =	simm.s32 $0x4580;
	s4 =	sadd.s32 s16, s7;
	s13 =	spop (v2sf)  }
0x226: {  	(v2sf) =	vpush v0, $0xC;
	[tilespmem:s2], [sflag:$0x1] =	stream.linear.gather [hbm4b:s4+s3], $0x80, $0x38;
	[tilespmem:$0x8400] =	vst v63  }
0x227: {  	s16 =	spop (v2sf);
	s14 =	simm.s32 $0x4600;
	s15 =	sadd.s32 s13, s8  }
0x228: {  	(v2sf) =	vpush v0, $0xD;
	[tilespmem:s14], [sflag:$0x1] =	stream.linear.gather [hbm4b:s15+s3], $0x80, $0x38;
	[tilespmem:$0x8400] =	vst v63  }
0x229: {  	s13 =	spop (v2sf);
	s2 =	simm.s32 $0x4680;
	s4 =	sadd.s32 s16, s9  }
0x22a: {  	(v2sf) =	vpush v0, $0xE;
	[tilespmem:s2], [sflag:$0x1] =	stream.linear.gather [hbm4b:s4+s3], $0x80, $0x38;
	[tilespmem:$0x8400] =	vst v63  }
0x22b: {  	s16 =	spop (v2sf);
	s14 =	simm.s32 $0x4700;
	s15 =	sadd.s32 s13, s10  }
0x22c: {  	[tilespmem:s14], [sflag:$0x1] =	stream.linear.gather [hbm4b:s15+s3], $0x80, $0x38;
	[tilespmem:$0x8400] =	vst v63  }
0x22d: {  	s2 =	simm.s32 $0x4780;
	s4 =	sadd.s32 s16, s11;
	s13 =	spop (v2sf)  }
0x22e: {  	(v2sf) =	vpush v0, $0xF;
	[tilespmem:s2], [sflag:$0x1] =	stream.linear.gather [hbm4b:s4+s3], $0x80, $0x38;
	[tilespmem:$0x8400] =	vst v63  }
0x22f: {  	s14 =	simm.s32 $0x4800;
	s15 =	sadd.s32 s1, s13;
	s16 =	spop (v2sf)  }
0x230: {  	[tilespmem:s14], [sflag:$0x1] =	stream.linear.gather [hbm4b:s15+s3], $0x80, $0x38;
	[tilespmem:$0x8400] =	vst v63  }
0x231: {  	s2 =	simm.s32 $0x4880;
	s4 =	sadd.s32 s16, s5;
	s13 =	spop (v2sf)  }
0x232: {  	[tilespmem:s2], [sflag:$0x1] =	stream.linear.gather [hbm4b:s4+s3], $0x80, $0x38;
	[tilespmem:$0x8400] =	vst v63  }
0x233: {  	s14 =	simm.s32 $0x4900;
	s15 =	sadd.s32 s13, s6;
	s16 =	spop (v2sf)  }
0x234: {  	[tilespmem:s14], [sflag:$0x1] =	stream.linear.gather [hbm4b:s15+s3], $0x80, $0x38;
	[tilespmem:$0x8400] =	vst v63  }
0x235: {  	s13 =	spop (v2sf);
	s2 =	simm.s32 $0x4980;
	s4 =	sadd.s32 s16, s7  }
0x236: {  	[tilespmem:s2], [sflag:$0x1] =	stream.linear.gather [hbm4b:s4+s3], $0x80, $0x38;
	[tilespmem:$0x8400] =	vst v63  }
0x237: {  	s16 =	spop (v2sf);
	s14 =	simm.s32 $0x4A00;
	s15 =	sadd.s32 s13, s8  }
0x238: {  	[tilespmem:s14], [sflag:$0x1] =	stream.linear.gather [hbm4b:s15+s3], $0x80, $0x38;
	[tilespmem:$0x8400] =	vst v63  }
0x239: {  	s13 =	spop (v2sf);
	s2 =	simm.s32 $0x4A80;
	s4 =	sadd.s32 s16, s9  }
0x23a: {  	[tilespmem:s2], [sflag:$0x1] =	stream.linear.gather [hbm4b:s4+s3], $0x80, $0x38;
	[tilespmem:$0x8400] =	vst v63  }
0x23b: {  	s14 =	simm.s32 $0x4B00;
	s15 =	sadd.s32 s13, s10  }
0x23c: {  	[tilespmem:s14], [sflag:$0x1] =	stream.linear.gather [hbm4b:s15+s3], $0x80, $0x38;
	[tilespmem:$0x8400] =	vst v63  }
0x23d: {  	s30 =	simm.s32 $0x2000;
	s31 =	simm.s32 $0x290;
	s16 =	spop (v2sf)  }
0x23e: {  	s0 =	simm.s32 $0x4B80;
	s2 =	sadd.s32 $0x8000, s19;
	s4 =	sadd.s32 s16, s11  }
.LBB2_12:
0x23f: {  	[tilespmem:s0], [sflag:$0x1] =	stream.linear.gather [hbm4b:s4+s3], $0x80, $0x38;
	[tilespmem:$0x8400] =	vst v63  }
0x240: {  	p0 =	sne.s32 s30, $0xE000;
	s0 =	smov.u32 s30;
	s30 =	sadd.s32 $0x2000, s30  }
0x241: {  	v0 =	vld [tilespmem:s31+$0x0];
	_ =	sdelay $0x4  }
0x242: {  	s4 =	sor.u32 $0x140000, s2;
	s13 =	sor.u32 $0x144000, s2;
	v0 =	vshll.u32 v0, $0xA  }
0x243: {  	v1 =	vadd.s32 s4, v0;
	v0 =	vadd.s32 s13, v0  }
0x244: {  	v1 =	vshrl.u32 v1, $0x3;
	v0 =	vshrl.u32 v0, $0x3  }
0x245: {  	(v2sf) =	vpush v1, $0x0  }
0x246: {  	(v2sf) =	vpush v1, $0x1;
	_ =	sdelay $0x1  }
0x247: {  	(v2sf) =	vpush v1, $0x2;
	_ =	sdelay $0x1  }
0x248: {  	(v2sf) =	vpush v1, $0x3;
	_ =	sdelay $0x1  }
0x249: {  	(v2sf) =	vpush v1, $0x4;
	_ =	sdelay $0x1  }
0x24a: {  	(v2sf) =	vpush v1, $0x5;
	_ =	sdelay $0x1  }
0x24b: {  	(v2sf) =	vpush v1, $0x6;
	_ =	sdelay $0x1  }
0x24c: {  	(v2sf) =	vpush v1, $0x7;
	_ =	sdelay $0x1  }
0x24d: {  	s0 =	sshra.s32 s0, $0x2;
	s31 =	sadd.s32 $0x10, s31;
	s4 =	spop (v2sf);
	(v2sf) =	vpush v0, $0x8  }
0x24e: {  	s13 =	sadd.s32 $0x4400, s0;
	s4 =	sadd.s32 s1, s4;
	s14 =	spop (v2sf)  }
0x24f: {  	[tilespmem:s13], [sflag:$0x1] =	stream.linear.gather [hbm4b:s4+s3], $0x80, $0x38;
	(v2sf) =	vpush v0, $0x9;
	[tilespmem:$0x8400] =	vst v63  }
0x250: {  	s4 =	sadd.s32 $0x4480, s0;
	s13 =	sadd.s32 s14, s5;
	s14 =	spop (v2sf)  }
0x251: {  	[tilespmem:s4], [sflag:$0x1] =	stream.linear.gather [hbm4b:s13+s3], $0x80, $0x38;
	(v2sf) =	vpush v0, $0xA;
	[tilespmem:$0x8400] =	vst v63  }
0x252: {  	s4 =	sadd.s32 $0x4500, s0;
	s13 =	sadd.s32 s14, s6;
	s14 =	spop (v2sf)  }
0x253: {  	[tilespmem:s4], [sflag:$0x1] =	stream.linear.gather [hbm4b:s13+s3], $0x80, $0x38;
	(v2sf) =	vpush v0, $0xB;
	[tilespmem:$0x8400] =	vst v63  }
0x254: {  	s4 =	sadd.s32 $0x4580, s0;
	s13 =	sadd.s32 s14, s7;
	s14 =	spop (v2sf)  }
0x255: {  	[tilespmem:s4], [sflag:$0x1] =	stream.linear.gather [hbm4b:s13+s3], $0x80, $0x38;
	(v2sf) =	vpush v0, $0xC;
	[tilespmem:$0x8400] =	vst v63  }
0x256: {  	s4 =	sadd.s32 $0x4600, s0;
	s13 =	sadd.s32 s14, s8;
	s14 =	spop (v2sf)  }
0x257: {  	[tilespmem:s4], [sflag:$0x1] =	stream.linear.gather [hbm4b:s13+s3], $0x80, $0x38;
	(v2sf) =	vpush v0, $0xD;
	[tilespmem:$0x8400] =	vst v63  }
0x258: {  	s4 =	sadd.s32 $0x4680, s0;
	s13 =	sadd.s32 s14, s9;
	s14 =	spop (v2sf)  }
0x259: {  	[tilespmem:s4], [sflag:$0x1] =	stream.linear.gather [hbm4b:s13+s3], $0x80, $0x38;
	(v2sf) =	vpush v0, $0xE;
	[tilespmem:$0x8400] =	vst v63  }
0x25a: {  	s4 =	sadd.s32 $0x4700, s0;
	s13 =	sadd.s32 s14, s10;
	s14 =	spop (v2sf)  }
0x25b: {  	[tilespmem:s4], [sflag:$0x1] =	stream.linear.gather [hbm4b:s13+s3], $0x80, $0x38;
	(v2sf) =	vpush v0, $0xF;
	[tilespmem:$0x8400] =	vst v63  }
0x25c: {  	s4 =	sadd.s32 $0x4780, s0;
	s13 =	sadd.s32 s14, s11;
	s14 =	spop (v2sf)  }
0x25d: {  	[tilespmem:s4], [sflag:$0x1] =	stream.linear.gather [hbm4b:s13+s3], $0x80, $0x38;
	[tilespmem:$0x8400] =	vst v63  }
0x25e: {  	s4 =	sadd.s32 $0x4800, s0;
	s13 =	sadd.s32 s1, s14;
	s14 =	spop (v2sf)  }
0x25f: {  	[tilespmem:s4], [sflag:$0x1] =	stream.linear.gather [hbm4b:s13+s3], $0x80, $0x38;
	[tilespmem:$0x8400] =	vst v63  }
0x260: {  	s4 =	sadd.s32 $0x4880, s0;
	s13 =	sadd.s32 s14, s5;
	s14 =	spop (v2sf)  }
0x261: {  	[tilespmem:s4], [sflag:$0x1] =	stream.linear.gather [hbm4b:s13+s3], $0x80, $0x38;
	[tilespmem:$0x8400] =	vst v63  }
0x262: {  	s4 =	sadd.s32 $0x4900, s0;
	s13 =	sadd.s32 s14, s6;
	s14 =	spop (v2sf)  }
0x263: {  	[tilespmem:s4], [sflag:$0x1] =	stream.linear.gather [hbm4b:s13+s3], $0x80, $0x38;
	[tilespmem:$0x8400] =	vst v63  }
0x264: {  	s4 =	sadd.s32 $0x4980, s0;
	s13 =	sadd.s32 s14, s7;
	s14 =	spop (v2sf)  }
0x265: {  	[tilespmem:s4], [sflag:$0x1] =	stream.linear.gather [hbm4b:s13+s3], $0x80, $0x38;
	[tilespmem:$0x8400] =	vst v63  }
0x266: {  	s4 =	sadd.s32 $0x4A00, s0;
	s13 =	sadd.s32 s14, s8;
	s14 =	spop (v2sf)  }
0x267: {  	[tilespmem:s4], [sflag:$0x1] =	stream.linear.gather [hbm4b:s13+s3], $0x80, $0x38;
	[tilespmem:$0x8400] =	vst v63  }
0x268: {  	s4 =	sadd.s32 $0x4A80, s0  }
.Ltmp5:
0x269: {  	s13 =	sadd.s32 s14, s9;
	s14 =	spop (v2sf);
	(pc) =	sbr.rel @p0 .LBB2_12-.Ltmp5, $4  }
0x26a: {  	[tilespmem:s4], [sflag:$0x1] =	stream.linear.gather [hbm4b:s13+s3], $0x80, $0x38;
	[tilespmem:$0x8400] =	vst v63  }
0x26b: {  	s4 =	sadd.s32 $0x4B00, s0;
	s13 =	sadd.s32 s14, s10;
	s14 =	spop (v2sf)  }
0x26c: {  	[tilespmem:s4], [sflag:$0x1] =	stream.linear.gather [hbm4b:s13+s3], $0x80, $0x38;
	[tilespmem:$0x8400] =	vst v63  }
0x26d: {  	s2 =	sadd.s32 $0x8000, s2;
	s0 =	sadd.s32 $0x4B80, s0;
	s4 =	sadd.s32 s14, s11  }
0x26e: {  	[tilespmem:s0], [sflag:$0x1] =	stream.linear.gather [hbm4b:s4+s3], $0x80, $0x38;
	[tilespmem:$0x8400] =	vst v63  }
0x26f: {  	_ =	swait.ge [sflag:s24], $0x4000  }
0x270: {  	[sflag:s24] =	ssyncset.done $0x0  }
0x271: {  	s16 =	simm.s32 $0x0;
	s2 =	rddreg [dreg:$0x8];
	[sflag:s24] =	ssyncadd.s32 $0xFFFFC000  }
0x272: {  	[hbm4b:s2+s16] =	stream.linear.scatter [tilespmem:s25], [sflag:$0x2], $0x4000, $0x38;
	[tilespmem:$0x8400] =	vst v63  }
0x273: {  	_ =	swait.ge [sflag:s26], $0x4000  }
0x274: {  	[sflag:s26] =	ssyncset.done $0x0  }
0x275: {  	s2 =	simm.s32 $0x300;
	[sflag:s26] =	ssyncadd.s32 $0xFFFFC000  }
0x276: {  	v0 =	vld [tilespmem:s2+$0x0];
	_ =	sdelay $0x4  }
0x277: {  	s4 =	sor.u32 $0x180000, s19;
	v0 =	vshll.u32 v0, $0xA  }
0x278: {  	v1 =	vadd.s32 s4, v0  }
0x279: {  	v1 =	vshrl.u32 v1, $0x3  }
0x27a: {  	(v2sf) =	vpush v1, $0x0  }
0x27b: {  	(v2sf) =	vpush v1, $0x1;
	_ =	sdelay $0x1  }
0x27c: {  	(v2sf) =	vpush v1, $0x2;
	_ =	sdelay $0x1  }
0x27d: {  	(v2sf) =	vpush v1, $0x3;
	_ =	sdelay $0x1  }
0x27e: {  	(v2sf) =	vpush v1, $0x4;
	_ =	sdelay $0x1  }
0x27f: {  	(v2sf) =	vpush v1, $0x5;
	_ =	sdelay $0x1  }
0x280: {  	(v2sf) =	vpush v1, $0x6  }
0x281: {  	s13 =	sor.u32 $0x184000, s19  }
0x282: {  	v0 =	vadd.s32 s13, v0;
	(v2sf) =	vpush v1, $0x7  }
0x283: {  	v0 =	vshrl.u32 v0, $0x3  }
0x284: {  	s14 =	spop (v2sf);
	(v2sf) =	vpush v0, $0x8  }
0x285: {  	s15 =	simm.s32 $0x400;
	s0 =	sadd.s32 s1, s14;
	s16 =	spop (v2sf)  }
0x286: {  	(v2sf) =	vpush v0, $0x9;
	[tilespmem:s15], [sflag:$0x1] =	stream.linear.gather [hbm4b:s0+s3], $0x80, $0x38;
	[tilespmem:$0x8400] =	vst v63  }
0x287: {  	s2 =	simm.s32 $0x480;
	s4 =	sadd.s32 s16, s5;
	s13 =	spop (v2sf)  }
0x288: {  	(v2sf) =	vpush v0, $0xA;
	[tilespmem:s2], [sflag:$0x1] =	stream.linear.gather [hbm4b:s4+s3], $0x80, $0x38;
	[tilespmem:$0x8400] =	vst v63  }
0x289: {  	s14 =	simm.s32 $0x500;
	s15 =	sadd.s32 s13, s6;
	s16 =	spop (v2sf)  }
0x28a: {  	(v2sf) =	vpush v0, $0xB;
	[tilespmem:s14], [sflag:$0x1] =	stream.linear.gather [hbm4b:s15+s3], $0x80, $0x38;
	[tilespmem:$0x8400] =	vst v63  }
0x28b: {  	s2 =	simm.s32 $0x580;
	s4 =	sadd.s32 s16, s7;
	s13 =	spop (v2sf)  }
0x28c: {  	(v2sf) =	vpush v0, $0xC;
	[tilespmem:s2], [sflag:$0x1] =	stream.linear.gather [hbm4b:s4+s3], $0x80, $0x38;
	[tilespmem:$0x8400] =	vst v63  }
0x28d: {  	s16 =	spop (v2sf);
	s14 =	simm.s32 $0x600;
	s15 =	sadd.s32 s13, s8  }
0x28e: {  	(v2sf) =	vpush v0, $0xD;
	[tilespmem:s14], [sflag:$0x1] =	stream.linear.gather [hbm4b:s15+s3], $0x80, $0x38;
	[tilespmem:$0x8400] =	vst v63  }
0x28f: {  	s13 =	spop (v2sf);
	s2 =	simm.s32 $0x680;
	s4 =	sadd.s32 s16, s9  }
0x290: {  	(v2sf) =	vpush v0, $0xE;
	[tilespmem:s2], [sflag:$0x1] =	stream.linear.gather [hbm4b:s4+s3], $0x80, $0x38;
	[tilespmem:$0x8400] =	vst v63  }
0x291: {  	s16 =	spop (v2sf);
	s14 =	simm.s32 $0x700;
	s15 =	sadd.s32 s13, s10  }
0x292: {  	[tilespmem:s14], [sflag:$0x1] =	stream.linear.gather [hbm4b:s15+s3], $0x80, $0x38;
	[tilespmem:$0x8400] =	vst v63  }
0x293: {  	s2 =	simm.s32 $0x780;
	s4 =	sadd.s32 s16, s11;
	s13 =	spop (v2sf)  }
0x294: {  	(v2sf) =	vpush v0, $0xF;
	[tilespmem:s2], [sflag:$0x1] =	stream.linear.gather [hbm4b:s4+s3], $0x80, $0x38;
	[tilespmem:$0x8400] =	vst v63  }
0x295: {  	s14 =	simm.s32 $0x800;
	s15 =	sadd.s32 s1, s13;
	s16 =	spop (v2sf)  }
0x296: {  	[tilespmem:s14], [sflag:$0x1] =	stream.linear.gather [hbm4b:s15+s3], $0x80, $0x38;
	[tilespmem:$0x8400] =	vst v63  }
0x297: {  	s2 =	simm.s32 $0x880;
	s4 =	sadd.s32 s16, s5;
	s13 =	spop (v2sf)  }
0x298: {  	[tilespmem:s2], [sflag:$0x1] =	stream.linear.gather [hbm4b:s4+s3], $0x80, $0x38;
	[tilespmem:$0x8400] =	vst v63  }
0x299: {  	s14 =	simm.s32 $0x900;
	s15 =	sadd.s32 s13, s6;
	s16 =	spop (v2sf)  }
0x29a: {  	[tilespmem:s14], [sflag:$0x1] =	stream.linear.gather [hbm4b:s15+s3], $0x80, $0x38;
	[tilespmem:$0x8400] =	vst v63  }
0x29b: {  	s13 =	spop (v2sf);
	s2 =	simm.s32 $0x980;
	s4 =	sadd.s32 s16, s7  }
0x29c: {  	[tilespmem:s2], [sflag:$0x1] =	stream.linear.gather [hbm4b:s4+s3], $0x80, $0x38;
	[tilespmem:$0x8400] =	vst v63  }
0x29d: {  	s16 =	spop (v2sf);
	s14 =	simm.s32 $0xA00;
	s15 =	sadd.s32 s13, s8  }
0x29e: {  	[tilespmem:s14], [sflag:$0x1] =	stream.linear.gather [hbm4b:s15+s3], $0x80, $0x38;
	[tilespmem:$0x8400] =	vst v63  }
0x29f: {  	s13 =	spop (v2sf);
	s2 =	simm.s32 $0xA80;
	s4 =	sadd.s32 s16, s9  }
0x2a0: {  	[tilespmem:s2], [sflag:$0x1] =	stream.linear.gather [hbm4b:s4+s3], $0x80, $0x38;
	[tilespmem:$0x8400] =	vst v63  }
0x2a1: {  	s14 =	simm.s32 $0xB00;
	s15 =	sadd.s32 s13, s10  }
0x2a2: {  	[tilespmem:s14], [sflag:$0x1] =	stream.linear.gather [hbm4b:s15+s3], $0x80, $0x38;
	[tilespmem:$0x8400] =	vst v63  }
0x2a3: {  	s30 =	simm.s32 $0x2000;
	s31 =	simm.s32 $0x310;
	s16 =	spop (v2sf)  }
0x2a4: {  	s0 =	simm.s32 $0xB80;
	s2 =	sadd.s32 $0x8000, s19;
	s4 =	sadd.s32 s16, s11  }
.LBB2_14:
0x2a5: {  	[tilespmem:s0], [sflag:$0x1] =	stream.linear.gather [hbm4b:s4+s3], $0x80, $0x38;
	[tilespmem:$0x8400] =	vst v63  }
0x2a6: {  	p0 =	sne.s32 s30, $0xE000;
	s0 =	smov.u32 s30;
	s30 =	sadd.s32 $0x2000, s30  }
0x2a7: {  	v0 =	vld [tilespmem:s31+$0x0];
	_ =	sdelay $0x4  }
0x2a8: {  	s4 =	sor.u32 $0x180000, s2;
	s13 =	sor.u32 $0x184000, s2;
	v0 =	vshll.u32 v0, $0xA  }
0x2a9: {  	v1 =	vadd.s32 s4, v0;
	v0 =	vadd.s32 s13, v0  }
0x2aa: {  	v1 =	vshrl.u32 v1, $0x3;
	v0 =	vshrl.u32 v0, $0x3  }
0x2ab: {  	(v2sf) =	vpush v1, $0x0  }
0x2ac: {  	(v2sf) =	vpush v1, $0x1;
	_ =	sdelay $0x1  }
0x2ad: {  	(v2sf) =	vpush v1, $0x2;
	_ =	sdelay $0x1  }
0x2ae: {  	(v2sf) =	vpush v1, $0x3;
	_ =	sdelay $0x1  }
0x2af: {  	(v2sf) =	vpush v1, $0x4;
	_ =	sdelay $0x1  }
0x2b0: {  	(v2sf) =	vpush v1, $0x5;
	_ =	sdelay $0x1  }
0x2b1: {  	(v2sf) =	vpush v1, $0x6;
	_ =	sdelay $0x1  }
0x2b2: {  	(v2sf) =	vpush v1, $0x7;
	_ =	sdelay $0x1  }
0x2b3: {  	s0 =	sshra.s32 s0, $0x2;
	s31 =	sadd.s32 $0x10, s31;
	s4 =	spop (v2sf);
	(v2sf) =	vpush v0, $0x8  }
0x2b4: {  	s13 =	sadd.s32 $0x400, s0;
	s4 =	sadd.s32 s1, s4;
	s14 =	spop (v2sf)  }
0x2b5: {  	[tilespmem:s13], [sflag:$0x1] =	stream.linear.gather [hbm4b:s4+s3], $0x80, $0x38;
	(v2sf) =	vpush v0, $0x9;
	[tilespmem:$0x8400] =	vst v63  }
0x2b6: {  	s4 =	sadd.s32 $0x480, s0;
	s13 =	sadd.s32 s14, s5;
	s14 =	spop (v2sf)  }
0x2b7: {  	[tilespmem:s4], [sflag:$0x1] =	stream.linear.gather [hbm4b:s13+s3], $0x80, $0x38;
	(v2sf) =	vpush v0, $0xA;
	[tilespmem:$0x8400] =	vst v63  }
0x2b8: {  	s4 =	sadd.s32 $0x500, s0;
	s13 =	sadd.s32 s14, s6;
	s14 =	spop (v2sf)  }
0x2b9: {  	[tilespmem:s4], [sflag:$0x1] =	stream.linear.gather [hbm4b:s13+s3], $0x80, $0x38;
	(v2sf) =	vpush v0, $0xB;
	[tilespmem:$0x8400] =	vst v63  }
0x2ba: {  	s4 =	sadd.s32 $0x580, s0;
	s13 =	sadd.s32 s14, s7;
	s14 =	spop (v2sf)  }
0x2bb: {  	[tilespmem:s4], [sflag:$0x1] =	stream.linear.gather [hbm4b:s13+s3], $0x80, $0x38;
	(v2sf) =	vpush v0, $0xC;
	[tilespmem:$0x8400] =	vst v63  }
0x2bc: {  	s4 =	sadd.s32 $0x600, s0;
	s13 =	sadd.s32 s14, s8;
	s14 =	spop (v2sf)  }
0x2bd: {  	[tilespmem:s4], [sflag:$0x1] =	stream.linear.gather [hbm4b:s13+s3], $0x80, $0x38;
	(v2sf) =	vpush v0, $0xD;
	[tilespmem:$0x8400] =	vst v63  }
0x2be: {  	s4 =	sadd.s32 $0x680, s0;
	s13 =	sadd.s32 s14, s9;
	s14 =	spop (v2sf)  }
0x2bf: {  	[tilespmem:s4], [sflag:$0x1] =	stream.linear.gather [hbm4b:s13+s3], $0x80, $0x38;
	(v2sf) =	vpush v0, $0xE;
	[tilespmem:$0x8400] =	vst v63  }
0x2c0: {  	s4 =	sadd.s32 $0x700, s0;
	s13 =	sadd.s32 s14, s10;
	s14 =	spop (v2sf)  }
0x2c1: {  	[tilespmem:s4], [sflag:$0x1] =	stream.linear.gather [hbm4b:s13+s3], $0x80, $0x38;
	(v2sf) =	vpush v0, $0xF;
	[tilespmem:$0x8400] =	vst v63  }
0x2c2: {  	s4 =	sadd.s32 $0x780, s0;
	s13 =	sadd.s32 s14, s11;
	s14 =	spop (v2sf)  }
0x2c3: {  	[tilespmem:s4], [sflag:$0x1] =	stream.linear.gather [hbm4b:s13+s3], $0x80, $0x38;
	[tilespmem:$0x8400] =	vst v63  }
0x2c4: {  	s4 =	sadd.s32 $0x800, s0;
	s13 =	sadd.s32 s1, s14;
	s14 =	spop (v2sf)  }
0x2c5: {  	[tilespmem:s4], [sflag:$0x1] =	stream.linear.gather [hbm4b:s13+s3], $0x80, $0x38;
	[tilespmem:$0x8400] =	vst v63  }
0x2c6: {  	s4 =	sadd.s32 $0x880, s0;
	s13 =	sadd.s32 s14, s5;
	s14 =	spop (v2sf)  }
0x2c7: {  	[tilespmem:s4], [sflag:$0x1] =	stream.linear.gather [hbm4b:s13+s3], $0x80, $0x38;
	[tilespmem:$0x8400] =	vst v63  }
0x2c8: {  	s4 =	sadd.s32 $0x900, s0;
	s13 =	sadd.s32 s14, s6;
	s14 =	spop (v2sf)  }
0x2c9: {  	[tilespmem:s4], [sflag:$0x1] =	stream.linear.gather [hbm4b:s13+s3], $0x80, $0x38;
	[tilespmem:$0x8400] =	vst v63  }
0x2ca: {  	s4 =	sadd.s32 $0x980, s0;
	s13 =	sadd.s32 s14, s7;
	s14 =	spop (v2sf)  }
0x2cb: {  	[tilespmem:s4], [sflag:$0x1] =	stream.linear.gather [hbm4b:s13+s3], $0x80, $0x38;
	[tilespmem:$0x8400] =	vst v63  }
0x2cc: {  	s4 =	sadd.s32 $0xA00, s0;
	s13 =	sadd.s32 s14, s8;
	s14 =	spop (v2sf)  }
0x2cd: {  	[tilespmem:s4], [sflag:$0x1] =	stream.linear.gather [hbm4b:s13+s3], $0x80, $0x38;
	[tilespmem:$0x8400] =	vst v63  }
0x2ce: {  	s4 =	sadd.s32 $0xA80, s0  }
.Ltmp6:
0x2cf: {  	s13 =	sadd.s32 s14, s9;
	s14 =	spop (v2sf);
	(pc) =	sbr.rel @p0 .LBB2_14-.Ltmp6, $4  }
0x2d0: {  	[tilespmem:s4], [sflag:$0x1] =	stream.linear.gather [hbm4b:s13+s3], $0x80, $0x38;
	[tilespmem:$0x8400] =	vst v63  }
0x2d1: {  	s4 =	sadd.s32 $0xB00, s0;
	s13 =	sadd.s32 s14, s10;
	s14 =	spop (v2sf)  }
0x2d2: {  	[tilespmem:s4], [sflag:$0x1] =	stream.linear.gather [hbm4b:s13+s3], $0x80, $0x38;
	[tilespmem:$0x8400] =	vst v63  }
0x2d3: {  	s2 =	sadd.s32 $0x8000, s2;
	s0 =	sadd.s32 $0xB80, s0;
	s4 =	sadd.s32 s14, s11  }
0x2d4: {  	[tilespmem:s0], [sflag:$0x1] =	stream.linear.gather [hbm4b:s4+s3], $0x80, $0x38;
	[tilespmem:$0x8400] =	vst v63  }
0x2d5: {  	_ =	swait.ge [sflag:s24], $0x4000  }
0x2d6: {  	[sflag:s24] =	ssyncset.done $0x0  }
0x2d7: {  	s2 =	simm.s32 $0x0;
	[sflag:s24] =	ssyncadd.s32 $0xFFFFC000  }
0x2d8: {  	[hbm4b:s17+s2] =	stream.linear.scatter [tilespmem:s28], [sflag:$0x2], $0x4000, $0x38;
	[tilespmem:$0x8400] =	vst v63  }
0x2d9: {  	_ =	swait.ge [sflag:s26], $0x4000  }
0x2da: {  	[sflag:s26] =	ssyncset.done $0x0  }
0x2db: {  	s4 =	simm.s32 $0x380;
	[sflag:s26] =	ssyncadd.s32 $0xFFFFC000  }
0x2dc: {  	v0 =	vld [tilespmem:s4+$0x0];
	_ =	sdelay $0x4  }
0x2dd: {  	s13 =	sor.u32 $0x1C0000, s19;
	v0 =	vshll.u32 v0, $0xA  }
0x2de: {  	v1 =	vadd.s32 s13, v0  }
0x2df: {  	v1 =	vshrl.u32 v1, $0x3  }
0x2e0: {  	(v2sf) =	vpush v1, $0x0  }
0x2e1: {  	(v2sf) =	vpush v1, $0x1;
	_ =	sdelay $0x1  }
0x2e2: {  	(v2sf) =	vpush v1, $0x2;
	_ =	sdelay $0x1  }
0x2e3: {  	(v2sf) =	vpush v1, $0x3;
	_ =	sdelay $0x1  }
0x2e4: {  	(v2sf) =	vpush v1, $0x4;
	_ =	sdelay $0x1  }
0x2e5: {  	(v2sf) =	vpush v1, $0x5;
	_ =	sdelay $0x1  }
0x2e6: {  	(v2sf) =	vpush v1, $0x6  }
0x2e7: {  	s14 =	sor.u32 $0x1C4000, s19  }
0x2e8: {  	v0 =	vadd.s32 s14, v0;
	(v2sf) =	vpush v1, $0x7  }
0x2e9: {  	v0 =	vshrl.u32 v0, $0x3  }
0x2ea: {  	s15 =	spop (v2sf);
	(v2sf) =	vpush v0, $0x8  }
0x2eb: {  	s2 =	simm.s32 $0x4400;
	s0 =	sadd.s32 s1, s15;
	s16 =	spop (v2sf)  }
0x2ec: {  	(v2sf) =	vpush v0, $0x9;
	[tilespmem:s2], [sflag:$0x1] =	stream.linear.gather [hbm4b:s0+s3], $0x80, $0x38;
	[tilespmem:$0x8400] =	vst v63  }
0x2ed: {  	s2 =	simm.s32 $0x4480;
	s4 =	sadd.s32 s16, s5;
	s13 =	spop (v2sf)  }
0x2ee: {  	(v2sf) =	vpush v0, $0xA;
	[tilespmem:s2], [sflag:$0x1] =	stream.linear.gather [hbm4b:s4+s3], $0x80, $0x38;
	[tilespmem:$0x8400] =	vst v63  }
0x2ef: {  	s14 =	simm.s32 $0x4500;
	s15 =	sadd.s32 s13, s6;
	s16 =	spop (v2sf)  }
0x2f0: {  	(v2sf) =	vpush v0, $0xB;
	[tilespmem:s14], [sflag:$0x1] =	stream.linear.gather [hbm4b:s15+s3], $0x80, $0x38;
	[tilespmem:$0x8400] =	vst v63  }
0x2f1: {  	s2 =	simm.s32 $0x4580;
	s4 =	sadd.s32 s16, s7;
	s13 =	spop (v2sf)  }
0x2f2: {  	(v2sf) =	vpush v0, $0xC;
	[tilespmem:s2], [sflag:$0x1] =	stream.linear.gather [hbm4b:s4+s3], $0x80, $0x38;
	[tilespmem:$0x8400] =	vst v63  }
0x2f3: {  	s16 =	spop (v2sf);
	s14 =	simm.s32 $0x4600;
	s15 =	sadd.s32 s13, s8  }
0x2f4: {  	(v2sf) =	vpush v0, $0xD;
	[tilespmem:s14], [sflag:$0x1] =	stream.linear.gather [hbm4b:s15+s3], $0x80, $0x38;
	[tilespmem:$0x8400] =	vst v63  }
0x2f5: {  	s13 =	spop (v2sf);
	s2 =	simm.s32 $0x4680;
	s4 =	sadd.s32 s16, s9  }
0x2f6: {  	(v2sf) =	vpush v0, $0xE;
	[tilespmem:s2], [sflag:$0x1] =	stream.linear.gather [hbm4b:s4+s3], $0x80, $0x38;
	[tilespmem:$0x8400] =	vst v63  }
0x2f7: {  	s16 =	spop (v2sf);
	s14 =	simm.s32 $0x4700;
	s15 =	sadd.s32 s13, s10  }
0x2f8: {  	[tilespmem:s14], [sflag:$0x1] =	stream.linear.gather [hbm4b:s15+s3], $0x80, $0x38;
	[tilespmem:$0x8400] =	vst v63  }
0x2f9: {  	s2 =	simm.s32 $0x4780;
	s4 =	sadd.s32 s16, s11;
	s13 =	spop (v2sf)  }
0x2fa: {  	(v2sf) =	vpush v0, $0xF;
	[tilespmem:s2], [sflag:$0x1] =	stream.linear.gather [hbm4b:s4+s3], $0x80, $0x38;
	[tilespmem:$0x8400] =	vst v63  }
0x2fb: {  	s14 =	simm.s32 $0x4800;
	s15 =	sadd.s32 s1, s13;
	s16 =	spop (v2sf)  }
0x2fc: {  	[tilespmem:s14], [sflag:$0x1] =	stream.linear.gather [hbm4b:s15+s3], $0x80, $0x38;
	[tilespmem:$0x8400] =	vst v63  }
0x2fd: {  	s2 =	simm.s32 $0x4880;
	s4 =	sadd.s32 s16, s5;
	s13 =	spop (v2sf)  }
0x2fe: {  	[tilespmem:s2], [sflag:$0x1] =	stream.linear.gather [hbm4b:s4+s3], $0x80, $0x38;
	[tilespmem:$0x8400] =	vst v63  }
0x2ff: {  	s14 =	simm.s32 $0x4900;
	s15 =	sadd.s32 s13, s6;
	s16 =	spop (v2sf)  }
0x300: {  	[tilespmem:s14], [sflag:$0x1] =	stream.linear.gather [hbm4b:s15+s3], $0x80, $0x38;
	[tilespmem:$0x8400] =	vst v63  }
0x301: {  	s13 =	spop (v2sf);
	s2 =	simm.s32 $0x4980;
	s4 =	sadd.s32 s16, s7  }
0x302: {  	[tilespmem:s2], [sflag:$0x1] =	stream.linear.gather [hbm4b:s4+s3], $0x80, $0x38;
	[tilespmem:$0x8400] =	vst v63  }
0x303: {  	s16 =	spop (v2sf);
	s14 =	simm.s32 $0x4A00;
	s15 =	sadd.s32 s13, s8  }
0x304: {  	[tilespmem:s14], [sflag:$0x1] =	stream.linear.gather [hbm4b:s15+s3], $0x80, $0x38;
	[tilespmem:$0x8400] =	vst v63  }
0x305: {  	s13 =	spop (v2sf);
	s2 =	simm.s32 $0x4A80;
	s4 =	sadd.s32 s16, s9  }
0x306: {  	[tilespmem:s2], [sflag:$0x1] =	stream.linear.gather [hbm4b:s4+s3], $0x80, $0x38;
	[tilespmem:$0x8400] =	vst v63  }
0x307: {  	s14 =	simm.s32 $0x4B00;
	s15 =	sadd.s32 s13, s10  }
0x308: {  	[tilespmem:s14], [sflag:$0x1] =	stream.linear.gather [hbm4b:s15+s3], $0x80, $0x38;
	[tilespmem:$0x8400] =	vst v63  }
0x309: {  	s30 =	simm.s32 $0x2000;
	s31 =	simm.s32 $0x390;
	s16 =	spop (v2sf)  }
0x30a: {  	s0 =	simm.s32 $0x4B80;
	s2 =	sadd.s32 $0x8000, s19;
	s4 =	sadd.s32 s16, s11  }
.LBB2_16:
0x30b: {  	[tilespmem:s0], [sflag:$0x1] =	stream.linear.gather [hbm4b:s4+s3], $0x80, $0x38;
	[tilespmem:$0x8400] =	vst v63  }
0x30c: {  	p0 =	sne.s32 s30, $0xE000;
	s0 =	smov.u32 s30;
	s30 =	sadd.s32 $0x2000, s30  }
0x30d: {  	v0 =	vld [tilespmem:s31+$0x0];
	_ =	sdelay $0x4  }
0x30e: {  	s4 =	sor.u32 $0x1C0000, s2;
	s13 =	sor.u32 $0x1C4000, s2;
	v0 =	vshll.u32 v0, $0xA  }
0x30f: {  	v1 =	vadd.s32 s4, v0;
	v0 =	vadd.s32 s13, v0  }
0x310: {  	v1 =	vshrl.u32 v1, $0x3;
	v0 =	vshrl.u32 v0, $0x3  }
0x311: {  	(v2sf) =	vpush v1, $0x0  }
0x312: {  	(v2sf) =	vpush v1, $0x1;
	_ =	sdelay $0x1  }
0x313: {  	(v2sf) =	vpush v1, $0x2;
	_ =	sdelay $0x1  }
0x314: {  	(v2sf) =	vpush v1, $0x3;
	_ =	sdelay $0x1  }
0x315: {  	(v2sf) =	vpush v1, $0x4;
	_ =	sdelay $0x1  }
0x316: {  	(v2sf) =	vpush v1, $0x5;
	_ =	sdelay $0x1  }
0x317: {  	(v2sf) =	vpush v1, $0x6;
	_ =	sdelay $0x1  }
0x318: {  	(v2sf) =	vpush v1, $0x7;
	_ =	sdelay $0x1  }
0x319: {  	s0 =	sshra.s32 s0, $0x2;
	s31 =	sadd.s32 $0x10, s31;
	s4 =	spop (v2sf);
	(v2sf) =	vpush v0, $0x8  }
0x31a: {  	s13 =	sadd.s32 $0x4400, s0;
	s4 =	sadd.s32 s1, s4;
	s14 =	spop (v2sf)  }
0x31b: {  	[tilespmem:s13], [sflag:$0x1] =	stream.linear.gather [hbm4b:s4+s3], $0x80, $0x38;
	(v2sf) =	vpush v0, $0x9;
	[tilespmem:$0x8400] =	vst v63  }
0x31c: {  	s4 =	sadd.s32 $0x4480, s0;
	s13 =	sadd.s32 s14, s5;
	s14 =	spop (v2sf)  }
0x31d: {  	[tilespmem:s4], [sflag:$0x1] =	stream.linear.gather [hbm4b:s13+s3], $0x80, $0x38;
	(v2sf) =	vpush v0, $0xA;
	[tilespmem:$0x8400] =	vst v63  }
0x31e: {  	s4 =	sadd.s32 $0x4500, s0;
	s13 =	sadd.s32 s14, s6;
	s14 =	spop (v2sf)  }
0x31f: {  	[tilespmem:s4], [sflag:$0x1] =	stream.linear.gather [hbm4b:s13+s3], $0x80, $0x38;
	(v2sf) =	vpush v0, $0xB;
	[tilespmem:$0x8400] =	vst v63  }
0x320: {  	s4 =	sadd.s32 $0x4580, s0;
	s13 =	sadd.s32 s14, s7;
	s14 =	spop (v2sf)  }
0x321: {  	[tilespmem:s4], [sflag:$0x1] =	stream.linear.gather [hbm4b:s13+s3], $0x80, $0x38;
	(v2sf) =	vpush v0, $0xC;
	[tilespmem:$0x8400] =	vst v63  }
0x322: {  	s4 =	sadd.s32 $0x4600, s0;
	s13 =	sadd.s32 s14, s8;
	s14 =	spop (v2sf)  }
0x323: {  	[tilespmem:s4], [sflag:$0x1] =	stream.linear.gather [hbm4b:s13+s3], $0x80, $0x38;
	(v2sf) =	vpush v0, $0xD;
	[tilespmem:$0x8400] =	vst v63  }
0x324: {  	s4 =	sadd.s32 $0x4680, s0;
	s13 =	sadd.s32 s14, s9;
	s14 =	spop (v2sf)  }
0x325: {  	[tilespmem:s4], [sflag:$0x1] =	stream.linear.gather [hbm4b:s13+s3], $0x80, $0x38;
	(v2sf) =	vpush v0, $0xE;
	[tilespmem:$0x8400] =	vst v63  }
0x326: {  	s4 =	sadd.s32 $0x4700, s0;
	s13 =	sadd.s32 s14, s10;
	s14 =	spop (v2sf)  }
0x327: {  	[tilespmem:s4], [sflag:$0x1] =	stream.linear.gather [hbm4b:s13+s3], $0x80, $0x38;
	(v2sf) =	vpush v0, $0xF;
	[tilespmem:$0x8400] =	vst v63  }
0x328: {  	s4 =	sadd.s32 $0x4780, s0;
	s13 =	sadd.s32 s14, s11;
	s14 =	spop (v2sf)  }
0x329: {  	[tilespmem:s4], [sflag:$0x1] =	stream.linear.gather [hbm4b:s13+s3], $0x80, $0x38;
	[tilespmem:$0x8400] =	vst v63  }
0x32a: {  	s4 =	sadd.s32 $0x4800, s0;
	s13 =	sadd.s32 s1, s14;
	s14 =	spop (v2sf)  }
0x32b: {  	[tilespmem:s4], [sflag:$0x1] =	stream.linear.gather [hbm4b:s13+s3], $0x80, $0x38;
	[tilespmem:$0x8400] =	vst v63  }
0x32c: {  	s4 =	sadd.s32 $0x4880, s0;
	s13 =	sadd.s32 s14, s5;
	s14 =	spop (v2sf)  }
0x32d: {  	[tilespmem:s4], [sflag:$0x1] =	stream.linear.gather [hbm4b:s13+s3], $0x80, $0x38;
	[tilespmem:$0x8400] =	vst v63  }
0x32e: {  	s4 =	sadd.s32 $0x4900, s0;
	s13 =	sadd.s32 s14, s6;
	s14 =	spop (v2sf)  }
0x32f: {  	[tilespmem:s4], [sflag:$0x1] =	stream.linear.gather [hbm4b:s13+s3], $0x80, $0x38;
	[tilespmem:$0x8400] =	vst v63  }
0x330: {  	s4 =	sadd.s32 $0x4980, s0;
	s13 =	sadd.s32 s14, s7;
	s14 =	spop (v2sf)  }
0x331: {  	[tilespmem:s4], [sflag:$0x1] =	stream.linear.gather [hbm4b:s13+s3], $0x80, $0x38;
	[tilespmem:$0x8400] =	vst v63  }
0x332: {  	s4 =	sadd.s32 $0x4A00, s0;
	s13 =	sadd.s32 s14, s8;
	s14 =	spop (v2sf)  }
0x333: {  	[tilespmem:s4], [sflag:$0x1] =	stream.linear.gather [hbm4b:s13+s3], $0x80, $0x38;
	[tilespmem:$0x8400] =	vst v63  }
0x334: {  	s4 =	sadd.s32 $0x4A80, s0  }
.Ltmp7:
0x335: {  	s13 =	sadd.s32 s14, s9;
	s14 =	spop (v2sf);
	(pc) =	sbr.rel @p0 .LBB2_16-.Ltmp7, $4  }
0x336: {  	[tilespmem:s4], [sflag:$0x1] =	stream.linear.gather [hbm4b:s13+s3], $0x80, $0x38;
	[tilespmem:$0x8400] =	vst v63  }
0x337: {  	s4 =	sadd.s32 $0x4B00, s0;
	s13 =	sadd.s32 s14, s10;
	s14 =	spop (v2sf)  }
0x338: {  	[tilespmem:s4], [sflag:$0x1] =	stream.linear.gather [hbm4b:s13+s3], $0x80, $0x38;
	[tilespmem:$0x8400] =	vst v63  }
0x339: {  	s2 =	sadd.s32 $0x8000, s2;
	s0 =	sadd.s32 $0x4B80, s0;
	s4 =	sadd.s32 s14, s11  }
0x33a: {  	[tilespmem:s0], [sflag:$0x1] =	stream.linear.gather [hbm4b:s4+s3], $0x80, $0x38;
	[tilespmem:$0x8400] =	vst v63  }
0x33b: {  	_ =	swait.ge [sflag:s24], $0x4000  }
0x33c: {  	[sflag:s24] =	ssyncset.done $0x0  }
0x33d: {  	[sflag:s24] =	ssyncadd.s32 $0xFFFFC000  }
0x33e: {  	[hbm4b:s18+s3] =	stream.linear.scatter [tilespmem:s25], [sflag:$0x2], $0x4000, $0x38;
	[tilespmem:$0x8400] =	vst v63  }
0x33f: {  	_ =	swait.ge [sflag:s26], $0x4000  }
0x340: {  	[sflag:s26] =	ssyncset.done $0x0  }
0x341: {  	[sflag:s26] =	ssyncadd.s32 $0xFFFFC000  }
0x342: {  	s29 =	sadd.s32 $0x1, s29;
	_ =	swait.ge [sflag:s24], $0x4000  }
0x343: {  	p0 =	sne.s32 s29, s21;
	[sflag:s24] =	ssyncset.done $0x0  }
.Ltmp8:
0x344: {  	[sflag:s24] =	ssyncadd.s32 $0xFFFFC000;
	(pc) =	sbr.rel @p0 .LBB2_1-.Ltmp8, $4  }
0x345: {  	[hbm4b:s20+s3] =	stream.linear.scatter [tilespmem:s28], [sflag:$0x2], $0x4000, $0x38;
	[tilespmem:$0x8400] =	vst v63  }
0x346: {  	_ =	swait.ge [sflag:s26], $0x4000  }
0x347: {  	[sflag:s26] =	ssyncset.done $0x0  }
0x348: {  	[sflag:s26] =	ssyncadd.s32 $0xFFFFC000  }
0x349: {  	_ =	sfence.sel $0x180000  }
0x34a: {  	[bflag:$0x0] =	sbarrier.arrive $0xFFFF  }
0x34b: {  	_ =	strace $0x90000047  }
0x34c: {  	s0 =	stileid.u32;
	[bflag:$0x2] =	sbarrier.arrive $0xFFFF  }
0x34d: {  	p0 =	sne.s32 s0, $0x0;
	s0 =	rddreg [dreg:$0x3]  }
0x34e: {  	s0 =	sadd.s32 @!p0 $0x100000, s0  }
0x34f: {  	[sflag:s0] =	ssyncadd.tile.s32 @!p0 $0x1;
	_ =	shalt  }
.Lfunc_end2:
_tile_overlayer_lowered:
.L_overlay_start_2:
0x350: {  	(tag) =	ssettag $0x2  }
0x351: {  	s0 =	rddreg [dreg:$0x0];
	s2 =	stileid.u32  }
0x352: {  	s1 =	rddreg [dreg:$0x1];
	p0 =	sne.s32 s2, $0x0  }
0x353: {  	s3 =	rddreg [dreg:$0x2];
	[bflag:$0x3] =	sbarrier.arrive $0xFFFF;
	s2 =	simm.s32 @!p0 $0x1C03  }
0x354: {  	[timem:s3], [sflag:s2] =	dma.local @!p0 [hbm:s0], s1  }
0x355: {  	s0 =	simm.s32 @!p0 $0x3  }
0x356: {  	_ =	swait.ge @!p0 [sflag:s0], s1  }
0x357: {  	s1 =	ssub.s32 @!p0 $0x0, s1;
	[sflag:s0] =	ssyncset.done @!p0 $0x0  }
0x358: {  	[sflag:s0] =	ssyncadd.s32 @!p0 s1  }
0x359: {  	[bflag:$0x3] =	sbarrier.arrive $0xFFFF  }
0x35a: {  	_ =	shalt  }

</sc_bundles>
